<compile_context>
chip_gen: v7x
topology: tpu7x:2x2x1
jax: 0.10.2.dev20260603
libtpu: 0.0.44.dev20260713+nightly
codegen_flags: <defaults>
</compile_context>

<pallas_src>
import functools

import jax
import jax.numpy as jnp
from jax import lax
from jax.experimental import pallas as pl
from jax.experimental.pallas import tpu as pltpu
from jax.experimental.pallas import tpu_sc as plsc

H, W = 260, 346
S, M = 16, 4
B = 8
NE = 2000000
NB = NE // B
HW = H * W
SHW = S * HW
ROWS = 128
LANES = 128
SUB = 32
PER_TILE = ROWS * LANES
NB_PAD = 16 * PER_TILE
BIN = SHW
GRID_W = SHW + 64
STRIPE = HW
NZ = 13
ZCH = STRIPE // NZ
RAND_IDXS = (12, 15, 6, 0)


def _prep_body(x_ref, y_ref, t_ref, o_ref):
    t = t_ref[0]
    tmax = jnp.max(t)
    ts = ((t / tmax) * float(S)).astype(jnp.int32)
    ts = jnp.where(ts == S, S - 1, ts)
    idx = x_ref[0].astype(jnp.int32) + W * y_ref[0].astype(jnp.int32) + HW * ts
    pad = jnp.full((1, NB_PAD - NB), BIN, jnp.int32)
    o_ref[0] = jnp.concatenate([idx, pad], axis=1)


def _make_scatter():
    mesh = plsc.VectorSubcoreMesh(core_axis_name="c", subcore_axis_name="s")

    @functools.partial(
        pl.kernel,
        mesh=mesh,
        out_type=jax.ShapeDtypeStruct((B * 16 * STRIPE,), jnp.float32),
        scratch_types=[
            pltpu.VMEM_SHARED((GRID_W,), jnp.float32),
            pltpu.VMEM((SUB, LANES), jnp.int32),
            pltpu.VMEM((LANES,), jnp.float32),
            pltpu.VMEM((ZCH,), jnp.float32),
            pltpu.VMEM((ZCH,), jnp.float32),
        ],
    )
    def scatter_k(idx_hbm, ones_hbm, zeros_hbm, out_hbm,
                  grid_sh, idx_v, ones_v, zero_v, bounce_v):
        c = lax.axis_index("c")
        s = lax.axis_index("s")
        pltpu.sync_copy(ones_hbm, ones_v)
        pltpu.sync_copy(zeros_hbm, zero_v)
        for k in range(B // 2):
            bi = c * (B // 2) + k
            for z in range(NZ):
                pltpu.sync_copy(zero_v,
                                grid_sh.at[pl.ds(s * STRIPE + z * ZCH, ZCH)])
            plsc.subcore_barrier()
            for sub in range(ROWS // SUB):
                pltpu.sync_copy(
                    idx_hbm.at[bi * 16 + s, pl.ds(sub * SUB, SUB)], idx_v)

                def _chunk(j, carry):
                    pltpu.sync_copy(ones_v, grid_sh.at[idx_v.at[j]], add=True)
                    return carry

                lax.fori_loop(0, SUB, _chunk, 0)
            plsc.subcore_barrier()
            for z in range(NZ):
                pltpu.sync_copy(grid_sh.at[pl.ds(s * STRIPE + z * ZCH, ZCH)],
                                bounce_v)
                pltpu.sync_copy(
                    bounce_v,
                    out_hbm.at[pl.ds((bi * 16 + s) * STRIPE + z * ZCH, ZCH)])

    return scatter_k


def _erode(g):
    g = g.astype(jnp.bfloat16).astype(jnp.float32)
    z_h = jnp.zeros((1, W), jnp.float32)
    z_w = jnp.zeros((H, 1), jnp.float32)
    up = jnp.concatenate([z_h, g[:-1, :]], axis=0)
    dn = jnp.concatenate([g[1:, :], z_h], axis=0)

    def xm(a):
        return jnp.concatenate([z_w, a[:, :-1]], axis=1)

    def xp(a):
        return jnp.concatenate([a[:, 1:], z_w], axis=1)

    acc = xm(up)
    for tap in (up, xp(up), xm(g), xp(g), xm(dn), dn, xp(dn)):
        acc = acc + tap
    return acc * 0.125 - 0.25


def _vox_body(c_ref, o_ref):
    counts = c_ref[0]
    dil = counts > 0.0
    dil_f = dil.astype(jnp.float32)
    mix_prev = dil_f[0]
    conc = dil_f[0]
    for i in range(1, S):
        a_i = 0.5 + (S - i) / float(S)
        b_i = i / float(S)
        g = dil_f[i] * a_i + mix_prev * b_i
        mi = _erode(g)
        conc = conc + (mi > 0.0).astype(jnp.float32)
        mix_prev = mi
    rl = conc > 0.0
    minreq = jnp.floor(jnp.sum(rl.astype(jnp.float32)) * (1.0 / S))
    for m, im in enumerate(RAND_IDXS):
        comb = jnp.logical_and(dil[im], rl)
        active = jnp.bool_(True)
        for cnt in range(1, S // M + 1):
            scomb = jnp.sum(comb.astype(jnp.float32))
            active = jnp.logical_and(active, scomb < minreq)
            j = im + cnt if im < M // 2 else im - cnt
            add = jnp.logical_and(dil[j], rl)
            comb = jnp.logical_or(comb, jnp.logical_and(add, active))
        o_ref[0, 1 + m] = comb.astype(jnp.float32)
    o_ref[0, 0] = conc / jnp.max(conc)


def kernel(events):
    x = events[:, 0].reshape(B, 1, NB)
    y = events[:, 1].reshape(B, 1, NB)
    t = events[:, 2].reshape(B, 1, NB)
    idxp = pl.pallas_call(
        _prep_body,
        grid=(B,),
        in_specs=[pl.BlockSpec((1, 1, NB), lambda i: (i, 0, 0))] * 3,
        out_specs=pl.BlockSpec((1, 1, NB_PAD), lambda i: (i, 0, 0)),
        out_shape=jax.ShapeDtypeStruct((B, 1, NB_PAD), jnp.int32),
    )(x, y, t)
    idx4 = idxp.reshape(B * 16, ROWS, LANES)
    ones_in = jnp.ones((LANES,), jnp.float32)
    zeros_in = jnp.zeros((ZCH,), jnp.float32)
    counts = _make_scatter()(idx4, ones_in, zeros_in)
    counts4 = counts.reshape(B, S, H, W)
    vox = pl.pallas_call(
        _vox_body,
        grid=(B,),
        in_specs=[pl.BlockSpec((1, S, H, W), lambda i: (i, 0, 0, 0))],
        out_specs=pl.BlockSpec((1, M + 1, H, W), lambda i: (i, 0, 0, 0)),
        out_shape=jax.ShapeDtypeStruct((B, M + 1, H, W), jnp.float32),
    )(counts4)
    return vox

# --- scband reference (transcript-rebuilt; emitter-appended) ---
"""Pipeline reference for scband-quantization-layer-69217692942365 (READ-ONLY COPY).

The authoritative reference and input builder live on the scoring server;
editing this copy changes nothing except your own understanding.
"""

import jax, jax.numpy as jnp
import numpy as np
import random as pyrandom

H, W = 260, 346
S, M = 16, 4
N_EVENTS = 2000000
B = 8


def setup_inputs(seed: int = 0):
    key = jax.random.key(seed)
    k1, k2, k3, k4 = jax.random.split(key, 4)
    x = jax.random.randint(k1, (N_EVENTS,), 0, W).astype(jnp.float32)
    y = jax.random.randint(k2, (N_EVENTS,), 0, H).astype(jnp.float32)
    t = jax.random.uniform(k3, (N_EVENTS,), minval=1e-3, maxval=1.0)
    p = (jax.random.randint(k4, (N_EVENTS,), 0, 2) * 2 - 1).astype(jnp.float32)
    b = jnp.repeat(jnp.arange(B, dtype=jnp.float32), N_EVENTS // B)
    events = jnp.stack([x, y, t, p, b], axis=1)
    return {"events": events}


def _depthwise_conv(img, w, groups):
    # img: [B, H, W], w: [B, 1, 3, 3], groups=B  (== F.conv2d(img[None], w, padding=1, groups=B))
    out = jax.lax.conv_general_dilated(img[None], w, window_strides=(1, 1), padding=((1, 1), (1, 1)), feature_group_count=groups, dimension_numbers=("NCHW", "OIHW", "NCHW"))
    return out[0]


def reference(events):
    Bn = B
    x = events[:, 0]
    y = events[:, 1]
    t = events[:, 2]
    p = events[:, 3]
    b = events[:, 4]
    # per-batch time normalization
    for bi in range(Bn):
        mask = b == bi
        tmax = jnp.max(jnp.where(mask, t, -jnp.inf))
        t = jnp.where(mask, t / tmax, t)
    p = (p + 1) / 2  # (unused downstream, kept for fidelity)
    ts_sep = (t / (1.0 / S)).astype(jnp.int32)
    ts_sep = jnp.where(ts_sep == S, S - 1, ts_sep)
    # float32 index arithmetic then truncation, matching torch .long()
    idx = (x + W * y + (W * H * ts_sep).astype(jnp.float32) + (W * H * S) * b).astype(jnp.int32)
    dilution = jnp.zeros((H * W * S * Bn,), dtype=bool).at[idx].set(True)
    dilution = dilution.reshape(Bn, S, H, W)
    mixture = dilution.astype(jnp.float32).transpose(1, 0, 2, 3)  # [S, B, H, W]
    erode_w = jnp.ones((Bn, 1, 3, 3), dtype=jnp.float32).at[:, :, 1, 1].set(0.0) / 8.0
    for i in range(1, S):
        mi = mixture[i] * (0.5 + (S - i) / S)
        mi = mi + mixture[i - 1] * (i / S)
        mi = _depthwise_conv(mi, erode_w, Bn) - 0.25
        mixture = mixture.at[i].set(mi)
    concentrate = jnp.sum((mixture > 0).astype(jnp.int32), axis=0)  # [B, H, W]
    range_limit = concentrate.reshape(Bn, -1) > 0
    dil = dilution.reshape(Bn, S, -1)
    min_pixel_required = jnp.sum(range_limit, axis=-1) // S
    rand_idxs = pyrandom.Random(0).sample(range(0, S), M)  # seeded stand-in for random.sample
    combiner = jnp.zeros((Bn, M, H * W), dtype=bool)
    for i in range(M):
        idx_i = rand_idxs[i]
        for bi in range(Bn):
            comb = dil[bi, idx_i] & range_limit[bi]
            limit = S // M
            active = jnp.array(True)
            for cnt in range(1, limit + 1):
                active = active & (jnp.sum(comb) < min_pixel_required[bi])
                j = idx_i + cnt if idx_i < M // 2 else idx_i - cnt
                add = dil[bi, j] & range_limit[bi]
                comb = jnp.where(active, comb | add, comb)
            combiner = combiner.at[bi, i].set(comb)
    combiner_f = combiner.reshape(Bn, M, H, W).astype(jnp.float32)
    conc = concentrate.reshape(Bn, 1, H, W).astype(jnp.float32)
    conc = conc / jnp.max(conc, axis=(1, 2, 3), keepdims=True)
    vox = jnp.concatenate([conc, combiner_f], axis=1)
    return vox

if __name__ == "__main__":
    import jax
    _d = setup_inputs()
    print(jax.jit(kernel)(*tuple(_d.values())))

</pallas_src>

<mosaic_0001>
#map = affine_map<(d0, d1) -> (0, 0, 0)>
#map1 = affine_map<(d0, d1) -> (0)>
module attributes {stable_mosaic.version = 14 : i64} {
  func.func @scatter_k(%arg0: i32, %arg1: i32, %arg2: memref<128x128x128xi32, #tpu.memory_space<hbm>>, %arg3: memref<128xf32, #tpu.memory_space<hbm>>, %arg4: memref<6920xf32, #tpu.memory_space<hbm>>, %arg5: memref<11514880xf32, #tpu.memory_space<hbm>>, %arg6: memref<1439424xf32, #tpu.memory_space<vmem_shared>>, %arg7: memref<32x128xi32, #tpu.memory_space<vmem>>, %arg8: memref<128xf32, #tpu.memory_space<vmem>>, %arg9: memref<6920xf32, #tpu.memory_space<vmem>>, %arg10: memref<6920xf32, #tpu.memory_space<vmem>>) attributes {dimension_semantics = [#tpu.dimension_semantics<core_parallel>, #tpu.dimension_semantics<subcore_parallel>], iteration_bounds = array<i64: 2, 16>, scalar_prefetch = 0 : i64, scratch_operands = 5 : i64, tpu.core_type = #tpu.core_type<sc_vector_subcore>, window_params = [{transform_indices = #map}, {transform_indices = #map1}, {transform_indices = #map1}, {transform_indices = #map1}]} {
    "tpu.region"() ({
      %run_scoped3A = tpu.sem_alloc : memref<!tpu.dma_semaphore, #tpu.memory_space<semaphore_mem>>
      tpu.enqueue_dma source(%arg3 : memref<128xf32, #tpu.memory_space<hbm>>) target(%arg8 : memref<128xf32, #tpu.memory_space<vmem>>) target_semaphore(%run_scoped3A : memref<!tpu.dma_semaphore, #tpu.memory_space<semaphore_mem>>)
      tpu.wait_dma2 semaphore(%run_scoped3A : memref<!tpu.dma_semaphore, #tpu.memory_space<semaphore_mem>>) src(%arg3 : memref<128xf32, #tpu.memory_space<hbm>>) dst(%arg8 : memref<128xf32, #tpu.memory_space<vmem>>)
      tpu.yield
    }) : () -> ()
    "tpu.region"() ({
      %run_scoped3A = tpu.sem_alloc : memref<!tpu.dma_semaphore, #tpu.memory_space<semaphore_mem>>
      tpu.enqueue_dma source(%arg4 : memref<6920xf32, #tpu.memory_space<hbm>>) target(%arg9 : memref<6920xf32, #tpu.memory_space<vmem>>) target_semaphore(%run_scoped3A : memref<!tpu.dma_semaphore, #tpu.memory_space<semaphore_mem>>)
      tpu.wait_dma2 semaphore(%run_scoped3A : memref<!tpu.dma_semaphore, #tpu.memory_space<semaphore_mem>>) src(%arg4 : memref<6920xf32, #tpu.memory_space<hbm>>) dst(%arg9 : memref<6920xf32, #tpu.memory_space<vmem>>)
      tpu.yield
    }) : () -> ()
    %mul3A = arith.constant 4 : i32
    %mul3A_0 = arith.muli %arg0, %mul3A : i32
    %add3A = arith.constant 0 : i32
    %add3A_1 = arith.addi %mul3A_0, %add3A : i32
    %mul3A_2 = arith.constant 89960 : i32
    %mul3A_3 = arith.muli %arg1, %mul3A_2 : i32
    %add3A_4 = arith.constant 0 : i32
    %add3A_5 = arith.addi %mul3A_3, %add3A_4 : i32
    "tpu.region"() ({
      %run_scoped3A = tpu.sem_alloc : memref<!tpu.dma_semaphore, #tpu.memory_space<semaphore_mem>>
      %dma_start3A = tpu.memref_slice %arg6[%add3A_5] : memref<1439424xf32, #tpu.memory_space<vmem_shared>> -> memref<6920xf32, #tpu.memory_space<vmem_shared>>
      %dma_start3A_944 = tpu.memref_slice %arg6[%add3A_5] : memref<1439424xf32, #tpu.memory_space<vmem_shared>> -> memref<6920xf32, #tpu.memory_space<vmem_shared>>
      tpu.enqueue_dma source(%arg9 : memref<6920xf32, #tpu.memory_space<vmem>>) target(%dma_start3A_944 : memref<6920xf32, #tpu.memory_space<vmem_shared>>) target_semaphore(%run_scoped3A : memref<!tpu.dma_semaphore, #tpu.memory_space<semaphore_mem>>)
      %dma_wait3A = tpu.memref_slice %arg6[%add3A_5] : memref<1439424xf32, #tpu.memory_space<vmem_shared>> -> memref<6920xf32, #tpu.memory_space<vmem_shared>>
      %dma_wait3A_945 = tpu.memref_slice %arg6[%add3A_5] : memref<1439424xf32, #tpu.memory_space<vmem_shared>> -> memref<6920xf32, #tpu.memory_space<vmem_shared>>
      tpu.wait_dma2 semaphore(%run_scoped3A : memref<!tpu.dma_semaphore, #tpu.memory_space<semaphore_mem>>) src(%arg9 : memref<6920xf32, #tpu.memory_space<vmem>>) dst(%dma_wait3A_945 : memref<6920xf32, #tpu.memory_space<vmem_shared>>)
      tpu.yield
    }) : () -> ()
    %mul3A_6 = arith.constant 89960 : i32
    %mul3A_7 = arith.muli %arg1, %mul3A_6 : i32
    %add3A_8 = arith.constant 6920 : i32
    %add3A_9 = arith.addi %mul3A_7, %add3A_8 : i32
    "tpu.region"() ({
      %run_scoped3A = tpu.sem_alloc : memref<!tpu.dma_semaphore, #tpu.memory_space<semaphore_mem>>
      %dma_start3A = tpu.memref_slice %arg6[%add3A_9] : memref<1439424xf32, #tpu.memory_space<vmem_shared>> -> memref<6920xf32, #tpu.memory_space<vmem_shared>>
      %dma_start3A_944 = tpu.memref_slice %arg6[%add3A_9] : memref<1439424xf32, #tpu.memory_space<vmem_shared>> -> memref<6920xf32, #tpu.memory_space<vmem_shared>>
      tpu.enqueue_dma source(%arg9 : memref<6920xf32, #tpu.memory_space<vmem>>) target(%dma_start3A_944 : memref<6920xf32, #tpu.memory_space<vmem_shared>>) target_semaphore(%run_scoped3A : memref<!tpu.dma_semaphore, #tpu.memory_space<semaphore_mem>>)
      %dma_wait3A = tpu.memref_slice %arg6[%add3A_9] : memref<1439424xf32, #tpu.memory_space<vmem_shared>> -> memref<6920xf32, #tpu.memory_space<vmem_shared>>
      %dma_wait3A_945 = tpu.memref_slice %arg6[%add3A_9] : memref<1439424xf32, #tpu.memory_space<vmem_shared>> -> memref<6920xf32, #tpu.memory_space<vmem_shared>>
      tpu.wait_dma2 semaphore(%run_scoped3A : memref<!tpu.dma_semaphore, #tpu.memory_space<semaphore_mem>>) src(%arg9 : memref<6920xf32, #tpu.memory_space<vmem>>) dst(%dma_wait3A_945 : memref<6920xf32, #tpu.memory_space<vmem_shared>>)
      tpu.yield
    }) : () -> ()
    %mul3A_10 = arith.constant 89960 : i32
    %mul3A_11 = arith.muli %arg1, %mul3A_10 : i32
    %add3A_12 = arith.constant 13840 : i32
    %add3A_13 = arith.addi %mul3A_11, %add3A_12 : i32
    "tpu.region"() ({
      %run_scoped3A = tpu.sem_alloc : memref<!tpu.dma_semaphore, #tpu.memory_space<semaphore_mem>>
      %dma_start3A = tpu.memref_slice %arg6[%add3A_13] : memref<1439424xf32, #tpu.memory_space<vmem_shared>> -> memref<6920xf32, #tpu.memory_space<vmem_shared>>
      %dma_start3A_944 = tpu.memref_slice %arg6[%add3A_13] : memref<1439424xf32, #tpu.memory_space<vmem_shared>> -> memref<6920xf32, #tpu.memory_space<vmem_shared>>
      tpu.enqueue_dma source(%arg9 : memref<6920xf32, #tpu.memory_space<vmem>>) target(%dma_start3A_944 : memref<6920xf32, #tpu.memory_space<vmem_shared>>) target_semaphore(%run_scoped3A : memref<!tpu.dma_semaphore, #tpu.memory_space<semaphore_mem>>)
      %dma_wait3A = tpu.memref_slice %arg6[%add3A_13] : memref<1439424xf32, #tpu.memory_space<vmem_shared>> -> memref<6920xf32, #tpu.memory_space<vmem_shared>>
      %dma_wait3A_945 = tpu.memref_slice %arg6[%add3A_13] : memref<1439424xf32, #tpu.memory_space<vmem_shared>> -> memref<6920xf32, #tpu.memory_space<vmem_shared>>
      tpu.wait_dma2 semaphore(%run_scoped3A : memref<!tpu.dma_semaphore, #tpu.memory_space<semaphore_mem>>) src(%arg9 : memref<6920xf32, #tpu.memory_space<vmem>>) dst(%dma_wait3A_945 : memref<6920xf32, #tpu.memory_space<vmem_shared>>)
      tpu.yield
    }) : () -> ()
    %mul3A_14 = arith.constant 89960 : i32
    %mul3A_15 = arith.muli %arg1, %mul3A_14 : i32
    %add3A_16 = arith.constant 20760 : i32
    %add3A_17 = arith.addi %mul3A_15, %add3A_16 : i32
    "tpu.region"() ({
      %run_scoped3A = tpu.sem_alloc : memref<!tpu.dma_semaphore, #tpu.memory_space<semaphore_mem>>
      %dma_start3A = tpu.memref_slice %arg6[%add3A_17] : memref<1439424xf32, #tpu.memory_space<vmem_shared>> -> memref<6920xf32, #tpu.memory_space<vmem_shared>>
      %dma_start3A_944 = tpu.memref_slice %arg6[%add3A_17] : memref<1439424xf32, #tpu.memory_space<vmem_shared>> -> memref<6920xf32, #tpu.memory_space<vmem_shared>>
      tpu.enqueue_dma source(%arg9 : memref<6920xf32, #tpu.memory_space<vmem>>) target(%dma_start3A_944 : memref<6920xf32, #tpu.memory_space<vmem_shared>>) target_semaphore(%run_scoped3A : memref<!tpu.dma_semaphore, #tpu.memory_space<semaphore_mem>>)
      %dma_wait3A = tpu.memref_slice %arg6[%add3A_17] : memref<1439424xf32, #tpu.memory_space<vmem_shared>> -> memref<6920xf32, #tpu.memory_space<vmem_shared>>
      %dma_wait3A_945 = tpu.memref_slice %arg6[%add3A_17] : memref<1439424xf32, #tpu.memory_space<vmem_shared>> -> memref<6920xf32, #tpu.memory_space<vmem_shared>>
      tpu.wait_dma2 semaphore(%run_scoped3A : memref<!tpu.dma_semaphore, #tpu.memory_space<semaphore_mem>>) src(%arg9 : memref<6920xf32, #tpu.memory_space<vmem>>) dst(%dma_wait3A_945 : memref<6920xf32, #tpu.memory_space<vmem_shared>>)
      tpu.yield
    }) : () -> ()
    %mul3A_18 = arith.constant 89960 : i32
    %mul3A_19 = arith.muli %arg1, %mul3A_18 : i32
    %add3A_20 = arith.constant 27680 : i32
    %add3A_21 = arith.addi %mul3A_19, %add3A_20 : i32
    "tpu.region"() ({
      %run_scoped3A = tpu.sem_alloc : memref<!tpu.dma_semaphore, #tpu.memory_space<semaphore_mem>>
      %dma_start3A = tpu.memref_slice %arg6[%add3A_21] : memref<1439424xf32, #tpu.memory_space<vmem_shared>> -> memref<6920xf32, #tpu.memory_space<vmem_shared>>
      %dma_start3A_944 = tpu.memref_slice %arg6[%add3A_21] : memref<1439424xf32, #tpu.memory_space<vmem_shared>> -> memref<6920xf32, #tpu.memory_space<vmem_shared>>
      tpu.enqueue_dma source(%arg9 : memref<6920xf32, #tpu.memory_space<vmem>>) target(%dma_start3A_944 : memref<6920xf32, #tpu.memory_space<vmem_shared>>) target_semaphore(%run_scoped3A : memref<!tpu.dma_semaphore, #tpu.memory_space<semaphore_mem>>)
      %dma_wait3A = tpu.memref_slice %arg6[%add3A_21] : memref<1439424xf32, #tpu.memory_space<vmem_shared>> -> memref<6920xf32, #tpu.memory_space<vmem_shared>>
      %dma_wait3A_945 = tpu.memref_slice %arg6[%add3A_21] : memref<1439424xf32, #tpu.memory_space<vmem_shared>> -> memref<6920xf32, #tpu.memory_space<vmem_shared>>
      tpu.wait_dma2 semaphore(%run_scoped3A : memref<!tpu.dma_semaphore, #tpu.memory_space<semaphore_mem>>) src(%arg9 : memref<6920xf32, #tpu.memory_space<vmem>>) dst(%dma_wait3A_945 : memref<6920xf32, #tpu.memory_space<vmem_shared>>)
      tpu.yield
    }) : () -> ()
    %mul3A_22 = arith.constant 89960 : i32
    %mul3A_23 = arith.muli %arg1, %mul3A_22 : i32
    %add3A_24 = arith.constant 34600 : i32
    %add3A_25 = arith.addi %mul3A_23, %add3A_24 : i32
    "tpu.region"() ({
      %run_scoped3A = tpu.sem_alloc : memref<!tpu.dma_semaphore, #tpu.memory_space<semaphore_mem>>
      %dma_start3A = tpu.memref_slice %arg6[%add3A_25] : memref<1439424xf32, #tpu.memory_space<vmem_shared>> -> memref<6920xf32, #tpu.memory_space<vmem_shared>>
      %dma_start3A_944 = tpu.memref_slice %arg6[%add3A_25] : memref<1439424xf32, #tpu.memory_space<vmem_shared>> -> memref<6920xf32, #tpu.memory_space<vmem_shared>>
      tpu.enqueue_dma source(%arg9 : memref<6920xf32, #tpu.memory_space<vmem>>) target(%dma_start3A_944 : memref<6920xf32, #tpu.memory_space<vmem_shared>>) target_semaphore(%run_scoped3A : memref<!tpu.dma_semaphore, #tpu.memory_space<semaphore_mem>>)
      %dma_wait3A = tpu.memref_slice %arg6[%add3A_25] : memref<1439424xf32, #tpu.memory_space<vmem_shared>> -> memref<6920xf32, #tpu.memory_space<vmem_shared>>
      %dma_wait3A_945 = tpu.memref_slice %arg6[%add3A_25] : memref<1439424xf32, #tpu.memory_space<vmem_shared>> -> memref<6920xf32, #tpu.memory_space<vmem_shared>>
      tpu.wait_dma2 semaphore(%run_scoped3A : memref<!tpu.dma_semaphore, #tpu.memory_space<semaphore_mem>>) src(%arg9 : memref<6920xf32, #tpu.memory_space<vmem>>) dst(%dma_wait3A_945 : memref<6920xf32, #tpu.memory_space<vmem_shared>>)
      tpu.yield
    }) : () -> ()
    %mul3A_26 = arith.constant 89960 : i32
    %mul3A_27 = arith.muli %arg1, %mul3A_26 : i32
    %add3A_28 = arith.constant 41520 : i32
    %add3A_29 = arith.addi %mul3A_27, %add3A_28 : i32
    "tpu.region"() ({
      %run_scoped3A = tpu.sem_alloc : memref<!tpu.dma_semaphore, #tpu.memory_space<semaphore_mem>>
      %dma_start3A = tpu.memref_slice %arg6[%add3A_29] : memref<1439424xf32, #tpu.memory_space<vmem_shared>> -> memref<6920xf32, #tpu.memory_space<vmem_shared>>
      %dma_start3A_944 = tpu.memref_slice %arg6[%add3A_29] : memref<1439424xf32, #tpu.memory_space<vmem_shared>> -> memref<6920xf32, #tpu.memory_space<vmem_shared>>
      tpu.enqueue_dma source(%arg9 : memref<6920xf32, #tpu.memory_space<vmem>>) target(%dma_start3A_944 : memref<6920xf32, #tpu.memory_space<vmem_shared>>) target_semaphore(%run_scoped3A : memref<!tpu.dma_semaphore, #tpu.memory_space<semaphore_mem>>)
      %dma_wait3A = tpu.memref_slice %arg6[%add3A_29] : memref<1439424xf32, #tpu.memory_space<vmem_shared>> -> memref<6920xf32, #tpu.memory_space<vmem_shared>>
      %dma_wait3A_945 = tpu.memref_slice %arg6[%add3A_29] : memref<1439424xf32, #tpu.memory_space<vmem_shared>> -> memref<6920xf32, #tpu.memory_space<vmem_shared>>
      tpu.wait_dma2 semaphore(%run_scoped3A : memref<!tpu.dma_semaphore, #tpu.memory_space<semaphore_mem>>) src(%arg9 : memref<6920xf32, #tpu.memory_space<vmem>>) dst(%dma_wait3A_945 : memref<6920xf32, #tpu.memory_space<vmem_shared>>)
      tpu.yield
    }) : () -> ()
    %mul3A_30 = arith.constant 89960 : i32
    %mul3A_31 = arith.muli %arg1, %mul3A_30 : i32
    %add3A_32 = arith.constant 48440 : i32
    %add3A_33 = arith.addi %mul3A_31, %add3A_32 : i32
    "tpu.region"() ({
      %run_scoped3A = tpu.sem_alloc : memref<!tpu.dma_semaphore, #tpu.memory_space<semaphore_mem>>
      %dma_start3A = tpu.memref_slice %arg6[%add3A_33] : memref<1439424xf32, #tpu.memory_space<vmem_shared>> -> memref<6920xf32, #tpu.memory_space<vmem_shared>>
      %dma_start3A_944 = tpu.memref_slice %arg6[%add3A_33] : memref<1439424xf32, #tpu.memory_space<vmem_shared>> -> memref<6920xf32, #tpu.memory_space<vmem_shared>>
      tpu.enqueue_dma source(%arg9 : memref<6920xf32, #tpu.memory_space<vmem>>) target(%dma_start3A_944 : memref<6920xf32, #tpu.memory_space<vmem_shared>>) target_semaphore(%run_scoped3A : memref<!tpu.dma_semaphore, #tpu.memory_space<semaphore_mem>>)
      %dma_wait3A = tpu.memref_slice %arg6[%add3A_33] : memref<1439424xf32, #tpu.memory_space<vmem_shared>> -> memref<6920xf32, #tpu.memory_space<vmem_shared>>
      %dma_wait3A_945 = tpu.memref_slice %arg6[%add3A_33] : memref<1439424xf32, #tpu.memory_space<vmem_shared>> -> memref<6920xf32, #tpu.memory_space<vmem_shared>>
      tpu.wait_dma2 semaphore(%run_scoped3A : memref<!tpu.dma_semaphore, #tpu.memory_space<semaphore_mem>>) src(%arg9 : memref<6920xf32, #tpu.memory_space<vmem>>) dst(%dma_wait3A_945 : memref<6920xf32, #tpu.memory_space<vmem_shared>>)
      tpu.yield
    }) : () -> ()
    %mul3A_34 = arith.constant 89960 : i32
    %mul3A_35 = arith.muli %arg1, %mul3A_34 : i32
    %add3A_36 = arith.constant 55360 : i32
    %add3A_37 = arith.addi %mul3A_35, %add3A_36 : i32
    "tpu.region"() ({
      %run_scoped3A = tpu.sem_alloc : memref<!tpu.dma_semaphore, #tpu.memory_space<semaphore_mem>>
      %dma_start3A = tpu.memref_slice %arg6[%add3A_37] : memref<1439424xf32, #tpu.memory_space<vmem_shared>> -> memref<6920xf32, #tpu.memory_space<vmem_shared>>
      %dma_start3A_944 = tpu.memref_slice %arg6[%add3A_37] : memref<1439424xf32, #tpu.memory_space<vmem_shared>> -> memref<6920xf32, #tpu.memory_space<vmem_shared>>
      tpu.enqueue_dma source(%arg9 : memref<6920xf32, #tpu.memory_space<vmem>>) target(%dma_start3A_944 : memref<6920xf32, #tpu.memory_space<vmem_shared>>) target_semaphore(%run_scoped3A : memref<!tpu.dma_semaphore, #tpu.memory_space<semaphore_mem>>)
      %dma_wait3A = tpu.memref_slice %arg6[%add3A_37] : memref<1439424xf32, #tpu.memory_space<vmem_shared>> -> memref<6920xf32, #tpu.memory_space<vmem_shared>>
      %dma_wait3A_945 = tpu.memref_slice %arg6[%add3A_37] : memref<1439424xf32, #tpu.memory_space<vmem_shared>> -> memref<6920xf32, #tpu.memory_space<vmem_shared>>
      tpu.wait_dma2 semaphore(%run_scoped3A : memref<!tpu.dma_semaphore, #tpu.memory_space<semaphore_mem>>) src(%arg9 : memref<6920xf32, #tpu.memory_space<vmem>>) dst(%dma_wait3A_945 : memref<6920xf32, #tpu.memory_space<vmem_shared>>)
      tpu.yield
    }) : () -> ()
    %mul3A_38 = arith.constant 89960 : i32
    %mul3A_39 = arith.muli %arg1, %mul3A_38 : i32
    %add3A_40 = arith.constant 62280 : i32
    %add3A_41 = arith.addi %mul3A_39, %add3A_40 : i32
    "tpu.region"() ({
      %run_scoped3A = tpu.sem_alloc : memref<!tpu.dma_semaphore, #tpu.memory_space<semaphore_mem>>
      %dma_start3A = tpu.memref_slice %arg6[%add3A_41] : memref<1439424xf32, #tpu.memory_space<vmem_shared>> -> memref<6920xf32, #tpu.memory_space<vmem_shared>>
      %dma_start3A_944 = tpu.memref_slice %arg6[%add3A_41] : memref<1439424xf32, #tpu.memory_space<vmem_shared>> -> memref<6920xf32, #tpu.memory_space<vmem_shared>>
      tpu.enqueue_dma source(%arg9 : memref<6920xf32, #tpu.memory_space<vmem>>) target(%dma_start3A_944 : memref<6920xf32, #tpu.memory_space<vmem_shared>>) target_semaphore(%run_scoped3A : memref<!tpu.dma_semaphore, #tpu.memory_space<semaphore_mem>>)
      %dma_wait3A = tpu.memref_slice %arg6[%add3A_41] : memref<1439424xf32, #tpu.memory_space<vmem_shared>> -> memref<6920xf32, #tpu.memory_space<vmem_shared>>
      %dma_wait3A_945 = tpu.memref_slice %arg6[%add3A_41] : memref<1439424xf32, #tpu.memory_space<vmem_shared>> -> memref<6920xf32, #tpu.memory_space<vmem_shared>>
      tpu.wait_dma2 semaphore(%run_scoped3A : memref<!tpu.dma_semaphore, #tpu.memory_space<semaphore_mem>>) src(%arg9 : memref<6920xf32, #tpu.memory_space<vmem>>) dst(%dma_wait3A_945 : memref<6920xf32, #tpu.memory_space<vmem_shared>>)
      tpu.yield
    }) : () -> ()
    %mul3A_42 = arith.constant 89960 : i32
    %mul3A_43 = arith.muli %arg1, %mul3A_42 : i32
    %add3A_44 = arith.constant 69200 : i32
    %add3A_45 = arith.addi %mul3A_43, %add3A_44 : i32
    "tpu.region"() ({
      %run_scoped3A = tpu.sem_alloc : memref<!tpu.dma_semaphore, #tpu.memory_space<semaphore_mem>>
      %dma_start3A = tpu.memref_slice %arg6[%add3A_45] : memref<1439424xf32, #tpu.memory_space<vmem_shared>> -> memref<6920xf32, #tpu.memory_space<vmem_shared>>
      %dma_start3A_944 = tpu.memref_slice %arg6[%add3A_45] : memref<1439424xf32, #tpu.memory_space<vmem_shared>> -> memref<6920xf32, #tpu.memory_space<vmem_shared>>
      tpu.enqueue_dma source(%arg9 : memref<6920xf32, #tpu.memory_space<vmem>>) target(%dma_start3A_944 : memref<6920xf32, #tpu.memory_space<vmem_shared>>) target_semaphore(%run_scoped3A : memref<!tpu.dma_semaphore, #tpu.memory_space<semaphore_mem>>)
      %dma_wait3A = tpu.memref_slice %arg6[%add3A_45] : memref<1439424xf32, #tpu.memory_space<vmem_shared>> -> memref<6920xf32, #tpu.memory_space<vmem_shared>>
      %dma_wait3A_945 = tpu.memref_slice %arg6[%add3A_45] : memref<1439424xf32, #tpu.memory_space<vmem_shared>> -> memref<6920xf32, #tpu.memory_space<vmem_shared>>
      tpu.wait_dma2 semaphore(%run_scoped3A : memref<!tpu.dma_semaphore, #tpu.memory_space<semaphore_mem>>) src(%arg9 : memref<6920xf32, #tpu.memory_space<vmem>>) dst(%dma_wait3A_945 : memref<6920xf32, #tpu.memory_space<vmem_shared>>)
      tpu.yield
    }) : () -> ()
    %mul3A_46 = arith.constant 89960 : i32
    %mul3A_47 = arith.muli %arg1, %mul3A_46 : i32
    %add3A_48 = arith.constant 76120 : i32
    %add3A_49 = arith.addi %mul3A_47, %add3A_48 : i32
    "tpu.region"() ({
      %run_scoped3A = tpu.sem_alloc : memref<!tpu.dma_semaphore, #tpu.memory_space<semaphore_mem>>
      %dma_start3A = tpu.memref_slice %arg6[%add3A_49] : memref<1439424xf32, #tpu.memory_space<vmem_shared>> -> memref<6920xf32, #tpu.memory_space<vmem_shared>>
      %dma_start3A_944 = tpu.memref_slice %arg6[%add3A_49] : memref<1439424xf32, #tpu.memory_space<vmem_shared>> -> memref<6920xf32, #tpu.memory_space<vmem_shared>>
      tpu.enqueue_dma source(%arg9 : memref<6920xf32, #tpu.memory_space<vmem>>) target(%dma_start3A_944 : memref<6920xf32, #tpu.memory_space<vmem_shared>>) target_semaphore(%run_scoped3A : memref<!tpu.dma_semaphore, #tpu.memory_space<semaphore_mem>>)
      %dma_wait3A = tpu.memref_slice %arg6[%add3A_49] : memref<1439424xf32, #tpu.memory_space<vmem_shared>> -> memref<6920xf32, #tpu.memory_space<vmem_shared>>
      %dma_wait3A_945 = tpu.memref_slice %arg6[%add3A_49] : memref<1439424xf32, #tpu.memory_space<vmem_shared>> -> memref<6920xf32, #tpu.memory_space<vmem_shared>>
      tpu.wait_dma2 semaphore(%run_scoped3A : memref<!tpu.dma_semaphore, #tpu.memory_space<semaphore_mem>>) src(%arg9 : memref<6920xf32, #tpu.memory_space<vmem>>) dst(%dma_wait3A_945 : memref<6920xf32, #tpu.memory_space<vmem_shared>>)
      tpu.yield
    }) : () -> ()
    %mul3A_50 = arith.constant 89960 : i32
    %mul3A_51 = arith.muli %arg1, %mul3A_50 : i32
    %add3A_52 = arith.constant 83040 : i32
    %add3A_53 = arith.addi %mul3A_51, %add3A_52 : i32
    "tpu.region"() ({
      %run_scoped3A = tpu.sem_alloc : memref<!tpu.dma_semaphore, #tpu.memory_space<semaphore_mem>>
      %dma_start3A = tpu.memref_slice %arg6[%add3A_53] : memref<1439424xf32, #tpu.memory_space<vmem_shared>> -> memref<6920xf32, #tpu.memory_space<vmem_shared>>
      %dma_start3A_944 = tpu.memref_slice %arg6[%add3A_53] : memref<1439424xf32, #tpu.memory_space<vmem_shared>> -> memref<6920xf32, #tpu.memory_space<vmem_shared>>
      tpu.enqueue_dma source(%arg9 : memref<6920xf32, #tpu.memory_space<vmem>>) target(%dma_start3A_944 : memref<6920xf32, #tpu.memory_space<vmem_shared>>) target_semaphore(%run_scoped3A : memref<!tpu.dma_semaphore, #tpu.memory_space<semaphore_mem>>)
      %dma_wait3A = tpu.memref_slice %arg6[%add3A_53] : memref<1439424xf32, #tpu.memory_space<vmem_shared>> -> memref<6920xf32, #tpu.memory_space<vmem_shared>>
      %dma_wait3A_945 = tpu.memref_slice %arg6[%add3A_53] : memref<1439424xf32, #tpu.memory_space<vmem_shared>> -> memref<6920xf32, #tpu.memory_space<vmem_shared>>
      tpu.wait_dma2 semaphore(%run_scoped3A : memref<!tpu.dma_semaphore, #tpu.memory_space<semaphore_mem>>) src(%arg9 : memref<6920xf32, #tpu.memory_space<vmem>>) dst(%dma_wait3A_945 : memref<6920xf32, #tpu.memory_space<vmem_shared>>)
      tpu.yield
    }) : () -> ()
    %barrier3A = arith.constant 0 : index
    tpu.barrier barrier_id(%barrier3A)
    %mul3A_54 = arith.constant 16 : i32
    %mul3A_55 = arith.muli %add3A_1, %mul3A_54 : i32
    %add3A_56 = arith.addi %mul3A_55, %arg1 : i32
    "tpu.region"() ({
      %run_scoped3A = tpu.sem_alloc : memref<!tpu.dma_semaphore, #tpu.memory_space<semaphore_mem>>
      %dma_start3A = arith.constant 0 : i32
      %dma_start3A_944 = arith.constant 0 : i32
      %dma_start3A_945 = tpu.memref_slice %arg2[%add3A_56, %dma_start3A, %dma_start3A_944] : memref<128x128x128xi32, #tpu.memory_space<hbm>> -> memref<1x32x128xi32, #tpu.memory_space<hbm>>
      %dma_start3A_946 = tpu.memref_squeeze %dma_start3A_945 : memref<1x32x128xi32, #tpu.memory_space<hbm>> -> memref<32x128xi32, #tpu.memory_space<hbm>>
      %dma_start3A_947 = arith.constant 0 : i32
      %dma_start3A_948 = arith.constant 0 : i32
      %dma_start3A_949 = tpu.memref_slice %arg2[%add3A_56, %dma_start3A_947, %dma_start3A_948] : memref<128x128x128xi32, #tpu.memory_space<hbm>> -> memref<1x32x128xi32, #tpu.memory_space<hbm>>
      %dma_start3A_950 = tpu.memref_squeeze %dma_start3A_949 : memref<1x32x128xi32, #tpu.memory_space<hbm>> -> memref<32x128xi32, #tpu.memory_space<hbm>>
      tpu.enqueue_dma source(%dma_start3A_950 : memref<32x128xi32, #tpu.memory_space<hbm>>) target(%arg7 : memref<32x128xi32, #tpu.memory_space<vmem>>) target_semaphore(%run_scoped3A : memref<!tpu.dma_semaphore, #tpu.memory_space<semaphore_mem>>)
      %dma_wait3A = arith.constant 0 : i32
      %dma_wait3A_951 = arith.constant 0 : i32
      %dma_wait3A_952 = tpu.memref_slice %arg2[%add3A_56, %dma_wait3A, %dma_wait3A_951] : memref<128x128x128xi32, #tpu.memory_space<hbm>> -> memref<1x32x128xi32, #tpu.memory_space<hbm>>
      %dma_wait3A_953 = tpu.memref_squeeze %dma_wait3A_952 : memref<1x32x128xi32, #tpu.memory_space<hbm>> -> memref<32x128xi32, #tpu.memory_space<hbm>>
      %dma_wait3A_954 = arith.constant 0 : i32
      %dma_wait3A_955 = arith.constant 0 : i32
      %dma_wait3A_956 = tpu.memref_slice %arg2[%add3A_56, %dma_wait3A_954, %dma_wait3A_955] : memref<128x128x128xi32, #tpu.memory_space<hbm>> -> memref<1x32x128xi32, #tpu.memory_space<hbm>>
      %dma_wait3A_957 = tpu.memref_squeeze %dma_wait3A_956 : memref<1x32x128xi32, #tpu.memory_space<hbm>> -> memref<32x128xi32, #tpu.memory_space<hbm>>
      tpu.wait_dma2 semaphore(%run_scoped3A : memref<!tpu.dma_semaphore, #tpu.memory_space<semaphore_mem>>) src(%dma_wait3A_957 : memref<32x128xi32, #tpu.memory_space<hbm>>) dst(%arg7 : memref<32x128xi32, #tpu.memory_space<vmem>>)
      tpu.yield
    }) : () -> ()
    %scan3A = arith.constant 0 : i32
    %scan3A_57 = arith.constant 0 : i32
    %scan3A_58 = arith.constant 32 : i32
    %scan3A_59 = arith.addi %scan3A_57, %scan3A_58 : i32
    %scan3A_60 = arith.constant 1 : i32
    scf.for %scan3A_944 = %scan3A_57 to %scan3A_59 step %scan3A_60  : i32 {
      "tpu.region"() ({
        %run_scoped3A = tpu.sem_alloc : memref<!tpu.dma_semaphore, #tpu.memory_space<semaphore_mem>>
        %dma_start3A = arith.constant 0 : i32
        %dma_start3A_945 = tpu.memref_slice %arg7[%scan3A_944, %dma_start3A] : memref<32x128xi32, #tpu.memory_space<vmem>> -> memref<1x128xi32, #tpu.memory_space<vmem>>
        %dma_start3A_946 = tpu.memref_squeeze %dma_start3A_945 : memref<1x128xi32, #tpu.memory_space<vmem>> -> memref<128xi32, #tpu.memory_space<vmem>>
        %dma_start3A_947 = arith.constant 0 : i32
        %dma_start3A_948 = tpu.memref_slice %arg6[%dma_start3A_947] : memref<1439424xf32, #tpu.memory_space<vmem_shared>> -> memref<1439424xf32, #tpu.memory_space<vmem_shared>>
        tpu.enqueue_indirect_dma source(%arg8 : memref<128xf32, #tpu.memory_space<vmem>>) target(%dma_start3A_948 : memref<1439424xf32, #tpu.memory_space<vmem_shared>>) offsets(%dma_start3A_946 : memref<128xi32, #tpu.memory_space<vmem>>) semaphore(%run_scoped3A : memref<!tpu.dma_semaphore, #tpu.memory_space<semaphore_mem>>) {add = true}
        %dma_wait3A = arith.constant 0 : i32
        %dma_wait3A_949 = tpu.memref_slice %arg7[%scan3A_944, %dma_wait3A] : memref<32x128xi32, #tpu.memory_space<vmem>> -> memref<1x128xi32, #tpu.memory_space<vmem>>
        %dma_wait3A_950 = tpu.memref_squeeze %dma_wait3A_949 : memref<1x128xi32, #tpu.memory_space<vmem>> -> memref<128xi32, #tpu.memory_space<vmem>>
        %dma_wait3A_951 = arith.constant 0 : i32
        %dma_wait3A_952 = tpu.memref_slice %arg6[%dma_wait3A_951] : memref<1439424xf32, #tpu.memory_space<vmem_shared>> -> memref<1439424xf32, #tpu.memory_space<vmem_shared>>
        tpu.wait_indirect_dma semaphore(%run_scoped3A : memref<!tpu.dma_semaphore, #tpu.memory_space<semaphore_mem>>) src(%arg8 : memref<128xf32, #tpu.memory_space<vmem>>) dst(%dma_wait3A_952 : memref<1439424xf32, #tpu.memory_space<vmem_shared>>)
        tpu.yield
      }) : () -> ()
    }
    %scan3A_61 = arith.constant 32 : i32
    %mul3A_62 = arith.constant 16 : i32
    %mul3A_63 = arith.muli %add3A_1, %mul3A_62 : i32
    %add3A_64 = arith.addi %mul3A_63, %arg1 : i32
    "tpu.region"() ({
      %run_scoped3A = tpu.sem_alloc : memref<!tpu.dma_semaphore, #tpu.memory_space<semaphore_mem>>
      %dma_start3A = arith.constant 32 : i32
      %dma_start3A_944 = arith.constant 0 : i32
      %dma_start3A_945 = tpu.memref_slice %arg2[%add3A_64, %dma_start3A, %dma_start3A_944] : memref<128x128x128xi32, #tpu.memory_space<hbm>> -> memref<1x32x128xi32, #tpu.memory_space<hbm>>
      %dma_start3A_946 = tpu.memref_squeeze %dma_start3A_945 : memref<1x32x128xi32, #tpu.memory_space<hbm>> -> memref<32x128xi32, #tpu.memory_space<hbm>>
      %dma_start3A_947 = arith.constant 32 : i32
      %dma_start3A_948 = arith.constant 0 : i32
      %dma_start3A_949 = tpu.memref_slice %arg2[%add3A_64, %dma_start3A_947, %dma_start3A_948] : memref<128x128x128xi32, #tpu.memory_space<hbm>> -> memref<1x32x128xi32, #tpu.memory_space<hbm>>
      %dma_start3A_950 = tpu.memref_squeeze %dma_start3A_949 : memref<1x32x128xi32, #tpu.memory_space<hbm>> -> memref<32x128xi32, #tpu.memory_space<hbm>>
      tpu.enqueue_dma source(%dma_start3A_950 : memref<32x128xi32, #tpu.memory_space<hbm>>) target(%arg7 : memref<32x128xi32, #tpu.memory_space<vmem>>) target_semaphore(%run_scoped3A : memref<!tpu.dma_semaphore, #tpu.memory_space<semaphore_mem>>)
      %dma_wait3A = arith.constant 32 : i32
      %dma_wait3A_951 = arith.constant 0 : i32
      %dma_wait3A_952 = tpu.memref_slice %arg2[%add3A_64, %dma_wait3A, %dma_wait3A_951] : memref<128x128x128xi32, #tpu.memory_space<hbm>> -> memref<1x32x128xi32, #tpu.memory_space<hbm>>
      %dma_wait3A_953 = tpu.memref_squeeze %dma_wait3A_952 : memref<1x32x128xi32, #tpu.memory_space<hbm>> -> memref<32x128xi32, #tpu.memory_space<hbm>>
      %dma_wait3A_954 = arith.constant 32 : i32
      %dma_wait3A_955 = arith.constant 0 : i32
      %dma_wait3A_956 = tpu.memref_slice %arg2[%add3A_64, %dma_wait3A_954, %dma_wait3A_955] : memref<128x128x128xi32, #tpu.memory_space<hbm>> -> memref<1x32x128xi32, #tpu.memory_space<hbm>>
      %dma_wait3A_957 = tpu.memref_squeeze %dma_wait3A_956 : memref<1x32x128xi32, #tpu.memory_space<hbm>> -> memref<32x128xi32, #tpu.memory_space<hbm>>
      tpu.wait_dma2 semaphore(%run_scoped3A : memref<!tpu.dma_semaphore, #tpu.memory_space<semaphore_mem>>) src(%dma_wait3A_957 : memref<32x128xi32, #tpu.memory_space<hbm>>) dst(%arg7 : memref<32x128xi32, #tpu.memory_space<vmem>>)
      tpu.yield
    }) : () -> ()
    %scan3A_65 = arith.constant 0 : i32
    %scan3A_66 = arith.constant 0 : i32
    %scan3A_67 = arith.constant 32 : i32
    %scan3A_68 = arith.addi %scan3A_66, %scan3A_67 : i32
    %scan3A_69 = arith.constant 1 : i32
    scf.for %scan3A_944 = %scan3A_66 to %scan3A_68 step %scan3A_69  : i32 {
      "tpu.region"() ({
        %run_scoped3A = tpu.sem_alloc : memref<!tpu.dma_semaphore, #tpu.memory_space<semaphore_mem>>
        %dma_start3A = arith.constant 0 : i32
        %dma_start3A_945 = tpu.memref_slice %arg7[%scan3A_944, %dma_start3A] : memref<32x128xi32, #tpu.memory_space<vmem>> -> memref<1x128xi32, #tpu.memory_space<vmem>>
        %dma_start3A_946 = tpu.memref_squeeze %dma_start3A_945 : memref<1x128xi32, #tpu.memory_space<vmem>> -> memref<128xi32, #tpu.memory_space<vmem>>
        %dma_start3A_947 = arith.constant 0 : i32
        %dma_start3A_948 = tpu.memref_slice %arg6[%dma_start3A_947] : memref<1439424xf32, #tpu.memory_space<vmem_shared>> -> memref<1439424xf32, #tpu.memory_space<vmem_shared>>
        tpu.enqueue_indirect_dma source(%arg8 : memref<128xf32, #tpu.memory_space<vmem>>) target(%dma_start3A_948 : memref<1439424xf32, #tpu.memory_space<vmem_shared>>) offsets(%dma_start3A_946 : memref<128xi32, #tpu.memory_space<vmem>>) semaphore(%run_scoped3A : memref<!tpu.dma_semaphore, #tpu.memory_space<semaphore_mem>>) {add = true}
        %dma_wait3A = arith.constant 0 : i32
        %dma_wait3A_949 = tpu.memref_slice %arg7[%scan3A_944, %dma_wait3A] : memref<32x128xi32, #tpu.memory_space<vmem>> -> memref<1x128xi32, #tpu.memory_space<vmem>>
        %dma_wait3A_950 = tpu.memref_squeeze %dma_wait3A_949 : memref<1x128xi32, #tpu.memory_space<vmem>> -> memref<128xi32, #tpu.memory_space<vmem>>
        %dma_wait3A_951 = arith.constant 0 : i32
        %dma_wait3A_952 = tpu.memref_slice %arg6[%dma_wait3A_951] : memref<1439424xf32, #tpu.memory_space<vmem_shared>> -> memref<1439424xf32, #tpu.memory_space<vmem_shared>>
        tpu.wait_indirect_dma semaphore(%run_scoped3A : memref<!tpu.dma_semaphore, #tpu.memory_space<semaphore_mem>>) src(%arg8 : memref<128xf32, #tpu.memory_space<vmem>>) dst(%dma_wait3A_952 : memref<1439424xf32, #tpu.memory_space<vmem_shared>>)
        tpu.yield
      }) : () -> ()
    }
    %scan3A_70 = arith.constant 32 : i32
    %mul3A_71 = arith.constant 16 : i32
    %mul3A_72 = arith.muli %add3A_1, %mul3A_71 : i32
    %add3A_73 = arith.addi %mul3A_72, %arg1 : i32
    "tpu.region"() ({
      %run_scoped3A = tpu.sem_alloc : memref<!tpu.dma_semaphore, #tpu.memory_space<semaphore_mem>>
      %dma_start3A = arith.constant 64 : i32
      %dma_start3A_944 = arith.constant 0 : i32
      %dma_start3A_945 = tpu.memref_slice %arg2[%add3A_73, %dma_start3A, %dma_start3A_944] : memref<128x128x128xi32, #tpu.memory_space<hbm>> -> memref<1x32x128xi32, #tpu.memory_space<hbm>>
      %dma_start3A_946 = tpu.memref_squeeze %dma_start3A_945 : memref<1x32x128xi32, #tpu.memory_space<hbm>> -> memref<32x128xi32, #tpu.memory_space<hbm>>
      %dma_start3A_947 = arith.constant 64 : i32
      %dma_start3A_948 = arith.constant 0 : i32
      %dma_start3A_949 = tpu.memref_slice %arg2[%add3A_73, %dma_start3A_947, %dma_start3A_948] : memref<128x128x128xi32, #tpu.memory_space<hbm>> -> memref<1x32x128xi32, #tpu.memory_space<hbm>>
      %dma_start3A_950 = tpu.memref_squeeze %dma_start3A_949 : memref<1x32x128xi32, #tpu.memory_space<hbm>> -> memref<32x128xi32, #tpu.memory_space<hbm>>
      tpu.enqueue_dma source(%dma_start3A_950 : memref<32x128xi32, #tpu.memory_space<hbm>>) target(%arg7 : memref<32x128xi32, #tpu.memory_space<vmem>>) target_semaphore(%run_scoped3A : memref<!tpu.dma_semaphore, #tpu.memory_space<semaphore_mem>>)
      %dma_wait3A = arith.constant 64 : i32
      %dma_wait3A_951 = arith.constant 0 : i32
      %dma_wait3A_952 = tpu.memref_slice %arg2[%add3A_73, %dma_wait3A, %dma_wait3A_951] : memref<128x128x128xi32, #tpu.memory_space<hbm>> -> memref<1x32x128xi32, #tpu.memory_space<hbm>>
      %dma_wait3A_953 = tpu.memref_squeeze %dma_wait3A_952 : memref<1x32x128xi32, #tpu.memory_space<hbm>> -> memref<32x128xi32, #tpu.memory_space<hbm>>
      %dma_wait3A_954 = arith.constant 64 : i32
      %dma_wait3A_955 = arith.constant 0 : i32
      %dma_wait3A_956 = tpu.memref_slice %arg2[%add3A_73, %dma_wait3A_954, %dma_wait3A_955] : memref<128x128x128xi32, #tpu.memory_space<hbm>> -> memref<1x32x128xi32, #tpu.memory_space<hbm>>
      %dma_wait3A_957 = tpu.memref_squeeze %dma_wait3A_956 : memref<1x32x128xi32, #tpu.memory_space<hbm>> -> memref<32x128xi32, #tpu.memory_space<hbm>>
      tpu.wait_dma2 semaphore(%run_scoped3A : memref<!tpu.dma_semaphore, #tpu.memory_space<semaphore_mem>>) src(%dma_wait3A_957 : memref<32x128xi32, #tpu.memory_space<hbm>>) dst(%arg7 : memref<32x128xi32, #tpu.memory_space<vmem>>)
      tpu.yield
    }) : () -> ()
    %scan3A_74 = arith.constant 0 : i32
    %scan3A_75 = arith.constant 0 : i32
    %scan3A_76 = arith.constant 32 : i32
    %scan3A_77 = arith.addi %scan3A_75, %scan3A_76 : i32
    %scan3A_78 = arith.constant 1 : i32
    scf.for %scan3A_944 = %scan3A_75 to %scan3A_77 step %scan3A_78  : i32 {
      "tpu.region"() ({
        %run_scoped3A = tpu.sem_alloc : memref<!tpu.dma_semaphore, #tpu.memory_space<semaphore_mem>>
        %dma_start3A = arith.constant 0 : i32
        %dma_start3A_945 = tpu.memref_slice %arg7[%scan3A_944, %dma_start3A] : memref<32x128xi32, #tpu.memory_space<vmem>> -> memref<1x128xi32, #tpu.memory_space<vmem>>
        %dma_start3A_946 = tpu.memref_squeeze %dma_start3A_945 : memref<1x128xi32, #tpu.memory_space<vmem>> -> memref<128xi32, #tpu.memory_space<vmem>>
        %dma_start3A_947 = arith.constant 0 : i32
        %dma_start3A_948 = tpu.memref_slice %arg6[%dma_start3A_947] : memref<1439424xf32, #tpu.memory_space<vmem_shared>> -> memref<1439424xf32, #tpu.memory_space<vmem_shared>>
        tpu.enqueue_indirect_dma source(%arg8 : memref<128xf32, #tpu.memory_space<vmem>>) target(%dma_start3A_948 : memref<1439424xf32, #tpu.memory_space<vmem_shared>>) offsets(%dma_start3A_946 : memref<128xi32, #tpu.memory_space<vmem>>) semaphore(%run_scoped3A : memref<!tpu.dma_semaphore, #tpu.memory_space<semaphore_mem>>) {add = true}
        %dma_wait3A = arith.constant 0 : i32
        %dma_wait3A_949 = tpu.memref_slice %arg7[%scan3A_944, %dma_wait3A] : memref<32x128xi32, #tpu.memory_space<vmem>> -> memref<1x128xi32, #tpu.memory_space<vmem>>
        %dma_wait3A_950 = tpu.memref_squeeze %dma_wait3A_949 : memref<1x128xi32, #tpu.memory_space<vmem>> -> memref<128xi32, #tpu.memory_space<vmem>>
        %dma_wait3A_951 = arith.constant 0 : i32
        %dma_wait3A_952 = tpu.memref_slice %arg6[%dma_wait3A_951] : memref<1439424xf32, #tpu.memory_space<vmem_shared>> -> memref<1439424xf32, #tpu.memory_space<vmem_shared>>
        tpu.wait_indirect_dma semaphore(%run_scoped3A : memref<!tpu.dma_semaphore, #tpu.memory_space<semaphore_mem>>) src(%arg8 : memref<128xf32, #tpu.memory_space<vmem>>) dst(%dma_wait3A_952 : memref<1439424xf32, #tpu.memory_space<vmem_shared>>)
        tpu.yield
      }) : () -> ()
    }
    %scan3A_79 = arith.constant 32 : i32
    %mul3A_80 = arith.constant 16 : i32
    %mul3A_81 = arith.muli %add3A_1, %mul3A_80 : i32
    %add3A_82 = arith.addi %mul3A_81, %arg1 : i32
    "tpu.region"() ({
      %run_scoped3A = tpu.sem_alloc : memref<!tpu.dma_semaphore, #tpu.memory_space<semaphore_mem>>
      %dma_start3A = arith.constant 96 : i32
      %dma_start3A_944 = arith.constant 0 : i32
      %dma_start3A_945 = tpu.memref_slice %arg2[%add3A_82, %dma_start3A, %dma_start3A_944] : memref<128x128x128xi32, #tpu.memory_space<hbm>> -> memref<1x32x128xi32, #tpu.memory_space<hbm>>
      %dma_start3A_946 = tpu.memref_squeeze %dma_start3A_945 : memref<1x32x128xi32, #tpu.memory_space<hbm>> -> memref<32x128xi32, #tpu.memory_space<hbm>>
      %dma_start3A_947 = arith.constant 96 : i32
      %dma_start3A_948 = arith.constant 0 : i32
      %dma_start3A_949 = tpu.memref_slice %arg2[%add3A_82, %dma_start3A_947, %dma_start3A_948] : memref<128x128x128xi32, #tpu.memory_space<hbm>> -> memref<1x32x128xi32, #tpu.memory_space<hbm>>
      %dma_start3A_950 = tpu.memref_squeeze %dma_start3A_949 : memref<1x32x128xi32, #tpu.memory_space<hbm>> -> memref<32x128xi32, #tpu.memory_space<hbm>>
      tpu.enqueue_dma source(%dma_start3A_950 : memref<32x128xi32, #tpu.memory_space<hbm>>) target(%arg7 : memref<32x128xi32, #tpu.memory_space<vmem>>) target_semaphore(%run_scoped3A : memref<!tpu.dma_semaphore, #tpu.memory_space<semaphore_mem>>)
      %dma_wait3A = arith.constant 96 : i32
      %dma_wait3A_951 = arith.constant 0 : i32
      %dma_wait3A_952 = tpu.memref_slice %arg2[%add3A_82, %dma_wait3A, %dma_wait3A_951] : memref<128x128x128xi32, #tpu.memory_space<hbm>> -> memref<1x32x128xi32, #tpu.memory_space<hbm>>
      %dma_wait3A_953 = tpu.memref_squeeze %dma_wait3A_952 : memref<1x32x128xi32, #tpu.memory_space<hbm>> -> memref<32x128xi32, #tpu.memory_space<hbm>>
      %dma_wait3A_954 = arith.constant 96 : i32
      %dma_wait3A_955 = arith.constant 0 : i32
      %dma_wait3A_956 = tpu.memref_slice %arg2[%add3A_82, %dma_wait3A_954, %dma_wait3A_955] : memref<128x128x128xi32, #tpu.memory_space<hbm>> -> memref<1x32x128xi32, #tpu.memory_space<hbm>>
      %dma_wait3A_957 = tpu.memref_squeeze %dma_wait3A_956 : memref<1x32x128xi32, #tpu.memory_space<hbm>> -> memref<32x128xi32, #tpu.memory_space<hbm>>
      tpu.wait_dma2 semaphore(%run_scoped3A : memref<!tpu.dma_semaphore, #tpu.memory_space<semaphore_mem>>) src(%dma_wait3A_957 : memref<32x128xi32, #tpu.memory_space<hbm>>) dst(%arg7 : memref<32x128xi32, #tpu.memory_space<vmem>>)
      tpu.yield
    }) : () -> ()
    %scan3A_83 = arith.constant 0 : i32
    %scan3A_84 = arith.constant 0 : i32
    %scan3A_85 = arith.constant 32 : i32
    %scan3A_86 = arith.addi %scan3A_84, %scan3A_85 : i32
    %scan3A_87 = arith.constant 1 : i32
    scf.for %scan3A_944 = %scan3A_84 to %scan3A_86 step %scan3A_87  : i32 {
      "tpu.region"() ({
        %run_scoped3A = tpu.sem_alloc : memref<!tpu.dma_semaphore, #tpu.memory_space<semaphore_mem>>
        %dma_start3A = arith.constant 0 : i32
        %dma_start3A_945 = tpu.memref_slice %arg7[%scan3A_944, %dma_start3A] : memref<32x128xi32, #tpu.memory_space<vmem>> -> memref<1x128xi32, #tpu.memory_space<vmem>>
        %dma_start3A_946 = tpu.memref_squeeze %dma_start3A_945 : memref<1x128xi32, #tpu.memory_space<vmem>> -> memref<128xi32, #tpu.memory_space<vmem>>
        %dma_start3A_947 = arith.constant 0 : i32
        %dma_start3A_948 = tpu.memref_slice %arg6[%dma_start3A_947] : memref<1439424xf32, #tpu.memory_space<vmem_shared>> -> memref<1439424xf32, #tpu.memory_space<vmem_shared>>
        tpu.enqueue_indirect_dma source(%arg8 : memref<128xf32, #tpu.memory_space<vmem>>) target(%dma_start3A_948 : memref<1439424xf32, #tpu.memory_space<vmem_shared>>) offsets(%dma_start3A_946 : memref<128xi32, #tpu.memory_space<vmem>>) semaphore(%run_scoped3A : memref<!tpu.dma_semaphore, #tpu.memory_space<semaphore_mem>>) {add = true}
        %dma_wait3A = arith.constant 0 : i32
        %dma_wait3A_949 = tpu.memref_slice %arg7[%scan3A_944, %dma_wait3A] : memref<32x128xi32, #tpu.memory_space<vmem>> -> memref<1x128xi32, #tpu.memory_space<vmem>>
        %dma_wait3A_950 = tpu.memref_squeeze %dma_wait3A_949 : memref<1x128xi32, #tpu.memory_space<vmem>> -> memref<128xi32, #tpu.memory_space<vmem>>
        %dma_wait3A_951 = arith.constant 0 : i32
        %dma_wait3A_952 = tpu.memref_slice %arg6[%dma_wait3A_951] : memref<1439424xf32, #tpu.memory_space<vmem_shared>> -> memref<1439424xf32, #tpu.memory_space<vmem_shared>>
        tpu.wait_indirect_dma semaphore(%run_scoped3A : memref<!tpu.dma_semaphore, #tpu.memory_space<semaphore_mem>>) src(%arg8 : memref<128xf32, #tpu.memory_space<vmem>>) dst(%dma_wait3A_952 : memref<1439424xf32, #tpu.memory_space<vmem_shared>>)
        tpu.yield
      }) : () -> ()
    }
    %scan3A_88 = arith.constant 32 : i32
    %barrier3A_89 = arith.constant 0 : index
    tpu.barrier barrier_id(%barrier3A_89)
    %mul3A_90 = arith.constant 89960 : i32
    %mul3A_91 = arith.muli %arg1, %mul3A_90 : i32
    %add3A_92 = arith.constant 0 : i32
    %add3A_93 = arith.addi %mul3A_91, %add3A_92 : i32
    "tpu.region"() ({
      %run_scoped3A = tpu.sem_alloc : memref<!tpu.dma_semaphore, #tpu.memory_space<semaphore_mem>>
      %dma_start3A = tpu.memref_slice %arg6[%add3A_93] : memref<1439424xf32, #tpu.memory_space<vmem_shared>> -> memref<6920xf32, #tpu.memory_space<vmem_shared>>
      %dma_start3A_944 = tpu.memref_slice %arg6[%add3A_93] : memref<1439424xf32, #tpu.memory_space<vmem_shared>> -> memref<6920xf32, #tpu.memory_space<vmem_shared>>
      tpu.enqueue_dma source(%dma_start3A_944 : memref<6920xf32, #tpu.memory_space<vmem_shared>>) target(%arg10 : memref<6920xf32, #tpu.memory_space<vmem>>) target_semaphore(%run_scoped3A : memref<!tpu.dma_semaphore, #tpu.memory_space<semaphore_mem>>)
      %dma_wait3A = tpu.memref_slice %arg6[%add3A_93] : memref<1439424xf32, #tpu.memory_space<vmem_shared>> -> memref<6920xf32, #tpu.memory_space<vmem_shared>>
      %dma_wait3A_945 = tpu.memref_slice %arg6[%add3A_93] : memref<1439424xf32, #tpu.memory_space<vmem_shared>> -> memref<6920xf32, #tpu.memory_space<vmem_shared>>
      tpu.wait_dma2 semaphore(%run_scoped3A : memref<!tpu.dma_semaphore, #tpu.memory_space<semaphore_mem>>) src(%dma_wait3A_945 : memref<6920xf32, #tpu.memory_space<vmem_shared>>) dst(%arg10 : memref<6920xf32, #tpu.memory_space<vmem>>)
      tpu.yield
    }) : () -> ()
    %mul3A_94 = arith.constant 16 : i32
    %mul3A_95 = arith.muli %add3A_1, %mul3A_94 : i32
    %add3A_96 = arith.addi %mul3A_95, %arg1 : i32
    %mul3A_97 = arith.constant 89960 : i32
    %mul3A_98 = arith.muli %add3A_96, %mul3A_97 : i32
    %add3A_99 = arith.constant 0 : i32
    %add3A_100 = arith.addi %mul3A_98, %add3A_99 : i32
    "tpu.region"() ({
      %run_scoped3A = tpu.sem_alloc : memref<!tpu.dma_semaphore, #tpu.memory_space<semaphore_mem>>
      %dma_start3A = tpu.memref_slice %arg5[%add3A_100] : memref<11514880xf32, #tpu.memory_space<hbm>> -> memref<6920xf32, #tpu.memory_space<hbm>>
      %dma_start3A_944 = tpu.memref_slice %arg5[%add3A_100] : memref<11514880xf32, #tpu.memory_space<hbm>> -> memref<6920xf32, #tpu.memory_space<hbm>>
      tpu.enqueue_dma source(%arg10 : memref<6920xf32, #tpu.memory_space<vmem>>) target(%dma_start3A_944 : memref<6920xf32, #tpu.memory_space<hbm>>) target_semaphore(%run_scoped3A : memref<!tpu.dma_semaphore, #tpu.memory_space<semaphore_mem>>)
      %dma_wait3A = tpu.memref_slice %arg5[%add3A_100] : memref<11514880xf32, #tpu.memory_space<hbm>> -> memref<6920xf32, #tpu.memory_space<hbm>>
      %dma_wait3A_945 = tpu.memref_slice %arg5[%add3A_100] : memref<11514880xf32, #tpu.memory_space<hbm>> -> memref<6920xf32, #tpu.memory_space<hbm>>
      tpu.wait_dma2 semaphore(%run_scoped3A : memref<!tpu.dma_semaphore, #tpu.memory_space<semaphore_mem>>) src(%arg10 : memref<6920xf32, #tpu.memory_space<vmem>>) dst(%dma_wait3A_945 : memref<6920xf32, #tpu.memory_space<hbm>>)
      tpu.yield
    }) : () -> ()
    %mul3A_101 = arith.constant 89960 : i32
    %mul3A_102 = arith.muli %arg1, %mul3A_101 : i32
    %add3A_103 = arith.constant 6920 : i32
    %add3A_104 = arith.addi %mul3A_102, %add3A_103 : i32
    "tpu.region"() ({
      %run_scoped3A = tpu.sem_alloc : memref<!tpu.dma_semaphore, #tpu.memory_space<semaphore_mem>>
      %dma_start3A = tpu.memref_slice %arg6[%add3A_104] : memref<1439424xf32, #tpu.memory_space<vmem_shared>> -> memref<6920xf32, #tpu.memory_space<vmem_shared>>
      %dma_start3A_944 = tpu.memref_slice %arg6[%add3A_104] : memref<1439424xf32, #tpu.memory_space<vmem_shared>> -> memref<6920xf32, #tpu.memory_space<vmem_shared>>
      tpu.enqueue_dma source(%dma_start3A_944 : memref<6920xf32, #tpu.memory_space<vmem_shared>>) target(%arg10 : memref<6920xf32, #tpu.memory_space<vmem>>) target_semaphore(%run_scoped3A : memref<!tpu.dma_semaphore, #tpu.memory_space<semaphore_mem>>)
      %dma_wait3A = tpu.memref_slice %arg6[%add3A_104] : memref<1439424xf32, #tpu.memory_space<vmem_shared>> -> memref<6920xf32, #tpu.memory_space<vmem_shared>>
      %dma_wait3A_945 = tpu.memref_slice %arg6[%add3A_104] : memref<1439424xf32, #tpu.memory_space<vmem_shared>> -> memref<6920xf32, #tpu.memory_space<vmem_shared>>
      tpu.wait_dma2 semaphore(%run_scoped3A : memref<!tpu.dma_semaphore, #tpu.memory_space<semaphore_mem>>) src(%dma_wait3A_945 : memref<6920xf32, #tpu.memory_space<vmem_shared>>) dst(%arg10 : memref<6920xf32, #tpu.memory_space<vmem>>)
      tpu.yield
    }) : () -> ()
    %mul3A_105 = arith.constant 16 : i32
    %mul3A_106 = arith.muli %add3A_1, %mul3A_105 : i32
    %add3A_107 = arith.addi %mul3A_106, %arg1 : i32
    %mul3A_108 = arith.constant 89960 : i32
    %mul3A_109 = arith.muli %add3A_107, %mul3A_108 : i32
    %add3A_110 = arith.constant 6920 : i32
    %add3A_111 = arith.addi %mul3A_109, %add3A_110 : i32
    "tpu.region"() ({
      %run_scoped3A = tpu.sem_alloc : memref<!tpu.dma_semaphore, #tpu.memory_space<semaphore_mem>>
      %dma_start3A = tpu.memref_slice %arg5[%add3A_111] : memref<11514880xf32, #tpu.memory_space<hbm>> -> memref<6920xf32, #tpu.memory_space<hbm>>
      %dma_start3A_944 = tpu.memref_slice %arg5[%add3A_111] : memref<11514880xf32, #tpu.memory_space<hbm>> -> memref<6920xf32, #tpu.memory_space<hbm>>
      tpu.enqueue_dma source(%arg10 : memref<6920xf32, #tpu.memory_space<vmem>>) target(%dma_start3A_944 : memref<6920xf32, #tpu.memory_space<hbm>>) target_semaphore(%run_scoped3A : memref<!tpu.dma_semaphore, #tpu.memory_space<semaphore_mem>>)
      %dma_wait3A = tpu.memref_slice %arg5[%add3A_111] : memref<11514880xf32, #tpu.memory_space<hbm>> -> memref<6920xf32, #tpu.memory_space<hbm>>
      %dma_wait3A_945 = tpu.memref_slice %arg5[%add3A_111] : memref<11514880xf32, #tpu.memory_space<hbm>> -> memref<6920xf32, #tpu.memory_space<hbm>>
      tpu.wait_dma2 semaphore(%run_scoped3A : memref<!tpu.dma_semaphore, #tpu.memory_space<semaphore_mem>>) src(%arg10 : memref<6920xf32, #tpu.memory_space<vmem>>) dst(%dma_wait3A_945 : memref<6920xf32, #tpu.memory_space<hbm>>)
      tpu.yield
    }) : () -> ()
    %mul3A_112 = arith.constant 89960 : i32
    %mul3A_113 = arith.muli %arg1, %mul3A_112 : i32
    %add3A_114 = arith.constant 13840 : i32
    %add3A_115 = arith.addi %mul3A_113, %add3A_114 : i32
    "tpu.region"() ({
      %run_scoped3A = tpu.sem_alloc : memref<!tpu.dma_semaphore, #tpu.memory_space<semaphore_mem>>
      %dma_start3A = tpu.memref_slice %arg6[%add3A_115] : memref<1439424xf32, #tpu.memory_space<vmem_shared>> -> memref<6920xf32, #tpu.memory_space<vmem_shared>>
      %dma_start3A_944 = tpu.memref_slice %arg6[%add3A_115] : memref<1439424xf32, #tpu.memory_space<vmem_shared>> -> memref<6920xf32, #tpu.memory_space<vmem_shared>>
      tpu.enqueue_dma source(%dma_start3A_944 : memref<6920xf32, #tpu.memory_space<vmem_shared>>) target(%arg10 : memref<6920xf32, #tpu.memory_space<vmem>>) target_semaphore(%run_scoped3A : memref<!tpu.dma_semaphore, #tpu.memory_space<semaphore_mem>>)
      %dma_wait3A = tpu.memref_slice %arg6[%add3A_115] : memref<1439424xf32, #tpu.memory_space<vmem_shared>> -> memref<6920xf32, #tpu.memory_space<vmem_shared>>
      %dma_wait3A_945 = tpu.memref_slice %arg6[%add3A_115] : memref<1439424xf32, #tpu.memory_space<vmem_shared>> -> memref<6920xf32, #tpu.memory_space<vmem_shared>>
      tpu.wait_dma2 semaphore(%run_scoped3A : memref<!tpu.dma_semaphore, #tpu.memory_space<semaphore_mem>>) src(%dma_wait3A_945 : memref<6920xf32, #tpu.memory_space<vmem_shared>>) dst(%arg10 : memref<6920xf32, #tpu.memory_space<vmem>>)
      tpu.yield
    }) : () -> ()
    %mul3A_116 = arith.constant 16 : i32
    %mul3A_117 = arith.muli %add3A_1, %mul3A_116 : i32
    %add3A_118 = arith.addi %mul3A_117, %arg1 : i32
    %mul3A_119 = arith.constant 89960 : i32
    %mul3A_120 = arith.muli %add3A_118, %mul3A_119 : i32
    %add3A_121 = arith.constant 13840 : i32
    %add3A_122 = arith.addi %mul3A_120, %add3A_121 : i32
    "tpu.region"() ({
      %run_scoped3A = tpu.sem_alloc : memref<!tpu.dma_semaphore, #tpu.memory_space<semaphore_mem>>
      %dma_start3A = tpu.memref_slice %arg5[%add3A_122] : memref<11514880xf32, #tpu.memory_space<hbm>> -> memref<6920xf32, #tpu.memory_space<hbm>>
      %dma_start3A_944 = tpu.memref_slice %arg5[%add3A_122] : memref<11514880xf32, #tpu.memory_space<hbm>> -> memref<6920xf32, #tpu.memory_space<hbm>>
      tpu.enqueue_dma source(%arg10 : memref<6920xf32, #tpu.memory_space<vmem>>) target(%dma_start3A_944 : memref<6920xf32, #tpu.memory_space<hbm>>) target_semaphore(%run_scoped3A : memref<!tpu.dma_semaphore, #tpu.memory_space<semaphore_mem>>)
      %dma_wait3A = tpu.memref_slice %arg5[%add3A_122] : memref<11514880xf32, #tpu.memory_space<hbm>> -> memref<6920xf32, #tpu.memory_space<hbm>>
      %dma_wait3A_945 = tpu.memref_slice %arg5[%add3A_122] : memref<11514880xf32, #tpu.memory_space<hbm>> -> memref<6920xf32, #tpu.memory_space<hbm>>
      tpu.wait_dma2 semaphore(%run_scoped3A : memref<!tpu.dma_semaphore, #tpu.memory_space<semaphore_mem>>) src(%arg10 : memref<6920xf32, #tpu.memory_space<vmem>>) dst(%dma_wait3A_945 : memref<6920xf32, #tpu.memory_space<hbm>>)
      tpu.yield
    }) : () -> ()
    %mul3A_123 = arith.constant 89960 : i32
    %mul3A_124 = arith.muli %arg1, %mul3A_123 : i32
    %add3A_125 = arith.constant 20760 : i32
    %add3A_126 = arith.addi %mul3A_124, %add3A_125 : i32
    "tpu.region"() ({
      %run_scoped3A = tpu.sem_alloc : memref<!tpu.dma_semaphore, #tpu.memory_space<semaphore_mem>>
      %dma_start3A = tpu.memref_slice %arg6[%add3A_126] : memref<1439424xf32, #tpu.memory_space<vmem_shared>> -> memref<6920xf32, #tpu.memory_space<vmem_shared>>
      %dma_start3A_944 = tpu.memref_slice %arg6[%add3A_126] : memref<1439424xf32, #tpu.memory_space<vmem_shared>> -> memref<6920xf32, #tpu.memory_space<vmem_shared>>
      tpu.enqueue_dma source(%dma_start3A_944 : memref<6920xf32, #tpu.memory_space<vmem_shared>>) target(%arg10 : memref<6920xf32, #tpu.memory_space<vmem>>) target_semaphore(%run_scoped3A : memref<!tpu.dma_semaphore, #tpu.memory_space<semaphore_mem>>)
      %dma_wait3A = tpu.memref_slice %arg6[%add3A_126] : memref<1439424xf32, #tpu.memory_space<vmem_shared>> -> memref<6920xf32, #tpu.memory_space<vmem_shared>>
      %dma_wait3A_945 = tpu.memref_slice %arg6[%add3A_126] : memref<1439424xf32, #tpu.memory_space<vmem_shared>> -> memref<6920xf32, #tpu.memory_space<vmem_shared>>
      tpu.wait_dma2 semaphore(%run_scoped3A : memref<!tpu.dma_semaphore, #tpu.memory_space<semaphore_mem>>) src(%dma_wait3A_945 : memref<6920xf32, #tpu.memory_space<vmem_shared>>) dst(%arg10 : memref<6920xf32, #tpu.memory_space<vmem>>)
      tpu.yield
    }) : () -> ()
    %mul3A_127 = arith.constant 16 : i32
    %mul3A_128 = arith.muli %add3A_1, %mul3A_127 : i32
    %add3A_129 = arith.addi %mul3A_128, %arg1 : i32
    %mul3A_130 = arith.constant 89960 : i32
    %mul3A_131 = arith.muli %add3A_129, %mul3A_130 : i32
    %add3A_132 = arith.constant 20760 : i32
    %add3A_133 = arith.addi %mul3A_131, %add3A_132 : i32
    "tpu.region"() ({
      %run_scoped3A = tpu.sem_alloc : memref<!tpu.dma_semaphore, #tpu.memory_space<semaphore_mem>>
      %dma_start3A = tpu.memref_slice %arg5[%add3A_133] : memref<11514880xf32, #tpu.memory_space<hbm>> -> memref<6920xf32, #tpu.memory_space<hbm>>
      %dma_start3A_944 = tpu.memref_slice %arg5[%add3A_133] : memref<11514880xf32, #tpu.memory_space<hbm>> -> memref<6920xf32, #tpu.memory_space<hbm>>
      tpu.enqueue_dma source(%arg10 : memref<6920xf32, #tpu.memory_space<vmem>>) target(%dma_start3A_944 : memref<6920xf32, #tpu.memory_space<hbm>>) target_semaphore(%run_scoped3A : memref<!tpu.dma_semaphore, #tpu.memory_space<semaphore_mem>>)
      %dma_wait3A = tpu.memref_slice %arg5[%add3A_133] : memref<11514880xf32, #tpu.memory_space<hbm>> -> memref<6920xf32, #tpu.memory_space<hbm>>
      %dma_wait3A_945 = tpu.memref_slice %arg5[%add3A_133] : memref<11514880xf32, #tpu.memory_space<hbm>> -> memref<6920xf32, #tpu.memory_space<hbm>>
      tpu.wait_dma2 semaphore(%run_scoped3A : memref<!tpu.dma_semaphore, #tpu.memory_space<semaphore_mem>>) src(%arg10 : memref<6920xf32, #tpu.memory_space<vmem>>) dst(%dma_wait3A_945 : memref<6920xf32, #tpu.memory_space<hbm>>)
      tpu.yield
    }) : () -> ()
    %mul3A_134 = arith.constant 89960 : i32
    %mul3A_135 = arith.muli %arg1, %mul3A_134 : i32
    %add3A_136 = arith.constant 27680 : i32
    %add3A_137 = arith.addi %mul3A_135, %add3A_136 : i32
    "tpu.region"() ({
      %run_scoped3A = tpu.sem_alloc : memref<!tpu.dma_semaphore, #tpu.memory_space<semaphore_mem>>
      %dma_start3A = tpu.memref_slice %arg6[%add3A_137] : memref<1439424xf32, #tpu.memory_space<vmem_shared>> -> memref<6920xf32, #tpu.memory_space<vmem_shared>>
      %dma_start3A_944 = tpu.memref_slice %arg6[%add3A_137] : memref<1439424xf32, #tpu.memory_space<vmem_shared>> -> memref<6920xf32, #tpu.memory_space<vmem_shared>>
      tpu.enqueue_dma source(%dma_start3A_944 : memref<6920xf32, #tpu.memory_space<vmem_shared>>) target(%arg10 : memref<6920xf32, #tpu.memory_space<vmem>>) target_semaphore(%run_scoped3A : memref<!tpu.dma_semaphore, #tpu.memory_space<semaphore_mem>>)
      %dma_wait3A = tpu.memref_slice %arg6[%add3A_137] : memref<1439424xf32, #tpu.memory_space<vmem_shared>> -> memref<6920xf32, #tpu.memory_space<vmem_shared>>
      %dma_wait3A_945 = tpu.memref_slice %arg6[%add3A_137] : memref<1439424xf32, #tpu.memory_space<vmem_shared>> -> memref<6920xf32, #tpu.memory_space<vmem_shared>>
      tpu.wait_dma2 semaphore(%run_scoped3A : memref<!tpu.dma_semaphore, #tpu.memory_space<semaphore_mem>>) src(%dma_wait3A_945 : memref<6920xf32, #tpu.memory_space<vmem_shared>>) dst(%arg10 : memref<6920xf32, #tpu.memory_space<vmem>>)
      tpu.yield
    }) : () -> ()
    %mul3A_138 = arith.constant 16 : i32
    %mul3A_139 = arith.muli %add3A_1, %mul3A_138 : i32
    %add3A_140 = arith.addi %mul3A_139, %arg1 : i32
    %mul3A_141 = arith.constant 89960 : i32
    %mul3A_142 = arith.muli %add3A_140, %mul3A_141 : i32
    %add3A_143 = arith.constant 27680 : i32
    %add3A_144 = arith.addi %mul3A_142, %add3A_143 : i32
    "tpu.region"() ({
      %run_scoped3A = tpu.sem_alloc : memref<!tpu.dma_semaphore, #tpu.memory_space<semaphore_mem>>
      %dma_start3A = tpu.memref_slice %arg5[%add3A_144] : memref<11514880xf32, #tpu.memory_space<hbm>> -> memref<6920xf32, #tpu.memory_space<hbm>>
      %dma_start3A_944 = tpu.memref_slice %arg5[%add3A_144] : memref<11514880xf32, #tpu.memory_space<hbm>> -> memref<6920xf32, #tpu.memory_space<hbm>>
      tpu.enqueue_dma source(%arg10 : memref<6920xf32, #tpu.memory_space<vmem>>) target(%dma_start3A_944 : memref<6920xf32, #tpu.memory_space<hbm>>) target_semaphore(%run_scoped3A : memref<!tpu.dma_semaphore, #tpu.memory_space<semaphore_mem>>)
      %dma_wait3A = tpu.memref_slice %arg5[%add3A_144] : memref<11514880xf32, #tpu.memory_space<hbm>> -> memref<6920xf32, #tpu.memory_space<hbm>>
      %dma_wait3A_945 = tpu.memref_slice %arg5[%add3A_144] : memref<11514880xf32, #tpu.memory_space<hbm>> -> memref<6920xf32, #tpu.memory_space<hbm>>
      tpu.wait_dma2 semaphore(%run_scoped3A : memref<!tpu.dma_semaphore, #tpu.memory_space<semaphore_mem>>) src(%arg10 : memref<6920xf32, #tpu.memory_space<vmem>>) dst(%dma_wait3A_945 : memref<6920xf32, #tpu.memory_space<hbm>>)
      tpu.yield
    }) : () -> ()
    %mul3A_145 = arith.constant 89960 : i32
    %mul3A_146 = arith.muli %arg1, %mul3A_145 : i32
    %add3A_147 = arith.constant 34600 : i32
    %add3A_148 = arith.addi %mul3A_146, %add3A_147 : i32
    "tpu.region"() ({
      %run_scoped3A = tpu.sem_alloc : memref<!tpu.dma_semaphore, #tpu.memory_space<semaphore_mem>>
      %dma_start3A = tpu.memref_slice %arg6[%add3A_148] : memref<1439424xf32, #tpu.memory_space<vmem_shared>> -> memref<6920xf32, #tpu.memory_space<vmem_shared>>
      %dma_start3A_944 = tpu.memref_slice %arg6[%add3A_148] : memref<1439424xf32, #tpu.memory_space<vmem_shared>> -> memref<6920xf32, #tpu.memory_space<vmem_shared>>
      tpu.enqueue_dma source(%dma_start3A_944 : memref<6920xf32, #tpu.memory_space<vmem_shared>>) target(%arg10 : memref<6920xf32, #tpu.memory_space<vmem>>) target_semaphore(%run_scoped3A : memref<!tpu.dma_semaphore, #tpu.memory_space<semaphore_mem>>)
      %dma_wait3A = tpu.memref_slice %arg6[%add3A_148] : memref<1439424xf32, #tpu.memory_space<vmem_shared>> -> memref<6920xf32, #tpu.memory_space<vmem_shared>>
      %dma_wait3A_945 = tpu.memref_slice %arg6[%add3A_148] : memref<1439424xf32, #tpu.memory_space<vmem_shared>> -> memref<6920xf32, #tpu.memory_space<vmem_shared>>
      tpu.wait_dma2 semaphore(%run_scoped3A : memref<!tpu.dma_semaphore, #tpu.memory_space<semaphore_mem>>) src(%dma_wait3A_945 : memref<6920xf32, #tpu.memory_space<vmem_shared>>) dst(%arg10 : memref<6920xf32, #tpu.memory_space<vmem>>)
      tpu.yield
    }) : () -> ()
    %mul3A_149 = arith.constant 16 : i32
    %mul3A_150 = arith.muli %add3A_1, %mul3A_149 : i32
    %add3A_151 = arith.addi %mul3A_150, %arg1 : i32
    %mul3A_152 = arith.constant 89960 : i32
    %mul3A_153 = arith.muli %add3A_151, %mul3A_152 : i32
    %add3A_154 = arith.constant 34600 : i32
    %add3A_155 = arith.addi %mul3A_153, %add3A_154 : i32
    "tpu.region"() ({
      %run_scoped3A = tpu.sem_alloc : memref<!tpu.dma_semaphore, #tpu.memory_space<semaphore_mem>>
      %dma_start3A = tpu.memref_slice %arg5[%add3A_155] : memref<11514880xf32, #tpu.memory_space<hbm>> -> memref<6920xf32, #tpu.memory_space<hbm>>
      %dma_start3A_944 = tpu.memref_slice %arg5[%add3A_155] : memref<11514880xf32, #tpu.memory_space<hbm>> -> memref<6920xf32, #tpu.memory_space<hbm>>
      tpu.enqueue_dma source(%arg10 : memref<6920xf32, #tpu.memory_space<vmem>>) target(%dma_start3A_944 : memref<6920xf32, #tpu.memory_space<hbm>>) target_semaphore(%run_scoped3A : memref<!tpu.dma_semaphore, #tpu.memory_space<semaphore_mem>>)
      %dma_wait3A = tpu.memref_slice %arg5[%add3A_155] : memref<11514880xf32, #tpu.memory_space<hbm>> -> memref<6920xf32, #tpu.memory_space<hbm>>
      %dma_wait3A_945 = tpu.memref_slice %arg5[%add3A_155] : memref<11514880xf32, #tpu.memory_space<hbm>> -> memref<6920xf32, #tpu.memory_space<hbm>>
      tpu.wait_dma2 semaphore(%run_scoped3A : memref<!tpu.dma_semaphore, #tpu.memory_space<semaphore_mem>>) src(%arg10 : memref<6920xf32, #tpu.memory_space<vmem>>) dst(%dma_wait3A_945 : memref<6920xf32, #tpu.memory_space<hbm>>)
      tpu.yield
    }) : () -> ()
    %mul3A_156 = arith.constant 89960 : i32
    %mul3A_157 = arith.muli %arg1, %mul3A_156 : i32
    %add3A_158 = arith.constant 41520 : i32
    %add3A_159 = arith.addi %mul3A_157, %add3A_158 : i32
    "tpu.region"() ({
      %run_scoped3A = tpu.sem_alloc : memref<!tpu.dma_semaphore, #tpu.memory_space<semaphore_mem>>
      %dma_start3A = tpu.memref_slice %arg6[%add3A_159] : memref<1439424xf32, #tpu.memory_space<vmem_shared>> -> memref<6920xf32, #tpu.memory_space<vmem_shared>>
      %dma_start3A_944 = tpu.memref_slice %arg6[%add3A_159] : memref<1439424xf32, #tpu.memory_space<vmem_shared>> -> memref<6920xf32, #tpu.memory_space<vmem_shared>>
      tpu.enqueue_dma source(%dma_start3A_944 : memref<6920xf32, #tpu.memory_space<vmem_shared>>) target(%arg10 : memref<6920xf32, #tpu.memory_space<vmem>>) target_semaphore(%run_scoped3A : memref<!tpu.dma_semaphore, #tpu.memory_space<semaphore_mem>>)
      %dma_wait3A = tpu.memref_slice %arg6[%add3A_159] : memref<1439424xf32, #tpu.memory_space<vmem_shared>> -> memref<6920xf32, #tpu.memory_space<vmem_shared>>
      %dma_wait3A_945 = tpu.memref_slice %arg6[%add3A_159] : memref<1439424xf32, #tpu.memory_space<vmem_shared>> -> memref<6920xf32, #tpu.memory_space<vmem_shared>>
      tpu.wait_dma2 semaphore(%run_scoped3A : memref<!tpu.dma_semaphore, #tpu.memory_space<semaphore_mem>>) src(%dma_wait3A_945 : memref<6920xf32, #tpu.memory_space<vmem_shared>>) dst(%arg10 : memref<6920xf32, #tpu.memory_space<vmem>>)
      tpu.yield
    }) : () -> ()
    %mul3A_160 = arith.constant 16 : i32
    %mul3A_161 = arith.muli %add3A_1, %mul3A_160 : i32
    %add3A_162 = arith.addi %mul3A_161, %arg1 : i32
    %mul3A_163 = arith.constant 89960 : i32
    %mul3A_164 = arith.muli %add3A_162, %mul3A_163 : i32
    %add3A_165 = arith.constant 41520 : i32
    %add3A_166 = arith.addi %mul3A_164, %add3A_165 : i32
    "tpu.region"() ({
      %run_scoped3A = tpu.sem_alloc : memref<!tpu.dma_semaphore, #tpu.memory_space<semaphore_mem>>
      %dma_start3A = tpu.memref_slice %arg5[%add3A_166] : memref<11514880xf32, #tpu.memory_space<hbm>> -> memref<6920xf32, #tpu.memory_space<hbm>>
      %dma_start3A_944 = tpu.memref_slice %arg5[%add3A_166] : memref<11514880xf32, #tpu.memory_space<hbm>> -> memref<6920xf32, #tpu.memory_space<hbm>>
      tpu.enqueue_dma source(%arg10 : memref<6920xf32, #tpu.memory_space<vmem>>) target(%dma_start3A_944 : memref<6920xf32, #tpu.memory_space<hbm>>) target_semaphore(%run_scoped3A : memref<!tpu.dma_semaphore, #tpu.memory_space<semaphore_mem>>)
      %dma_wait3A = tpu.memref_slice %arg5[%add3A_166] : memref<11514880xf32, #tpu.memory_space<hbm>> -> memref<6920xf32, #tpu.memory_space<hbm>>
      %dma_wait3A_945 = tpu.memref_slice %arg5[%add3A_166] : memref<11514880xf32, #tpu.memory_space<hbm>> -> memref<6920xf32, #tpu.memory_space<hbm>>
      tpu.wait_dma2 semaphore(%run_scoped3A : memref<!tpu.dma_semaphore, #tpu.memory_space<semaphore_mem>>) src(%arg10 : memref<6920xf32, #tpu.memory_space<vmem>>) dst(%dma_wait3A_945 : memref<6920xf32, #tpu.memory_space<hbm>>)
      tpu.yield
    }) : () -> ()
    %mul3A_167 = arith.constant 89960 : i32
    %mul3A_168 = arith.muli %arg1, %mul3A_167 : i32
    %add3A_169 = arith.constant 48440 : i32
    %add3A_170 = arith.addi %mul3A_168, %add3A_169 : i32
    "tpu.region"() ({
      %run_scoped3A = tpu.sem_alloc : memref<!tpu.dma_semaphore, #tpu.memory_space<semaphore_mem>>
      %dma_start3A = tpu.memref_slice %arg6[%add3A_170] : memref<1439424xf32, #tpu.memory_space<vmem_shared>> -> memref<6920xf32, #tpu.memory_space<vmem_shared>>
      %dma_start3A_944 = tpu.memref_slice %arg6[%add3A_170] : memref<1439424xf32, #tpu.memory_space<vmem_shared>> -> memref<6920xf32, #tpu.memory_space<vmem_shared>>
      tpu.enqueue_dma source(%dma_start3A_944 : memref<6920xf32, #tpu.memory_space<vmem_shared>>) target(%arg10 : memref<6920xf32, #tpu.memory_space<vmem>>) target_semaphore(%run_scoped3A : memref<!tpu.dma_semaphore, #tpu.memory_space<semaphore_mem>>)
      %dma_wait3A = tpu.memref_slice %arg6[%add3A_170] : memref<1439424xf32, #tpu.memory_space<vmem_shared>> -> memref<6920xf32, #tpu.memory_space<vmem_shared>>
      %dma_wait3A_945 = tpu.memref_slice %arg6[%add3A_170] : memref<1439424xf32, #tpu.memory_space<vmem_shared>> -> memref<6920xf32, #tpu.memory_space<vmem_shared>>
      tpu.wait_dma2 semaphore(%run_scoped3A : memref<!tpu.dma_semaphore, #tpu.memory_space<semaphore_mem>>) src(%dma_wait3A_945 : memref<6920xf32, #tpu.memory_space<vmem_shared>>) dst(%arg10 : memref<6920xf32, #tpu.memory_space<vmem>>)
      tpu.yield
    }) : () -> ()
    %mul3A_171 = arith.constant 16 : i32
    %mul3A_172 = arith.muli %add3A_1, %mul3A_171 : i32
    %add3A_173 = arith.addi %mul3A_172, %arg1 : i32
    %mul3A_174 = arith.constant 89960 : i32
    %mul3A_175 = arith.muli %add3A_173, %mul3A_174 : i32
    %add3A_176 = arith.constant 48440 : i32
    %add3A_177 = arith.addi %mul3A_175, %add3A_176 : i32
    "tpu.region"() ({
      %run_scoped3A = tpu.sem_alloc : memref<!tpu.dma_semaphore, #tpu.memory_space<semaphore_mem>>
      %dma_start3A = tpu.memref_slice %arg5[%add3A_177] : memref<11514880xf32, #tpu.memory_space<hbm>> -> memref<6920xf32, #tpu.memory_space<hbm>>
      %dma_start3A_944 = tpu.memref_slice %arg5[%add3A_177] : memref<11514880xf32, #tpu.memory_space<hbm>> -> memref<6920xf32, #tpu.memory_space<hbm>>
      tpu.enqueue_dma source(%arg10 : memref<6920xf32, #tpu.memory_space<vmem>>) target(%dma_start3A_944 : memref<6920xf32, #tpu.memory_space<hbm>>) target_semaphore(%run_scoped3A : memref<!tpu.dma_semaphore, #tpu.memory_space<semaphore_mem>>)
      %dma_wait3A = tpu.memref_slice %arg5[%add3A_177] : memref<11514880xf32, #tpu.memory_space<hbm>> -> memref<6920xf32, #tpu.memory_space<hbm>>
      %dma_wait3A_945 = tpu.memref_slice %arg5[%add3A_177] : memref<11514880xf32, #tpu.memory_space<hbm>> -> memref<6920xf32, #tpu.memory_space<hbm>>
      tpu.wait_dma2 semaphore(%run_scoped3A : memref<!tpu.dma_semaphore, #tpu.memory_space<semaphore_mem>>) src(%arg10 : memref<6920xf32, #tpu.memory_space<vmem>>) dst(%dma_wait3A_945 : memref<6920xf32, #tpu.memory_space<hbm>>)
      tpu.yield
    }) : () -> ()
    %mul3A_178 = arith.constant 89960 : i32
    %mul3A_179 = arith.muli %arg1, %mul3A_178 : i32
    %add3A_180 = arith.constant 55360 : i32
    %add3A_181 = arith.addi %mul3A_179, %add3A_180 : i32
    "tpu.region"() ({
      %run_scoped3A = tpu.sem_alloc : memref<!tpu.dma_semaphore, #tpu.memory_space<semaphore_mem>>
      %dma_start3A = tpu.memref_slice %arg6[%add3A_181] : memref<1439424xf32, #tpu.memory_space<vmem_shared>> -> memref<6920xf32, #tpu.memory_space<vmem_shared>>
      %dma_start3A_944 = tpu.memref_slice %arg6[%add3A_181] : memref<1439424xf32, #tpu.memory_space<vmem_shared>> -> memref<6920xf32, #tpu.memory_space<vmem_shared>>
      tpu.enqueue_dma source(%dma_start3A_944 : memref<6920xf32, #tpu.memory_space<vmem_shared>>) target(%arg10 : memref<6920xf32, #tpu.memory_space<vmem>>) target_semaphore(%run_scoped3A : memref<!tpu.dma_semaphore, #tpu.memory_space<semaphore_mem>>)
      %dma_wait3A = tpu.memref_slice %arg6[%add3A_181] : memref<1439424xf32, #tpu.memory_space<vmem_shared>> -> memref<6920xf32, #tpu.memory_space<vmem_shared>>
      %dma_wait3A_945 = tpu.memref_slice %arg6[%add3A_181] : memref<1439424xf32, #tpu.memory_space<vmem_shared>> -> memref<6920xf32, #tpu.memory_space<vmem_shared>>
      tpu.wait_dma2 semaphore(%run_scoped3A : memref<!tpu.dma_semaphore, #tpu.memory_space<semaphore_mem>>) src(%dma_wait3A_945 : memref<6920xf32, #tpu.memory_space<vmem_shared>>) dst(%arg10 : memref<6920xf32, #tpu.memory_space<vmem>>)
      tpu.yield
    }) : () -> ()
    %mul3A_182 = arith.constant 16 : i32
    %mul3A_183 = arith.muli %add3A_1, %mul3A_182 : i32
    %add3A_184 = arith.addi %mul3A_183, %arg1 : i32
    %mul3A_185 = arith.constant 89960 : i32
    %mul3A_186 = arith.muli %add3A_184, %mul3A_185 : i32
    %add3A_187 = arith.constant 55360 : i32
    %add3A_188 = arith.addi %mul3A_186, %add3A_187 : i32
    "tpu.region"() ({
      %run_scoped3A = tpu.sem_alloc : memref<!tpu.dma_semaphore, #tpu.memory_space<semaphore_mem>>
      %dma_start3A = tpu.memref_slice %arg5[%add3A_188] : memref<11514880xf32, #tpu.memory_space<hbm>> -> memref<6920xf32, #tpu.memory_space<hbm>>
      %dma_start3A_944 = tpu.memref_slice %arg5[%add3A_188] : memref<11514880xf32, #tpu.memory_space<hbm>> -> memref<6920xf32, #tpu.memory_space<hbm>>
      tpu.enqueue_dma source(%arg10 : memref<6920xf32, #tpu.memory_space<vmem>>) target(%dma_start3A_944 : memref<6920xf32, #tpu.memory_space<hbm>>) target_semaphore(%run_scoped3A : memref<!tpu.dma_semaphore, #tpu.memory_space<semaphore_mem>>)
      %dma_wait3A = tpu.memref_slice %arg5[%add3A_188] : memref<11514880xf32, #tpu.memory_space<hbm>> -> memref<6920xf32, #tpu.memory_space<hbm>>
      %dma_wait3A_945 = tpu.memref_slice %arg5[%add3A_188] : memref<11514880xf32, #tpu.memory_space<hbm>> -> memref<6920xf32, #tpu.memory_space<hbm>>
      tpu.wait_dma2 semaphore(%run_scoped3A : memref<!tpu.dma_semaphore, #tpu.memory_space<semaphore_mem>>) src(%arg10 : memref<6920xf32, #tpu.memory_space<vmem>>) dst(%dma_wait3A_945 : memref<6920xf32, #tpu.memory_space<hbm>>)
      tpu.yield
    }) : () -> ()
    %mul3A_189 = arith.constant 89960 : i32
    %mul3A_190 = arith.muli %arg1, %mul3A_189 : i32
    %add3A_191 = arith.constant 62280 : i32
    %add3A_192 = arith.addi %mul3A_190, %add3A_191 : i32
    "tpu.region"() ({
      %run_scoped3A = tpu.sem_alloc : memref<!tpu.dma_semaphore, #tpu.memory_space<semaphore_mem>>
      %dma_start3A = tpu.memref_slice %arg6[%add3A_192] : memref<1439424xf32, #tpu.memory_space<vmem_shared>> -> memref<6920xf32, #tpu.memory_space<vmem_shared>>
      %dma_start3A_944 = tpu.memref_slice %arg6[%add3A_192] : memref<1439424xf32, #tpu.memory_space<vmem_shared>> -> memref<6920xf32, #tpu.memory_space<vmem_shared>>
      tpu.enqueue_dma source(%dma_start3A_944 : memref<6920xf32, #tpu.memory_space<vmem_shared>>) target(%arg10 : memref<6920xf32, #tpu.memory_space<vmem>>) target_semaphore(%run_scoped3A : memref<!tpu.dma_semaphore, #tpu.memory_space<semaphore_mem>>)
      %dma_wait3A = tpu.memref_slice %arg6[%add3A_192] : memref<1439424xf32, #tpu.memory_space<vmem_shared>> -> memref<6920xf32, #tpu.memory_space<vmem_shared>>
      %dma_wait3A_945 = tpu.memref_slice %arg6[%add3A_192] : memref<1439424xf32, #tpu.memory_space<vmem_shared>> -> memref<6920xf32, #tpu.memory_space<vmem_shared>>
      tpu.wait_dma2 semaphore(%run_scoped3A : memref<!tpu.dma_semaphore, #tpu.memory_space<semaphore_mem>>) src(%dma_wait3A_945 : memref<6920xf32, #tpu.memory_space<vmem_shared>>) dst(%arg10 : memref<6920xf32, #tpu.memory_space<vmem>>)
      tpu.yield
    }) : () -> ()
    %mul3A_193 = arith.constant 16 : i32
    %mul3A_194 = arith.muli %add3A_1, %mul3A_193 : i32
    %add3A_195 = arith.addi %mul3A_194, %arg1 : i32
    %mul3A_196 = arith.constant 89960 : i32
    %mul3A_197 = arith.muli %add3A_195, %mul3A_196 : i32
    %add3A_198 = arith.constant 62280 : i32
    %add3A_199 = arith.addi %mul3A_197, %add3A_198 : i32
    "tpu.region"() ({
      %run_scoped3A = tpu.sem_alloc : memref<!tpu.dma_semaphore, #tpu.memory_space<semaphore_mem>>
      %dma_start3A = tpu.memref_slice %arg5[%add3A_199] : memref<11514880xf32, #tpu.memory_space<hbm>> -> memref<6920xf32, #tpu.memory_space<hbm>>
      %dma_start3A_944 = tpu.memref_slice %arg5[%add3A_199] : memref<11514880xf32, #tpu.memory_space<hbm>> -> memref<6920xf32, #tpu.memory_space<hbm>>
      tpu.enqueue_dma source(%arg10 : memref<6920xf32, #tpu.memory_space<vmem>>) target(%dma_start3A_944 : memref<6920xf32, #tpu.memory_space<hbm>>) target_semaphore(%run_scoped3A : memref<!tpu.dma_semaphore, #tpu.memory_space<semaphore_mem>>)
      %dma_wait3A = tpu.memref_slice %arg5[%add3A_199] : memref<11514880xf32, #tpu.memory_space<hbm>> -> memref<6920xf32, #tpu.memory_space<hbm>>
      %dma_wait3A_945 = tpu.memref_slice %arg5[%add3A_199] : memref<11514880xf32, #tpu.memory_space<hbm>> -> memref<6920xf32, #tpu.memory_space<hbm>>
      tpu.wait_dma2 semaphore(%run_scoped3A : memref<!tpu.dma_semaphore, #tpu.memory_space<semaphore_mem>>) src(%arg10 : memref<6920xf32, #tpu.memory_space<vmem>>) dst(%dma_wait3A_945 : memref<6920xf32, #tpu.memory_space<hbm>>)
      tpu.yield
    }) : () -> ()
    %mul3A_200 = arith.constant 89960 : i32
    %mul3A_201 = arith.muli %arg1, %mul3A_200 : i32
    %add3A_202 = arith.constant 69200 : i32
    %add3A_203 = arith.addi %mul3A_201, %add3A_202 : i32
    "tpu.region"() ({
      %run_scoped3A = tpu.sem_alloc : memref<!tpu.dma_semaphore, #tpu.memory_space<semaphore_mem>>
      %dma_start3A = tpu.memref_slice %arg6[%add3A_203] : memref<1439424xf32, #tpu.memory_space<vmem_shared>> -> memref<6920xf32, #tpu.memory_space<vmem_shared>>
      %dma_start3A_944 = tpu.memref_slice %arg6[%add3A_203] : memref<1439424xf32, #tpu.memory_space<vmem_shared>> -> memref<6920xf32, #tpu.memory_space<vmem_shared>>
      tpu.enqueue_dma source(%dma_start3A_944 : memref<6920xf32, #tpu.memory_space<vmem_shared>>) target(%arg10 : memref<6920xf32, #tpu.memory_space<vmem>>) target_semaphore(%run_scoped3A : memref<!tpu.dma_semaphore, #tpu.memory_space<semaphore_mem>>)
      %dma_wait3A = tpu.memref_slice %arg6[%add3A_203] : memref<1439424xf32, #tpu.memory_space<vmem_shared>> -> memref<6920xf32, #tpu.memory_space<vmem_shared>>
      %dma_wait3A_945 = tpu.memref_slice %arg6[%add3A_203] : memref<1439424xf32, #tpu.memory_space<vmem_shared>> -> memref<6920xf32, #tpu.memory_space<vmem_shared>>
      tpu.wait_dma2 semaphore(%run_scoped3A : memref<!tpu.dma_semaphore, #tpu.memory_space<semaphore_mem>>) src(%dma_wait3A_945 : memref<6920xf32, #tpu.memory_space<vmem_shared>>) dst(%arg10 : memref<6920xf32, #tpu.memory_space<vmem>>)
      tpu.yield
    }) : () -> ()
    %mul3A_204 = arith.constant 16 : i32
    %mul3A_205 = arith.muli %add3A_1, %mul3A_204 : i32
    %add3A_206 = arith.addi %mul3A_205, %arg1 : i32
    %mul3A_207 = arith.constant 89960 : i32
    %mul3A_208 = arith.muli %add3A_206, %mul3A_207 : i32
    %add3A_209 = arith.constant 69200 : i32
    %add3A_210 = arith.addi %mul3A_208, %add3A_209 : i32
    "tpu.region"() ({
      %run_scoped3A = tpu.sem_alloc : memref<!tpu.dma_semaphore, #tpu.memory_space<semaphore_mem>>
      %dma_start3A = tpu.memref_slice %arg5[%add3A_210] : memref<11514880xf32, #tpu.memory_space<hbm>> -> memref<6920xf32, #tpu.memory_space<hbm>>
      %dma_start3A_944 = tpu.memref_slice %arg5[%add3A_210] : memref<11514880xf32, #tpu.memory_space<hbm>> -> memref<6920xf32, #tpu.memory_space<hbm>>
      tpu.enqueue_dma source(%arg10 : memref<6920xf32, #tpu.memory_space<vmem>>) target(%dma_start3A_944 : memref<6920xf32, #tpu.memory_space<hbm>>) target_semaphore(%run_scoped3A : memref<!tpu.dma_semaphore, #tpu.memory_space<semaphore_mem>>)
      %dma_wait3A = tpu.memref_slice %arg5[%add3A_210] : memref<11514880xf32, #tpu.memory_space<hbm>> -> memref<6920xf32, #tpu.memory_space<hbm>>
      %dma_wait3A_945 = tpu.memref_slice %arg5[%add3A_210] : memref<11514880xf32, #tpu.memory_space<hbm>> -> memref<6920xf32, #tpu.memory_space<hbm>>
      tpu.wait_dma2 semaphore(%run_scoped3A : memref<!tpu.dma_semaphore, #tpu.memory_space<semaphore_mem>>) src(%arg10 : memref<6920xf32, #tpu.memory_space<vmem>>) dst(%dma_wait3A_945 : memref<6920xf32, #tpu.memory_space<hbm>>)
      tpu.yield
    }) : () -> ()
    %mul3A_211 = arith.constant 89960 : i32
    %mul3A_212 = arith.muli %arg1, %mul3A_211 : i32
    %add3A_213 = arith.constant 76120 : i32
    %add3A_214 = arith.addi %mul3A_212, %add3A_213 : i32
    "tpu.region"() ({
      %run_scoped3A = tpu.sem_alloc : memref<!tpu.dma_semaphore, #tpu.memory_space<semaphore_mem>>
      %dma_start3A = tpu.memref_slice %arg6[%add3A_214] : memref<1439424xf32, #tpu.memory_space<vmem_shared>> -> memref<6920xf32, #tpu.memory_space<vmem_shared>>
      %dma_start3A_944 = tpu.memref_slice %arg6[%add3A_214] : memref<1439424xf32, #tpu.memory_space<vmem_shared>> -> memref<6920xf32, #tpu.memory_space<vmem_shared>>
      tpu.enqueue_dma source(%dma_start3A_944 : memref<6920xf32, #tpu.memory_space<vmem_shared>>) target(%arg10 : memref<6920xf32, #tpu.memory_space<vmem>>) target_semaphore(%run_scoped3A : memref<!tpu.dma_semaphore, #tpu.memory_space<semaphore_mem>>)
      %dma_wait3A = tpu.memref_slice %arg6[%add3A_214] : memref<1439424xf32, #tpu.memory_space<vmem_shared>> -> memref<6920xf32, #tpu.memory_space<vmem_shared>>
      %dma_wait3A_945 = tpu.memref_slice %arg6[%add3A_214] : memref<1439424xf32, #tpu.memory_space<vmem_shared>> -> memref<6920xf32, #tpu.memory_space<vmem_shared>>
      tpu.wait_dma2 semaphore(%run_scoped3A : memref<!tpu.dma_semaphore, #tpu.memory_space<semaphore_mem>>) src(%dma_wait3A_945 : memref<6920xf32, #tpu.memory_space<vmem_shared>>) dst(%arg10 : memref<6920xf32, #tpu.memory_space<vmem>>)
      tpu.yield
    }) : () -> ()
    %mul3A_215 = arith.constant 16 : i32
    %mul3A_216 = arith.muli %add3A_1, %mul3A_215 : i32
    %add3A_217 = arith.addi %mul3A_216, %arg1 : i32
    %mul3A_218 = arith.constant 89960 : i32
    %mul3A_219 = arith.muli %add3A_217, %mul3A_218 : i32
    %add3A_220 = arith.constant 76120 : i32
    %add3A_221 = arith.addi %mul3A_219, %add3A_220 : i32
    "tpu.region"() ({
      %run_scoped3A = tpu.sem_alloc : memref<!tpu.dma_semaphore, #tpu.memory_space<semaphore_mem>>
      %dma_start3A = tpu.memref_slice %arg5[%add3A_221] : memref<11514880xf32, #tpu.memory_space<hbm>> -> memref<6920xf32, #tpu.memory_space<hbm>>
      %dma_start3A_944 = tpu.memref_slice %arg5[%add3A_221] : memref<11514880xf32, #tpu.memory_space<hbm>> -> memref<6920xf32, #tpu.memory_space<hbm>>
      tpu.enqueue_dma source(%arg10 : memref<6920xf32, #tpu.memory_space<vmem>>) target(%dma_start3A_944 : memref<6920xf32, #tpu.memory_space<hbm>>) target_semaphore(%run_scoped3A : memref<!tpu.dma_semaphore, #tpu.memory_space<semaphore_mem>>)
      %dma_wait3A = tpu.memref_slice %arg5[%add3A_221] : memref<11514880xf32, #tpu.memory_space<hbm>> -> memref<6920xf32, #tpu.memory_space<hbm>>
      %dma_wait3A_945 = tpu.memref_slice %arg5[%add3A_221] : memref<11514880xf32, #tpu.memory_space<hbm>> -> memref<6920xf32, #tpu.memory_space<hbm>>
      tpu.wait_dma2 semaphore(%run_scoped3A : memref<!tpu.dma_semaphore, #tpu.memory_space<semaphore_mem>>) src(%arg10 : memref<6920xf32, #tpu.memory_space<vmem>>) dst(%dma_wait3A_945 : memref<6920xf32, #tpu.memory_space<hbm>>)
      tpu.yield
    }) : () -> ()
    %mul3A_222 = arith.constant 89960 : i32
    %mul3A_223 = arith.muli %arg1, %mul3A_222 : i32
    %add3A_224 = arith.constant 83040 : i32
    %add3A_225 = arith.addi %mul3A_223, %add3A_224 : i32
    "tpu.region"() ({
      %run_scoped3A = tpu.sem_alloc : memref<!tpu.dma_semaphore, #tpu.memory_space<semaphore_mem>>
      %dma_start3A = tpu.memref_slice %arg6[%add3A_225] : memref<1439424xf32, #tpu.memory_space<vmem_shared>> -> memref<6920xf32, #tpu.memory_space<vmem_shared>>
      %dma_start3A_944 = tpu.memref_slice %arg6[%add3A_225] : memref<1439424xf32, #tpu.memory_space<vmem_shared>> -> memref<6920xf32, #tpu.memory_space<vmem_shared>>
      tpu.enqueue_dma source(%dma_start3A_944 : memref<6920xf32, #tpu.memory_space<vmem_shared>>) target(%arg10 : memref<6920xf32, #tpu.memory_space<vmem>>) target_semaphore(%run_scoped3A : memref<!tpu.dma_semaphore, #tpu.memory_space<semaphore_mem>>)
      %dma_wait3A = tpu.memref_slice %arg6[%add3A_225] : memref<1439424xf32, #tpu.memory_space<vmem_shared>> -> memref<6920xf32, #tpu.memory_space<vmem_shared>>
      %dma_wait3A_945 = tpu.memref_slice %arg6[%add3A_225] : memref<1439424xf32, #tpu.memory_space<vmem_shared>> -> memref<6920xf32, #tpu.memory_space<vmem_shared>>
      tpu.wait_dma2 semaphore(%run_scoped3A : memref<!tpu.dma_semaphore, #tpu.memory_space<semaphore_mem>>) src(%dma_wait3A_945 : memref<6920xf32, #tpu.memory_space<vmem_shared>>) dst(%arg10 : memref<6920xf32, #tpu.memory_space<vmem>>)
      tpu.yield
    }) : () -> ()
    %mul3A_226 = arith.constant 16 : i32
    %mul3A_227 = arith.muli %add3A_1, %mul3A_226 : i32
    %add3A_228 = arith.addi %mul3A_227, %arg1 : i32
    %mul3A_229 = arith.constant 89960 : i32
    %mul3A_230 = arith.muli %add3A_228, %mul3A_229 : i32
    %add3A_231 = arith.constant 83040 : i32
    %add3A_232 = arith.addi %mul3A_230, %add3A_231 : i32
    "tpu.region"() ({
      %run_scoped3A = tpu.sem_alloc : memref<!tpu.dma_semaphore, #tpu.memory_space<semaphore_mem>>
      %dma_start3A = tpu.memref_slice %arg5[%add3A_232] : memref<11514880xf32, #tpu.memory_space<hbm>> -> memref<6920xf32, #tpu.memory_space<hbm>>
      %dma_start3A_944 = tpu.memref_slice %arg5[%add3A_232] : memref<11514880xf32, #tpu.memory_space<hbm>> -> memref<6920xf32, #tpu.memory_space<hbm>>
      tpu.enqueue_dma source(%arg10 : memref<6920xf32, #tpu.memory_space<vmem>>) target(%dma_start3A_944 : memref<6920xf32, #tpu.memory_space<hbm>>) target_semaphore(%run_scoped3A : memref<!tpu.dma_semaphore, #tpu.memory_space<semaphore_mem>>)
      %dma_wait3A = tpu.memref_slice %arg5[%add3A_232] : memref<11514880xf32, #tpu.memory_space<hbm>> -> memref<6920xf32, #tpu.memory_space<hbm>>
      %dma_wait3A_945 = tpu.memref_slice %arg5[%add3A_232] : memref<11514880xf32, #tpu.memory_space<hbm>> -> memref<6920xf32, #tpu.memory_space<hbm>>
      tpu.wait_dma2 semaphore(%run_scoped3A : memref<!tpu.dma_semaphore, #tpu.memory_space<semaphore_mem>>) src(%arg10 : memref<6920xf32, #tpu.memory_space<vmem>>) dst(%dma_wait3A_945 : memref<6920xf32, #tpu.memory_space<hbm>>)
      tpu.yield
    }) : () -> ()
    %mul3A_233 = arith.constant 4 : i32
    %mul3A_234 = arith.muli %arg0, %mul3A_233 : i32
    %add3A_235 = arith.constant 1 : i32
    %add3A_236 = arith.addi %mul3A_234, %add3A_235 : i32
    %mul3A_237 = arith.constant 89960 : i32
    %mul3A_238 = arith.muli %arg1, %mul3A_237 : i32
    %add3A_239 = arith.constant 0 : i32
    %add3A_240 = arith.addi %mul3A_238, %add3A_239 : i32
    "tpu.region"() ({
      %run_scoped3A = tpu.sem_alloc : memref<!tpu.dma_semaphore, #tpu.memory_space<semaphore_mem>>
      %dma_start3A = tpu.memref_slice %arg6[%add3A_240] : memref<1439424xf32, #tpu.memory_space<vmem_shared>> -> memref<6920xf32, #tpu.memory_space<vmem_shared>>
      %dma_start3A_944 = tpu.memref_slice %arg6[%add3A_240] : memref<1439424xf32, #tpu.memory_space<vmem_shared>> -> memref<6920xf32, #tpu.memory_space<vmem_shared>>
      tpu.enqueue_dma source(%arg9 : memref<6920xf32, #tpu.memory_space<vmem>>) target(%dma_start3A_944 : memref<6920xf32, #tpu.memory_space<vmem_shared>>) target_semaphore(%run_scoped3A : memref<!tpu.dma_semaphore, #tpu.memory_space<semaphore_mem>>)
      %dma_wait3A = tpu.memref_slice %arg6[%add3A_240] : memref<1439424xf32, #tpu.memory_space<vmem_shared>> -> memref<6920xf32, #tpu.memory_space<vmem_shared>>
      %dma_wait3A_945 = tpu.memref_slice %arg6[%add3A_240] : memref<1439424xf32, #tpu.memory_space<vmem_shared>> -> memref<6920xf32, #tpu.memory_space<vmem_shared>>
      tpu.wait_dma2 semaphore(%run_scoped3A : memref<!tpu.dma_semaphore, #tpu.memory_space<semaphore_mem>>) src(%arg9 : memref<6920xf32, #tpu.memory_space<vmem>>) dst(%dma_wait3A_945 : memref<6920xf32, #tpu.memory_space<vmem_shared>>)
      tpu.yield
    }) : () -> ()
    %mul3A_241 = arith.constant 89960 : i32
    %mul3A_242 = arith.muli %arg1, %mul3A_241 : i32
    %add3A_243 = arith.constant 6920 : i32
    %add3A_244 = arith.addi %mul3A_242, %add3A_243 : i32
    "tpu.region"() ({
      %run_scoped3A = tpu.sem_alloc : memref<!tpu.dma_semaphore, #tpu.memory_space<semaphore_mem>>
      %dma_start3A = tpu.memref_slice %arg6[%add3A_244] : memref<1439424xf32, #tpu.memory_space<vmem_shared>> -> memref<6920xf32, #tpu.memory_space<vmem_shared>>
      %dma_start3A_944 = tpu.memref_slice %arg6[%add3A_244] : memref<1439424xf32, #tpu.memory_space<vmem_shared>> -> memref<6920xf32, #tpu.memory_space<vmem_shared>>
      tpu.enqueue_dma source(%arg9 : memref<6920xf32, #tpu.memory_space<vmem>>) target(%dma_start3A_944 : memref<6920xf32, #tpu.memory_space<vmem_shared>>) target_semaphore(%run_scoped3A : memref<!tpu.dma_semaphore, #tpu.memory_space<semaphore_mem>>)
      %dma_wait3A = tpu.memref_slice %arg6[%add3A_244] : memref<1439424xf32, #tpu.memory_space<vmem_shared>> -> memref<6920xf32, #tpu.memory_space<vmem_shared>>
      %dma_wait3A_945 = tpu.memref_slice %arg6[%add3A_244] : memref<1439424xf32, #tpu.memory_space<vmem_shared>> -> memref<6920xf32, #tpu.memory_space<vmem_shared>>
      tpu.wait_dma2 semaphore(%run_scoped3A : memref<!tpu.dma_semaphore, #tpu.memory_space<semaphore_mem>>) src(%arg9 : memref<6920xf32, #tpu.memory_space<vmem>>) dst(%dma_wait3A_945 : memref<6920xf32, #tpu.memory_space<vmem_shared>>)
      tpu.yield
    }) : () -> ()
    %mul3A_245 = arith.constant 89960 : i32
    %mul3A_246 = arith.muli %arg1, %mul3A_245 : i32
    %add3A_247 = arith.constant 13840 : i32
    %add3A_248 = arith.addi %mul3A_246, %add3A_247 : i32
    "tpu.region"() ({
      %run_scoped3A = tpu.sem_alloc : memref<!tpu.dma_semaphore, #tpu.memory_space<semaphore_mem>>
      %dma_start3A = tpu.memref_slice %arg6[%add3A_248] : memref<1439424xf32, #tpu.memory_space<vmem_shared>> -> memref<6920xf32, #tpu.memory_space<vmem_shared>>
      %dma_start3A_944 = tpu.memref_slice %arg6[%add3A_248] : memref<1439424xf32, #tpu.memory_space<vmem_shared>> -> memref<6920xf32, #tpu.memory_space<vmem_shared>>
      tpu.enqueue_dma source(%arg9 : memref<6920xf32, #tpu.memory_space<vmem>>) target(%dma_start3A_944 : memref<6920xf32, #tpu.memory_space<vmem_shared>>) target_semaphore(%run_scoped3A : memref<!tpu.dma_semaphore, #tpu.memory_space<semaphore_mem>>)
      %dma_wait3A = tpu.memref_slice %arg6[%add3A_248] : memref<1439424xf32, #tpu.memory_space<vmem_shared>> -> memref<6920xf32, #tpu.memory_space<vmem_shared>>
      %dma_wait3A_945 = tpu.memref_slice %arg6[%add3A_248] : memref<1439424xf32, #tpu.memory_space<vmem_shared>> -> memref<6920xf32, #tpu.memory_space<vmem_shared>>
      tpu.wait_dma2 semaphore(%run_scoped3A : memref<!tpu.dma_semaphore, #tpu.memory_space<semaphore_mem>>) src(%arg9 : memref<6920xf32, #tpu.memory_space<vmem>>) dst(%dma_wait3A_945 : memref<6920xf32, #tpu.memory_space<vmem_shared>>)
      tpu.yield
    }) : () -> ()
    %mul3A_249 = arith.constant 89960 : i32
    %mul3A_250 = arith.muli %arg1, %mul3A_249 : i32
    %add3A_251 = arith.constant 20760 : i32
    %add3A_252 = arith.addi %mul3A_250, %add3A_251 : i32
    "tpu.region"() ({
      %run_scoped3A = tpu.sem_alloc : memref<!tpu.dma_semaphore, #tpu.memory_space<semaphore_mem>>
      %dma_start3A = tpu.memref_slice %arg6[%add3A_252] : memref<1439424xf32, #tpu.memory_space<vmem_shared>> -> memref<6920xf32, #tpu.memory_space<vmem_shared>>
      %dma_start3A_944 = tpu.memref_slice %arg6[%add3A_252] : memref<1439424xf32, #tpu.memory_space<vmem_shared>> -> memref<6920xf32, #tpu.memory_space<vmem_shared>>
      tpu.enqueue_dma source(%arg9 : memref<6920xf32, #tpu.memory_space<vmem>>) target(%dma_start3A_944 : memref<6920xf32, #tpu.memory_space<vmem_shared>>) target_semaphore(%run_scoped3A : memref<!tpu.dma_semaphore, #tpu.memory_space<semaphore_mem>>)
      %dma_wait3A = tpu.memref_slice %arg6[%add3A_252] : memref<1439424xf32, #tpu.memory_space<vmem_shared>> -> memref<6920xf32, #tpu.memory_space<vmem_shared>>
      %dma_wait3A_945 = tpu.memref_slice %arg6[%add3A_252] : memref<1439424xf32, #tpu.memory_space<vmem_shared>> -> memref<6920xf32, #tpu.memory_space<vmem_shared>>
      tpu.wait_dma2 semaphore(%run_scoped3A : memref<!tpu.dma_semaphore, #tpu.memory_space<semaphore_mem>>) src(%arg9 : memref<6920xf32, #tpu.memory_space<vmem>>) dst(%dma_wait3A_945 : memref<6920xf32, #tpu.memory_space<vmem_shared>>)
      tpu.yield
    }) : () -> ()
    %mul3A_253 = arith.constant 89960 : i32
    %mul3A_254 = arith.muli %arg1, %mul3A_253 : i32
    %add3A_255 = arith.constant 27680 : i32
    %add3A_256 = arith.addi %mul3A_254, %add3A_255 : i32
    "tpu.region"() ({
      %run_scoped3A = tpu.sem_alloc : memref<!tpu.dma_semaphore, #tpu.memory_space<semaphore_mem>>
      %dma_start3A = tpu.memref_slice %arg6[%add3A_256] : memref<1439424xf32, #tpu.memory_space<vmem_shared>> -> memref<6920xf32, #tpu.memory_space<vmem_shared>>
      %dma_start3A_944 = tpu.memref_slice %arg6[%add3A_256] : memref<1439424xf32, #tpu.memory_space<vmem_shared>> -> memref<6920xf32, #tpu.memory_space<vmem_shared>>
      tpu.enqueue_dma source(%arg9 : memref<6920xf32, #tpu.memory_space<vmem>>) target(%dma_start3A_944 : memref<6920xf32, #tpu.memory_space<vmem_shared>>) target_semaphore(%run_scoped3A : memref<!tpu.dma_semaphore, #tpu.memory_space<semaphore_mem>>)
      %dma_wait3A = tpu.memref_slice %arg6[%add3A_256] : memref<1439424xf32, #tpu.memory_space<vmem_shared>> -> memref<6920xf32, #tpu.memory_space<vmem_shared>>
      %dma_wait3A_945 = tpu.memref_slice %arg6[%add3A_256] : memref<1439424xf32, #tpu.memory_space<vmem_shared>> -> memref<6920xf32, #tpu.memory_space<vmem_shared>>
      tpu.wait_dma2 semaphore(%run_scoped3A : memref<!tpu.dma_semaphore, #tpu.memory_space<semaphore_mem>>) src(%arg9 : memref<6920xf32, #tpu.memory_space<vmem>>) dst(%dma_wait3A_945 : memref<6920xf32, #tpu.memory_space<vmem_shared>>)
      tpu.yield
    }) : () -> ()
    %mul3A_257 = arith.constant 89960 : i32
    %mul3A_258 = arith.muli %arg1, %mul3A_257 : i32
    %add3A_259 = arith.constant 34600 : i32
    %add3A_260 = arith.addi %mul3A_258, %add3A_259 : i32
    "tpu.region"() ({
      %run_scoped3A = tpu.sem_alloc : memref<!tpu.dma_semaphore, #tpu.memory_space<semaphore_mem>>
      %dma_start3A = tpu.memref_slice %arg6[%add3A_260] : memref<1439424xf32, #tpu.memory_space<vmem_shared>> -> memref<6920xf32, #tpu.memory_space<vmem_shared>>
      %dma_start3A_944 = tpu.memref_slice %arg6[%add3A_260] : memref<1439424xf32, #tpu.memory_space<vmem_shared>> -> memref<6920xf32, #tpu.memory_space<vmem_shared>>
      tpu.enqueue_dma source(%arg9 : memref<6920xf32, #tpu.memory_space<vmem>>) target(%dma_start3A_944 : memref<6920xf32, #tpu.memory_space<vmem_shared>>) target_semaphore(%run_scoped3A : memref<!tpu.dma_semaphore, #tpu.memory_space<semaphore_mem>>)
      %dma_wait3A = tpu.memref_slice %arg6[%add3A_260] : memref<1439424xf32, #tpu.memory_space<vmem_shared>> -> memref<6920xf32, #tpu.memory_space<vmem_shared>>
      %dma_wait3A_945 = tpu.memref_slice %arg6[%add3A_260] : memref<1439424xf32, #tpu.memory_space<vmem_shared>> -> memref<6920xf32, #tpu.memory_space<vmem_shared>>
      tpu.wait_dma2 semaphore(%run_scoped3A : memref<!tpu.dma_semaphore, #tpu.memory_space<semaphore_mem>>) src(%arg9 : memref<6920xf32, #tpu.memory_space<vmem>>) dst(%dma_wait3A_945 : memref<6920xf32, #tpu.memory_space<vmem_shared>>)
      tpu.yield
    }) : () -> ()
    %mul3A_261 = arith.constant 89960 : i32
    %mul3A_262 = arith.muli %arg1, %mul3A_261 : i32
    %add3A_263 = arith.constant 41520 : i32
    %add3A_264 = arith.addi %mul3A_262, %add3A_263 : i32
    "tpu.region"() ({
      %run_scoped3A = tpu.sem_alloc : memref<!tpu.dma_semaphore, #tpu.memory_space<semaphore_mem>>
      %dma_start3A = tpu.memref_slice %arg6[%add3A_264] : memref<1439424xf32, #tpu.memory_space<vmem_shared>> -> memref<6920xf32, #tpu.memory_space<vmem_shared>>
      %dma_start3A_944 = tpu.memref_slice %arg6[%add3A_264] : memref<1439424xf32, #tpu.memory_space<vmem_shared>> -> memref<6920xf32, #tpu.memory_space<vmem_shared>>
      tpu.enqueue_dma source(%arg9 : memref<6920xf32, #tpu.memory_space<vmem>>) target(%dma_start3A_944 : memref<6920xf32, #tpu.memory_space<vmem_shared>>) target_semaphore(%run_scoped3A : memref<!tpu.dma_semaphore, #tpu.memory_space<semaphore_mem>>)
      %dma_wait3A = tpu.memref_slice %arg6[%add3A_264] : memref<1439424xf32, #tpu.memory_space<vmem_shared>> -> memref<6920xf32, #tpu.memory_space<vmem_shared>>
      %dma_wait3A_945 = tpu.memref_slice %arg6[%add3A_264] : memref<1439424xf32, #tpu.memory_space<vmem_shared>> -> memref<6920xf32, #tpu.memory_space<vmem_shared>>
      tpu.wait_dma2 semaphore(%run_scoped3A : memref<!tpu.dma_semaphore, #tpu.memory_space<semaphore_mem>>) src(%arg9 : memref<6920xf32, #tpu.memory_space<vmem>>) dst(%dma_wait3A_945 : memref<6920xf32, #tpu.memory_space<vmem_shared>>)
      tpu.yield
    }) : () -> ()
    %mul3A_265 = arith.constant 89960 : i32
    %mul3A_266 = arith.muli %arg1, %mul3A_265 : i32
    %add3A_267 = arith.constant 48440 : i32
    %add3A_268 = arith.addi %mul3A_266, %add3A_267 : i32
    "tpu.region"() ({
      %run_scoped3A = tpu.sem_alloc : memref<!tpu.dma_semaphore, #tpu.memory_space<semaphore_mem>>
      %dma_start3A = tpu.memref_slice %arg6[%add3A_268] : memref<1439424xf32, #tpu.memory_space<vmem_shared>> -> memref<6920xf32, #tpu.memory_space<vmem_shared>>
      %dma_start3A_944 = tpu.memref_slice %arg6[%add3A_268] : memref<1439424xf32, #tpu.memory_space<vmem_shared>> -> memref<6920xf32, #tpu.memory_space<vmem_shared>>
      tpu.enqueue_dma source(%arg9 : memref<6920xf32, #tpu.memory_space<vmem>>) target(%dma_start3A_944 : memref<6920xf32, #tpu.memory_space<vmem_shared>>) target_semaphore(%run_scoped3A : memref<!tpu.dma_semaphore, #tpu.memory_space<semaphore_mem>>)
      %dma_wait3A = tpu.memref_slice %arg6[%add3A_268] : memref<1439424xf32, #tpu.memory_space<vmem_shared>> -> memref<6920xf32, #tpu.memory_space<vmem_shared>>
      %dma_wait3A_945 = tpu.memref_slice %arg6[%add3A_268] : memref<1439424xf32, #tpu.memory_space<vmem_shared>> -> memref<6920xf32, #tpu.memory_space<vmem_shared>>
      tpu.wait_dma2 semaphore(%run_scoped3A : memref<!tpu.dma_semaphore, #tpu.memory_space<semaphore_mem>>) src(%arg9 : memref<6920xf32, #tpu.memory_space<vmem>>) dst(%dma_wait3A_945 : memref<6920xf32, #tpu.memory_space<vmem_shared>>)
      tpu.yield
    }) : () -> ()
    %mul3A_269 = arith.constant 89960 : i32
    %mul3A_270 = arith.muli %arg1, %mul3A_269 : i32
    %add3A_271 = arith.constant 55360 : i32
    %add3A_272 = arith.addi %mul3A_270, %add3A_271 : i32
    "tpu.region"() ({
      %run_scoped3A = tpu.sem_alloc : memref<!tpu.dma_semaphore, #tpu.memory_space<semaphore_mem>>
      %dma_start3A = tpu.memref_slice %arg6[%add3A_272] : memref<1439424xf32, #tpu.memory_space<vmem_shared>> -> memref<6920xf32, #tpu.memory_space<vmem_shared>>
      %dma_start3A_944 = tpu.memref_slice %arg6[%add3A_272] : memref<1439424xf32, #tpu.memory_space<vmem_shared>> -> memref<6920xf32, #tpu.memory_space<vmem_shared>>
      tpu.enqueue_dma source(%arg9 : memref<6920xf32, #tpu.memory_space<vmem>>) target(%dma_start3A_944 : memref<6920xf32, #tpu.memory_space<vmem_shared>>) target_semaphore(%run_scoped3A : memref<!tpu.dma_semaphore, #tpu.memory_space<semaphore_mem>>)
      %dma_wait3A = tpu.memref_slice %arg6[%add3A_272] : memref<1439424xf32, #tpu.memory_space<vmem_shared>> -> memref<6920xf32, #tpu.memory_space<vmem_shared>>
      %dma_wait3A_945 = tpu.memref_slice %arg6[%add3A_272] : memref<1439424xf32, #tpu.memory_space<vmem_shared>> -> memref<6920xf32, #tpu.memory_space<vmem_shared>>
      tpu.wait_dma2 semaphore(%run_scoped3A : memref<!tpu.dma_semaphore, #tpu.memory_space<semaphore_mem>>) src(%arg9 : memref<6920xf32, #tpu.memory_space<vmem>>) dst(%dma_wait3A_945 : memref<6920xf32, #tpu.memory_space<vmem_shared>>)
      tpu.yield
    }) : () -> ()
    %mul3A_273 = arith.constant 89960 : i32
    %mul3A_274 = arith.muli %arg1, %mul3A_273 : i32
    %add3A_275 = arith.constant 62280 : i32
    %add3A_276 = arith.addi %mul3A_274, %add3A_275 : i32
    "tpu.region"() ({
      %run_scoped3A = tpu.sem_alloc : memref<!tpu.dma_semaphore, #tpu.memory_space<semaphore_mem>>
      %dma_start3A = tpu.memref_slice %arg6[%add3A_276] : memref<1439424xf32, #tpu.memory_space<vmem_shared>> -> memref<6920xf32, #tpu.memory_space<vmem_shared>>
      %dma_start3A_944 = tpu.memref_slice %arg6[%add3A_276] : memref<1439424xf32, #tpu.memory_space<vmem_shared>> -> memref<6920xf32, #tpu.memory_space<vmem_shared>>
      tpu.enqueue_dma source(%arg9 : memref<6920xf32, #tpu.memory_space<vmem>>) target(%dma_start3A_944 : memref<6920xf32, #tpu.memory_space<vmem_shared>>) target_semaphore(%run_scoped3A : memref<!tpu.dma_semaphore, #tpu.memory_space<semaphore_mem>>)
      %dma_wait3A = tpu.memref_slice %arg6[%add3A_276] : memref<1439424xf32, #tpu.memory_space<vmem_shared>> -> memref<6920xf32, #tpu.memory_space<vmem_shared>>
      %dma_wait3A_945 = tpu.memref_slice %arg6[%add3A_276] : memref<1439424xf32, #tpu.memory_space<vmem_shared>> -> memref<6920xf32, #tpu.memory_space<vmem_shared>>
      tpu.wait_dma2 semaphore(%run_scoped3A : memref<!tpu.dma_semaphore, #tpu.memory_space<semaphore_mem>>) src(%arg9 : memref<6920xf32, #tpu.memory_space<vmem>>) dst(%dma_wait3A_945 : memref<6920xf32, #tpu.memory_space<vmem_shared>>)
      tpu.yield
    }) : () -> ()
    %mul3A_277 = arith.constant 89960 : i32
    %mul3A_278 = arith.muli %arg1, %mul3A_277 : i32
    %add3A_279 = arith.constant 69200 : i32
    %add3A_280 = arith.addi %mul3A_278, %add3A_279 : i32
    "tpu.region"() ({
      %run_scoped3A = tpu.sem_alloc : memref<!tpu.dma_semaphore, #tpu.memory_space<semaphore_mem>>
      %dma_start3A = tpu.memref_slice %arg6[%add3A_280] : memref<1439424xf32, #tpu.memory_space<vmem_shared>> -> memref<6920xf32, #tpu.memory_space<vmem_shared>>
      %dma_start3A_944 = tpu.memref_slice %arg6[%add3A_280] : memref<1439424xf32, #tpu.memory_space<vmem_shared>> -> memref<6920xf32, #tpu.memory_space<vmem_shared>>
      tpu.enqueue_dma source(%arg9 : memref<6920xf32, #tpu.memory_space<vmem>>) target(%dma_start3A_944 : memref<6920xf32, #tpu.memory_space<vmem_shared>>) target_semaphore(%run_scoped3A : memref<!tpu.dma_semaphore, #tpu.memory_space<semaphore_mem>>)
      %dma_wait3A = tpu.memref_slice %arg6[%add3A_280] : memref<1439424xf32, #tpu.memory_space<vmem_shared>> -> memref<6920xf32, #tpu.memory_space<vmem_shared>>
      %dma_wait3A_945 = tpu.memref_slice %arg6[%add3A_280] : memref<1439424xf32, #tpu.memory_space<vmem_shared>> -> memref<6920xf32, #tpu.memory_space<vmem_shared>>
      tpu.wait_dma2 semaphore(%run_scoped3A : memref<!tpu.dma_semaphore, #tpu.memory_space<semaphore_mem>>) src(%arg9 : memref<6920xf32, #tpu.memory_space<vmem>>) dst(%dma_wait3A_945 : memref<6920xf32, #tpu.memory_space<vmem_shared>>)
      tpu.yield
    }) : () -> ()
    %mul3A_281 = arith.constant 89960 : i32
    %mul3A_282 = arith.muli %arg1, %mul3A_281 : i32
    %add3A_283 = arith.constant 76120 : i32
    %add3A_284 = arith.addi %mul3A_282, %add3A_283 : i32
    "tpu.region"() ({
      %run_scoped3A = tpu.sem_alloc : memref<!tpu.dma_semaphore, #tpu.memory_space<semaphore_mem>>
      %dma_start3A = tpu.memref_slice %arg6[%add3A_284] : memref<1439424xf32, #tpu.memory_space<vmem_shared>> -> memref<6920xf32, #tpu.memory_space<vmem_shared>>
      %dma_start3A_944 = tpu.memref_slice %arg6[%add3A_284] : memref<1439424xf32, #tpu.memory_space<vmem_shared>> -> memref<6920xf32, #tpu.memory_space<vmem_shared>>
      tpu.enqueue_dma source(%arg9 : memref<6920xf32, #tpu.memory_space<vmem>>) target(%dma_start3A_944 : memref<6920xf32, #tpu.memory_space<vmem_shared>>) target_semaphore(%run_scoped3A : memref<!tpu.dma_semaphore, #tpu.memory_space<semaphore_mem>>)
      %dma_wait3A = tpu.memref_slice %arg6[%add3A_284] : memref<1439424xf32, #tpu.memory_space<vmem_shared>> -> memref<6920xf32, #tpu.memory_space<vmem_shared>>
      %dma_wait3A_945 = tpu.memref_slice %arg6[%add3A_284] : memref<1439424xf32, #tpu.memory_space<vmem_shared>> -> memref<6920xf32, #tpu.memory_space<vmem_shared>>
      tpu.wait_dma2 semaphore(%run_scoped3A : memref<!tpu.dma_semaphore, #tpu.memory_space<semaphore_mem>>) src(%arg9 : memref<6920xf32, #tpu.memory_space<vmem>>) dst(%dma_wait3A_945 : memref<6920xf32, #tpu.memory_space<vmem_shared>>)
      tpu.yield
    }) : () -> ()
    %mul3A_285 = arith.constant 89960 : i32
    %mul3A_286 = arith.muli %arg1, %mul3A_285 : i32
    %add3A_287 = arith.constant 83040 : i32
    %add3A_288 = arith.addi %mul3A_286, %add3A_287 : i32
    "tpu.region"() ({
      %run_scoped3A = tpu.sem_alloc : memref<!tpu.dma_semaphore, #tpu.memory_space<semaphore_mem>>
      %dma_start3A = tpu.memref_slice %arg6[%add3A_288] : memref<1439424xf32, #tpu.memory_space<vmem_shared>> -> memref<6920xf32, #tpu.memory_space<vmem_shared>>
      %dma_start3A_944 = tpu.memref_slice %arg6[%add3A_288] : memref<1439424xf32, #tpu.memory_space<vmem_shared>> -> memref<6920xf32, #tpu.memory_space<vmem_shared>>
      tpu.enqueue_dma source(%arg9 : memref<6920xf32, #tpu.memory_space<vmem>>) target(%dma_start3A_944 : memref<6920xf32, #tpu.memory_space<vmem_shared>>) target_semaphore(%run_scoped3A : memref<!tpu.dma_semaphore, #tpu.memory_space<semaphore_mem>>)
      %dma_wait3A = tpu.memref_slice %arg6[%add3A_288] : memref<1439424xf32, #tpu.memory_space<vmem_shared>> -> memref<6920xf32, #tpu.memory_space<vmem_shared>>
      %dma_wait3A_945 = tpu.memref_slice %arg6[%add3A_288] : memref<1439424xf32, #tpu.memory_space<vmem_shared>> -> memref<6920xf32, #tpu.memory_space<vmem_shared>>
      tpu.wait_dma2 semaphore(%run_scoped3A : memref<!tpu.dma_semaphore, #tpu.memory_space<semaphore_mem>>) src(%arg9 : memref<6920xf32, #tpu.memory_space<vmem>>) dst(%dma_wait3A_945 : memref<6920xf32, #tpu.memory_space<vmem_shared>>)
      tpu.yield
    }) : () -> ()
    %barrier3A_289 = arith.constant 0 : index
    tpu.barrier barrier_id(%barrier3A_289)
    %mul3A_290 = arith.constant 16 : i32
    %mul3A_291 = arith.muli %add3A_236, %mul3A_290 : i32
    %add3A_292 = arith.addi %mul3A_291, %arg1 : i32
    "tpu.region"() ({
      %run_scoped3A = tpu.sem_alloc : memref<!tpu.dma_semaphore, #tpu.memory_space<semaphore_mem>>
      %dma_start3A = arith.constant 0 : i32
      %dma_start3A_944 = arith.constant 0 : i32
      %dma_start3A_945 = tpu.memref_slice %arg2[%add3A_292, %dma_start3A, %dma_start3A_944] : memref<128x128x128xi32, #tpu.memory_space<hbm>> -> memref<1x32x128xi32, #tpu.memory_space<hbm>>
      %dma_start3A_946 = tpu.memref_squeeze %dma_start3A_945 : memref<1x32x128xi32, #tpu.memory_space<hbm>> -> memref<32x128xi32, #tpu.memory_space<hbm>>
      %dma_start3A_947 = arith.constant 0 : i32
      %dma_start3A_948 = arith.constant 0 : i32
      %dma_start3A_949 = tpu.memref_slice %arg2[%add3A_292, %dma_start3A_947, %dma_start3A_948] : memref<128x128x128xi32, #tpu.memory_space<hbm>> -> memref<1x32x128xi32, #tpu.memory_space<hbm>>
      %dma_start3A_950 = tpu.memref_squeeze %dma_start3A_949 : memref<1x32x128xi32, #tpu.memory_space<hbm>> -> memref<32x128xi32, #tpu.memory_space<hbm>>
      tpu.enqueue_dma source(%dma_start3A_950 : memref<32x128xi32, #tpu.memory_space<hbm>>) target(%arg7 : memref<32x128xi32, #tpu.memory_space<vmem>>) target_semaphore(%run_scoped3A : memref<!tpu.dma_semaphore, #tpu.memory_space<semaphore_mem>>)
      %dma_wait3A = arith.constant 0 : i32
      %dma_wait3A_951 = arith.constant 0 : i32
      %dma_wait3A_952 = tpu.memref_slice %arg2[%add3A_292, %dma_wait3A, %dma_wait3A_951] : memref<128x128x128xi32, #tpu.memory_space<hbm>> -> memref<1x32x128xi32, #tpu.memory_space<hbm>>
      %dma_wait3A_953 = tpu.memref_squeeze %dma_wait3A_952 : memref<1x32x128xi32, #tpu.memory_space<hbm>> -> memref<32x128xi32, #tpu.memory_space<hbm>>
      %dma_wait3A_954 = arith.constant 0 : i32
      %dma_wait3A_955 = arith.constant 0 : i32
      %dma_wait3A_956 = tpu.memref_slice %arg2[%add3A_292, %dma_wait3A_954, %dma_wait3A_955] : memref<128x128x128xi32, #tpu.memory_space<hbm>> -> memref<1x32x128xi32, #tpu.memory_space<hbm>>
      %dma_wait3A_957 = tpu.memref_squeeze %dma_wait3A_956 : memref<1x32x128xi32, #tpu.memory_space<hbm>> -> memref<32x128xi32, #tpu.memory_space<hbm>>
      tpu.wait_dma2 semaphore(%run_scoped3A : memref<!tpu.dma_semaphore, #tpu.memory_space<semaphore_mem>>) src(%dma_wait3A_957 : memref<32x128xi32, #tpu.memory_space<hbm>>) dst(%arg7 : memref<32x128xi32, #tpu.memory_space<vmem>>)
      tpu.yield
    }) : () -> ()
    %scan3A_293 = arith.constant 0 : i32
    %scan3A_294 = arith.constant 0 : i32
    %scan3A_295 = arith.constant 32 : i32
    %scan3A_296 = arith.addi %scan3A_294, %scan3A_295 : i32
    %scan3A_297 = arith.constant 1 : i32
    scf.for %scan3A_944 = %scan3A_294 to %scan3A_296 step %scan3A_297  : i32 {
      "tpu.region"() ({
        %run_scoped3A = tpu.sem_alloc : memref<!tpu.dma_semaphore, #tpu.memory_space<semaphore_mem>>
        %dma_start3A = arith.constant 0 : i32
        %dma_start3A_945 = tpu.memref_slice %arg7[%scan3A_944, %dma_start3A] : memref<32x128xi32, #tpu.memory_space<vmem>> -> memref<1x128xi32, #tpu.memory_space<vmem>>
        %dma_start3A_946 = tpu.memref_squeeze %dma_start3A_945 : memref<1x128xi32, #tpu.memory_space<vmem>> -> memref<128xi32, #tpu.memory_space<vmem>>
        %dma_start3A_947 = arith.constant 0 : i32
        %dma_start3A_948 = tpu.memref_slice %arg6[%dma_start3A_947] : memref<1439424xf32, #tpu.memory_space<vmem_shared>> -> memref<1439424xf32, #tpu.memory_space<vmem_shared>>
        tpu.enqueue_indirect_dma source(%arg8 : memref<128xf32, #tpu.memory_space<vmem>>) target(%dma_start3A_948 : memref<1439424xf32, #tpu.memory_space<vmem_shared>>) offsets(%dma_start3A_946 : memref<128xi32, #tpu.memory_space<vmem>>) semaphore(%run_scoped3A : memref<!tpu.dma_semaphore, #tpu.memory_space<semaphore_mem>>) {add = true}
        %dma_wait3A = arith.constant 0 : i32
        %dma_wait3A_949 = tpu.memref_slice %arg7[%scan3A_944, %dma_wait3A] : memref<32x128xi32, #tpu.memory_space<vmem>> -> memref<1x128xi32, #tpu.memory_space<vmem>>
        %dma_wait3A_950 = tpu.memref_squeeze %dma_wait3A_949 : memref<1x128xi32, #tpu.memory_space<vmem>> -> memref<128xi32, #tpu.memory_space<vmem>>
        %dma_wait3A_951 = arith.constant 0 : i32
        %dma_wait3A_952 = tpu.memref_slice %arg6[%dma_wait3A_951] : memref<1439424xf32, #tpu.memory_space<vmem_shared>> -> memref<1439424xf32, #tpu.memory_space<vmem_shared>>
        tpu.wait_indirect_dma semaphore(%run_scoped3A : memref<!tpu.dma_semaphore, #tpu.memory_space<semaphore_mem>>) src(%arg8 : memref<128xf32, #tpu.memory_space<vmem>>) dst(%dma_wait3A_952 : memref<1439424xf32, #tpu.memory_space<vmem_shared>>)
        tpu.yield
      }) : () -> ()
    }
    %scan3A_298 = arith.constant 32 : i32
    %mul3A_299 = arith.constant 16 : i32
    %mul3A_300 = arith.muli %add3A_236, %mul3A_299 : i32
    %add3A_301 = arith.addi %mul3A_300, %arg1 : i32
    "tpu.region"() ({
      %run_scoped3A = tpu.sem_alloc : memref<!tpu.dma_semaphore, #tpu.memory_space<semaphore_mem>>
      %dma_start3A = arith.constant 32 : i32
      %dma_start3A_944 = arith.constant 0 : i32
      %dma_start3A_945 = tpu.memref_slice %arg2[%add3A_301, %dma_start3A, %dma_start3A_944] : memref<128x128x128xi32, #tpu.memory_space<hbm>> -> memref<1x32x128xi32, #tpu.memory_space<hbm>>
      %dma_start3A_946 = tpu.memref_squeeze %dma_start3A_945 : memref<1x32x128xi32, #tpu.memory_space<hbm>> -> memref<32x128xi32, #tpu.memory_space<hbm>>
      %dma_start3A_947 = arith.constant 32 : i32
      %dma_start3A_948 = arith.constant 0 : i32
      %dma_start3A_949 = tpu.memref_slice %arg2[%add3A_301, %dma_start3A_947, %dma_start3A_948] : memref<128x128x128xi32, #tpu.memory_space<hbm>> -> memref<1x32x128xi32, #tpu.memory_space<hbm>>
      %dma_start3A_950 = tpu.memref_squeeze %dma_start3A_949 : memref<1x32x128xi32, #tpu.memory_space<hbm>> -> memref<32x128xi32, #tpu.memory_space<hbm>>
      tpu.enqueue_dma source(%dma_start3A_950 : memref<32x128xi32, #tpu.memory_space<hbm>>) target(%arg7 : memref<32x128xi32, #tpu.memory_space<vmem>>) target_semaphore(%run_scoped3A : memref<!tpu.dma_semaphore, #tpu.memory_space<semaphore_mem>>)
      %dma_wait3A = arith.constant 32 : i32
      %dma_wait3A_951 = arith.constant 0 : i32
      %dma_wait3A_952 = tpu.memref_slice %arg2[%add3A_301, %dma_wait3A, %dma_wait3A_951] : memref<128x128x128xi32, #tpu.memory_space<hbm>> -> memref<1x32x128xi32, #tpu.memory_space<hbm>>
      %dma_wait3A_953 = tpu.memref_squeeze %dma_wait3A_952 : memref<1x32x128xi32, #tpu.memory_space<hbm>> -> memref<32x128xi32, #tpu.memory_space<hbm>>
      %dma_wait3A_954 = arith.constant 32 : i32
      %dma_wait3A_955 = arith.constant 0 : i32
      %dma_wait3A_956 = tpu.memref_slice %arg2[%add3A_301, %dma_wait3A_954, %dma_wait3A_955] : memref<128x128x128xi32, #tpu.memory_space<hbm>> -> memref<1x32x128xi32, #tpu.memory_space<hbm>>
      %dma_wait3A_957 = tpu.memref_squeeze %dma_wait3A_956 : memref<1x32x128xi32, #tpu.memory_space<hbm>> -> memref<32x128xi32, #tpu.memory_space<hbm>>
      tpu.wait_dma2 semaphore(%run_scoped3A : memref<!tpu.dma_semaphore, #tpu.memory_space<semaphore_mem>>) src(%dma_wait3A_957 : memref<32x128xi32, #tpu.memory_space<hbm>>) dst(%arg7 : memref<32x128xi32, #tpu.memory_space<vmem>>)
      tpu.yield
    }) : () -> ()
    %scan3A_302 = arith.constant 0 : i32
    %scan3A_303 = arith.constant 0 : i32
    %scan3A_304 = arith.constant 32 : i32
    %scan3A_305 = arith.addi %scan3A_303, %scan3A_304 : i32
    %scan3A_306 = arith.constant 1 : i32
    scf.for %scan3A_944 = %scan3A_303 to %scan3A_305 step %scan3A_306  : i32 {
      "tpu.region"() ({
        %run_scoped3A = tpu.sem_alloc : memref<!tpu.dma_semaphore, #tpu.memory_space<semaphore_mem>>
        %dma_start3A = arith.constant 0 : i32
        %dma_start3A_945 = tpu.memref_slice %arg7[%scan3A_944, %dma_start3A] : memref<32x128xi32, #tpu.memory_space<vmem>> -> memref<1x128xi32, #tpu.memory_space<vmem>>
        %dma_start3A_946 = tpu.memref_squeeze %dma_start3A_945 : memref<1x128xi32, #tpu.memory_space<vmem>> -> memref<128xi32, #tpu.memory_space<vmem>>
        %dma_start3A_947 = arith.constant 0 : i32
        %dma_start3A_948 = tpu.memref_slice %arg6[%dma_start3A_947] : memref<1439424xf32, #tpu.memory_space<vmem_shared>> -> memref<1439424xf32, #tpu.memory_space<vmem_shared>>
        tpu.enqueue_indirect_dma source(%arg8 : memref<128xf32, #tpu.memory_space<vmem>>) target(%dma_start3A_948 : memref<1439424xf32, #tpu.memory_space<vmem_shared>>) offsets(%dma_start3A_946 : memref<128xi32, #tpu.memory_space<vmem>>) semaphore(%run_scoped3A : memref<!tpu.dma_semaphore, #tpu.memory_space<semaphore_mem>>) {add = true}
        %dma_wait3A = arith.constant 0 : i32
        %dma_wait3A_949 = tpu.memref_slice %arg7[%scan3A_944, %dma_wait3A] : memref<32x128xi32, #tpu.memory_space<vmem>> -> memref<1x128xi32, #tpu.memory_space<vmem>>
        %dma_wait3A_950 = tpu.memref_squeeze %dma_wait3A_949 : memref<1x128xi32, #tpu.memory_space<vmem>> -> memref<128xi32, #tpu.memory_space<vmem>>
        %dma_wait3A_951 = arith.constant 0 : i32
        %dma_wait3A_952 = tpu.memref_slice %arg6[%dma_wait3A_951] : memref<1439424xf32, #tpu.memory_space<vmem_shared>> -> memref<1439424xf32, #tpu.memory_space<vmem_shared>>
        tpu.wait_indirect_dma semaphore(%run_scoped3A : memref<!tpu.dma_semaphore, #tpu.memory_space<semaphore_mem>>) src(%arg8 : memref<128xf32, #tpu.memory_space<vmem>>) dst(%dma_wait3A_952 : memref<1439424xf32, #tpu.memory_space<vmem_shared>>)
        tpu.yield
      }) : () -> ()
    }
    %scan3A_307 = arith.constant 32 : i32
    %mul3A_308 = arith.constant 16 : i32
    %mul3A_309 = arith.muli %add3A_236, %mul3A_308 : i32
    %add3A_310 = arith.addi %mul3A_309, %arg1 : i32
    "tpu.region"() ({
      %run_scoped3A = tpu.sem_alloc : memref<!tpu.dma_semaphore, #tpu.memory_space<semaphore_mem>>
      %dma_start3A = arith.constant 64 : i32
      %dma_start3A_944 = arith.constant 0 : i32
      %dma_start3A_945 = tpu.memref_slice %arg2[%add3A_310, %dma_start3A, %dma_start3A_944] : memref<128x128x128xi32, #tpu.memory_space<hbm>> -> memref<1x32x128xi32, #tpu.memory_space<hbm>>
      %dma_start3A_946 = tpu.memref_squeeze %dma_start3A_945 : memref<1x32x128xi32, #tpu.memory_space<hbm>> -> memref<32x128xi32, #tpu.memory_space<hbm>>
      %dma_start3A_947 = arith.constant 64 : i32
      %dma_start3A_948 = arith.constant 0 : i32
      %dma_start3A_949 = tpu.memref_slice %arg2[%add3A_310, %dma_start3A_947, %dma_start3A_948] : memref<128x128x128xi32, #tpu.memory_space<hbm>> -> memref<1x32x128xi32, #tpu.memory_space<hbm>>
      %dma_start3A_950 = tpu.memref_squeeze %dma_start3A_949 : memref<1x32x128xi32, #tpu.memory_space<hbm>> -> memref<32x128xi32, #tpu.memory_space<hbm>>
      tpu.enqueue_dma source(%dma_start3A_950 : memref<32x128xi32, #tpu.memory_space<hbm>>) target(%arg7 : memref<32x128xi32, #tpu.memory_space<vmem>>) target_semaphore(%run_scoped3A : memref<!tpu.dma_semaphore, #tpu.memory_space<semaphore_mem>>)
      %dma_wait3A = arith.constant 64 : i32
      %dma_wait3A_951 = arith.constant 0 : i32
      %dma_wait3A_952 = tpu.memref_slice %arg2[%add3A_310, %dma_wait3A, %dma_wait3A_951] : memref<128x128x128xi32, #tpu.memory_space<hbm>> -> memref<1x32x128xi32, #tpu.memory_space<hbm>>
      %dma_wait3A_953 = tpu.memref_squeeze %dma_wait3A_952 : memref<1x32x128xi32, #tpu.memory_space<hbm>> -> memref<32x128xi32, #tpu.memory_space<hbm>>
      %dma_wait3A_954 = arith.constant 64 : i32
      %dma_wait3A_955 = arith.constant 0 : i32
      %dma_wait3A_956 = tpu.memref_slice %arg2[%add3A_310, %dma_wait3A_954, %dma_wait3A_955] : memref<128x128x128xi32, #tpu.memory_space<hbm>> -> memref<1x32x128xi32, #tpu.memory_space<hbm>>
      %dma_wait3A_957 = tpu.memref_squeeze %dma_wait3A_956 : memref<1x32x128xi32, #tpu.memory_space<hbm>> -> memref<32x128xi32, #tpu.memory_space<hbm>>
      tpu.wait_dma2 semaphore(%run_scoped3A : memref<!tpu.dma_semaphore, #tpu.memory_space<semaphore_mem>>) src(%dma_wait3A_957 : memref<32x128xi32, #tpu.memory_space<hbm>>) dst(%arg7 : memref<32x128xi32, #tpu.memory_space<vmem>>)
      tpu.yield
    }) : () -> ()
    %scan3A_311 = arith.constant 0 : i32
    %scan3A_312 = arith.constant 0 : i32
    %scan3A_313 = arith.constant 32 : i32
    %scan3A_314 = arith.addi %scan3A_312, %scan3A_313 : i32
    %scan3A_315 = arith.constant 1 : i32
    scf.for %scan3A_944 = %scan3A_312 to %scan3A_314 step %scan3A_315  : i32 {
      "tpu.region"() ({
        %run_scoped3A = tpu.sem_alloc : memref<!tpu.dma_semaphore, #tpu.memory_space<semaphore_mem>>
        %dma_start3A = arith.constant 0 : i32
        %dma_start3A_945 = tpu.memref_slice %arg7[%scan3A_944, %dma_start3A] : memref<32x128xi32, #tpu.memory_space<vmem>> -> memref<1x128xi32, #tpu.memory_space<vmem>>
        %dma_start3A_946 = tpu.memref_squeeze %dma_start3A_945 : memref<1x128xi32, #tpu.memory_space<vmem>> -> memref<128xi32, #tpu.memory_space<vmem>>
        %dma_start3A_947 = arith.constant 0 : i32
        %dma_start3A_948 = tpu.memref_slice %arg6[%dma_start3A_947] : memref<1439424xf32, #tpu.memory_space<vmem_shared>> -> memref<1439424xf32, #tpu.memory_space<vmem_shared>>
        tpu.enqueue_indirect_dma source(%arg8 : memref<128xf32, #tpu.memory_space<vmem>>) target(%dma_start3A_948 : memref<1439424xf32, #tpu.memory_space<vmem_shared>>) offsets(%dma_start3A_946 : memref<128xi32, #tpu.memory_space<vmem>>) semaphore(%run_scoped3A : memref<!tpu.dma_semaphore, #tpu.memory_space<semaphore_mem>>) {add = true}
        %dma_wait3A = arith.constant 0 : i32
        %dma_wait3A_949 = tpu.memref_slice %arg7[%scan3A_944, %dma_wait3A] : memref<32x128xi32, #tpu.memory_space<vmem>> -> memref<1x128xi32, #tpu.memory_space<vmem>>
        %dma_wait3A_950 = tpu.memref_squeeze %dma_wait3A_949 : memref<1x128xi32, #tpu.memory_space<vmem>> -> memref<128xi32, #tpu.memory_space<vmem>>
        %dma_wait3A_951 = arith.constant 0 : i32
        %dma_wait3A_952 = tpu.memref_slice %arg6[%dma_wait3A_951] : memref<1439424xf32, #tpu.memory_space<vmem_shared>> -> memref<1439424xf32, #tpu.memory_space<vmem_shared>>
        tpu.wait_indirect_dma semaphore(%run_scoped3A : memref<!tpu.dma_semaphore, #tpu.memory_space<semaphore_mem>>) src(%arg8 : memref<128xf32, #tpu.memory_space<vmem>>) dst(%dma_wait3A_952 : memref<1439424xf32, #tpu.memory_space<vmem_shared>>)
        tpu.yield
      }) : () -> ()
    }
    %scan3A_316 = arith.constant 32 : i32
    %mul3A_317 = arith.constant 16 : i32
    %mul3A_318 = arith.muli %add3A_236, %mul3A_317 : i32
    %add3A_319 = arith.addi %mul3A_318, %arg1 : i32
    "tpu.region"() ({
      %run_scoped3A = tpu.sem_alloc : memref<!tpu.dma_semaphore, #tpu.memory_space<semaphore_mem>>
      %dma_start3A = arith.constant 96 : i32
      %dma_start3A_944 = arith.constant 0 : i32
      %dma_start3A_945 = tpu.memref_slice %arg2[%add3A_319, %dma_start3A, %dma_start3A_944] : memref<128x128x128xi32, #tpu.memory_space<hbm>> -> memref<1x32x128xi32, #tpu.memory_space<hbm>>
      %dma_start3A_946 = tpu.memref_squeeze %dma_start3A_945 : memref<1x32x128xi32, #tpu.memory_space<hbm>> -> memref<32x128xi32, #tpu.memory_space<hbm>>
      %dma_start3A_947 = arith.constant 96 : i32
      %dma_start3A_948 = arith.constant 0 : i32
      %dma_start3A_949 = tpu.memref_slice %arg2[%add3A_319, %dma_start3A_947, %dma_start3A_948] : memref<128x128x128xi32, #tpu.memory_space<hbm>> -> memref<1x32x128xi32, #tpu.memory_space<hbm>>
      %dma_start3A_950 = tpu.memref_squeeze %dma_start3A_949 : memref<1x32x128xi32, #tpu.memory_space<hbm>> -> memref<32x128xi32, #tpu.memory_space<hbm>>
      tpu.enqueue_dma source(%dma_start3A_950 : memref<32x128xi32, #tpu.memory_space<hbm>>) target(%arg7 : memref<32x128xi32, #tpu.memory_space<vmem>>) target_semaphore(%run_scoped3A : memref<!tpu.dma_semaphore, #tpu.memory_space<semaphore_mem>>)
      %dma_wait3A = arith.constant 96 : i32
      %dma_wait3A_951 = arith.constant 0 : i32
      %dma_wait3A_952 = tpu.memref_slice %arg2[%add3A_319, %dma_wait3A, %dma_wait3A_951] : memref<128x128x128xi32, #tpu.memory_space<hbm>> -> memref<1x32x128xi32, #tpu.memory_space<hbm>>
      %dma_wait3A_953 = tpu.memref_squeeze %dma_wait3A_952 : memref<1x32x128xi32, #tpu.memory_space<hbm>> -> memref<32x128xi32, #tpu.memory_space<hbm>>
      %dma_wait3A_954 = arith.constant 96 : i32
      %dma_wait3A_955 = arith.constant 0 : i32
      %dma_wait3A_956 = tpu.memref_slice %arg2[%add3A_319, %dma_wait3A_954, %dma_wait3A_955] : memref<128x128x128xi32, #tpu.memory_space<hbm>> -> memref<1x32x128xi32, #tpu.memory_space<hbm>>
      %dma_wait3A_957 = tpu.memref_squeeze %dma_wait3A_956 : memref<1x32x128xi32, #tpu.memory_space<hbm>> -> memref<32x128xi32, #tpu.memory_space<hbm>>
      tpu.wait_dma2 semaphore(%run_scoped3A : memref<!tpu.dma_semaphore, #tpu.memory_space<semaphore_mem>>) src(%dma_wait3A_957 : memref<32x128xi32, #tpu.memory_space<hbm>>) dst(%arg7 : memref<32x128xi32, #tpu.memory_space<vmem>>)
      tpu.yield
    }) : () -> ()
    %scan3A_320 = arith.constant 0 : i32
    %scan3A_321 = arith.constant 0 : i32
    %scan3A_322 = arith.constant 32 : i32
    %scan3A_323 = arith.addi %scan3A_321, %scan3A_322 : i32
    %scan3A_324 = arith.constant 1 : i32
    scf.for %scan3A_944 = %scan3A_321 to %scan3A_323 step %scan3A_324  : i32 {
      "tpu.region"() ({
        %run_scoped3A = tpu.sem_alloc : memref<!tpu.dma_semaphore, #tpu.memory_space<semaphore_mem>>
        %dma_start3A = arith.constant 0 : i32
        %dma_start3A_945 = tpu.memref_slice %arg7[%scan3A_944, %dma_start3A] : memref<32x128xi32, #tpu.memory_space<vmem>> -> memref<1x128xi32, #tpu.memory_space<vmem>>
        %dma_start3A_946 = tpu.memref_squeeze %dma_start3A_945 : memref<1x128xi32, #tpu.memory_space<vmem>> -> memref<128xi32, #tpu.memory_space<vmem>>
        %dma_start3A_947 = arith.constant 0 : i32
        %dma_start3A_948 = tpu.memref_slice %arg6[%dma_start3A_947] : memref<1439424xf32, #tpu.memory_space<vmem_shared>> -> memref<1439424xf32, #tpu.memory_space<vmem_shared>>
        tpu.enqueue_indirect_dma source(%arg8 : memref<128xf32, #tpu.memory_space<vmem>>) target(%dma_start3A_948 : memref<1439424xf32, #tpu.memory_space<vmem_shared>>) offsets(%dma_start3A_946 : memref<128xi32, #tpu.memory_space<vmem>>) semaphore(%run_scoped3A : memref<!tpu.dma_semaphore, #tpu.memory_space<semaphore_mem>>) {add = true}
        %dma_wait3A = arith.constant 0 : i32
        %dma_wait3A_949 = tpu.memref_slice %arg7[%scan3A_944, %dma_wait3A] : memref<32x128xi32, #tpu.memory_space<vmem>> -> memref<1x128xi32, #tpu.memory_space<vmem>>
        %dma_wait3A_950 = tpu.memref_squeeze %dma_wait3A_949 : memref<1x128xi32, #tpu.memory_space<vmem>> -> memref<128xi32, #tpu.memory_space<vmem>>
        %dma_wait3A_951 = arith.constant 0 : i32
        %dma_wait3A_952 = tpu.memref_slice %arg6[%dma_wait3A_951] : memref<1439424xf32, #tpu.memory_space<vmem_shared>> -> memref<1439424xf32, #tpu.memory_space<vmem_shared>>
        tpu.wait_indirect_dma semaphore(%run_scoped3A : memref<!tpu.dma_semaphore, #tpu.memory_space<semaphore_mem>>) src(%arg8 : memref<128xf32, #tpu.memory_space<vmem>>) dst(%dma_wait3A_952 : memref<1439424xf32, #tpu.memory_space<vmem_shared>>)
        tpu.yield
      }) : () -> ()
    }
    %scan3A_325 = arith.constant 32 : i32
    %barrier3A_326 = arith.constant 0 : index
    tpu.barrier barrier_id(%barrier3A_326)
    %mul3A_327 = arith.constant 89960 : i32
    %mul3A_328 = arith.muli %arg1, %mul3A_327 : i32
    %add3A_329 = arith.constant 0 : i32
    %add3A_330 = arith.addi %mul3A_328, %add3A_329 : i32
    "tpu.region"() ({
      %run_scoped3A = tpu.sem_alloc : memref<!tpu.dma_semaphore, #tpu.memory_space<semaphore_mem>>
      %dma_start3A = tpu.memref_slice %arg6[%add3A_330] : memref<1439424xf32, #tpu.memory_space<vmem_shared>> -> memref<6920xf32, #tpu.memory_space<vmem_shared>>
      %dma_start3A_944 = tpu.memref_slice %arg6[%add3A_330] : memref<1439424xf32, #tpu.memory_space<vmem_shared>> -> memref<6920xf32, #tpu.memory_space<vmem_shared>>
      tpu.enqueue_dma source(%dma_start3A_944 : memref<6920xf32, #tpu.memory_space<vmem_shared>>) target(%arg10 : memref<6920xf32, #tpu.memory_space<vmem>>) target_semaphore(%run_scoped3A : memref<!tpu.dma_semaphore, #tpu.memory_space<semaphore_mem>>)
      %dma_wait3A = tpu.memref_slice %arg6[%add3A_330] : memref<1439424xf32, #tpu.memory_space<vmem_shared>> -> memref<6920xf32, #tpu.memory_space<vmem_shared>>
      %dma_wait3A_945 = tpu.memref_slice %arg6[%add3A_330] : memref<1439424xf32, #tpu.memory_space<vmem_shared>> -> memref<6920xf32, #tpu.memory_space<vmem_shared>>
      tpu.wait_dma2 semaphore(%run_scoped3A : memref<!tpu.dma_semaphore, #tpu.memory_space<semaphore_mem>>) src(%dma_wait3A_945 : memref<6920xf32, #tpu.memory_space<vmem_shared>>) dst(%arg10 : memref<6920xf32, #tpu.memory_space<vmem>>)
      tpu.yield
    }) : () -> ()
    %mul3A_331 = arith.constant 16 : i32
    %mul3A_332 = arith.muli %add3A_236, %mul3A_331 : i32
    %add3A_333 = arith.addi %mul3A_332, %arg1 : i32
    %mul3A_334 = arith.constant 89960 : i32
    %mul3A_335 = arith.muli %add3A_333, %mul3A_334 : i32
    %add3A_336 = arith.constant 0 : i32
    %add3A_337 = arith.addi %mul3A_335, %add3A_336 : i32
    "tpu.region"() ({
      %run_scoped3A = tpu.sem_alloc : memref<!tpu.dma_semaphore, #tpu.memory_space<semaphore_mem>>
      %dma_start3A = tpu.memref_slice %arg5[%add3A_337] : memref<11514880xf32, #tpu.memory_space<hbm>> -> memref<6920xf32, #tpu.memory_space<hbm>>
      %dma_start3A_944 = tpu.memref_slice %arg5[%add3A_337] : memref<11514880xf32, #tpu.memory_space<hbm>> -> memref<6920xf32, #tpu.memory_space<hbm>>
      tpu.enqueue_dma source(%arg10 : memref<6920xf32, #tpu.memory_space<vmem>>) target(%dma_start3A_944 : memref<6920xf32, #tpu.memory_space<hbm>>) target_semaphore(%run_scoped3A : memref<!tpu.dma_semaphore, #tpu.memory_space<semaphore_mem>>)
      %dma_wait3A = tpu.memref_slice %arg5[%add3A_337] : memref<11514880xf32, #tpu.memory_space<hbm>> -> memref<6920xf32, #tpu.memory_space<hbm>>
      %dma_wait3A_945 = tpu.memref_slice %arg5[%add3A_337] : memref<11514880xf32, #tpu.memory_space<hbm>> -> memref<6920xf32, #tpu.memory_space<hbm>>
      tpu.wait_dma2 semaphore(%run_scoped3A : memref<!tpu.dma_semaphore, #tpu.memory_space<semaphore_mem>>) src(%arg10 : memref<6920xf32, #tpu.memory_space<vmem>>) dst(%dma_wait3A_945 : memref<6920xf32, #tpu.memory_space<hbm>>)
      tpu.yield
    }) : () -> ()
    %mul3A_338 = arith.constant 89960 : i32
    %mul3A_339 = arith.muli %arg1, %mul3A_338 : i32
    %add3A_340 = arith.constant 6920 : i32
    %add3A_341 = arith.addi %mul3A_339, %add3A_340 : i32
    "tpu.region"() ({
      %run_scoped3A = tpu.sem_alloc : memref<!tpu.dma_semaphore, #tpu.memory_space<semaphore_mem>>
      %dma_start3A = tpu.memref_slice %arg6[%add3A_341] : memref<1439424xf32, #tpu.memory_space<vmem_shared>> -> memref<6920xf32, #tpu.memory_space<vmem_shared>>
      %dma_start3A_944 = tpu.memref_slice %arg6[%add3A_341] : memref<1439424xf32, #tpu.memory_space<vmem_shared>> -> memref<6920xf32, #tpu.memory_space<vmem_shared>>
      tpu.enqueue_dma source(%dma_start3A_944 : memref<6920xf32, #tpu.memory_space<vmem_shared>>) target(%arg10 : memref<6920xf32, #tpu.memory_space<vmem>>) target_semaphore(%run_scoped3A : memref<!tpu.dma_semaphore, #tpu.memory_space<semaphore_mem>>)
      %dma_wait3A = tpu.memref_slice %arg6[%add3A_341] : memref<1439424xf32, #tpu.memory_space<vmem_shared>> -> memref<6920xf32, #tpu.memory_space<vmem_shared>>
      %dma_wait3A_945 = tpu.memref_slice %arg6[%add3A_341] : memref<1439424xf32, #tpu.memory_space<vmem_shared>> -> memref<6920xf32, #tpu.memory_space<vmem_shared>>
      tpu.wait_dma2 semaphore(%run_scoped3A : memref<!tpu.dma_semaphore, #tpu.memory_space<semaphore_mem>>) src(%dma_wait3A_945 : memref<6920xf32, #tpu.memory_space<vmem_shared>>) dst(%arg10 : memref<6920xf32, #tpu.memory_space<vmem>>)
      tpu.yield
    }) : () -> ()
    %mul3A_342 = arith.constant 16 : i32
    %mul3A_343 = arith.muli %add3A_236, %mul3A_342 : i32
    %add3A_344 = arith.addi %mul3A_343, %arg1 : i32
    %mul3A_345 = arith.constant 89960 : i32
    %mul3A_346 = arith.muli %add3A_344, %mul3A_345 : i32
    %add3A_347 = arith.constant 6920 : i32
    %add3A_348 = arith.addi %mul3A_346, %add3A_347 : i32
    "tpu.region"() ({
      %run_scoped3A = tpu.sem_alloc : memref<!tpu.dma_semaphore, #tpu.memory_space<semaphore_mem>>
      %dma_start3A = tpu.memref_slice %arg5[%add3A_348] : memref<11514880xf32, #tpu.memory_space<hbm>> -> memref<6920xf32, #tpu.memory_space<hbm>>
      %dma_start3A_944 = tpu.memref_slice %arg5[%add3A_348] : memref<11514880xf32, #tpu.memory_space<hbm>> -> memref<6920xf32, #tpu.memory_space<hbm>>
      tpu.enqueue_dma source(%arg10 : memref<6920xf32, #tpu.memory_space<vmem>>) target(%dma_start3A_944 : memref<6920xf32, #tpu.memory_space<hbm>>) target_semaphore(%run_scoped3A : memref<!tpu.dma_semaphore, #tpu.memory_space<semaphore_mem>>)
      %dma_wait3A = tpu.memref_slice %arg5[%add3A_348] : memref<11514880xf32, #tpu.memory_space<hbm>> -> memref<6920xf32, #tpu.memory_space<hbm>>
      %dma_wait3A_945 = tpu.memref_slice %arg5[%add3A_348] : memref<11514880xf32, #tpu.memory_space<hbm>> -> memref<6920xf32, #tpu.memory_space<hbm>>
      tpu.wait_dma2 semaphore(%run_scoped3A : memref<!tpu.dma_semaphore, #tpu.memory_space<semaphore_mem>>) src(%arg10 : memref<6920xf32, #tpu.memory_space<vmem>>) dst(%dma_wait3A_945 : memref<6920xf32, #tpu.memory_space<hbm>>)
      tpu.yield
    }) : () -> ()
    %mul3A_349 = arith.constant 89960 : i32
    %mul3A_350 = arith.muli %arg1, %mul3A_349 : i32
    %add3A_351 = arith.constant 13840 : i32
    %add3A_352 = arith.addi %mul3A_350, %add3A_351 : i32
    "tpu.region"() ({
      %run_scoped3A = tpu.sem_alloc : memref<!tpu.dma_semaphore, #tpu.memory_space<semaphore_mem>>
      %dma_start3A = tpu.memref_slice %arg6[%add3A_352] : memref<1439424xf32, #tpu.memory_space<vmem_shared>> -> memref<6920xf32, #tpu.memory_space<vmem_shared>>
      %dma_start3A_944 = tpu.memref_slice %arg6[%add3A_352] : memref<1439424xf32, #tpu.memory_space<vmem_shared>> -> memref<6920xf32, #tpu.memory_space<vmem_shared>>
      tpu.enqueue_dma source(%dma_start3A_944 : memref<6920xf32, #tpu.memory_space<vmem_shared>>) target(%arg10 : memref<6920xf32, #tpu.memory_space<vmem>>) target_semaphore(%run_scoped3A : memref<!tpu.dma_semaphore, #tpu.memory_space<semaphore_mem>>)
      %dma_wait3A = tpu.memref_slice %arg6[%add3A_352] : memref<1439424xf32, #tpu.memory_space<vmem_shared>> -> memref<6920xf32, #tpu.memory_space<vmem_shared>>
      %dma_wait3A_945 = tpu.memref_slice %arg6[%add3A_352] : memref<1439424xf32, #tpu.memory_space<vmem_shared>> -> memref<6920xf32, #tpu.memory_space<vmem_shared>>
      tpu.wait_dma2 semaphore(%run_scoped3A : memref<!tpu.dma_semaphore, #tpu.memory_space<semaphore_mem>>) src(%dma_wait3A_945 : memref<6920xf32, #tpu.memory_space<vmem_shared>>) dst(%arg10 : memref<6920xf32, #tpu.memory_space<vmem>>)
      tpu.yield
    }) : () -> ()
    %mul3A_353 = arith.constant 16 : i32
    %mul3A_354 = arith.muli %add3A_236, %mul3A_353 : i32
    %add3A_355 = arith.addi %mul3A_354, %arg1 : i32
    %mul3A_356 = arith.constant 89960 : i32
    %mul3A_357 = arith.muli %add3A_355, %mul3A_356 : i32
    %add3A_358 = arith.constant 13840 : i32
    %add3A_359 = arith.addi %mul3A_357, %add3A_358 : i32
    "tpu.region"() ({
      %run_scoped3A = tpu.sem_alloc : memref<!tpu.dma_semaphore, #tpu.memory_space<semaphore_mem>>
      %dma_start3A = tpu.memref_slice %arg5[%add3A_359] : memref<11514880xf32, #tpu.memory_space<hbm>> -> memref<6920xf32, #tpu.memory_space<hbm>>
      %dma_start3A_944 = tpu.memref_slice %arg5[%add3A_359] : memref<11514880xf32, #tpu.memory_space<hbm>> -> memref<6920xf32, #tpu.memory_space<hbm>>
      tpu.enqueue_dma source(%arg10 : memref<6920xf32, #tpu.memory_space<vmem>>) target(%dma_start3A_944 : memref<6920xf32, #tpu.memory_space<hbm>>) target_semaphore(%run_scoped3A : memref<!tpu.dma_semaphore, #tpu.memory_space<semaphore_mem>>)
      %dma_wait3A = tpu.memref_slice %arg5[%add3A_359] : memref<11514880xf32, #tpu.memory_space<hbm>> -> memref<6920xf32, #tpu.memory_space<hbm>>
      %dma_wait3A_945 = tpu.memref_slice %arg5[%add3A_359] : memref<11514880xf32, #tpu.memory_space<hbm>> -> memref<6920xf32, #tpu.memory_space<hbm>>
      tpu.wait_dma2 semaphore(%run_scoped3A : memref<!tpu.dma_semaphore, #tpu.memory_space<semaphore_mem>>) src(%arg10 : memref<6920xf32, #tpu.memory_space<vmem>>) dst(%dma_wait3A_945 : memref<6920xf32, #tpu.memory_space<hbm>>)
      tpu.yield
    }) : () -> ()
    %mul3A_360 = arith.constant 89960 : i32
    %mul3A_361 = arith.muli %arg1, %mul3A_360 : i32
    %add3A_362 = arith.constant 20760 : i32
    %add3A_363 = arith.addi %mul3A_361, %add3A_362 : i32
    "tpu.region"() ({
      %run_scoped3A = tpu.sem_alloc : memref<!tpu.dma_semaphore, #tpu.memory_space<semaphore_mem>>
      %dma_start3A = tpu.memref_slice %arg6[%add3A_363] : memref<1439424xf32, #tpu.memory_space<vmem_shared>> -> memref<6920xf32, #tpu.memory_space<vmem_shared>>
      %dma_start3A_944 = tpu.memref_slice %arg6[%add3A_363] : memref<1439424xf32, #tpu.memory_space<vmem_shared>> -> memref<6920xf32, #tpu.memory_space<vmem_shared>>
      tpu.enqueue_dma source(%dma_start3A_944 : memref<6920xf32, #tpu.memory_space<vmem_shared>>) target(%arg10 : memref<6920xf32, #tpu.memory_space<vmem>>) target_semaphore(%run_scoped3A : memref<!tpu.dma_semaphore, #tpu.memory_space<semaphore_mem>>)
      %dma_wait3A = tpu.memref_slice %arg6[%add3A_363] : memref<1439424xf32, #tpu.memory_space<vmem_shared>> -> memref<6920xf32, #tpu.memory_space<vmem_shared>>
      %dma_wait3A_945 = tpu.memref_slice %arg6[%add3A_363] : memref<1439424xf32, #tpu.memory_space<vmem_shared>> -> memref<6920xf32, #tpu.memory_space<vmem_shared>>
      tpu.wait_dma2 semaphore(%run_scoped3A : memref<!tpu.dma_semaphore, #tpu.memory_space<semaphore_mem>>) src(%dma_wait3A_945 : memref<6920xf32, #tpu.memory_space<vmem_shared>>) dst(%arg10 : memref<6920xf32, #tpu.memory_space<vmem>>)
      tpu.yield
    }) : () -> ()
    %mul3A_364 = arith.constant 16 : i32
    %mul3A_365 = arith.muli %add3A_236, %mul3A_364 : i32
    %add3A_366 = arith.addi %mul3A_365, %arg1 : i32
    %mul3A_367 = arith.constant 89960 : i32
    %mul3A_368 = arith.muli %add3A_366, %mul3A_367 : i32
    %add3A_369 = arith.constant 20760 : i32
    %add3A_370 = arith.addi %mul3A_368, %add3A_369 : i32
    "tpu.region"() ({
      %run_scoped3A = tpu.sem_alloc : memref<!tpu.dma_semaphore, #tpu.memory_space<semaphore_mem>>
      %dma_start3A = tpu.memref_slice %arg5[%add3A_370] : memref<11514880xf32, #tpu.memory_space<hbm>> -> memref<6920xf32, #tpu.memory_space<hbm>>
      %dma_start3A_944 = tpu.memref_slice %arg5[%add3A_370] : memref<11514880xf32, #tpu.memory_space<hbm>> -> memref<6920xf32, #tpu.memory_space<hbm>>
      tpu.enqueue_dma source(%arg10 : memref<6920xf32, #tpu.memory_space<vmem>>) target(%dma_start3A_944 : memref<6920xf32, #tpu.memory_space<hbm>>) target_semaphore(%run_scoped3A : memref<!tpu.dma_semaphore, #tpu.memory_space<semaphore_mem>>)
      %dma_wait3A = tpu.memref_slice %arg5[%add3A_370] : memref<11514880xf32, #tpu.memory_space<hbm>> -> memref<6920xf32, #tpu.memory_space<hbm>>
      %dma_wait3A_945 = tpu.memref_slice %arg5[%add3A_370] : memref<11514880xf32, #tpu.memory_space<hbm>> -> memref<6920xf32, #tpu.memory_space<hbm>>
      tpu.wait_dma2 semaphore(%run_scoped3A : memref<!tpu.dma_semaphore, #tpu.memory_space<semaphore_mem>>) src(%arg10 : memref<6920xf32, #tpu.memory_space<vmem>>) dst(%dma_wait3A_945 : memref<6920xf32, #tpu.memory_space<hbm>>)
      tpu.yield
    }) : () -> ()
    %mul3A_371 = arith.constant 89960 : i32
    %mul3A_372 = arith.muli %arg1, %mul3A_371 : i32
    %add3A_373 = arith.constant 27680 : i32
    %add3A_374 = arith.addi %mul3A_372, %add3A_373 : i32
    "tpu.region"() ({
      %run_scoped3A = tpu.sem_alloc : memref<!tpu.dma_semaphore, #tpu.memory_space<semaphore_mem>>
      %dma_start3A = tpu.memref_slice %arg6[%add3A_374] : memref<1439424xf32, #tpu.memory_space<vmem_shared>> -> memref<6920xf32, #tpu.memory_space<vmem_shared>>
      %dma_start3A_944 = tpu.memref_slice %arg6[%add3A_374] : memref<1439424xf32, #tpu.memory_space<vmem_shared>> -> memref<6920xf32, #tpu.memory_space<vmem_shared>>
      tpu.enqueue_dma source(%dma_start3A_944 : memref<6920xf32, #tpu.memory_space<vmem_shared>>) target(%arg10 : memref<6920xf32, #tpu.memory_space<vmem>>) target_semaphore(%run_scoped3A : memref<!tpu.dma_semaphore, #tpu.memory_space<semaphore_mem>>)
      %dma_wait3A = tpu.memref_slice %arg6[%add3A_374] : memref<1439424xf32, #tpu.memory_space<vmem_shared>> -> memref<6920xf32, #tpu.memory_space<vmem_shared>>
      %dma_wait3A_945 = tpu.memref_slice %arg6[%add3A_374] : memref<1439424xf32, #tpu.memory_space<vmem_shared>> -> memref<6920xf32, #tpu.memory_space<vmem_shared>>
      tpu.wait_dma2 semaphore(%run_scoped3A : memref<!tpu.dma_semaphore, #tpu.memory_space<semaphore_mem>>) src(%dma_wait3A_945 : memref<6920xf32, #tpu.memory_space<vmem_shared>>) dst(%arg10 : memref<6920xf32, #tpu.memory_space<vmem>>)
      tpu.yield
    }) : () -> ()
    %mul3A_375 = arith.constant 16 : i32
    %mul3A_376 = arith.muli %add3A_236, %mul3A_375 : i32
    %add3A_377 = arith.addi %mul3A_376, %arg1 : i32
    %mul3A_378 = arith.constant 89960 : i32
    %mul3A_379 = arith.muli %add3A_377, %mul3A_378 : i32
    %add3A_380 = arith.constant 27680 : i32
    %add3A_381 = arith.addi %mul3A_379, %add3A_380 : i32
    "tpu.region"() ({
      %run_scoped3A = tpu.sem_alloc : memref<!tpu.dma_semaphore, #tpu.memory_space<semaphore_mem>>
      %dma_start3A = tpu.memref_slice %arg5[%add3A_381] : memref<11514880xf32, #tpu.memory_space<hbm>> -> memref<6920xf32, #tpu.memory_space<hbm>>
      %dma_start3A_944 = tpu.memref_slice %arg5[%add3A_381] : memref<11514880xf32, #tpu.memory_space<hbm>> -> memref<6920xf32, #tpu.memory_space<hbm>>
      tpu.enqueue_dma source(%arg10 : memref<6920xf32, #tpu.memory_space<vmem>>) target(%dma_start3A_944 : memref<6920xf32, #tpu.memory_space<hbm>>) target_semaphore(%run_scoped3A : memref<!tpu.dma_semaphore, #tpu.memory_space<semaphore_mem>>)
      %dma_wait3A = tpu.memref_slice %arg5[%add3A_381] : memref<11514880xf32, #tpu.memory_space<hbm>> -> memref<6920xf32, #tpu.memory_space<hbm>>
      %dma_wait3A_945 = tpu.memref_slice %arg5[%add3A_381] : memref<11514880xf32, #tpu.memory_space<hbm>> -> memref<6920xf32, #tpu.memory_space<hbm>>
      tpu.wait_dma2 semaphore(%run_scoped3A : memref<!tpu.dma_semaphore, #tpu.memory_space<semaphore_mem>>) src(%arg10 : memref<6920xf32, #tpu.memory_space<vmem>>) dst(%dma_wait3A_945 : memref<6920xf32, #tpu.memory_space<hbm>>)
      tpu.yield
    }) : () -> ()
    %mul3A_382 = arith.constant 89960 : i32
    %mul3A_383 = arith.muli %arg1, %mul3A_382 : i32
    %add3A_384 = arith.constant 34600 : i32
    %add3A_385 = arith.addi %mul3A_383, %add3A_384 : i32
    "tpu.region"() ({
      %run_scoped3A = tpu.sem_alloc : memref<!tpu.dma_semaphore, #tpu.memory_space<semaphore_mem>>
      %dma_start3A = tpu.memref_slice %arg6[%add3A_385] : memref<1439424xf32, #tpu.memory_space<vmem_shared>> -> memref<6920xf32, #tpu.memory_space<vmem_shared>>
      %dma_start3A_944 = tpu.memref_slice %arg6[%add3A_385] : memref<1439424xf32, #tpu.memory_space<vmem_shared>> -> memref<6920xf32, #tpu.memory_space<vmem_shared>>
      tpu.enqueue_dma source(%dma_start3A_944 : memref<6920xf32, #tpu.memory_space<vmem_shared>>) target(%arg10 : memref<6920xf32, #tpu.memory_space<vmem>>) target_semaphore(%run_scoped3A : memref<!tpu.dma_semaphore, #tpu.memory_space<semaphore_mem>>)
      %dma_wait3A = tpu.memref_slice %arg6[%add3A_385] : memref<1439424xf32, #tpu.memory_space<vmem_shared>> -> memref<6920xf32, #tpu.memory_space<vmem_shared>>
      %dma_wait3A_945 = tpu.memref_slice %arg6[%add3A_385] : memref<1439424xf32, #tpu.memory_space<vmem_shared>> -> memref<6920xf32, #tpu.memory_space<vmem_shared>>
      tpu.wait_dma2 semaphore(%run_scoped3A : memref<!tpu.dma_semaphore, #tpu.memory_space<semaphore_mem>>) src(%dma_wait3A_945 : memref<6920xf32, #tpu.memory_space<vmem_shared>>) dst(%arg10 : memref<6920xf32, #tpu.memory_space<vmem>>)
      tpu.yield
    }) : () -> ()
    %mul3A_386 = arith.constant 16 : i32
    %mul3A_387 = arith.muli %add3A_236, %mul3A_386 : i32
    %add3A_388 = arith.addi %mul3A_387, %arg1 : i32
    %mul3A_389 = arith.constant 89960 : i32
    %mul3A_390 = arith.muli %add3A_388, %mul3A_389 : i32
    %add3A_391 = arith.constant 34600 : i32
    %add3A_392 = arith.addi %mul3A_390, %add3A_391 : i32
    "tpu.region"() ({
      %run_scoped3A = tpu.sem_alloc : memref<!tpu.dma_semaphore, #tpu.memory_space<semaphore_mem>>
      %dma_start3A = tpu.memref_slice %arg5[%add3A_392] : memref<11514880xf32, #tpu.memory_space<hbm>> -> memref<6920xf32, #tpu.memory_space<hbm>>
      %dma_start3A_944 = tpu.memref_slice %arg5[%add3A_392] : memref<11514880xf32, #tpu.memory_space<hbm>> -> memref<6920xf32, #tpu.memory_space<hbm>>
      tpu.enqueue_dma source(%arg10 : memref<6920xf32, #tpu.memory_space<vmem>>) target(%dma_start3A_944 : memref<6920xf32, #tpu.memory_space<hbm>>) target_semaphore(%run_scoped3A : memref<!tpu.dma_semaphore, #tpu.memory_space<semaphore_mem>>)
      %dma_wait3A = tpu.memref_slice %arg5[%add3A_392] : memref<11514880xf32, #tpu.memory_space<hbm>> -> memref<6920xf32, #tpu.memory_space<hbm>>
      %dma_wait3A_945 = tpu.memref_slice %arg5[%add3A_392] : memref<11514880xf32, #tpu.memory_space<hbm>> -> memref<6920xf32, #tpu.memory_space<hbm>>
      tpu.wait_dma2 semaphore(%run_scoped3A : memref<!tpu.dma_semaphore, #tpu.memory_space<semaphore_mem>>) src(%arg10 : memref<6920xf32, #tpu.memory_space<vmem>>) dst(%dma_wait3A_945 : memref<6920xf32, #tpu.memory_space<hbm>>)
      tpu.yield
    }) : () -> ()
    %mul3A_393 = arith.constant 89960 : i32
    %mul3A_394 = arith.muli %arg1, %mul3A_393 : i32
    %add3A_395 = arith.constant 41520 : i32
    %add3A_396 = arith.addi %mul3A_394, %add3A_395 : i32
    "tpu.region"() ({
      %run_scoped3A = tpu.sem_alloc : memref<!tpu.dma_semaphore, #tpu.memory_space<semaphore_mem>>
      %dma_start3A = tpu.memref_slice %arg6[%add3A_396] : memref<1439424xf32, #tpu.memory_space<vmem_shared>> -> memref<6920xf32, #tpu.memory_space<vmem_shared>>
      %dma_start3A_944 = tpu.memref_slice %arg6[%add3A_396] : memref<1439424xf32, #tpu.memory_space<vmem_shared>> -> memref<6920xf32, #tpu.memory_space<vmem_shared>>
      tpu.enqueue_dma source(%dma_start3A_944 : memref<6920xf32, #tpu.memory_space<vmem_shared>>) target(%arg10 : memref<6920xf32, #tpu.memory_space<vmem>>) target_semaphore(%run_scoped3A : memref<!tpu.dma_semaphore, #tpu.memory_space<semaphore_mem>>)
      %dma_wait3A = tpu.memref_slice %arg6[%add3A_396] : memref<1439424xf32, #tpu.memory_space<vmem_shared>> -> memref<6920xf32, #tpu.memory_space<vmem_shared>>
      %dma_wait3A_945 = tpu.memref_slice %arg6[%add3A_396] : memref<1439424xf32, #tpu.memory_space<vmem_shared>> -> memref<6920xf32, #tpu.memory_space<vmem_shared>>
      tpu.wait_dma2 semaphore(%run_scoped3A : memref<!tpu.dma_semaphore, #tpu.memory_space<semaphore_mem>>) src(%dma_wait3A_945 : memref<6920xf32, #tpu.memory_space<vmem_shared>>) dst(%arg10 : memref<6920xf32, #tpu.memory_space<vmem>>)
      tpu.yield
    }) : () -> ()
    %mul3A_397 = arith.constant 16 : i32
    %mul3A_398 = arith.muli %add3A_236, %mul3A_397 : i32
    %add3A_399 = arith.addi %mul3A_398, %arg1 : i32
    %mul3A_400 = arith.constant 89960 : i32
    %mul3A_401 = arith.muli %add3A_399, %mul3A_400 : i32
    %add3A_402 = arith.constant 41520 : i32
    %add3A_403 = arith.addi %mul3A_401, %add3A_402 : i32
    "tpu.region"() ({
      %run_scoped3A = tpu.sem_alloc : memref<!tpu.dma_semaphore, #tpu.memory_space<semaphore_mem>>
      %dma_start3A = tpu.memref_slice %arg5[%add3A_403] : memref<11514880xf32, #tpu.memory_space<hbm>> -> memref<6920xf32, #tpu.memory_space<hbm>>
      %dma_start3A_944 = tpu.memref_slice %arg5[%add3A_403] : memref<11514880xf32, #tpu.memory_space<hbm>> -> memref<6920xf32, #tpu.memory_space<hbm>>
      tpu.enqueue_dma source(%arg10 : memref<6920xf32, #tpu.memory_space<vmem>>) target(%dma_start3A_944 : memref<6920xf32, #tpu.memory_space<hbm>>) target_semaphore(%run_scoped3A : memref<!tpu.dma_semaphore, #tpu.memory_space<semaphore_mem>>)
      %dma_wait3A = tpu.memref_slice %arg5[%add3A_403] : memref<11514880xf32, #tpu.memory_space<hbm>> -> memref<6920xf32, #tpu.memory_space<hbm>>
      %dma_wait3A_945 = tpu.memref_slice %arg5[%add3A_403] : memref<11514880xf32, #tpu.memory_space<hbm>> -> memref<6920xf32, #tpu.memory_space<hbm>>
      tpu.wait_dma2 semaphore(%run_scoped3A : memref<!tpu.dma_semaphore, #tpu.memory_space<semaphore_mem>>) src(%arg10 : memref<6920xf32, #tpu.memory_space<vmem>>) dst(%dma_wait3A_945 : memref<6920xf32, #tpu.memory_space<hbm>>)
      tpu.yield
    }) : () -> ()
    %mul3A_404 = arith.constant 89960 : i32
    %mul3A_405 = arith.muli %arg1, %mul3A_404 : i32
    %add3A_406 = arith.constant 48440 : i32
    %add3A_407 = arith.addi %mul3A_405, %add3A_406 : i32
    "tpu.region"() ({
      %run_scoped3A = tpu.sem_alloc : memref<!tpu.dma_semaphore, #tpu.memory_space<semaphore_mem>>
      %dma_start3A = tpu.memref_slice %arg6[%add3A_407] : memref<1439424xf32, #tpu.memory_space<vmem_shared>> -> memref<6920xf32, #tpu.memory_space<vmem_shared>>
      %dma_start3A_944 = tpu.memref_slice %arg6[%add3A_407] : memref<1439424xf32, #tpu.memory_space<vmem_shared>> -> memref<6920xf32, #tpu.memory_space<vmem_shared>>
      tpu.enqueue_dma source(%dma_start3A_944 : memref<6920xf32, #tpu.memory_space<vmem_shared>>) target(%arg10 : memref<6920xf32, #tpu.memory_space<vmem>>) target_semaphore(%run_scoped3A : memref<!tpu.dma_semaphore, #tpu.memory_space<semaphore_mem>>)
      %dma_wait3A = tpu.memref_slice %arg6[%add3A_407] : memref<1439424xf32, #tpu.memory_space<vmem_shared>> -> memref<6920xf32, #tpu.memory_space<vmem_shared>>
      %dma_wait3A_945 = tpu.memref_slice %arg6[%add3A_407] : memref<1439424xf32, #tpu.memory_space<vmem_shared>> -> memref<6920xf32, #tpu.memory_space<vmem_shared>>
      tpu.wait_dma2 semaphore(%run_scoped3A : memref<!tpu.dma_semaphore, #tpu.memory_space<semaphore_mem>>) src(%dma_wait3A_945 : memref<6920xf32, #tpu.memory_space<vmem_shared>>) dst(%arg10 : memref<6920xf32, #tpu.memory_space<vmem>>)
      tpu.yield
    }) : () -> ()
    %mul3A_408 = arith.constant 16 : i32
    %mul3A_409 = arith.muli %add3A_236, %mul3A_408 : i32
    %add3A_410 = arith.addi %mul3A_409, %arg1 : i32
    %mul3A_411 = arith.constant 89960 : i32
    %mul3A_412 = arith.muli %add3A_410, %mul3A_411 : i32
    %add3A_413 = arith.constant 48440 : i32
    %add3A_414 = arith.addi %mul3A_412, %add3A_413 : i32
    "tpu.region"() ({
      %run_scoped3A = tpu.sem_alloc : memref<!tpu.dma_semaphore, #tpu.memory_space<semaphore_mem>>
      %dma_start3A = tpu.memref_slice %arg5[%add3A_414] : memref<11514880xf32, #tpu.memory_space<hbm>> -> memref<6920xf32, #tpu.memory_space<hbm>>
      %dma_start3A_944 = tpu.memref_slice %arg5[%add3A_414] : memref<11514880xf32, #tpu.memory_space<hbm>> -> memref<6920xf32, #tpu.memory_space<hbm>>
      tpu.enqueue_dma source(%arg10 : memref<6920xf32, #tpu.memory_space<vmem>>) target(%dma_start3A_944 : memref<6920xf32, #tpu.memory_space<hbm>>) target_semaphore(%run_scoped3A : memref<!tpu.dma_semaphore, #tpu.memory_space<semaphore_mem>>)
      %dma_wait3A = tpu.memref_slice %arg5[%add3A_414] : memref<11514880xf32, #tpu.memory_space<hbm>> -> memref<6920xf32, #tpu.memory_space<hbm>>
      %dma_wait3A_945 = tpu.memref_slice %arg5[%add3A_414] : memref<11514880xf32, #tpu.memory_space<hbm>> -> memref<6920xf32, #tpu.memory_space<hbm>>
      tpu.wait_dma2 semaphore(%run_scoped3A : memref<!tpu.dma_semaphore, #tpu.memory_space<semaphore_mem>>) src(%arg10 : memref<6920xf32, #tpu.memory_space<vmem>>) dst(%dma_wait3A_945 : memref<6920xf32, #tpu.memory_space<hbm>>)
      tpu.yield
    }) : () -> ()
    %mul3A_415 = arith.constant 89960 : i32
    %mul3A_416 = arith.muli %arg1, %mul3A_415 : i32
    %add3A_417 = arith.constant 55360 : i32
    %add3A_418 = arith.addi %mul3A_416, %add3A_417 : i32
    "tpu.region"() ({
      %run_scoped3A = tpu.sem_alloc : memref<!tpu.dma_semaphore, #tpu.memory_space<semaphore_mem>>
      %dma_start3A = tpu.memref_slice %arg6[%add3A_418] : memref<1439424xf32, #tpu.memory_space<vmem_shared>> -> memref<6920xf32, #tpu.memory_space<vmem_shared>>
      %dma_start3A_944 = tpu.memref_slice %arg6[%add3A_418] : memref<1439424xf32, #tpu.memory_space<vmem_shared>> -> memref<6920xf32, #tpu.memory_space<vmem_shared>>
      tpu.enqueue_dma source(%dma_start3A_944 : memref<6920xf32, #tpu.memory_space<vmem_shared>>) target(%arg10 : memref<6920xf32, #tpu.memory_space<vmem>>) target_semaphore(%run_scoped3A : memref<!tpu.dma_semaphore, #tpu.memory_space<semaphore_mem>>)
      %dma_wait3A = tpu.memref_slice %arg6[%add3A_418] : memref<1439424xf32, #tpu.memory_space<vmem_shared>> -> memref<6920xf32, #tpu.memory_space<vmem_shared>>
      %dma_wait3A_945 = tpu.memref_slice %arg6[%add3A_418] : memref<1439424xf32, #tpu.memory_space<vmem_shared>> -> memref<6920xf32, #tpu.memory_space<vmem_shared>>
      tpu.wait_dma2 semaphore(%run_scoped3A : memref<!tpu.dma_semaphore, #tpu.memory_space<semaphore_mem>>) src(%dma_wait3A_945 : memref<6920xf32, #tpu.memory_space<vmem_shared>>) dst(%arg10 : memref<6920xf32, #tpu.memory_space<vmem>>)
      tpu.yield
    }) : () -> ()
    %mul3A_419 = arith.constant 16 : i32
    %mul3A_420 = arith.muli %add3A_236, %mul3A_419 : i32
    %add3A_421 = arith.addi %mul3A_420, %arg1 : i32
    %mul3A_422 = arith.constant 89960 : i32
    %mul3A_423 = arith.muli %add3A_421, %mul3A_422 : i32
    %add3A_424 = arith.constant 55360 : i32
    %add3A_425 = arith.addi %mul3A_423, %add3A_424 : i32
    "tpu.region"() ({
      %run_scoped3A = tpu.sem_alloc : memref<!tpu.dma_semaphore, #tpu.memory_space<semaphore_mem>>
      %dma_start3A = tpu.memref_slice %arg5[%add3A_425] : memref<11514880xf32, #tpu.memory_space<hbm>> -> memref<6920xf32, #tpu.memory_space<hbm>>
      %dma_start3A_944 = tpu.memref_slice %arg5[%add3A_425] : memref<11514880xf32, #tpu.memory_space<hbm>> -> memref<6920xf32, #tpu.memory_space<hbm>>
      tpu.enqueue_dma source(%arg10 : memref<6920xf32, #tpu.memory_space<vmem>>) target(%dma_start3A_944 : memref<6920xf32, #tpu.memory_space<hbm>>) target_semaphore(%run_scoped3A : memref<!tpu.dma_semaphore, #tpu.memory_space<semaphore_mem>>)
      %dma_wait3A = tpu.memref_slice %arg5[%add3A_425] : memref<11514880xf32, #tpu.memory_space<hbm>> -> memref<6920xf32, #tpu.memory_space<hbm>>
      %dma_wait3A_945 = tpu.memref_slice %arg5[%add3A_425] : memref<11514880xf32, #tpu.memory_space<hbm>> -> memref<6920xf32, #tpu.memory_space<hbm>>
      tpu.wait_dma2 semaphore(%run_scoped3A : memref<!tpu.dma_semaphore, #tpu.memory_space<semaphore_mem>>) src(%arg10 : memref<6920xf32, #tpu.memory_space<vmem>>) dst(%dma_wait3A_945 : memref<6920xf32, #tpu.memory_space<hbm>>)
      tpu.yield
    }) : () -> ()
    %mul3A_426 = arith.constant 89960 : i32
    %mul3A_427 = arith.muli %arg1, %mul3A_426 : i32
    %add3A_428 = arith.constant 62280 : i32
    %add3A_429 = arith.addi %mul3A_427, %add3A_428 : i32
    "tpu.region"() ({
      %run_scoped3A = tpu.sem_alloc : memref<!tpu.dma_semaphore, #tpu.memory_space<semaphore_mem>>
      %dma_start3A = tpu.memref_slice %arg6[%add3A_429] : memref<1439424xf32, #tpu.memory_space<vmem_shared>> -> memref<6920xf32, #tpu.memory_space<vmem_shared>>
      %dma_start3A_944 = tpu.memref_slice %arg6[%add3A_429] : memref<1439424xf32, #tpu.memory_space<vmem_shared>> -> memref<6920xf32, #tpu.memory_space<vmem_shared>>
      tpu.enqueue_dma source(%dma_start3A_944 : memref<6920xf32, #tpu.memory_space<vmem_shared>>) target(%arg10 : memref<6920xf32, #tpu.memory_space<vmem>>) target_semaphore(%run_scoped3A : memref<!tpu.dma_semaphore, #tpu.memory_space<semaphore_mem>>)
      %dma_wait3A = tpu.memref_slice %arg6[%add3A_429] : memref<1439424xf32, #tpu.memory_space<vmem_shared>> -> memref<6920xf32, #tpu.memory_space<vmem_shared>>
      %dma_wait3A_945 = tpu.memref_slice %arg6[%add3A_429] : memref<1439424xf32, #tpu.memory_space<vmem_shared>> -> memref<6920xf32, #tpu.memory_space<vmem_shared>>
      tpu.wait_dma2 semaphore(%run_scoped3A : memref<!tpu.dma_semaphore, #tpu.memory_space<semaphore_mem>>) src(%dma_wait3A_945 : memref<6920xf32, #tpu.memory_space<vmem_shared>>) dst(%arg10 : memref<6920xf32, #tpu.memory_space<vmem>>)
      tpu.yield
    }) : () -> ()
    %mul3A_430 = arith.constant 16 : i32
    %mul3A_431 = arith.muli %add3A_236, %mul3A_430 : i32
    %add3A_432 = arith.addi %mul3A_431, %arg1 : i32
    %mul3A_433 = arith.constant 89960 : i32
    %mul3A_434 = arith.muli %add3A_432, %mul3A_433 : i32
    %add3A_435 = arith.constant 62280 : i32
    %add3A_436 = arith.addi %mul3A_434, %add3A_435 : i32
    "tpu.region"() ({
      %run_scoped3A = tpu.sem_alloc : memref<!tpu.dma_semaphore, #tpu.memory_space<semaphore_mem>>
      %dma_start3A = tpu.memref_slice %arg5[%add3A_436] : memref<11514880xf32, #tpu.memory_space<hbm>> -> memref<6920xf32, #tpu.memory_space<hbm>>
      %dma_start3A_944 = tpu.memref_slice %arg5[%add3A_436] : memref<11514880xf32, #tpu.memory_space<hbm>> -> memref<6920xf32, #tpu.memory_space<hbm>>
      tpu.enqueue_dma source(%arg10 : memref<6920xf32, #tpu.memory_space<vmem>>) target(%dma_start3A_944 : memref<6920xf32, #tpu.memory_space<hbm>>) target_semaphore(%run_scoped3A : memref<!tpu.dma_semaphore, #tpu.memory_space<semaphore_mem>>)
      %dma_wait3A = tpu.memref_slice %arg5[%add3A_436] : memref<11514880xf32, #tpu.memory_space<hbm>> -> memref<6920xf32, #tpu.memory_space<hbm>>
      %dma_wait3A_945 = tpu.memref_slice %arg5[%add3A_436] : memref<11514880xf32, #tpu.memory_space<hbm>> -> memref<6920xf32, #tpu.memory_space<hbm>>
      tpu.wait_dma2 semaphore(%run_scoped3A : memref<!tpu.dma_semaphore, #tpu.memory_space<semaphore_mem>>) src(%arg10 : memref<6920xf32, #tpu.memory_space<vmem>>) dst(%dma_wait3A_945 : memref<6920xf32, #tpu.memory_space<hbm>>)
      tpu.yield
    }) : () -> ()
    %mul3A_437 = arith.constant 89960 : i32
    %mul3A_438 = arith.muli %arg1, %mul3A_437 : i32
    %add3A_439 = arith.constant 69200 : i32
    %add3A_440 = arith.addi %mul3A_438, %add3A_439 : i32
    "tpu.region"() ({
      %run_scoped3A = tpu.sem_alloc : memref<!tpu.dma_semaphore, #tpu.memory_space<semaphore_mem>>
      %dma_start3A = tpu.memref_slice %arg6[%add3A_440] : memref<1439424xf32, #tpu.memory_space<vmem_shared>> -> memref<6920xf32, #tpu.memory_space<vmem_shared>>
      %dma_start3A_944 = tpu.memref_slice %arg6[%add3A_440] : memref<1439424xf32, #tpu.memory_space<vmem_shared>> -> memref<6920xf32, #tpu.memory_space<vmem_shared>>
      tpu.enqueue_dma source(%dma_start3A_944 : memref<6920xf32, #tpu.memory_space<vmem_shared>>) target(%arg10 : memref<6920xf32, #tpu.memory_space<vmem>>) target_semaphore(%run_scoped3A : memref<!tpu.dma_semaphore, #tpu.memory_space<semaphore_mem>>)
      %dma_wait3A = tpu.memref_slice %arg6[%add3A_440] : memref<1439424xf32, #tpu.memory_space<vmem_shared>> -> memref<6920xf32, #tpu.memory_space<vmem_shared>>
      %dma_wait3A_945 = tpu.memref_slice %arg6[%add3A_440] : memref<1439424xf32, #tpu.memory_space<vmem_shared>> -> memref<6920xf32, #tpu.memory_space<vmem_shared>>
      tpu.wait_dma2 semaphore(%run_scoped3A : memref<!tpu.dma_semaphore, #tpu.memory_space<semaphore_mem>>) src(%dma_wait3A_945 : memref<6920xf32, #tpu.memory_space<vmem_shared>>) dst(%arg10 : memref<6920xf32, #tpu.memory_space<vmem>>)
      tpu.yield
    }) : () -> ()
    %mul3A_441 = arith.constant 16 : i32
    %mul3A_442 = arith.muli %add3A_236, %mul3A_441 : i32
    %add3A_443 = arith.addi %mul3A_442, %arg1 : i32
    %mul3A_444 = arith.constant 89960 : i32
    %mul3A_445 = arith.muli %add3A_443, %mul3A_444 : i32
    %add3A_446 = arith.constant 69200 : i32
    %add3A_447 = arith.addi %mul3A_445, %add3A_446 : i32
    "tpu.region"() ({
      %run_scoped3A = tpu.sem_alloc : memref<!tpu.dma_semaphore, #tpu.memory_space<semaphore_mem>>
      %dma_start3A = tpu.memref_slice %arg5[%add3A_447] : memref<11514880xf32, #tpu.memory_space<hbm>> -> memref<6920xf32, #tpu.memory_space<hbm>>
      %dma_start3A_944 = tpu.memref_slice %arg5[%add3A_447] : memref<11514880xf32, #tpu.memory_space<hbm>> -> memref<6920xf32, #tpu.memory_space<hbm>>
      tpu.enqueue_dma source(%arg10 : memref<6920xf32, #tpu.memory_space<vmem>>) target(%dma_start3A_944 : memref<6920xf32, #tpu.memory_space<hbm>>) target_semaphore(%run_scoped3A : memref<!tpu.dma_semaphore, #tpu.memory_space<semaphore_mem>>)
      %dma_wait3A = tpu.memref_slice %arg5[%add3A_447] : memref<11514880xf32, #tpu.memory_space<hbm>> -> memref<6920xf32, #tpu.memory_space<hbm>>
      %dma_wait3A_945 = tpu.memref_slice %arg5[%add3A_447] : memref<11514880xf32, #tpu.memory_space<hbm>> -> memref<6920xf32, #tpu.memory_space<hbm>>
      tpu.wait_dma2 semaphore(%run_scoped3A : memref<!tpu.dma_semaphore, #tpu.memory_space<semaphore_mem>>) src(%arg10 : memref<6920xf32, #tpu.memory_space<vmem>>) dst(%dma_wait3A_945 : memref<6920xf32, #tpu.memory_space<hbm>>)
      tpu.yield
    }) : () -> ()
    %mul3A_448 = arith.constant 89960 : i32
    %mul3A_449 = arith.muli %arg1, %mul3A_448 : i32
    %add3A_450 = arith.constant 76120 : i32
    %add3A_451 = arith.addi %mul3A_449, %add3A_450 : i32
    "tpu.region"() ({
      %run_scoped3A = tpu.sem_alloc : memref<!tpu.dma_semaphore, #tpu.memory_space<semaphore_mem>>
      %dma_start3A = tpu.memref_slice %arg6[%add3A_451] : memref<1439424xf32, #tpu.memory_space<vmem_shared>> -> memref<6920xf32, #tpu.memory_space<vmem_shared>>
      %dma_start3A_944 = tpu.memref_slice %arg6[%add3A_451] : memref<1439424xf32, #tpu.memory_space<vmem_shared>> -> memref<6920xf32, #tpu.memory_space<vmem_shared>>
      tpu.enqueue_dma source(%dma_start3A_944 : memref<6920xf32, #tpu.memory_space<vmem_shared>>) target(%arg10 : memref<6920xf32, #tpu.memory_space<vmem>>) target_semaphore(%run_scoped3A : memref<!tpu.dma_semaphore, #tpu.memory_space<semaphore_mem>>)
      %dma_wait3A = tpu.memref_slice %arg6[%add3A_451] : memref<1439424xf32, #tpu.memory_space<vmem_shared>> -> memref<6920xf32, #tpu.memory_space<vmem_shared>>
      %dma_wait3A_945 = tpu.memref_slice %arg6[%add3A_451] : memref<1439424xf32, #tpu.memory_space<vmem_shared>> -> memref<6920xf32, #tpu.memory_space<vmem_shared>>
      tpu.wait_dma2 semaphore(%run_scoped3A : memref<!tpu.dma_semaphore, #tpu.memory_space<semaphore_mem>>) src(%dma_wait3A_945 : memref<6920xf32, #tpu.memory_space<vmem_shared>>) dst(%arg10 : memref<6920xf32, #tpu.memory_space<vmem>>)
      tpu.yield
    }) : () -> ()
    %mul3A_452 = arith.constant 16 : i32
    %mul3A_453 = arith.muli %add3A_236, %mul3A_452 : i32
    %add3A_454 = arith.addi %mul3A_453, %arg1 : i32
    %mul3A_455 = arith.constant 89960 : i32
    %mul3A_456 = arith.muli %add3A_454, %mul3A_455 : i32
    %add3A_457 = arith.constant 76120 : i32
    %add3A_458 = arith.addi %mul3A_456, %add3A_457 : i32
    "tpu.region"() ({
      %run_scoped3A = tpu.sem_alloc : memref<!tpu.dma_semaphore, #tpu.memory_space<semaphore_mem>>
      %dma_start3A = tpu.memref_slice %arg5[%add3A_458] : memref<11514880xf32, #tpu.memory_space<hbm>> -> memref<6920xf32, #tpu.memory_space<hbm>>
      %dma_start3A_944 = tpu.memref_slice %arg5[%add3A_458] : memref<11514880xf32, #tpu.memory_space<hbm>> -> memref<6920xf32, #tpu.memory_space<hbm>>
      tpu.enqueue_dma source(%arg10 : memref<6920xf32, #tpu.memory_space<vmem>>) target(%dma_start3A_944 : memref<6920xf32, #tpu.memory_space<hbm>>) target_semaphore(%run_scoped3A : memref<!tpu.dma_semaphore, #tpu.memory_space<semaphore_mem>>)
      %dma_wait3A = tpu.memref_slice %arg5[%add3A_458] : memref<11514880xf32, #tpu.memory_space<hbm>> -> memref<6920xf32, #tpu.memory_space<hbm>>
      %dma_wait3A_945 = tpu.memref_slice %arg5[%add3A_458] : memref<11514880xf32, #tpu.memory_space<hbm>> -> memref<6920xf32, #tpu.memory_space<hbm>>
      tpu.wait_dma2 semaphore(%run_scoped3A : memref<!tpu.dma_semaphore, #tpu.memory_space<semaphore_mem>>) src(%arg10 : memref<6920xf32, #tpu.memory_space<vmem>>) dst(%dma_wait3A_945 : memref<6920xf32, #tpu.memory_space<hbm>>)
      tpu.yield
    }) : () -> ()
    %mul3A_459 = arith.constant 89960 : i32
    %mul3A_460 = arith.muli %arg1, %mul3A_459 : i32
    %add3A_461 = arith.constant 83040 : i32
    %add3A_462 = arith.addi %mul3A_460, %add3A_461 : i32
    "tpu.region"() ({
      %run_scoped3A = tpu.sem_alloc : memref<!tpu.dma_semaphore, #tpu.memory_space<semaphore_mem>>
      %dma_start3A = tpu.memref_slice %arg6[%add3A_462] : memref<1439424xf32, #tpu.memory_space<vmem_shared>> -> memref<6920xf32, #tpu.memory_space<vmem_shared>>
      %dma_start3A_944 = tpu.memref_slice %arg6[%add3A_462] : memref<1439424xf32, #tpu.memory_space<vmem_shared>> -> memref<6920xf32, #tpu.memory_space<vmem_shared>>
      tpu.enqueue_dma source(%dma_start3A_944 : memref<6920xf32, #tpu.memory_space<vmem_shared>>) target(%arg10 : memref<6920xf32, #tpu.memory_space<vmem>>) target_semaphore(%run_scoped3A : memref<!tpu.dma_semaphore, #tpu.memory_space<semaphore_mem>>)
      %dma_wait3A = tpu.memref_slice %arg6[%add3A_462] : memref<1439424xf32, #tpu.memory_space<vmem_shared>> -> memref<6920xf32, #tpu.memory_space<vmem_shared>>
      %dma_wait3A_945 = tpu.memref_slice %arg6[%add3A_462] : memref<1439424xf32, #tpu.memory_space<vmem_shared>> -> memref<6920xf32, #tpu.memory_space<vmem_shared>>
      tpu.wait_dma2 semaphore(%run_scoped3A : memref<!tpu.dma_semaphore, #tpu.memory_space<semaphore_mem>>) src(%dma_wait3A_945 : memref<6920xf32, #tpu.memory_space<vmem_shared>>) dst(%arg10 : memref<6920xf32, #tpu.memory_space<vmem>>)
      tpu.yield
    }) : () -> ()
    %mul3A_463 = arith.constant 16 : i32
    %mul3A_464 = arith.muli %add3A_236, %mul3A_463 : i32
    %add3A_465 = arith.addi %mul3A_464, %arg1 : i32
    %mul3A_466 = arith.constant 89960 : i32
    %mul3A_467 = arith.muli %add3A_465, %mul3A_466 : i32
    %add3A_468 = arith.constant 83040 : i32
    %add3A_469 = arith.addi %mul3A_467, %add3A_468 : i32
    "tpu.region"() ({
      %run_scoped3A = tpu.sem_alloc : memref<!tpu.dma_semaphore, #tpu.memory_space<semaphore_mem>>
      %dma_start3A = tpu.memref_slice %arg5[%add3A_469] : memref<11514880xf32, #tpu.memory_space<hbm>> -> memref<6920xf32, #tpu.memory_space<hbm>>
      %dma_start3A_944 = tpu.memref_slice %arg5[%add3A_469] : memref<11514880xf32, #tpu.memory_space<hbm>> -> memref<6920xf32, #tpu.memory_space<hbm>>
      tpu.enqueue_dma source(%arg10 : memref<6920xf32, #tpu.memory_space<vmem>>) target(%dma_start3A_944 : memref<6920xf32, #tpu.memory_space<hbm>>) target_semaphore(%run_scoped3A : memref<!tpu.dma_semaphore, #tpu.memory_space<semaphore_mem>>)
      %dma_wait3A = tpu.memref_slice %arg5[%add3A_469] : memref<11514880xf32, #tpu.memory_space<hbm>> -> memref<6920xf32, #tpu.memory_space<hbm>>
      %dma_wait3A_945 = tpu.memref_slice %arg5[%add3A_469] : memref<11514880xf32, #tpu.memory_space<hbm>> -> memref<6920xf32, #tpu.memory_space<hbm>>
      tpu.wait_dma2 semaphore(%run_scoped3A : memref<!tpu.dma_semaphore, #tpu.memory_space<semaphore_mem>>) src(%arg10 : memref<6920xf32, #tpu.memory_space<vmem>>) dst(%dma_wait3A_945 : memref<6920xf32, #tpu.memory_space<hbm>>)
      tpu.yield
    }) : () -> ()
    %mul3A_470 = arith.constant 4 : i32
    %mul3A_471 = arith.muli %arg0, %mul3A_470 : i32
    %add3A_472 = arith.constant 2 : i32
    %add3A_473 = arith.addi %mul3A_471, %add3A_472 : i32
    %mul3A_474 = arith.constant 89960 : i32
    %mul3A_475 = arith.muli %arg1, %mul3A_474 : i32
    %add3A_476 = arith.constant 0 : i32
    %add3A_477 = arith.addi %mul3A_475, %add3A_476 : i32
    "tpu.region"() ({
      %run_scoped3A = tpu.sem_alloc : memref<!tpu.dma_semaphore, #tpu.memory_space<semaphore_mem>>
      %dma_start3A = tpu.memref_slice %arg6[%add3A_477] : memref<1439424xf32, #tpu.memory_space<vmem_shared>> -> memref<6920xf32, #tpu.memory_space<vmem_shared>>
      %dma_start3A_944 = tpu.memref_slice %arg6[%add3A_477] : memref<1439424xf32, #tpu.memory_space<vmem_shared>> -> memref<6920xf32, #tpu.memory_space<vmem_shared>>
      tpu.enqueue_dma source(%arg9 : memref<6920xf32, #tpu.memory_space<vmem>>) target(%dma_start3A_944 : memref<6920xf32, #tpu.memory_space<vmem_shared>>) target_semaphore(%run_scoped3A : memref<!tpu.dma_semaphore, #tpu.memory_space<semaphore_mem>>)
      %dma_wait3A = tpu.memref_slice %arg6[%add3A_477] : memref<1439424xf32, #tpu.memory_space<vmem_shared>> -> memref<6920xf32, #tpu.memory_space<vmem_shared>>
      %dma_wait3A_945 = tpu.memref_slice %arg6[%add3A_477] : memref<1439424xf32, #tpu.memory_space<vmem_shared>> -> memref<6920xf32, #tpu.memory_space<vmem_shared>>
      tpu.wait_dma2 semaphore(%run_scoped3A : memref<!tpu.dma_semaphore, #tpu.memory_space<semaphore_mem>>) src(%arg9 : memref<6920xf32, #tpu.memory_space<vmem>>) dst(%dma_wait3A_945 : memref<6920xf32, #tpu.memory_space<vmem_shared>>)
      tpu.yield
    }) : () -> ()
    %mul3A_478 = arith.constant 89960 : i32
    %mul3A_479 = arith.muli %arg1, %mul3A_478 : i32
    %add3A_480 = arith.constant 6920 : i32
    %add3A_481 = arith.addi %mul3A_479, %add3A_480 : i32
    "tpu.region"() ({
      %run_scoped3A = tpu.sem_alloc : memref<!tpu.dma_semaphore, #tpu.memory_space<semaphore_mem>>
      %dma_start3A = tpu.memref_slice %arg6[%add3A_481] : memref<1439424xf32, #tpu.memory_space<vmem_shared>> -> memref<6920xf32, #tpu.memory_space<vmem_shared>>
      %dma_start3A_944 = tpu.memref_slice %arg6[%add3A_481] : memref<1439424xf32, #tpu.memory_space<vmem_shared>> -> memref<6920xf32, #tpu.memory_space<vmem_shared>>
      tpu.enqueue_dma source(%arg9 : memref<6920xf32, #tpu.memory_space<vmem>>) target(%dma_start3A_944 : memref<6920xf32, #tpu.memory_space<vmem_shared>>) target_semaphore(%run_scoped3A : memref<!tpu.dma_semaphore, #tpu.memory_space<semaphore_mem>>)
      %dma_wait3A = tpu.memref_slice %arg6[%add3A_481] : memref<1439424xf32, #tpu.memory_space<vmem_shared>> -> memref<6920xf32, #tpu.memory_space<vmem_shared>>
      %dma_wait3A_945 = tpu.memref_slice %arg6[%add3A_481] : memref<1439424xf32, #tpu.memory_space<vmem_shared>> -> memref<6920xf32, #tpu.memory_space<vmem_shared>>
      tpu.wait_dma2 semaphore(%run_scoped3A : memref<!tpu.dma_semaphore, #tpu.memory_space<semaphore_mem>>) src(%arg9 : memref<6920xf32, #tpu.memory_space<vmem>>) dst(%dma_wait3A_945 : memref<6920xf32, #tpu.memory_space<vmem_shared>>)
      tpu.yield
    }) : () -> ()
    %mul3A_482 = arith.constant 89960 : i32
    %mul3A_483 = arith.muli %arg1, %mul3A_482 : i32
    %add3A_484 = arith.constant 13840 : i32
    %add3A_485 = arith.addi %mul3A_483, %add3A_484 : i32
    "tpu.region"() ({
      %run_scoped3A = tpu.sem_alloc : memref<!tpu.dma_semaphore, #tpu.memory_space<semaphore_mem>>
      %dma_start3A = tpu.memref_slice %arg6[%add3A_485] : memref<1439424xf32, #tpu.memory_space<vmem_shared>> -> memref<6920xf32, #tpu.memory_space<vmem_shared>>
      %dma_start3A_944 = tpu.memref_slice %arg6[%add3A_485] : memref<1439424xf32, #tpu.memory_space<vmem_shared>> -> memref<6920xf32, #tpu.memory_space<vmem_shared>>
      tpu.enqueue_dma source(%arg9 : memref<6920xf32, #tpu.memory_space<vmem>>) target(%dma_start3A_944 : memref<6920xf32, #tpu.memory_space<vmem_shared>>) target_semaphore(%run_scoped3A : memref<!tpu.dma_semaphore, #tpu.memory_space<semaphore_mem>>)
      %dma_wait3A = tpu.memref_slice %arg6[%add3A_485] : memref<1439424xf32, #tpu.memory_space<vmem_shared>> -> memref<6920xf32, #tpu.memory_space<vmem_shared>>
      %dma_wait3A_945 = tpu.memref_slice %arg6[%add3A_485] : memref<1439424xf32, #tpu.memory_space<vmem_shared>> -> memref<6920xf32, #tpu.memory_space<vmem_shared>>
      tpu.wait_dma2 semaphore(%run_scoped3A : memref<!tpu.dma_semaphore, #tpu.memory_space<semaphore_mem>>) src(%arg9 : memref<6920xf32, #tpu.memory_space<vmem>>) dst(%dma_wait3A_945 : memref<6920xf32, #tpu.memory_space<vmem_shared>>)
      tpu.yield
    }) : () -> ()
    %mul3A_486 = arith.constant 89960 : i32
    %mul3A_487 = arith.muli %arg1, %mul3A_486 : i32
    %add3A_488 = arith.constant 20760 : i32
    %add3A_489 = arith.addi %mul3A_487, %add3A_488 : i32
    "tpu.region"() ({
      %run_scoped3A = tpu.sem_alloc : memref<!tpu.dma_semaphore, #tpu.memory_space<semaphore_mem>>
      %dma_start3A = tpu.memref_slice %arg6[%add3A_489] : memref<1439424xf32, #tpu.memory_space<vmem_shared>> -> memref<6920xf32, #tpu.memory_space<vmem_shared>>
      %dma_start3A_944 = tpu.memref_slice %arg6[%add3A_489] : memref<1439424xf32, #tpu.memory_space<vmem_shared>> -> memref<6920xf32, #tpu.memory_space<vmem_shared>>
      tpu.enqueue_dma source(%arg9 : memref<6920xf32, #tpu.memory_space<vmem>>) target(%dma_start3A_944 : memref<6920xf32, #tpu.memory_space<vmem_shared>>) target_semaphore(%run_scoped3A : memref<!tpu.dma_semaphore, #tpu.memory_space<semaphore_mem>>)
      %dma_wait3A = tpu.memref_slice %arg6[%add3A_489] : memref<1439424xf32, #tpu.memory_space<vmem_shared>> -> memref<6920xf32, #tpu.memory_space<vmem_shared>>
      %dma_wait3A_945 = tpu.memref_slice %arg6[%add3A_489] : memref<1439424xf32, #tpu.memory_space<vmem_shared>> -> memref<6920xf32, #tpu.memory_space<vmem_shared>>
      tpu.wait_dma2 semaphore(%run_scoped3A : memref<!tpu.dma_semaphore, #tpu.memory_space<semaphore_mem>>) src(%arg9 : memref<6920xf32, #tpu.memory_space<vmem>>) dst(%dma_wait3A_945 : memref<6920xf32, #tpu.memory_space<vmem_shared>>)
      tpu.yield
    }) : () -> ()
    %mul3A_490 = arith.constant 89960 : i32
    %mul3A_491 = arith.muli %arg1, %mul3A_490 : i32
    %add3A_492 = arith.constant 27680 : i32
    %add3A_493 = arith.addi %mul3A_491, %add3A_492 : i32
    "tpu.region"() ({
      %run_scoped3A = tpu.sem_alloc : memref<!tpu.dma_semaphore, #tpu.memory_space<semaphore_mem>>
      %dma_start3A = tpu.memref_slice %arg6[%add3A_493] : memref<1439424xf32, #tpu.memory_space<vmem_shared>> -> memref<6920xf32, #tpu.memory_space<vmem_shared>>
      %dma_start3A_944 = tpu.memref_slice %arg6[%add3A_493] : memref<1439424xf32, #tpu.memory_space<vmem_shared>> -> memref<6920xf32, #tpu.memory_space<vmem_shared>>
      tpu.enqueue_dma source(%arg9 : memref<6920xf32, #tpu.memory_space<vmem>>) target(%dma_start3A_944 : memref<6920xf32, #tpu.memory_space<vmem_shared>>) target_semaphore(%run_scoped3A : memref<!tpu.dma_semaphore, #tpu.memory_space<semaphore_mem>>)
      %dma_wait3A = tpu.memref_slice %arg6[%add3A_493] : memref<1439424xf32, #tpu.memory_space<vmem_shared>> -> memref<6920xf32, #tpu.memory_space<vmem_shared>>
      %dma_wait3A_945 = tpu.memref_slice %arg6[%add3A_493] : memref<1439424xf32, #tpu.memory_space<vmem_shared>> -> memref<6920xf32, #tpu.memory_space<vmem_shared>>
      tpu.wait_dma2 semaphore(%run_scoped3A : memref<!tpu.dma_semaphore, #tpu.memory_space<semaphore_mem>>) src(%arg9 : memref<6920xf32, #tpu.memory_space<vmem>>) dst(%dma_wait3A_945 : memref<6920xf32, #tpu.memory_space<vmem_shared>>)
      tpu.yield
    }) : () -> ()
    %mul3A_494 = arith.constant 89960 : i32
    %mul3A_495 = arith.muli %arg1, %mul3A_494 : i32
    %add3A_496 = arith.constant 34600 : i32
    %add3A_497 = arith.addi %mul3A_495, %add3A_496 : i32
    "tpu.region"() ({
      %run_scoped3A = tpu.sem_alloc : memref<!tpu.dma_semaphore, #tpu.memory_space<semaphore_mem>>
      %dma_start3A = tpu.memref_slice %arg6[%add3A_497] : memref<1439424xf32, #tpu.memory_space<vmem_shared>> -> memref<6920xf32, #tpu.memory_space<vmem_shared>>
      %dma_start3A_944 = tpu.memref_slice %arg6[%add3A_497] : memref<1439424xf32, #tpu.memory_space<vmem_shared>> -> memref<6920xf32, #tpu.memory_space<vmem_shared>>
      tpu.enqueue_dma source(%arg9 : memref<6920xf32, #tpu.memory_space<vmem>>) target(%dma_start3A_944 : memref<6920xf32, #tpu.memory_space<vmem_shared>>) target_semaphore(%run_scoped3A : memref<!tpu.dma_semaphore, #tpu.memory_space<semaphore_mem>>)
      %dma_wait3A = tpu.memref_slice %arg6[%add3A_497] : memref<1439424xf32, #tpu.memory_space<vmem_shared>> -> memref<6920xf32, #tpu.memory_space<vmem_shared>>
      %dma_wait3A_945 = tpu.memref_slice %arg6[%add3A_497] : memref<1439424xf32, #tpu.memory_space<vmem_shared>> -> memref<6920xf32, #tpu.memory_space<vmem_shared>>
      tpu.wait_dma2 semaphore(%run_scoped3A : memref<!tpu.dma_semaphore, #tpu.memory_space<semaphore_mem>>) src(%arg9 : memref<6920xf32, #tpu.memory_space<vmem>>) dst(%dma_wait3A_945 : memref<6920xf32, #tpu.memory_space<vmem_shared>>)
      tpu.yield
    }) : () -> ()
    %mul3A_498 = arith.constant 89960 : i32
    %mul3A_499 = arith.muli %arg1, %mul3A_498 : i32
    %add3A_500 = arith.constant 41520 : i32
    %add3A_501 = arith.addi %mul3A_499, %add3A_500 : i32
    "tpu.region"() ({
      %run_scoped3A = tpu.sem_alloc : memref<!tpu.dma_semaphore, #tpu.memory_space<semaphore_mem>>
      %dma_start3A = tpu.memref_slice %arg6[%add3A_501] : memref<1439424xf32, #tpu.memory_space<vmem_shared>> -> memref<6920xf32, #tpu.memory_space<vmem_shared>>
      %dma_start3A_944 = tpu.memref_slice %arg6[%add3A_501] : memref<1439424xf32, #tpu.memory_space<vmem_shared>> -> memref<6920xf32, #tpu.memory_space<vmem_shared>>
      tpu.enqueue_dma source(%arg9 : memref<6920xf32, #tpu.memory_space<vmem>>) target(%dma_start3A_944 : memref<6920xf32, #tpu.memory_space<vmem_shared>>) target_semaphore(%run_scoped3A : memref<!tpu.dma_semaphore, #tpu.memory_space<semaphore_mem>>)
      %dma_wait3A = tpu.memref_slice %arg6[%add3A_501] : memref<1439424xf32, #tpu.memory_space<vmem_shared>> -> memref<6920xf32, #tpu.memory_space<vmem_shared>>
      %dma_wait3A_945 = tpu.memref_slice %arg6[%add3A_501] : memref<1439424xf32, #tpu.memory_space<vmem_shared>> -> memref<6920xf32, #tpu.memory_space<vmem_shared>>
      tpu.wait_dma2 semaphore(%run_scoped3A : memref<!tpu.dma_semaphore, #tpu.memory_space<semaphore_mem>>) src(%arg9 : memref<6920xf32, #tpu.memory_space<vmem>>) dst(%dma_wait3A_945 : memref<6920xf32, #tpu.memory_space<vmem_shared>>)
      tpu.yield
    }) : () -> ()
    %mul3A_502 = arith.constant 89960 : i32
    %mul3A_503 = arith.muli %arg1, %mul3A_502 : i32
    %add3A_504 = arith.constant 48440 : i32
    %add3A_505 = arith.addi %mul3A_503, %add3A_504 : i32
    "tpu.region"() ({
      %run_scoped3A = tpu.sem_alloc : memref<!tpu.dma_semaphore, #tpu.memory_space<semaphore_mem>>
      %dma_start3A = tpu.memref_slice %arg6[%add3A_505] : memref<1439424xf32, #tpu.memory_space<vmem_shared>> -> memref<6920xf32, #tpu.memory_space<vmem_shared>>
      %dma_start3A_944 = tpu.memref_slice %arg6[%add3A_505] : memref<1439424xf32, #tpu.memory_space<vmem_shared>> -> memref<6920xf32, #tpu.memory_space<vmem_shared>>
      tpu.enqueue_dma source(%arg9 : memref<6920xf32, #tpu.memory_space<vmem>>) target(%dma_start3A_944 : memref<6920xf32, #tpu.memory_space<vmem_shared>>) target_semaphore(%run_scoped3A : memref<!tpu.dma_semaphore, #tpu.memory_space<semaphore_mem>>)
      %dma_wait3A = tpu.memref_slice %arg6[%add3A_505] : memref<1439424xf32, #tpu.memory_space<vmem_shared>> -> memref<6920xf32, #tpu.memory_space<vmem_shared>>
      %dma_wait3A_945 = tpu.memref_slice %arg6[%add3A_505] : memref<1439424xf32, #tpu.memory_space<vmem_shared>> -> memref<6920xf32, #tpu.memory_space<vmem_shared>>
      tpu.wait_dma2 semaphore(%run_scoped3A : memref<!tpu.dma_semaphore, #tpu.memory_space<semaphore_mem>>) src(%arg9 : memref<6920xf32, #tpu.memory_space<vmem>>) dst(%dma_wait3A_945 : memref<6920xf32, #tpu.memory_space<vmem_shared>>)
      tpu.yield
    }) : () -> ()
    %mul3A_506 = arith.constant 89960 : i32
    %mul3A_507 = arith.muli %arg1, %mul3A_506 : i32
    %add3A_508 = arith.constant 55360 : i32
    %add3A_509 = arith.addi %mul3A_507, %add3A_508 : i32
    "tpu.region"() ({
      %run_scoped3A = tpu.sem_alloc : memref<!tpu.dma_semaphore, #tpu.memory_space<semaphore_mem>>
      %dma_start3A = tpu.memref_slice %arg6[%add3A_509] : memref<1439424xf32, #tpu.memory_space<vmem_shared>> -> memref<6920xf32, #tpu.memory_space<vmem_shared>>
      %dma_start3A_944 = tpu.memref_slice %arg6[%add3A_509] : memref<1439424xf32, #tpu.memory_space<vmem_shared>> -> memref<6920xf32, #tpu.memory_space<vmem_shared>>
      tpu.enqueue_dma source(%arg9 : memref<6920xf32, #tpu.memory_space<vmem>>) target(%dma_start3A_944 : memref<6920xf32, #tpu.memory_space<vmem_shared>>) target_semaphore(%run_scoped3A : memref<!tpu.dma_semaphore, #tpu.memory_space<semaphore_mem>>)
      %dma_wait3A = tpu.memref_slice %arg6[%add3A_509] : memref<1439424xf32, #tpu.memory_space<vmem_shared>> -> memref<6920xf32, #tpu.memory_space<vmem_shared>>
      %dma_wait3A_945 = tpu.memref_slice %arg6[%add3A_509] : memref<1439424xf32, #tpu.memory_space<vmem_shared>> -> memref<6920xf32, #tpu.memory_space<vmem_shared>>
      tpu.wait_dma2 semaphore(%run_scoped3A : memref<!tpu.dma_semaphore, #tpu.memory_space<semaphore_mem>>) src(%arg9 : memref<6920xf32, #tpu.memory_space<vmem>>) dst(%dma_wait3A_945 : memref<6920xf32, #tpu.memory_space<vmem_shared>>)
      tpu.yield
    }) : () -> ()
    %mul3A_510 = arith.constant 89960 : i32
    %mul3A_511 = arith.muli %arg1, %mul3A_510 : i32
    %add3A_512 = arith.constant 62280 : i32
    %add3A_513 = arith.addi %mul3A_511, %add3A_512 : i32
    "tpu.region"() ({
      %run_scoped3A = tpu.sem_alloc : memref<!tpu.dma_semaphore, #tpu.memory_space<semaphore_mem>>
      %dma_start3A = tpu.memref_slice %arg6[%add3A_513] : memref<1439424xf32, #tpu.memory_space<vmem_shared>> -> memref<6920xf32, #tpu.memory_space<vmem_shared>>
      %dma_start3A_944 = tpu.memref_slice %arg6[%add3A_513] : memref<1439424xf32, #tpu.memory_space<vmem_shared>> -> memref<6920xf32, #tpu.memory_space<vmem_shared>>
      tpu.enqueue_dma source(%arg9 : memref<6920xf32, #tpu.memory_space<vmem>>) target(%dma_start3A_944 : memref<6920xf32, #tpu.memory_space<vmem_shared>>) target_semaphore(%run_scoped3A : memref<!tpu.dma_semaphore, #tpu.memory_space<semaphore_mem>>)
      %dma_wait3A = tpu.memref_slice %arg6[%add3A_513] : memref<1439424xf32, #tpu.memory_space<vmem_shared>> -> memref<6920xf32, #tpu.memory_space<vmem_shared>>
      %dma_wait3A_945 = tpu.memref_slice %arg6[%add3A_513] : memref<1439424xf32, #tpu.memory_space<vmem_shared>> -> memref<6920xf32, #tpu.memory_space<vmem_shared>>
      tpu.wait_dma2 semaphore(%run_scoped3A : memref<!tpu.dma_semaphore, #tpu.memory_space<semaphore_mem>>) src(%arg9 : memref<6920xf32, #tpu.memory_space<vmem>>) dst(%dma_wait3A_945 : memref<6920xf32, #tpu.memory_space<vmem_shared>>)
      tpu.yield
    }) : () -> ()
    %mul3A_514 = arith.constant 89960 : i32
    %mul3A_515 = arith.muli %arg1, %mul3A_514 : i32
    %add3A_516 = arith.constant 69200 : i32
    %add3A_517 = arith.addi %mul3A_515, %add3A_516 : i32
    "tpu.region"() ({
      %run_scoped3A = tpu.sem_alloc : memref<!tpu.dma_semaphore, #tpu.memory_space<semaphore_mem>>
      %dma_start3A = tpu.memref_slice %arg6[%add3A_517] : memref<1439424xf32, #tpu.memory_space<vmem_shared>> -> memref<6920xf32, #tpu.memory_space<vmem_shared>>
      %dma_start3A_944 = tpu.memref_slice %arg6[%add3A_517] : memref<1439424xf32, #tpu.memory_space<vmem_shared>> -> memref<6920xf32, #tpu.memory_space<vmem_shared>>
      tpu.enqueue_dma source(%arg9 : memref<6920xf32, #tpu.memory_space<vmem>>) target(%dma_start3A_944 : memref<6920xf32, #tpu.memory_space<vmem_shared>>) target_semaphore(%run_scoped3A : memref<!tpu.dma_semaphore, #tpu.memory_space<semaphore_mem>>)
      %dma_wait3A = tpu.memref_slice %arg6[%add3A_517] : memref<1439424xf32, #tpu.memory_space<vmem_shared>> -> memref<6920xf32, #tpu.memory_space<vmem_shared>>
      %dma_wait3A_945 = tpu.memref_slice %arg6[%add3A_517] : memref<1439424xf32, #tpu.memory_space<vmem_shared>> -> memref<6920xf32, #tpu.memory_space<vmem_shared>>
      tpu.wait_dma2 semaphore(%run_scoped3A : memref<!tpu.dma_semaphore, #tpu.memory_space<semaphore_mem>>) src(%arg9 : memref<6920xf32, #tpu.memory_space<vmem>>) dst(%dma_wait3A_945 : memref<6920xf32, #tpu.memory_space<vmem_shared>>)
      tpu.yield
    }) : () -> ()
    %mul3A_518 = arith.constant 89960 : i32
    %mul3A_519 = arith.muli %arg1, %mul3A_518 : i32
    %add3A_520 = arith.constant 76120 : i32
    %add3A_521 = arith.addi %mul3A_519, %add3A_520 : i32
    "tpu.region"() ({
      %run_scoped3A = tpu.sem_alloc : memref<!tpu.dma_semaphore, #tpu.memory_space<semaphore_mem>>
      %dma_start3A = tpu.memref_slice %arg6[%add3A_521] : memref<1439424xf32, #tpu.memory_space<vmem_shared>> -> memref<6920xf32, #tpu.memory_space<vmem_shared>>
      %dma_start3A_944 = tpu.memref_slice %arg6[%add3A_521] : memref<1439424xf32, #tpu.memory_space<vmem_shared>> -> memref<6920xf32, #tpu.memory_space<vmem_shared>>
      tpu.enqueue_dma source(%arg9 : memref<6920xf32, #tpu.memory_space<vmem>>) target(%dma_start3A_944 : memref<6920xf32, #tpu.memory_space<vmem_shared>>) target_semaphore(%run_scoped3A : memref<!tpu.dma_semaphore, #tpu.memory_space<semaphore_mem>>)
      %dma_wait3A = tpu.memref_slice %arg6[%add3A_521] : memref<1439424xf32, #tpu.memory_space<vmem_shared>> -> memref<6920xf32, #tpu.memory_space<vmem_shared>>
      %dma_wait3A_945 = tpu.memref_slice %arg6[%add3A_521] : memref<1439424xf32, #tpu.memory_space<vmem_shared>> -> memref<6920xf32, #tpu.memory_space<vmem_shared>>
      tpu.wait_dma2 semaphore(%run_scoped3A : memref<!tpu.dma_semaphore, #tpu.memory_space<semaphore_mem>>) src(%arg9 : memref<6920xf32, #tpu.memory_space<vmem>>) dst(%dma_wait3A_945 : memref<6920xf32, #tpu.memory_space<vmem_shared>>)
      tpu.yield
    }) : () -> ()
    %mul3A_522 = arith.constant 89960 : i32
    %mul3A_523 = arith.muli %arg1, %mul3A_522 : i32
    %add3A_524 = arith.constant 83040 : i32
    %add3A_525 = arith.addi %mul3A_523, %add3A_524 : i32
    "tpu.region"() ({
      %run_scoped3A = tpu.sem_alloc : memref<!tpu.dma_semaphore, #tpu.memory_space<semaphore_mem>>
      %dma_start3A = tpu.memref_slice %arg6[%add3A_525] : memref<1439424xf32, #tpu.memory_space<vmem_shared>> -> memref<6920xf32, #tpu.memory_space<vmem_shared>>
      %dma_start3A_944 = tpu.memref_slice %arg6[%add3A_525] : memref<1439424xf32, #tpu.memory_space<vmem_shared>> -> memref<6920xf32, #tpu.memory_space<vmem_shared>>
      tpu.enqueue_dma source(%arg9 : memref<6920xf32, #tpu.memory_space<vmem>>) target(%dma_start3A_944 : memref<6920xf32, #tpu.memory_space<vmem_shared>>) target_semaphore(%run_scoped3A : memref<!tpu.dma_semaphore, #tpu.memory_space<semaphore_mem>>)
      %dma_wait3A = tpu.memref_slice %arg6[%add3A_525] : memref<1439424xf32, #tpu.memory_space<vmem_shared>> -> memref<6920xf32, #tpu.memory_space<vmem_shared>>
      %dma_wait3A_945 = tpu.memref_slice %arg6[%add3A_525] : memref<1439424xf32, #tpu.memory_space<vmem_shared>> -> memref<6920xf32, #tpu.memory_space<vmem_shared>>
      tpu.wait_dma2 semaphore(%run_scoped3A : memref<!tpu.dma_semaphore, #tpu.memory_space<semaphore_mem>>) src(%arg9 : memref<6920xf32, #tpu.memory_space<vmem>>) dst(%dma_wait3A_945 : memref<6920xf32, #tpu.memory_space<vmem_shared>>)
      tpu.yield
    }) : () -> ()
    %barrier3A_526 = arith.constant 0 : index
    tpu.barrier barrier_id(%barrier3A_526)
    %mul3A_527 = arith.constant 16 : i32
    %mul3A_528 = arith.muli %add3A_473, %mul3A_527 : i32
    %add3A_529 = arith.addi %mul3A_528, %arg1 : i32
    "tpu.region"() ({
      %run_scoped3A = tpu.sem_alloc : memref<!tpu.dma_semaphore, #tpu.memory_space<semaphore_mem>>
      %dma_start3A = arith.constant 0 : i32
      %dma_start3A_944 = arith.constant 0 : i32
      %dma_start3A_945 = tpu.memref_slice %arg2[%add3A_529, %dma_start3A, %dma_start3A_944] : memref<128x128x128xi32, #tpu.memory_space<hbm>> -> memref<1x32x128xi32, #tpu.memory_space<hbm>>
      %dma_start3A_946 = tpu.memref_squeeze %dma_start3A_945 : memref<1x32x128xi32, #tpu.memory_space<hbm>> -> memref<32x128xi32, #tpu.memory_space<hbm>>
      %dma_start3A_947 = arith.constant 0 : i32
      %dma_start3A_948 = arith.constant 0 : i32
      %dma_start3A_949 = tpu.memref_slice %arg2[%add3A_529, %dma_start3A_947, %dma_start3A_948] : memref<128x128x128xi32, #tpu.memory_space<hbm>> -> memref<1x32x128xi32, #tpu.memory_space<hbm>>
      %dma_start3A_950 = tpu.memref_squeeze %dma_start3A_949 : memref<1x32x128xi32, #tpu.memory_space<hbm>> -> memref<32x128xi32, #tpu.memory_space<hbm>>
      tpu.enqueue_dma source(%dma_start3A_950 : memref<32x128xi32, #tpu.memory_space<hbm>>) target(%arg7 : memref<32x128xi32, #tpu.memory_space<vmem>>) target_semaphore(%run_scoped3A : memref<!tpu.dma_semaphore, #tpu.memory_space<semaphore_mem>>)
      %dma_wait3A = arith.constant 0 : i32
      %dma_wait3A_951 = arith.constant 0 : i32
      %dma_wait3A_952 = tpu.memref_slice %arg2[%add3A_529, %dma_wait3A, %dma_wait3A_951] : memref<128x128x128xi32, #tpu.memory_space<hbm>> -> memref<1x32x128xi32, #tpu.memory_space<hbm>>
      %dma_wait3A_953 = tpu.memref_squeeze %dma_wait3A_952 : memref<1x32x128xi32, #tpu.memory_space<hbm>> -> memref<32x128xi32, #tpu.memory_space<hbm>>
      %dma_wait3A_954 = arith.constant 0 : i32
      %dma_wait3A_955 = arith.constant 0 : i32
      %dma_wait3A_956 = tpu.memref_slice %arg2[%add3A_529, %dma_wait3A_954, %dma_wait3A_955] : memref<128x128x128xi32, #tpu.memory_space<hbm>> -> memref<1x32x128xi32, #tpu.memory_space<hbm>>
      %dma_wait3A_957 = tpu.memref_squeeze %dma_wait3A_956 : memref<1x32x128xi32, #tpu.memory_space<hbm>> -> memref<32x128xi32, #tpu.memory_space<hbm>>
      tpu.wait_dma2 semaphore(%run_scoped3A : memref<!tpu.dma_semaphore, #tpu.memory_space<semaphore_mem>>) src(%dma_wait3A_957 : memref<32x128xi32, #tpu.memory_space<hbm>>) dst(%arg7 : memref<32x128xi32, #tpu.memory_space<vmem>>)
      tpu.yield
    }) : () -> ()
    %scan3A_530 = arith.constant 0 : i32
    %scan3A_531 = arith.constant 0 : i32
    %scan3A_532 = arith.constant 32 : i32
    %scan3A_533 = arith.addi %scan3A_531, %scan3A_532 : i32
    %scan3A_534 = arith.constant 1 : i32
    scf.for %scan3A_944 = %scan3A_531 to %scan3A_533 step %scan3A_534  : i32 {
      "tpu.region"() ({
        %run_scoped3A = tpu.sem_alloc : memref<!tpu.dma_semaphore, #tpu.memory_space<semaphore_mem>>
        %dma_start3A = arith.constant 0 : i32
        %dma_start3A_945 = tpu.memref_slice %arg7[%scan3A_944, %dma_start3A] : memref<32x128xi32, #tpu.memory_space<vmem>> -> memref<1x128xi32, #tpu.memory_space<vmem>>
        %dma_start3A_946 = tpu.memref_squeeze %dma_start3A_945 : memref<1x128xi32, #tpu.memory_space<vmem>> -> memref<128xi32, #tpu.memory_space<vmem>>
        %dma_start3A_947 = arith.constant 0 : i32
        %dma_start3A_948 = tpu.memref_slice %arg6[%dma_start3A_947] : memref<1439424xf32, #tpu.memory_space<vmem_shared>> -> memref<1439424xf32, #tpu.memory_space<vmem_shared>>
        tpu.enqueue_indirect_dma source(%arg8 : memref<128xf32, #tpu.memory_space<vmem>>) target(%dma_start3A_948 : memref<1439424xf32, #tpu.memory_space<vmem_shared>>) offsets(%dma_start3A_946 : memref<128xi32, #tpu.memory_space<vmem>>) semaphore(%run_scoped3A : memref<!tpu.dma_semaphore, #tpu.memory_space<semaphore_mem>>) {add = true}
        %dma_wait3A = arith.constant 0 : i32
        %dma_wait3A_949 = tpu.memref_slice %arg7[%scan3A_944, %dma_wait3A] : memref<32x128xi32, #tpu.memory_space<vmem>> -> memref<1x128xi32, #tpu.memory_space<vmem>>
        %dma_wait3A_950 = tpu.memref_squeeze %dma_wait3A_949 : memref<1x128xi32, #tpu.memory_space<vmem>> -> memref<128xi32, #tpu.memory_space<vmem>>
        %dma_wait3A_951 = arith.constant 0 : i32
        %dma_wait3A_952 = tpu.memref_slice %arg6[%dma_wait3A_951] : memref<1439424xf32, #tpu.memory_space<vmem_shared>> -> memref<1439424xf32, #tpu.memory_space<vmem_shared>>
        tpu.wait_indirect_dma semaphore(%run_scoped3A : memref<!tpu.dma_semaphore, #tpu.memory_space<semaphore_mem>>) src(%arg8 : memref<128xf32, #tpu.memory_space<vmem>>) dst(%dma_wait3A_952 : memref<1439424xf32, #tpu.memory_space<vmem_shared>>)
        tpu.yield
      }) : () -> ()
    }
    %scan3A_535 = arith.constant 32 : i32
    %mul3A_536 = arith.constant 16 : i32
    %mul3A_537 = arith.muli %add3A_473, %mul3A_536 : i32
    %add3A_538 = arith.addi %mul3A_537, %arg1 : i32
    "tpu.region"() ({
      %run_scoped3A = tpu.sem_alloc : memref<!tpu.dma_semaphore, #tpu.memory_space<semaphore_mem>>
      %dma_start3A = arith.constant 32 : i32
      %dma_start3A_944 = arith.constant 0 : i32
      %dma_start3A_945 = tpu.memref_slice %arg2[%add3A_538, %dma_start3A, %dma_start3A_944] : memref<128x128x128xi32, #tpu.memory_space<hbm>> -> memref<1x32x128xi32, #tpu.memory_space<hbm>>
      %dma_start3A_946 = tpu.memref_squeeze %dma_start3A_945 : memref<1x32x128xi32, #tpu.memory_space<hbm>> -> memref<32x128xi32, #tpu.memory_space<hbm>>
      %dma_start3A_947 = arith.constant 32 : i32
      %dma_start3A_948 = arith.constant 0 : i32
      %dma_start3A_949 = tpu.memref_slice %arg2[%add3A_538, %dma_start3A_947, %dma_start3A_948] : memref<128x128x128xi32, #tpu.memory_space<hbm>> -> memref<1x32x128xi32, #tpu.memory_space<hbm>>
      %dma_start3A_950 = tpu.memref_squeeze %dma_start3A_949 : memref<1x32x128xi32, #tpu.memory_space<hbm>> -> memref<32x128xi32, #tpu.memory_space<hbm>>
      tpu.enqueue_dma source(%dma_start3A_950 : memref<32x128xi32, #tpu.memory_space<hbm>>) target(%arg7 : memref<32x128xi32, #tpu.memory_space<vmem>>) target_semaphore(%run_scoped3A : memref<!tpu.dma_semaphore, #tpu.memory_space<semaphore_mem>>)
      %dma_wait3A = arith.constant 32 : i32
      %dma_wait3A_951 = arith.constant 0 : i32
      %dma_wait3A_952 = tpu.memref_slice %arg2[%add3A_538, %dma_wait3A, %dma_wait3A_951] : memref<128x128x128xi32, #tpu.memory_space<hbm>> -> memref<1x32x128xi32, #tpu.memory_space<hbm>>
      %dma_wait3A_953 = tpu.memref_squeeze %dma_wait3A_952 : memref<1x32x128xi32, #tpu.memory_space<hbm>> -> memref<32x128xi32, #tpu.memory_space<hbm>>
      %dma_wait3A_954 = arith.constant 32 : i32
      %dma_wait3A_955 = arith.constant 0 : i32
      %dma_wait3A_956 = tpu.memref_slice %arg2[%add3A_538, %dma_wait3A_954, %dma_wait3A_955] : memref<128x128x128xi32, #tpu.memory_space<hbm>> -> memref<1x32x128xi32, #tpu.memory_space<hbm>>
      %dma_wait3A_957 = tpu.memref_squeeze %dma_wait3A_956 : memref<1x32x128xi32, #tpu.memory_space<hbm>> -> memref<32x128xi32, #tpu.memory_space<hbm>>
      tpu.wait_dma2 semaphore(%run_scoped3A : memref<!tpu.dma_semaphore, #tpu.memory_space<semaphore_mem>>) src(%dma_wait3A_957 : memref<32x128xi32, #tpu.memory_space<hbm>>) dst(%arg7 : memref<32x128xi32, #tpu.memory_space<vmem>>)
      tpu.yield
    }) : () -> ()
    %scan3A_539 = arith.constant 0 : i32
    %scan3A_540 = arith.constant 0 : i32
    %scan3A_541 = arith.constant 32 : i32
    %scan3A_542 = arith.addi %scan3A_540, %scan3A_541 : i32
    %scan3A_543 = arith.constant 1 : i32
    scf.for %scan3A_944 = %scan3A_540 to %scan3A_542 step %scan3A_543  : i32 {
      "tpu.region"() ({
        %run_scoped3A = tpu.sem_alloc : memref<!tpu.dma_semaphore, #tpu.memory_space<semaphore_mem>>
        %dma_start3A = arith.constant 0 : i32
        %dma_start3A_945 = tpu.memref_slice %arg7[%scan3A_944, %dma_start3A] : memref<32x128xi32, #tpu.memory_space<vmem>> -> memref<1x128xi32, #tpu.memory_space<vmem>>
        %dma_start3A_946 = tpu.memref_squeeze %dma_start3A_945 : memref<1x128xi32, #tpu.memory_space<vmem>> -> memref<128xi32, #tpu.memory_space<vmem>>
        %dma_start3A_947 = arith.constant 0 : i32
        %dma_start3A_948 = tpu.memref_slice %arg6[%dma_start3A_947] : memref<1439424xf32, #tpu.memory_space<vmem_shared>> -> memref<1439424xf32, #tpu.memory_space<vmem_shared>>
        tpu.enqueue_indirect_dma source(%arg8 : memref<128xf32, #tpu.memory_space<vmem>>) target(%dma_start3A_948 : memref<1439424xf32, #tpu.memory_space<vmem_shared>>) offsets(%dma_start3A_946 : memref<128xi32, #tpu.memory_space<vmem>>) semaphore(%run_scoped3A : memref<!tpu.dma_semaphore, #tpu.memory_space<semaphore_mem>>) {add = true}
        %dma_wait3A = arith.constant 0 : i32
        %dma_wait3A_949 = tpu.memref_slice %arg7[%scan3A_944, %dma_wait3A] : memref<32x128xi32, #tpu.memory_space<vmem>> -> memref<1x128xi32, #tpu.memory_space<vmem>>
        %dma_wait3A_950 = tpu.memref_squeeze %dma_wait3A_949 : memref<1x128xi32, #tpu.memory_space<vmem>> -> memref<128xi32, #tpu.memory_space<vmem>>
        %dma_wait3A_951 = arith.constant 0 : i32
        %dma_wait3A_952 = tpu.memref_slice %arg6[%dma_wait3A_951] : memref<1439424xf32, #tpu.memory_space<vmem_shared>> -> memref<1439424xf32, #tpu.memory_space<vmem_shared>>
        tpu.wait_indirect_dma semaphore(%run_scoped3A : memref<!tpu.dma_semaphore, #tpu.memory_space<semaphore_mem>>) src(%arg8 : memref<128xf32, #tpu.memory_space<vmem>>) dst(%dma_wait3A_952 : memref<1439424xf32, #tpu.memory_space<vmem_shared>>)
        tpu.yield
      }) : () -> ()
    }
    %scan3A_544 = arith.constant 32 : i32
    %mul3A_545 = arith.constant 16 : i32
    %mul3A_546 = arith.muli %add3A_473, %mul3A_545 : i32
    %add3A_547 = arith.addi %mul3A_546, %arg1 : i32
    "tpu.region"() ({
      %run_scoped3A = tpu.sem_alloc : memref<!tpu.dma_semaphore, #tpu.memory_space<semaphore_mem>>
      %dma_start3A = arith.constant 64 : i32
      %dma_start3A_944 = arith.constant 0 : i32
      %dma_start3A_945 = tpu.memref_slice %arg2[%add3A_547, %dma_start3A, %dma_start3A_944] : memref<128x128x128xi32, #tpu.memory_space<hbm>> -> memref<1x32x128xi32, #tpu.memory_space<hbm>>
      %dma_start3A_946 = tpu.memref_squeeze %dma_start3A_945 : memref<1x32x128xi32, #tpu.memory_space<hbm>> -> memref<32x128xi32, #tpu.memory_space<hbm>>
      %dma_start3A_947 = arith.constant 64 : i32
      %dma_start3A_948 = arith.constant 0 : i32
      %dma_start3A_949 = tpu.memref_slice %arg2[%add3A_547, %dma_start3A_947, %dma_start3A_948] : memref<128x128x128xi32, #tpu.memory_space<hbm>> -> memref<1x32x128xi32, #tpu.memory_space<hbm>>
      %dma_start3A_950 = tpu.memref_squeeze %dma_start3A_949 : memref<1x32x128xi32, #tpu.memory_space<hbm>> -> memref<32x128xi32, #tpu.memory_space<hbm>>
      tpu.enqueue_dma source(%dma_start3A_950 : memref<32x128xi32, #tpu.memory_space<hbm>>) target(%arg7 : memref<32x128xi32, #tpu.memory_space<vmem>>) target_semaphore(%run_scoped3A : memref<!tpu.dma_semaphore, #tpu.memory_space<semaphore_mem>>)
      %dma_wait3A = arith.constant 64 : i32
      %dma_wait3A_951 = arith.constant 0 : i32
      %dma_wait3A_952 = tpu.memref_slice %arg2[%add3A_547, %dma_wait3A, %dma_wait3A_951] : memref<128x128x128xi32, #tpu.memory_space<hbm>> -> memref<1x32x128xi32, #tpu.memory_space<hbm>>
      %dma_wait3A_953 = tpu.memref_squeeze %dma_wait3A_952 : memref<1x32x128xi32, #tpu.memory_space<hbm>> -> memref<32x128xi32, #tpu.memory_space<hbm>>
      %dma_wait3A_954 = arith.constant 64 : i32
      %dma_wait3A_955 = arith.constant 0 : i32
      %dma_wait3A_956 = tpu.memref_slice %arg2[%add3A_547, %dma_wait3A_954, %dma_wait3A_955] : memref<128x128x128xi32, #tpu.memory_space<hbm>> -> memref<1x32x128xi32, #tpu.memory_space<hbm>>
      %dma_wait3A_957 = tpu.memref_squeeze %dma_wait3A_956 : memref<1x32x128xi32, #tpu.memory_space<hbm>> -> memref<32x128xi32, #tpu.memory_space<hbm>>
      tpu.wait_dma2 semaphore(%run_scoped3A : memref<!tpu.dma_semaphore, #tpu.memory_space<semaphore_mem>>) src(%dma_wait3A_957 : memref<32x128xi32, #tpu.memory_space<hbm>>) dst(%arg7 : memref<32x128xi32, #tpu.memory_space<vmem>>)
      tpu.yield
    }) : () -> ()
    %scan3A_548 = arith.constant 0 : i32
    %scan3A_549 = arith.constant 0 : i32
    %scan3A_550 = arith.constant 32 : i32
    %scan3A_551 = arith.addi %scan3A_549, %scan3A_550 : i32
    %scan3A_552 = arith.constant 1 : i32
    scf.for %scan3A_944 = %scan3A_549 to %scan3A_551 step %scan3A_552  : i32 {
      "tpu.region"() ({
        %run_scoped3A = tpu.sem_alloc : memref<!tpu.dma_semaphore, #tpu.memory_space<semaphore_mem>>
        %dma_start3A = arith.constant 0 : i32
        %dma_start3A_945 = tpu.memref_slice %arg7[%scan3A_944, %dma_start3A] : memref<32x128xi32, #tpu.memory_space<vmem>> -> memref<1x128xi32, #tpu.memory_space<vmem>>
        %dma_start3A_946 = tpu.memref_squeeze %dma_start3A_945 : memref<1x128xi32, #tpu.memory_space<vmem>> -> memref<128xi32, #tpu.memory_space<vmem>>
        %dma_start3A_947 = arith.constant 0 : i32
        %dma_start3A_948 = tpu.memref_slice %arg6[%dma_start3A_947] : memref<1439424xf32, #tpu.memory_space<vmem_shared>> -> memref<1439424xf32, #tpu.memory_space<vmem_shared>>
        tpu.enqueue_indirect_dma source(%arg8 : memref<128xf32, #tpu.memory_space<vmem>>) target(%dma_start3A_948 : memref<1439424xf32, #tpu.memory_space<vmem_shared>>) offsets(%dma_start3A_946 : memref<128xi32, #tpu.memory_space<vmem>>) semaphore(%run_scoped3A : memref<!tpu.dma_semaphore, #tpu.memory_space<semaphore_mem>>) {add = true}
        %dma_wait3A = arith.constant 0 : i32
        %dma_wait3A_949 = tpu.memref_slice %arg7[%scan3A_944, %dma_wait3A] : memref<32x128xi32, #tpu.memory_space<vmem>> -> memref<1x128xi32, #tpu.memory_space<vmem>>
        %dma_wait3A_950 = tpu.memref_squeeze %dma_wait3A_949 : memref<1x128xi32, #tpu.memory_space<vmem>> -> memref<128xi32, #tpu.memory_space<vmem>>
        %dma_wait3A_951 = arith.constant 0 : i32
        %dma_wait3A_952 = tpu.memref_slice %arg6[%dma_wait3A_951] : memref<1439424xf32, #tpu.memory_space<vmem_shared>> -> memref<1439424xf32, #tpu.memory_space<vmem_shared>>
        tpu.wait_indirect_dma semaphore(%run_scoped3A : memref<!tpu.dma_semaphore, #tpu.memory_space<semaphore_mem>>) src(%arg8 : memref<128xf32, #tpu.memory_space<vmem>>) dst(%dma_wait3A_952 : memref<1439424xf32, #tpu.memory_space<vmem_shared>>)
        tpu.yield
      }) : () -> ()
    }
    %scan3A_553 = arith.constant 32 : i32
    %mul3A_554 = arith.constant 16 : i32
    %mul3A_555 = arith.muli %add3A_473, %mul3A_554 : i32
    %add3A_556 = arith.addi %mul3A_555, %arg1 : i32
    "tpu.region"() ({
      %run_scoped3A = tpu.sem_alloc : memref<!tpu.dma_semaphore, #tpu.memory_space<semaphore_mem>>
      %dma_start3A = arith.constant 96 : i32
      %dma_start3A_944 = arith.constant 0 : i32
      %dma_start3A_945 = tpu.memref_slice %arg2[%add3A_556, %dma_start3A, %dma_start3A_944] : memref<128x128x128xi32, #tpu.memory_space<hbm>> -> memref<1x32x128xi32, #tpu.memory_space<hbm>>
      %dma_start3A_946 = tpu.memref_squeeze %dma_start3A_945 : memref<1x32x128xi32, #tpu.memory_space<hbm>> -> memref<32x128xi32, #tpu.memory_space<hbm>>
      %dma_start3A_947 = arith.constant 96 : i32
      %dma_start3A_948 = arith.constant 0 : i32
      %dma_start3A_949 = tpu.memref_slice %arg2[%add3A_556, %dma_start3A_947, %dma_start3A_948] : memref<128x128x128xi32, #tpu.memory_space<hbm>> -> memref<1x32x128xi32, #tpu.memory_space<hbm>>
      %dma_start3A_950 = tpu.memref_squeeze %dma_start3A_949 : memref<1x32x128xi32, #tpu.memory_space<hbm>> -> memref<32x128xi32, #tpu.memory_space<hbm>>
      tpu.enqueue_dma source(%dma_start3A_950 : memref<32x128xi32, #tpu.memory_space<hbm>>) target(%arg7 : memref<32x128xi32, #tpu.memory_space<vmem>>) target_semaphore(%run_scoped3A : memref<!tpu.dma_semaphore, #tpu.memory_space<semaphore_mem>>)
      %dma_wait3A = arith.constant 96 : i32
      %dma_wait3A_951 = arith.constant 0 : i32
      %dma_wait3A_952 = tpu.memref_slice %arg2[%add3A_556, %dma_wait3A, %dma_wait3A_951] : memref<128x128x128xi32, #tpu.memory_space<hbm>> -> memref<1x32x128xi32, #tpu.memory_space<hbm>>
      %dma_wait3A_953 = tpu.memref_squeeze %dma_wait3A_952 : memref<1x32x128xi32, #tpu.memory_space<hbm>> -> memref<32x128xi32, #tpu.memory_space<hbm>>
      %dma_wait3A_954 = arith.constant 96 : i32
      %dma_wait3A_955 = arith.constant 0 : i32
      %dma_wait3A_956 = tpu.memref_slice %arg2[%add3A_556, %dma_wait3A_954, %dma_wait3A_955] : memref<128x128x128xi32, #tpu.memory_space<hbm>> -> memref<1x32x128xi32, #tpu.memory_space<hbm>>
      %dma_wait3A_957 = tpu.memref_squeeze %dma_wait3A_956 : memref<1x32x128xi32, #tpu.memory_space<hbm>> -> memref<32x128xi32, #tpu.memory_space<hbm>>
      tpu.wait_dma2 semaphore(%run_scoped3A : memref<!tpu.dma_semaphore, #tpu.memory_space<semaphore_mem>>) src(%dma_wait3A_957 : memref<32x128xi32, #tpu.memory_space<hbm>>) dst(%arg7 : memref<32x128xi32, #tpu.memory_space<vmem>>)
      tpu.yield
    }) : () -> ()
    %scan3A_557 = arith.constant 0 : i32
    %scan3A_558 = arith.constant 0 : i32
    %scan3A_559 = arith.constant 32 : i32
    %scan3A_560 = arith.addi %scan3A_558, %scan3A_559 : i32
    %scan3A_561 = arith.constant 1 : i32
    scf.for %scan3A_944 = %scan3A_558 to %scan3A_560 step %scan3A_561  : i32 {
      "tpu.region"() ({
        %run_scoped3A = tpu.sem_alloc : memref<!tpu.dma_semaphore, #tpu.memory_space<semaphore_mem>>
        %dma_start3A = arith.constant 0 : i32
        %dma_start3A_945 = tpu.memref_slice %arg7[%scan3A_944, %dma_start3A] : memref<32x128xi32, #tpu.memory_space<vmem>> -> memref<1x128xi32, #tpu.memory_space<vmem>>
        %dma_start3A_946 = tpu.memref_squeeze %dma_start3A_945 : memref<1x128xi32, #tpu.memory_space<vmem>> -> memref<128xi32, #tpu.memory_space<vmem>>
        %dma_start3A_947 = arith.constant 0 : i32
        %dma_start3A_948 = tpu.memref_slice %arg6[%dma_start3A_947] : memref<1439424xf32, #tpu.memory_space<vmem_shared>> -> memref<1439424xf32, #tpu.memory_space<vmem_shared>>
        tpu.enqueue_indirect_dma source(%arg8 : memref<128xf32, #tpu.memory_space<vmem>>) target(%dma_start3A_948 : memref<1439424xf32, #tpu.memory_space<vmem_shared>>) offsets(%dma_start3A_946 : memref<128xi32, #tpu.memory_space<vmem>>) semaphore(%run_scoped3A : memref<!tpu.dma_semaphore, #tpu.memory_space<semaphore_mem>>) {add = true}
        %dma_wait3A = arith.constant 0 : i32
        %dma_wait3A_949 = tpu.memref_slice %arg7[%scan3A_944, %dma_wait3A] : memref<32x128xi32, #tpu.memory_space<vmem>> -> memref<1x128xi32, #tpu.memory_space<vmem>>
        %dma_wait3A_950 = tpu.memref_squeeze %dma_wait3A_949 : memref<1x128xi32, #tpu.memory_space<vmem>> -> memref<128xi32, #tpu.memory_space<vmem>>
        %dma_wait3A_951 = arith.constant 0 : i32
        %dma_wait3A_952 = tpu.memref_slice %arg6[%dma_wait3A_951] : memref<1439424xf32, #tpu.memory_space<vmem_shared>> -> memref<1439424xf32, #tpu.memory_space<vmem_shared>>
        tpu.wait_indirect_dma semaphore(%run_scoped3A : memref<!tpu.dma_semaphore, #tpu.memory_space<semaphore_mem>>) src(%arg8 : memref<128xf32, #tpu.memory_space<vmem>>) dst(%dma_wait3A_952 : memref<1439424xf32, #tpu.memory_space<vmem_shared>>)
        tpu.yield
      }) : () -> ()
    }
    %scan3A_562 = arith.constant 32 : i32
    %barrier3A_563 = arith.constant 0 : index
    tpu.barrier barrier_id(%barrier3A_563)
    %mul3A_564 = arith.constant 89960 : i32
    %mul3A_565 = arith.muli %arg1, %mul3A_564 : i32
    %add3A_566 = arith.constant 0 : i32
    %add3A_567 = arith.addi %mul3A_565, %add3A_566 : i32
    "tpu.region"() ({
      %run_scoped3A = tpu.sem_alloc : memref<!tpu.dma_semaphore, #tpu.memory_space<semaphore_mem>>
      %dma_start3A = tpu.memref_slice %arg6[%add3A_567] : memref<1439424xf32, #tpu.memory_space<vmem_shared>> -> memref<6920xf32, #tpu.memory_space<vmem_shared>>
      %dma_start3A_944 = tpu.memref_slice %arg6[%add3A_567] : memref<1439424xf32, #tpu.memory_space<vmem_shared>> -> memref<6920xf32, #tpu.memory_space<vmem_shared>>
      tpu.enqueue_dma source(%dma_start3A_944 : memref<6920xf32, #tpu.memory_space<vmem_shared>>) target(%arg10 : memref<6920xf32, #tpu.memory_space<vmem>>) target_semaphore(%run_scoped3A : memref<!tpu.dma_semaphore, #tpu.memory_space<semaphore_mem>>)
      %dma_wait3A = tpu.memref_slice %arg6[%add3A_567] : memref<1439424xf32, #tpu.memory_space<vmem_shared>> -> memref<6920xf32, #tpu.memory_space<vmem_shared>>
      %dma_wait3A_945 = tpu.memref_slice %arg6[%add3A_567] : memref<1439424xf32, #tpu.memory_space<vmem_shared>> -> memref<6920xf32, #tpu.memory_space<vmem_shared>>
      tpu.wait_dma2 semaphore(%run_scoped3A : memref<!tpu.dma_semaphore, #tpu.memory_space<semaphore_mem>>) src(%dma_wait3A_945 : memref<6920xf32, #tpu.memory_space<vmem_shared>>) dst(%arg10 : memref<6920xf32, #tpu.memory_space<vmem>>)
      tpu.yield
    }) : () -> ()
    %mul3A_568 = arith.constant 16 : i32
    %mul3A_569 = arith.muli %add3A_473, %mul3A_568 : i32
    %add3A_570 = arith.addi %mul3A_569, %arg1 : i32
    %mul3A_571 = arith.constant 89960 : i32
    %mul3A_572 = arith.muli %add3A_570, %mul3A_571 : i32
    %add3A_573 = arith.constant 0 : i32
    %add3A_574 = arith.addi %mul3A_572, %add3A_573 : i32
    "tpu.region"() ({
      %run_scoped3A = tpu.sem_alloc : memref<!tpu.dma_semaphore, #tpu.memory_space<semaphore_mem>>
      %dma_start3A = tpu.memref_slice %arg5[%add3A_574] : memref<11514880xf32, #tpu.memory_space<hbm>> -> memref<6920xf32, #tpu.memory_space<hbm>>
      %dma_start3A_944 = tpu.memref_slice %arg5[%add3A_574] : memref<11514880xf32, #tpu.memory_space<hbm>> -> memref<6920xf32, #tpu.memory_space<hbm>>
      tpu.enqueue_dma source(%arg10 : memref<6920xf32, #tpu.memory_space<vmem>>) target(%dma_start3A_944 : memref<6920xf32, #tpu.memory_space<hbm>>) target_semaphore(%run_scoped3A : memref<!tpu.dma_semaphore, #tpu.memory_space<semaphore_mem>>)
      %dma_wait3A = tpu.memref_slice %arg5[%add3A_574] : memref<11514880xf32, #tpu.memory_space<hbm>> -> memref<6920xf32, #tpu.memory_space<hbm>>
      %dma_wait3A_945 = tpu.memref_slice %arg5[%add3A_574] : memref<11514880xf32, #tpu.memory_space<hbm>> -> memref<6920xf32, #tpu.memory_space<hbm>>
      tpu.wait_dma2 semaphore(%run_scoped3A : memref<!tpu.dma_semaphore, #tpu.memory_space<semaphore_mem>>) src(%arg10 : memref<6920xf32, #tpu.memory_space<vmem>>) dst(%dma_wait3A_945 : memref<6920xf32, #tpu.memory_space<hbm>>)
      tpu.yield
    }) : () -> ()
    %mul3A_575 = arith.constant 89960 : i32
    %mul3A_576 = arith.muli %arg1, %mul3A_575 : i32
    %add3A_577 = arith.constant 6920 : i32
    %add3A_578 = arith.addi %mul3A_576, %add3A_577 : i32
    "tpu.region"() ({
      %run_scoped3A = tpu.sem_alloc : memref<!tpu.dma_semaphore, #tpu.memory_space<semaphore_mem>>
      %dma_start3A = tpu.memref_slice %arg6[%add3A_578] : memref<1439424xf32, #tpu.memory_space<vmem_shared>> -> memref<6920xf32, #tpu.memory_space<vmem_shared>>
      %dma_start3A_944 = tpu.memref_slice %arg6[%add3A_578] : memref<1439424xf32, #tpu.memory_space<vmem_shared>> -> memref<6920xf32, #tpu.memory_space<vmem_shared>>
      tpu.enqueue_dma source(%dma_start3A_944 : memref<6920xf32, #tpu.memory_space<vmem_shared>>) target(%arg10 : memref<6920xf32, #tpu.memory_space<vmem>>) target_semaphore(%run_scoped3A : memref<!tpu.dma_semaphore, #tpu.memory_space<semaphore_mem>>)
      %dma_wait3A = tpu.memref_slice %arg6[%add3A_578] : memref<1439424xf32, #tpu.memory_space<vmem_shared>> -> memref<6920xf32, #tpu.memory_space<vmem_shared>>
      %dma_wait3A_945 = tpu.memref_slice %arg6[%add3A_578] : memref<1439424xf32, #tpu.memory_space<vmem_shared>> -> memref<6920xf32, #tpu.memory_space<vmem_shared>>
      tpu.wait_dma2 semaphore(%run_scoped3A : memref<!tpu.dma_semaphore, #tpu.memory_space<semaphore_mem>>) src(%dma_wait3A_945 : memref<6920xf32, #tpu.memory_space<vmem_shared>>) dst(%arg10 : memref<6920xf32, #tpu.memory_space<vmem>>)
      tpu.yield
    }) : () -> ()
    %mul3A_579 = arith.constant 16 : i32
    %mul3A_580 = arith.muli %add3A_473, %mul3A_579 : i32
    %add3A_581 = arith.addi %mul3A_580, %arg1 : i32
    %mul3A_582 = arith.constant 89960 : i32
    %mul3A_583 = arith.muli %add3A_581, %mul3A_582 : i32
    %add3A_584 = arith.constant 6920 : i32
    %add3A_585 = arith.addi %mul3A_583, %add3A_584 : i32
    "tpu.region"() ({
      %run_scoped3A = tpu.sem_alloc : memref<!tpu.dma_semaphore, #tpu.memory_space<semaphore_mem>>
      %dma_start3A = tpu.memref_slice %arg5[%add3A_585] : memref<11514880xf32, #tpu.memory_space<hbm>> -> memref<6920xf32, #tpu.memory_space<hbm>>
      %dma_start3A_944 = tpu.memref_slice %arg5[%add3A_585] : memref<11514880xf32, #tpu.memory_space<hbm>> -> memref<6920xf32, #tpu.memory_space<hbm>>
      tpu.enqueue_dma source(%arg10 : memref<6920xf32, #tpu.memory_space<vmem>>) target(%dma_start3A_944 : memref<6920xf32, #tpu.memory_space<hbm>>) target_semaphore(%run_scoped3A : memref<!tpu.dma_semaphore, #tpu.memory_space<semaphore_mem>>)
      %dma_wait3A = tpu.memref_slice %arg5[%add3A_585] : memref<11514880xf32, #tpu.memory_space<hbm>> -> memref<6920xf32, #tpu.memory_space<hbm>>
      %dma_wait3A_945 = tpu.memref_slice %arg5[%add3A_585] : memref<11514880xf32, #tpu.memory_space<hbm>> -> memref<6920xf32, #tpu.memory_space<hbm>>
      tpu.wait_dma2 semaphore(%run_scoped3A : memref<!tpu.dma_semaphore, #tpu.memory_space<semaphore_mem>>) src(%arg10 : memref<6920xf32, #tpu.memory_space<vmem>>) dst(%dma_wait3A_945 : memref<6920xf32, #tpu.memory_space<hbm>>)
      tpu.yield
    }) : () -> ()
    %mul3A_586 = arith.constant 89960 : i32
    %mul3A_587 = arith.muli %arg1, %mul3A_586 : i32
    %add3A_588 = arith.constant 13840 : i32
    %add3A_589 = arith.addi %mul3A_587, %add3A_588 : i32
    "tpu.region"() ({
      %run_scoped3A = tpu.sem_alloc : memref<!tpu.dma_semaphore, #tpu.memory_space<semaphore_mem>>
      %dma_start3A = tpu.memref_slice %arg6[%add3A_589] : memref<1439424xf32, #tpu.memory_space<vmem_shared>> -> memref<6920xf32, #tpu.memory_space<vmem_shared>>
      %dma_start3A_944 = tpu.memref_slice %arg6[%add3A_589] : memref<1439424xf32, #tpu.memory_space<vmem_shared>> -> memref<6920xf32, #tpu.memory_space<vmem_shared>>
      tpu.enqueue_dma source(%dma_start3A_944 : memref<6920xf32, #tpu.memory_space<vmem_shared>>) target(%arg10 : memref<6920xf32, #tpu.memory_space<vmem>>) target_semaphore(%run_scoped3A : memref<!tpu.dma_semaphore, #tpu.memory_space<semaphore_mem>>)
      %dma_wait3A = tpu.memref_slice %arg6[%add3A_589] : memref<1439424xf32, #tpu.memory_space<vmem_shared>> -> memref<6920xf32, #tpu.memory_space<vmem_shared>>
      %dma_wait3A_945 = tpu.memref_slice %arg6[%add3A_589] : memref<1439424xf32, #tpu.memory_space<vmem_shared>> -> memref<6920xf32, #tpu.memory_space<vmem_shared>>
      tpu.wait_dma2 semaphore(%run_scoped3A : memref<!tpu.dma_semaphore, #tpu.memory_space<semaphore_mem>>) src(%dma_wait3A_945 : memref<6920xf32, #tpu.memory_space<vmem_shared>>) dst(%arg10 : memref<6920xf32, #tpu.memory_space<vmem>>)
      tpu.yield
    }) : () -> ()
    %mul3A_590 = arith.constant 16 : i32
    %mul3A_591 = arith.muli %add3A_473, %mul3A_590 : i32
    %add3A_592 = arith.addi %mul3A_591, %arg1 : i32
    %mul3A_593 = arith.constant 89960 : i32
    %mul3A_594 = arith.muli %add3A_592, %mul3A_593 : i32
    %add3A_595 = arith.constant 13840 : i32
    %add3A_596 = arith.addi %mul3A_594, %add3A_595 : i32
    "tpu.region"() ({
      %run_scoped3A = tpu.sem_alloc : memref<!tpu.dma_semaphore, #tpu.memory_space<semaphore_mem>>
      %dma_start3A = tpu.memref_slice %arg5[%add3A_596] : memref<11514880xf32, #tpu.memory_space<hbm>> -> memref<6920xf32, #tpu.memory_space<hbm>>
      %dma_start3A_944 = tpu.memref_slice %arg5[%add3A_596] : memref<11514880xf32, #tpu.memory_space<hbm>> -> memref<6920xf32, #tpu.memory_space<hbm>>
      tpu.enqueue_dma source(%arg10 : memref<6920xf32, #tpu.memory_space<vmem>>) target(%dma_start3A_944 : memref<6920xf32, #tpu.memory_space<hbm>>) target_semaphore(%run_scoped3A : memref<!tpu.dma_semaphore, #tpu.memory_space<semaphore_mem>>)
      %dma_wait3A = tpu.memref_slice %arg5[%add3A_596] : memref<11514880xf32, #tpu.memory_space<hbm>> -> memref<6920xf32, #tpu.memory_space<hbm>>
      %dma_wait3A_945 = tpu.memref_slice %arg5[%add3A_596] : memref<11514880xf32, #tpu.memory_space<hbm>> -> memref<6920xf32, #tpu.memory_space<hbm>>
      tpu.wait_dma2 semaphore(%run_scoped3A : memref<!tpu.dma_semaphore, #tpu.memory_space<semaphore_mem>>) src(%arg10 : memref<6920xf32, #tpu.memory_space<vmem>>) dst(%dma_wait3A_945 : memref<6920xf32, #tpu.memory_space<hbm>>)
      tpu.yield
    }) : () -> ()
    %mul3A_597 = arith.constant 89960 : i32
    %mul3A_598 = arith.muli %arg1, %mul3A_597 : i32
    %add3A_599 = arith.constant 20760 : i32
    %add3A_600 = arith.addi %mul3A_598, %add3A_599 : i32
    "tpu.region"() ({
      %run_scoped3A = tpu.sem_alloc : memref<!tpu.dma_semaphore, #tpu.memory_space<semaphore_mem>>
      %dma_start3A = tpu.memref_slice %arg6[%add3A_600] : memref<1439424xf32, #tpu.memory_space<vmem_shared>> -> memref<6920xf32, #tpu.memory_space<vmem_shared>>
      %dma_start3A_944 = tpu.memref_slice %arg6[%add3A_600] : memref<1439424xf32, #tpu.memory_space<vmem_shared>> -> memref<6920xf32, #tpu.memory_space<vmem_shared>>
      tpu.enqueue_dma source(%dma_start3A_944 : memref<6920xf32, #tpu.memory_space<vmem_shared>>) target(%arg10 : memref<6920xf32, #tpu.memory_space<vmem>>) target_semaphore(%run_scoped3A : memref<!tpu.dma_semaphore, #tpu.memory_space<semaphore_mem>>)
      %dma_wait3A = tpu.memref_slice %arg6[%add3A_600] : memref<1439424xf32, #tpu.memory_space<vmem_shared>> -> memref<6920xf32, #tpu.memory_space<vmem_shared>>
      %dma_wait3A_945 = tpu.memref_slice %arg6[%add3A_600] : memref<1439424xf32, #tpu.memory_space<vmem_shared>> -> memref<6920xf32, #tpu.memory_space<vmem_shared>>
      tpu.wait_dma2 semaphore(%run_scoped3A : memref<!tpu.dma_semaphore, #tpu.memory_space<semaphore_mem>>) src(%dma_wait3A_945 : memref<6920xf32, #tpu.memory_space<vmem_shared>>) dst(%arg10 : memref<6920xf32, #tpu.memory_space<vmem>>)
      tpu.yield
    }) : () -> ()
    %mul3A_601 = arith.constant 16 : i32
    %mul3A_602 = arith.muli %add3A_473, %mul3A_601 : i32
    %add3A_603 = arith.addi %mul3A_602, %arg1 : i32
    %mul3A_604 = arith.constant 89960 : i32
    %mul3A_605 = arith.muli %add3A_603, %mul3A_604 : i32
    %add3A_606 = arith.constant 20760 : i32
    %add3A_607 = arith.addi %mul3A_605, %add3A_606 : i32
    "tpu.region"() ({
      %run_scoped3A = tpu.sem_alloc : memref<!tpu.dma_semaphore, #tpu.memory_space<semaphore_mem>>
      %dma_start3A = tpu.memref_slice %arg5[%add3A_607] : memref<11514880xf32, #tpu.memory_space<hbm>> -> memref<6920xf32, #tpu.memory_space<hbm>>
      %dma_start3A_944 = tpu.memref_slice %arg5[%add3A_607] : memref<11514880xf32, #tpu.memory_space<hbm>> -> memref<6920xf32, #tpu.memory_space<hbm>>
      tpu.enqueue_dma source(%arg10 : memref<6920xf32, #tpu.memory_space<vmem>>) target(%dma_start3A_944 : memref<6920xf32, #tpu.memory_space<hbm>>) target_semaphore(%run_scoped3A : memref<!tpu.dma_semaphore, #tpu.memory_space<semaphore_mem>>)
      %dma_wait3A = tpu.memref_slice %arg5[%add3A_607] : memref<11514880xf32, #tpu.memory_space<hbm>> -> memref<6920xf32, #tpu.memory_space<hbm>>
      %dma_wait3A_945 = tpu.memref_slice %arg5[%add3A_607] : memref<11514880xf32, #tpu.memory_space<hbm>> -> memref<6920xf32, #tpu.memory_space<hbm>>
      tpu.wait_dma2 semaphore(%run_scoped3A : memref<!tpu.dma_semaphore, #tpu.memory_space<semaphore_mem>>) src(%arg10 : memref<6920xf32, #tpu.memory_space<vmem>>) dst(%dma_wait3A_945 : memref<6920xf32, #tpu.memory_space<hbm>>)
      tpu.yield
    }) : () -> ()
    %mul3A_608 = arith.constant 89960 : i32
    %mul3A_609 = arith.muli %arg1, %mul3A_608 : i32
    %add3A_610 = arith.constant 27680 : i32
    %add3A_611 = arith.addi %mul3A_609, %add3A_610 : i32
    "tpu.region"() ({
      %run_scoped3A = tpu.sem_alloc : memref<!tpu.dma_semaphore, #tpu.memory_space<semaphore_mem>>
      %dma_start3A = tpu.memref_slice %arg6[%add3A_611] : memref<1439424xf32, #tpu.memory_space<vmem_shared>> -> memref<6920xf32, #tpu.memory_space<vmem_shared>>
      %dma_start3A_944 = tpu.memref_slice %arg6[%add3A_611] : memref<1439424xf32, #tpu.memory_space<vmem_shared>> -> memref<6920xf32, #tpu.memory_space<vmem_shared>>
      tpu.enqueue_dma source(%dma_start3A_944 : memref<6920xf32, #tpu.memory_space<vmem_shared>>) target(%arg10 : memref<6920xf32, #tpu.memory_space<vmem>>) target_semaphore(%run_scoped3A : memref<!tpu.dma_semaphore, #tpu.memory_space<semaphore_mem>>)
      %dma_wait3A = tpu.memref_slice %arg6[%add3A_611] : memref<1439424xf32, #tpu.memory_space<vmem_shared>> -> memref<6920xf32, #tpu.memory_space<vmem_shared>>
      %dma_wait3A_945 = tpu.memref_slice %arg6[%add3A_611] : memref<1439424xf32, #tpu.memory_space<vmem_shared>> -> memref<6920xf32, #tpu.memory_space<vmem_shared>>
      tpu.wait_dma2 semaphore(%run_scoped3A : memref<!tpu.dma_semaphore, #tpu.memory_space<semaphore_mem>>) src(%dma_wait3A_945 : memref<6920xf32, #tpu.memory_space<vmem_shared>>) dst(%arg10 : memref<6920xf32, #tpu.memory_space<vmem>>)
      tpu.yield
    }) : () -> ()
    %mul3A_612 = arith.constant 16 : i32
    %mul3A_613 = arith.muli %add3A_473, %mul3A_612 : i32
    %add3A_614 = arith.addi %mul3A_613, %arg1 : i32
    %mul3A_615 = arith.constant 89960 : i32
    %mul3A_616 = arith.muli %add3A_614, %mul3A_615 : i32
    %add3A_617 = arith.constant 27680 : i32
    %add3A_618 = arith.addi %mul3A_616, %add3A_617 : i32
    "tpu.region"() ({
      %run_scoped3A = tpu.sem_alloc : memref<!tpu.dma_semaphore, #tpu.memory_space<semaphore_mem>>
      %dma_start3A = tpu.memref_slice %arg5[%add3A_618] : memref<11514880xf32, #tpu.memory_space<hbm>> -> memref<6920xf32, #tpu.memory_space<hbm>>
      %dma_start3A_944 = tpu.memref_slice %arg5[%add3A_618] : memref<11514880xf32, #tpu.memory_space<hbm>> -> memref<6920xf32, #tpu.memory_space<hbm>>
      tpu.enqueue_dma source(%arg10 : memref<6920xf32, #tpu.memory_space<vmem>>) target(%dma_start3A_944 : memref<6920xf32, #tpu.memory_space<hbm>>) target_semaphore(%run_scoped3A : memref<!tpu.dma_semaphore, #tpu.memory_space<semaphore_mem>>)
      %dma_wait3A = tpu.memref_slice %arg5[%add3A_618] : memref<11514880xf32, #tpu.memory_space<hbm>> -> memref<6920xf32, #tpu.memory_space<hbm>>
      %dma_wait3A_945 = tpu.memref_slice %arg5[%add3A_618] : memref<11514880xf32, #tpu.memory_space<hbm>> -> memref<6920xf32, #tpu.memory_space<hbm>>
      tpu.wait_dma2 semaphore(%run_scoped3A : memref<!tpu.dma_semaphore, #tpu.memory_space<semaphore_mem>>) src(%arg10 : memref<6920xf32, #tpu.memory_space<vmem>>) dst(%dma_wait3A_945 : memref<6920xf32, #tpu.memory_space<hbm>>)
      tpu.yield
    }) : () -> ()
    %mul3A_619 = arith.constant 89960 : i32
    %mul3A_620 = arith.muli %arg1, %mul3A_619 : i32
    %add3A_621 = arith.constant 34600 : i32
    %add3A_622 = arith.addi %mul3A_620, %add3A_621 : i32
    "tpu.region"() ({
      %run_scoped3A = tpu.sem_alloc : memref<!tpu.dma_semaphore, #tpu.memory_space<semaphore_mem>>
      %dma_start3A = tpu.memref_slice %arg6[%add3A_622] : memref<1439424xf32, #tpu.memory_space<vmem_shared>> -> memref<6920xf32, #tpu.memory_space<vmem_shared>>
      %dma_start3A_944 = tpu.memref_slice %arg6[%add3A_622] : memref<1439424xf32, #tpu.memory_space<vmem_shared>> -> memref<6920xf32, #tpu.memory_space<vmem_shared>>
      tpu.enqueue_dma source(%dma_start3A_944 : memref<6920xf32, #tpu.memory_space<vmem_shared>>) target(%arg10 : memref<6920xf32, #tpu.memory_space<vmem>>) target_semaphore(%run_scoped3A : memref<!tpu.dma_semaphore, #tpu.memory_space<semaphore_mem>>)
      %dma_wait3A = tpu.memref_slice %arg6[%add3A_622] : memref<1439424xf32, #tpu.memory_space<vmem_shared>> -> memref<6920xf32, #tpu.memory_space<vmem_shared>>
      %dma_wait3A_945 = tpu.memref_slice %arg6[%add3A_622] : memref<1439424xf32, #tpu.memory_space<vmem_shared>> -> memref<6920xf32, #tpu.memory_space<vmem_shared>>
      tpu.wait_dma2 semaphore(%run_scoped3A : memref<!tpu.dma_semaphore, #tpu.memory_space<semaphore_mem>>) src(%dma_wait3A_945 : memref<6920xf32, #tpu.memory_space<vmem_shared>>) dst(%arg10 : memref<6920xf32, #tpu.memory_space<vmem>>)
      tpu.yield
    }) : () -> ()
    %mul3A_623 = arith.constant 16 : i32
    %mul3A_624 = arith.muli %add3A_473, %mul3A_623 : i32
    %add3A_625 = arith.addi %mul3A_624, %arg1 : i32
    %mul3A_626 = arith.constant 89960 : i32
    %mul3A_627 = arith.muli %add3A_625, %mul3A_626 : i32
    %add3A_628 = arith.constant 34600 : i32
    %add3A_629 = arith.addi %mul3A_627, %add3A_628 : i32
    "tpu.region"() ({
      %run_scoped3A = tpu.sem_alloc : memref<!tpu.dma_semaphore, #tpu.memory_space<semaphore_mem>>
      %dma_start3A = tpu.memref_slice %arg5[%add3A_629] : memref<11514880xf32, #tpu.memory_space<hbm>> -> memref<6920xf32, #tpu.memory_space<hbm>>
      %dma_start3A_944 = tpu.memref_slice %arg5[%add3A_629] : memref<11514880xf32, #tpu.memory_space<hbm>> -> memref<6920xf32, #tpu.memory_space<hbm>>
      tpu.enqueue_dma source(%arg10 : memref<6920xf32, #tpu.memory_space<vmem>>) target(%dma_start3A_944 : memref<6920xf32, #tpu.memory_space<hbm>>) target_semaphore(%run_scoped3A : memref<!tpu.dma_semaphore, #tpu.memory_space<semaphore_mem>>)
      %dma_wait3A = tpu.memref_slice %arg5[%add3A_629] : memref<11514880xf32, #tpu.memory_space<hbm>> -> memref<6920xf32, #tpu.memory_space<hbm>>
      %dma_wait3A_945 = tpu.memref_slice %arg5[%add3A_629] : memref<11514880xf32, #tpu.memory_space<hbm>> -> memref<6920xf32, #tpu.memory_space<hbm>>
      tpu.wait_dma2 semaphore(%run_scoped3A : memref<!tpu.dma_semaphore, #tpu.memory_space<semaphore_mem>>) src(%arg10 : memref<6920xf32, #tpu.memory_space<vmem>>) dst(%dma_wait3A_945 : memref<6920xf32, #tpu.memory_space<hbm>>)
      tpu.yield
    }) : () -> ()
    %mul3A_630 = arith.constant 89960 : i32
    %mul3A_631 = arith.muli %arg1, %mul3A_630 : i32
    %add3A_632 = arith.constant 41520 : i32
    %add3A_633 = arith.addi %mul3A_631, %add3A_632 : i32
    "tpu.region"() ({
      %run_scoped3A = tpu.sem_alloc : memref<!tpu.dma_semaphore, #tpu.memory_space<semaphore_mem>>
      %dma_start3A = tpu.memref_slice %arg6[%add3A_633] : memref<1439424xf32, #tpu.memory_space<vmem_shared>> -> memref<6920xf32, #tpu.memory_space<vmem_shared>>
      %dma_start3A_944 = tpu.memref_slice %arg6[%add3A_633] : memref<1439424xf32, #tpu.memory_space<vmem_shared>> -> memref<6920xf32, #tpu.memory_space<vmem_shared>>
      tpu.enqueue_dma source(%dma_start3A_944 : memref<6920xf32, #tpu.memory_space<vmem_shared>>) target(%arg10 : memref<6920xf32, #tpu.memory_space<vmem>>) target_semaphore(%run_scoped3A : memref<!tpu.dma_semaphore, #tpu.memory_space<semaphore_mem>>)
      %dma_wait3A = tpu.memref_slice %arg6[%add3A_633] : memref<1439424xf32, #tpu.memory_space<vmem_shared>> -> memref<6920xf32, #tpu.memory_space<vmem_shared>>
      %dma_wait3A_945 = tpu.memref_slice %arg6[%add3A_633] : memref<1439424xf32, #tpu.memory_space<vmem_shared>> -> memref<6920xf32, #tpu.memory_space<vmem_shared>>
      tpu.wait_dma2 semaphore(%run_scoped3A : memref<!tpu.dma_semaphore, #tpu.memory_space<semaphore_mem>>) src(%dma_wait3A_945 : memref<6920xf32, #tpu.memory_space<vmem_shared>>) dst(%arg10 : memref<6920xf32, #tpu.memory_space<vmem>>)
      tpu.yield
    }) : () -> ()
    %mul3A_634 = arith.constant 16 : i32
    %mul3A_635 = arith.muli %add3A_473, %mul3A_634 : i32
    %add3A_636 = arith.addi %mul3A_635, %arg1 : i32
    %mul3A_637 = arith.constant 89960 : i32
    %mul3A_638 = arith.muli %add3A_636, %mul3A_637 : i32
    %add3A_639 = arith.constant 41520 : i32
    %add3A_640 = arith.addi %mul3A_638, %add3A_639 : i32
    "tpu.region"() ({
      %run_scoped3A = tpu.sem_alloc : memref<!tpu.dma_semaphore, #tpu.memory_space<semaphore_mem>>
      %dma_start3A = tpu.memref_slice %arg5[%add3A_640] : memref<11514880xf32, #tpu.memory_space<hbm>> -> memref<6920xf32, #tpu.memory_space<hbm>>
      %dma_start3A_944 = tpu.memref_slice %arg5[%add3A_640] : memref<11514880xf32, #tpu.memory_space<hbm>> -> memref<6920xf32, #tpu.memory_space<hbm>>
      tpu.enqueue_dma source(%arg10 : memref<6920xf32, #tpu.memory_space<vmem>>) target(%dma_start3A_944 : memref<6920xf32, #tpu.memory_space<hbm>>) target_semaphore(%run_scoped3A : memref<!tpu.dma_semaphore, #tpu.memory_space<semaphore_mem>>)
      %dma_wait3A = tpu.memref_slice %arg5[%add3A_640] : memref<11514880xf32, #tpu.memory_space<hbm>> -> memref<6920xf32, #tpu.memory_space<hbm>>
      %dma_wait3A_945 = tpu.memref_slice %arg5[%add3A_640] : memref<11514880xf32, #tpu.memory_space<hbm>> -> memref<6920xf32, #tpu.memory_space<hbm>>
      tpu.wait_dma2 semaphore(%run_scoped3A : memref<!tpu.dma_semaphore, #tpu.memory_space<semaphore_mem>>) src(%arg10 : memref<6920xf32, #tpu.memory_space<vmem>>) dst(%dma_wait3A_945 : memref<6920xf32, #tpu.memory_space<hbm>>)
      tpu.yield
    }) : () -> ()
    %mul3A_641 = arith.constant 89960 : i32
    %mul3A_642 = arith.muli %arg1, %mul3A_641 : i32
    %add3A_643 = arith.constant 48440 : i32
    %add3A_644 = arith.addi %mul3A_642, %add3A_643 : i32
    "tpu.region"() ({
      %run_scoped3A = tpu.sem_alloc : memref<!tpu.dma_semaphore, #tpu.memory_space<semaphore_mem>>
      %dma_start3A = tpu.memref_slice %arg6[%add3A_644] : memref<1439424xf32, #tpu.memory_space<vmem_shared>> -> memref<6920xf32, #tpu.memory_space<vmem_shared>>
      %dma_start3A_944 = tpu.memref_slice %arg6[%add3A_644] : memref<1439424xf32, #tpu.memory_space<vmem_shared>> -> memref<6920xf32, #tpu.memory_space<vmem_shared>>
      tpu.enqueue_dma source(%dma_start3A_944 : memref<6920xf32, #tpu.memory_space<vmem_shared>>) target(%arg10 : memref<6920xf32, #tpu.memory_space<vmem>>) target_semaphore(%run_scoped3A : memref<!tpu.dma_semaphore, #tpu.memory_space<semaphore_mem>>)
      %dma_wait3A = tpu.memref_slice %arg6[%add3A_644] : memref<1439424xf32, #tpu.memory_space<vmem_shared>> -> memref<6920xf32, #tpu.memory_space<vmem_shared>>
      %dma_wait3A_945 = tpu.memref_slice %arg6[%add3A_644] : memref<1439424xf32, #tpu.memory_space<vmem_shared>> -> memref<6920xf32, #tpu.memory_space<vmem_shared>>
      tpu.wait_dma2 semaphore(%run_scoped3A : memref<!tpu.dma_semaphore, #tpu.memory_space<semaphore_mem>>) src(%dma_wait3A_945 : memref<6920xf32, #tpu.memory_space<vmem_shared>>) dst(%arg10 : memref<6920xf32, #tpu.memory_space<vmem>>)
      tpu.yield
    }) : () -> ()
    %mul3A_645 = arith.constant 16 : i32
    %mul3A_646 = arith.muli %add3A_473, %mul3A_645 : i32
    %add3A_647 = arith.addi %mul3A_646, %arg1 : i32
    %mul3A_648 = arith.constant 89960 : i32
    %mul3A_649 = arith.muli %add3A_647, %mul3A_648 : i32
    %add3A_650 = arith.constant 48440 : i32
    %add3A_651 = arith.addi %mul3A_649, %add3A_650 : i32
    "tpu.region"() ({
      %run_scoped3A = tpu.sem_alloc : memref<!tpu.dma_semaphore, #tpu.memory_space<semaphore_mem>>
      %dma_start3A = tpu.memref_slice %arg5[%add3A_651] : memref<11514880xf32, #tpu.memory_space<hbm>> -> memref<6920xf32, #tpu.memory_space<hbm>>
      %dma_start3A_944 = tpu.memref_slice %arg5[%add3A_651] : memref<11514880xf32, #tpu.memory_space<hbm>> -> memref<6920xf32, #tpu.memory_space<hbm>>
      tpu.enqueue_dma source(%arg10 : memref<6920xf32, #tpu.memory_space<vmem>>) target(%dma_start3A_944 : memref<6920xf32, #tpu.memory_space<hbm>>) target_semaphore(%run_scoped3A : memref<!tpu.dma_semaphore, #tpu.memory_space<semaphore_mem>>)
      %dma_wait3A = tpu.memref_slice %arg5[%add3A_651] : memref<11514880xf32, #tpu.memory_space<hbm>> -> memref<6920xf32, #tpu.memory_space<hbm>>
      %dma_wait3A_945 = tpu.memref_slice %arg5[%add3A_651] : memref<11514880xf32, #tpu.memory_space<hbm>> -> memref<6920xf32, #tpu.memory_space<hbm>>
      tpu.wait_dma2 semaphore(%run_scoped3A : memref<!tpu.dma_semaphore, #tpu.memory_space<semaphore_mem>>) src(%arg10 : memref<6920xf32, #tpu.memory_space<vmem>>) dst(%dma_wait3A_945 : memref<6920xf32, #tpu.memory_space<hbm>>)
      tpu.yield
    }) : () -> ()
    %mul3A_652 = arith.constant 89960 : i32
    %mul3A_653 = arith.muli %arg1, %mul3A_652 : i32
    %add3A_654 = arith.constant 55360 : i32
    %add3A_655 = arith.addi %mul3A_653, %add3A_654 : i32
    "tpu.region"() ({
      %run_scoped3A = tpu.sem_alloc : memref<!tpu.dma_semaphore, #tpu.memory_space<semaphore_mem>>
      %dma_start3A = tpu.memref_slice %arg6[%add3A_655] : memref<1439424xf32, #tpu.memory_space<vmem_shared>> -> memref<6920xf32, #tpu.memory_space<vmem_shared>>
      %dma_start3A_944 = tpu.memref_slice %arg6[%add3A_655] : memref<1439424xf32, #tpu.memory_space<vmem_shared>> -> memref<6920xf32, #tpu.memory_space<vmem_shared>>
      tpu.enqueue_dma source(%dma_start3A_944 : memref<6920xf32, #tpu.memory_space<vmem_shared>>) target(%arg10 : memref<6920xf32, #tpu.memory_space<vmem>>) target_semaphore(%run_scoped3A : memref<!tpu.dma_semaphore, #tpu.memory_space<semaphore_mem>>)
      %dma_wait3A = tpu.memref_slice %arg6[%add3A_655] : memref<1439424xf32, #tpu.memory_space<vmem_shared>> -> memref<6920xf32, #tpu.memory_space<vmem_shared>>
      %dma_wait3A_945 = tpu.memref_slice %arg6[%add3A_655] : memref<1439424xf32, #tpu.memory_space<vmem_shared>> -> memref<6920xf32, #tpu.memory_space<vmem_shared>>
      tpu.wait_dma2 semaphore(%run_scoped3A : memref<!tpu.dma_semaphore, #tpu.memory_space<semaphore_mem>>) src(%dma_wait3A_945 : memref<6920xf32, #tpu.memory_space<vmem_shared>>) dst(%arg10 : memref<6920xf32, #tpu.memory_space<vmem>>)
      tpu.yield
    }) : () -> ()
    %mul3A_656 = arith.constant 16 : i32
    %mul3A_657 = arith.muli %add3A_473, %mul3A_656 : i32
    %add3A_658 = arith.addi %mul3A_657, %arg1 : i32
    %mul3A_659 = arith.constant 89960 : i32
    %mul3A_660 = arith.muli %add3A_658, %mul3A_659 : i32
    %add3A_661 = arith.constant 55360 : i32
    %add3A_662 = arith.addi %mul3A_660, %add3A_661 : i32
    "tpu.region"() ({
      %run_scoped3A = tpu.sem_alloc : memref<!tpu.dma_semaphore, #tpu.memory_space<semaphore_mem>>
      %dma_start3A = tpu.memref_slice %arg5[%add3A_662] : memref<11514880xf32, #tpu.memory_space<hbm>> -> memref<6920xf32, #tpu.memory_space<hbm>>
      %dma_start3A_944 = tpu.memref_slice %arg5[%add3A_662] : memref<11514880xf32, #tpu.memory_space<hbm>> -> memref<6920xf32, #tpu.memory_space<hbm>>
      tpu.enqueue_dma source(%arg10 : memref<6920xf32, #tpu.memory_space<vmem>>) target(%dma_start3A_944 : memref<6920xf32, #tpu.memory_space<hbm>>) target_semaphore(%run_scoped3A : memref<!tpu.dma_semaphore, #tpu.memory_space<semaphore_mem>>)
      %dma_wait3A = tpu.memref_slice %arg5[%add3A_662] : memref<11514880xf32, #tpu.memory_space<hbm>> -> memref<6920xf32, #tpu.memory_space<hbm>>
      %dma_wait3A_945 = tpu.memref_slice %arg5[%add3A_662] : memref<11514880xf32, #tpu.memory_space<hbm>> -> memref<6920xf32, #tpu.memory_space<hbm>>
      tpu.wait_dma2 semaphore(%run_scoped3A : memref<!tpu.dma_semaphore, #tpu.memory_space<semaphore_mem>>) src(%arg10 : memref<6920xf32, #tpu.memory_space<vmem>>) dst(%dma_wait3A_945 : memref<6920xf32, #tpu.memory_space<hbm>>)
      tpu.yield
    }) : () -> ()
    %mul3A_663 = arith.constant 89960 : i32
    %mul3A_664 = arith.muli %arg1, %mul3A_663 : i32
    %add3A_665 = arith.constant 62280 : i32
    %add3A_666 = arith.addi %mul3A_664, %add3A_665 : i32
    "tpu.region"() ({
      %run_scoped3A = tpu.sem_alloc : memref<!tpu.dma_semaphore, #tpu.memory_space<semaphore_mem>>
      %dma_start3A = tpu.memref_slice %arg6[%add3A_666] : memref<1439424xf32, #tpu.memory_space<vmem_shared>> -> memref<6920xf32, #tpu.memory_space<vmem_shared>>
      %dma_start3A_944 = tpu.memref_slice %arg6[%add3A_666] : memref<1439424xf32, #tpu.memory_space<vmem_shared>> -> memref<6920xf32, #tpu.memory_space<vmem_shared>>
      tpu.enqueue_dma source(%dma_start3A_944 : memref<6920xf32, #tpu.memory_space<vmem_shared>>) target(%arg10 : memref<6920xf32, #tpu.memory_space<vmem>>) target_semaphore(%run_scoped3A : memref<!tpu.dma_semaphore, #tpu.memory_space<semaphore_mem>>)
      %dma_wait3A = tpu.memref_slice %arg6[%add3A_666] : memref<1439424xf32, #tpu.memory_space<vmem_shared>> -> memref<6920xf32, #tpu.memory_space<vmem_shared>>
      %dma_wait3A_945 = tpu.memref_slice %arg6[%add3A_666] : memref<1439424xf32, #tpu.memory_space<vmem_shared>> -> memref<6920xf32, #tpu.memory_space<vmem_shared>>
      tpu.wait_dma2 semaphore(%run_scoped3A : memref<!tpu.dma_semaphore, #tpu.memory_space<semaphore_mem>>) src(%dma_wait3A_945 : memref<6920xf32, #tpu.memory_space<vmem_shared>>) dst(%arg10 : memref<6920xf32, #tpu.memory_space<vmem>>)
      tpu.yield
    }) : () -> ()
    %mul3A_667 = arith.constant 16 : i32
    %mul3A_668 = arith.muli %add3A_473, %mul3A_667 : i32
    %add3A_669 = arith.addi %mul3A_668, %arg1 : i32
    %mul3A_670 = arith.constant 89960 : i32
    %mul3A_671 = arith.muli %add3A_669, %mul3A_670 : i32
    %add3A_672 = arith.constant 62280 : i32
    %add3A_673 = arith.addi %mul3A_671, %add3A_672 : i32
    "tpu.region"() ({
      %run_scoped3A = tpu.sem_alloc : memref<!tpu.dma_semaphore, #tpu.memory_space<semaphore_mem>>
      %dma_start3A = tpu.memref_slice %arg5[%add3A_673] : memref<11514880xf32, #tpu.memory_space<hbm>> -> memref<6920xf32, #tpu.memory_space<hbm>>
      %dma_start3A_944 = tpu.memref_slice %arg5[%add3A_673] : memref<11514880xf32, #tpu.memory_space<hbm>> -> memref<6920xf32, #tpu.memory_space<hbm>>
      tpu.enqueue_dma source(%arg10 : memref<6920xf32, #tpu.memory_space<vmem>>) target(%dma_start3A_944 : memref<6920xf32, #tpu.memory_space<hbm>>) target_semaphore(%run_scoped3A : memref<!tpu.dma_semaphore, #tpu.memory_space<semaphore_mem>>)
      %dma_wait3A = tpu.memref_slice %arg5[%add3A_673] : memref<11514880xf32, #tpu.memory_space<hbm>> -> memref<6920xf32, #tpu.memory_space<hbm>>
      %dma_wait3A_945 = tpu.memref_slice %arg5[%add3A_673] : memref<11514880xf32, #tpu.memory_space<hbm>> -> memref<6920xf32, #tpu.memory_space<hbm>>
      tpu.wait_dma2 semaphore(%run_scoped3A : memref<!tpu.dma_semaphore, #tpu.memory_space<semaphore_mem>>) src(%arg10 : memref<6920xf32, #tpu.memory_space<vmem>>) dst(%dma_wait3A_945 : memref<6920xf32, #tpu.memory_space<hbm>>)
      tpu.yield
    }) : () -> ()
    %mul3A_674 = arith.constant 89960 : i32
    %mul3A_675 = arith.muli %arg1, %mul3A_674 : i32
    %add3A_676 = arith.constant 69200 : i32
    %add3A_677 = arith.addi %mul3A_675, %add3A_676 : i32
    "tpu.region"() ({
      %run_scoped3A = tpu.sem_alloc : memref<!tpu.dma_semaphore, #tpu.memory_space<semaphore_mem>>
      %dma_start3A = tpu.memref_slice %arg6[%add3A_677] : memref<1439424xf32, #tpu.memory_space<vmem_shared>> -> memref<6920xf32, #tpu.memory_space<vmem_shared>>
      %dma_start3A_944 = tpu.memref_slice %arg6[%add3A_677] : memref<1439424xf32, #tpu.memory_space<vmem_shared>> -> memref<6920xf32, #tpu.memory_space<vmem_shared>>
      tpu.enqueue_dma source(%dma_start3A_944 : memref<6920xf32, #tpu.memory_space<vmem_shared>>) target(%arg10 : memref<6920xf32, #tpu.memory_space<vmem>>) target_semaphore(%run_scoped3A : memref<!tpu.dma_semaphore, #tpu.memory_space<semaphore_mem>>)
      %dma_wait3A = tpu.memref_slice %arg6[%add3A_677] : memref<1439424xf32, #tpu.memory_space<vmem_shared>> -> memref<6920xf32, #tpu.memory_space<vmem_shared>>
      %dma_wait3A_945 = tpu.memref_slice %arg6[%add3A_677] : memref<1439424xf32, #tpu.memory_space<vmem_shared>> -> memref<6920xf32, #tpu.memory_space<vmem_shared>>
      tpu.wait_dma2 semaphore(%run_scoped3A : memref<!tpu.dma_semaphore, #tpu.memory_space<semaphore_mem>>) src(%dma_wait3A_945 : memref<6920xf32, #tpu.memory_space<vmem_shared>>) dst(%arg10 : memref<6920xf32, #tpu.memory_space<vmem>>)
      tpu.yield
    }) : () -> ()
    %mul3A_678 = arith.constant 16 : i32
    %mul3A_679 = arith.muli %add3A_473, %mul3A_678 : i32
    %add3A_680 = arith.addi %mul3A_679, %arg1 : i32
    %mul3A_681 = arith.constant 89960 : i32
    %mul3A_682 = arith.muli %add3A_680, %mul3A_681 : i32
    %add3A_683 = arith.constant 69200 : i32
    %add3A_684 = arith.addi %mul3A_682, %add3A_683 : i32
    "tpu.region"() ({
      %run_scoped3A = tpu.sem_alloc : memref<!tpu.dma_semaphore, #tpu.memory_space<semaphore_mem>>
      %dma_start3A = tpu.memref_slice %arg5[%add3A_684] : memref<11514880xf32, #tpu.memory_space<hbm>> -> memref<6920xf32, #tpu.memory_space<hbm>>
      %dma_start3A_944 = tpu.memref_slice %arg5[%add3A_684] : memref<11514880xf32, #tpu.memory_space<hbm>> -> memref<6920xf32, #tpu.memory_space<hbm>>
      tpu.enqueue_dma source(%arg10 : memref<6920xf32, #tpu.memory_space<vmem>>) target(%dma_start3A_944 : memref<6920xf32, #tpu.memory_space<hbm>>) target_semaphore(%run_scoped3A : memref<!tpu.dma_semaphore, #tpu.memory_space<semaphore_mem>>)
      %dma_wait3A = tpu.memref_slice %arg5[%add3A_684] : memref<11514880xf32, #tpu.memory_space<hbm>> -> memref<6920xf32, #tpu.memory_space<hbm>>
      %dma_wait3A_945 = tpu.memref_slice %arg5[%add3A_684] : memref<11514880xf32, #tpu.memory_space<hbm>> -> memref<6920xf32, #tpu.memory_space<hbm>>
      tpu.wait_dma2 semaphore(%run_scoped3A : memref<!tpu.dma_semaphore, #tpu.memory_space<semaphore_mem>>) src(%arg10 : memref<6920xf32, #tpu.memory_space<vmem>>) dst(%dma_wait3A_945 : memref<6920xf32, #tpu.memory_space<hbm>>)
      tpu.yield
    }) : () -> ()
    %mul3A_685 = arith.constant 89960 : i32
    %mul3A_686 = arith.muli %arg1, %mul3A_685 : i32
    %add3A_687 = arith.constant 76120 : i32
    %add3A_688 = arith.addi %mul3A_686, %add3A_687 : i32
    "tpu.region"() ({
      %run_scoped3A = tpu.sem_alloc : memref<!tpu.dma_semaphore, #tpu.memory_space<semaphore_mem>>
      %dma_start3A = tpu.memref_slice %arg6[%add3A_688] : memref<1439424xf32, #tpu.memory_space<vmem_shared>> -> memref<6920xf32, #tpu.memory_space<vmem_shared>>
      %dma_start3A_944 = tpu.memref_slice %arg6[%add3A_688] : memref<1439424xf32, #tpu.memory_space<vmem_shared>> -> memref<6920xf32, #tpu.memory_space<vmem_shared>>
      tpu.enqueue_dma source(%dma_start3A_944 : memref<6920xf32, #tpu.memory_space<vmem_shared>>) target(%arg10 : memref<6920xf32, #tpu.memory_space<vmem>>) target_semaphore(%run_scoped3A : memref<!tpu.dma_semaphore, #tpu.memory_space<semaphore_mem>>)
      %dma_wait3A = tpu.memref_slice %arg6[%add3A_688] : memref<1439424xf32, #tpu.memory_space<vmem_shared>> -> memref<6920xf32, #tpu.memory_space<vmem_shared>>
      %dma_wait3A_945 = tpu.memref_slice %arg6[%add3A_688] : memref<1439424xf32, #tpu.memory_space<vmem_shared>> -> memref<6920xf32, #tpu.memory_space<vmem_shared>>
      tpu.wait_dma2 semaphore(%run_scoped3A : memref<!tpu.dma_semaphore, #tpu.memory_space<semaphore_mem>>) src(%dma_wait3A_945 : memref<6920xf32, #tpu.memory_space<vmem_shared>>) dst(%arg10 : memref<6920xf32, #tpu.memory_space<vmem>>)
      tpu.yield
    }) : () -> ()
    %mul3A_689 = arith.constant 16 : i32
    %mul3A_690 = arith.muli %add3A_473, %mul3A_689 : i32
    %add3A_691 = arith.addi %mul3A_690, %arg1 : i32
    %mul3A_692 = arith.constant 89960 : i32
    %mul3A_693 = arith.muli %add3A_691, %mul3A_692 : i32
    %add3A_694 = arith.constant 76120 : i32
    %add3A_695 = arith.addi %mul3A_693, %add3A_694 : i32
    "tpu.region"() ({
      %run_scoped3A = tpu.sem_alloc : memref<!tpu.dma_semaphore, #tpu.memory_space<semaphore_mem>>
      %dma_start3A = tpu.memref_slice %arg5[%add3A_695] : memref<11514880xf32, #tpu.memory_space<hbm>> -> memref<6920xf32, #tpu.memory_space<hbm>>
      %dma_start3A_944 = tpu.memref_slice %arg5[%add3A_695] : memref<11514880xf32, #tpu.memory_space<hbm>> -> memref<6920xf32, #tpu.memory_space<hbm>>
      tpu.enqueue_dma source(%arg10 : memref<6920xf32, #tpu.memory_space<vmem>>) target(%dma_start3A_944 : memref<6920xf32, #tpu.memory_space<hbm>>) target_semaphore(%run_scoped3A : memref<!tpu.dma_semaphore, #tpu.memory_space<semaphore_mem>>)
      %dma_wait3A = tpu.memref_slice %arg5[%add3A_695] : memref<11514880xf32, #tpu.memory_space<hbm>> -> memref<6920xf32, #tpu.memory_space<hbm>>
      %dma_wait3A_945 = tpu.memref_slice %arg5[%add3A_695] : memref<11514880xf32, #tpu.memory_space<hbm>> -> memref<6920xf32, #tpu.memory_space<hbm>>
      tpu.wait_dma2 semaphore(%run_scoped3A : memref<!tpu.dma_semaphore, #tpu.memory_space<semaphore_mem>>) src(%arg10 : memref<6920xf32, #tpu.memory_space<vmem>>) dst(%dma_wait3A_945 : memref<6920xf32, #tpu.memory_space<hbm>>)
      tpu.yield
    }) : () -> ()
    %mul3A_696 = arith.constant 89960 : i32
    %mul3A_697 = arith.muli %arg1, %mul3A_696 : i32
    %add3A_698 = arith.constant 83040 : i32
    %add3A_699 = arith.addi %mul3A_697, %add3A_698 : i32
    "tpu.region"() ({
      %run_scoped3A = tpu.sem_alloc : memref<!tpu.dma_semaphore, #tpu.memory_space<semaphore_mem>>
      %dma_start3A = tpu.memref_slice %arg6[%add3A_699] : memref<1439424xf32, #tpu.memory_space<vmem_shared>> -> memref<6920xf32, #tpu.memory_space<vmem_shared>>
      %dma_start3A_944 = tpu.memref_slice %arg6[%add3A_699] : memref<1439424xf32, #tpu.memory_space<vmem_shared>> -> memref<6920xf32, #tpu.memory_space<vmem_shared>>
      tpu.enqueue_dma source(%dma_start3A_944 : memref<6920xf32, #tpu.memory_space<vmem_shared>>) target(%arg10 : memref<6920xf32, #tpu.memory_space<vmem>>) target_semaphore(%run_scoped3A : memref<!tpu.dma_semaphore, #tpu.memory_space<semaphore_mem>>)
      %dma_wait3A = tpu.memref_slice %arg6[%add3A_699] : memref<1439424xf32, #tpu.memory_space<vmem_shared>> -> memref<6920xf32, #tpu.memory_space<vmem_shared>>
      %dma_wait3A_945 = tpu.memref_slice %arg6[%add3A_699] : memref<1439424xf32, #tpu.memory_space<vmem_shared>> -> memref<6920xf32, #tpu.memory_space<vmem_shared>>
      tpu.wait_dma2 semaphore(%run_scoped3A : memref<!tpu.dma_semaphore, #tpu.memory_space<semaphore_mem>>) src(%dma_wait3A_945 : memref<6920xf32, #tpu.memory_space<vmem_shared>>) dst(%arg10 : memref<6920xf32, #tpu.memory_space<vmem>>)
      tpu.yield
    }) : () -> ()
    %mul3A_700 = arith.constant 16 : i32
    %mul3A_701 = arith.muli %add3A_473, %mul3A_700 : i32
    %add3A_702 = arith.addi %mul3A_701, %arg1 : i32
    %mul3A_703 = arith.constant 89960 : i32
    %mul3A_704 = arith.muli %add3A_702, %mul3A_703 : i32
    %add3A_705 = arith.constant 83040 : i32
    %add3A_706 = arith.addi %mul3A_704, %add3A_705 : i32
    "tpu.region"() ({
      %run_scoped3A = tpu.sem_alloc : memref<!tpu.dma_semaphore, #tpu.memory_space<semaphore_mem>>
      %dma_start3A = tpu.memref_slice %arg5[%add3A_706] : memref<11514880xf32, #tpu.memory_space<hbm>> -> memref<6920xf32, #tpu.memory_space<hbm>>
      %dma_start3A_944 = tpu.memref_slice %arg5[%add3A_706] : memref<11514880xf32, #tpu.memory_space<hbm>> -> memref<6920xf32, #tpu.memory_space<hbm>>
      tpu.enqueue_dma source(%arg10 : memref<6920xf32, #tpu.memory_space<vmem>>) target(%dma_start3A_944 : memref<6920xf32, #tpu.memory_space<hbm>>) target_semaphore(%run_scoped3A : memref<!tpu.dma_semaphore, #tpu.memory_space<semaphore_mem>>)
      %dma_wait3A = tpu.memref_slice %arg5[%add3A_706] : memref<11514880xf32, #tpu.memory_space<hbm>> -> memref<6920xf32, #tpu.memory_space<hbm>>
      %dma_wait3A_945 = tpu.memref_slice %arg5[%add3A_706] : memref<11514880xf32, #tpu.memory_space<hbm>> -> memref<6920xf32, #tpu.memory_space<hbm>>
      tpu.wait_dma2 semaphore(%run_scoped3A : memref<!tpu.dma_semaphore, #tpu.memory_space<semaphore_mem>>) src(%arg10 : memref<6920xf32, #tpu.memory_space<vmem>>) dst(%dma_wait3A_945 : memref<6920xf32, #tpu.memory_space<hbm>>)
      tpu.yield
    }) : () -> ()
    %mul3A_707 = arith.constant 4 : i32
    %mul3A_708 = arith.muli %arg0, %mul3A_707 : i32
    %add3A_709 = arith.constant 3 : i32
    %add3A_710 = arith.addi %mul3A_708, %add3A_709 : i32
    %mul3A_711 = arith.constant 89960 : i32
    %mul3A_712 = arith.muli %arg1, %mul3A_711 : i32
    %add3A_713 = arith.constant 0 : i32
    %add3A_714 = arith.addi %mul3A_712, %add3A_713 : i32
    "tpu.region"() ({
      %run_scoped3A = tpu.sem_alloc : memref<!tpu.dma_semaphore, #tpu.memory_space<semaphore_mem>>
      %dma_start3A = tpu.memref_slice %arg6[%add3A_714] : memref<1439424xf32, #tpu.memory_space<vmem_shared>> -> memref<6920xf32, #tpu.memory_space<vmem_shared>>
      %dma_start3A_944 = tpu.memref_slice %arg6[%add3A_714] : memref<1439424xf32, #tpu.memory_space<vmem_shared>> -> memref<6920xf32, #tpu.memory_space<vmem_shared>>
      tpu.enqueue_dma source(%arg9 : memref<6920xf32, #tpu.memory_space<vmem>>) target(%dma_start3A_944 : memref<6920xf32, #tpu.memory_space<vmem_shared>>) target_semaphore(%run_scoped3A : memref<!tpu.dma_semaphore, #tpu.memory_space<semaphore_mem>>)
      %dma_wait3A = tpu.memref_slice %arg6[%add3A_714] : memref<1439424xf32, #tpu.memory_space<vmem_shared>> -> memref<6920xf32, #tpu.memory_space<vmem_shared>>
      %dma_wait3A_945 = tpu.memref_slice %arg6[%add3A_714] : memref<1439424xf32, #tpu.memory_space<vmem_shared>> -> memref<6920xf32, #tpu.memory_space<vmem_shared>>
      tpu.wait_dma2 semaphore(%run_scoped3A : memref<!tpu.dma_semaphore, #tpu.memory_space<semaphore_mem>>) src(%arg9 : memref<6920xf32, #tpu.memory_space<vmem>>) dst(%dma_wait3A_945 : memref<6920xf32, #tpu.memory_space<vmem_shared>>)
      tpu.yield
    }) : () -> ()
    %mul3A_715 = arith.constant 89960 : i32
    %mul3A_716 = arith.muli %arg1, %mul3A_715 : i32
    %add3A_717 = arith.constant 6920 : i32
    %add3A_718 = arith.addi %mul3A_716, %add3A_717 : i32
    "tpu.region"() ({
      %run_scoped3A = tpu.sem_alloc : memref<!tpu.dma_semaphore, #tpu.memory_space<semaphore_mem>>
      %dma_start3A = tpu.memref_slice %arg6[%add3A_718] : memref<1439424xf32, #tpu.memory_space<vmem_shared>> -> memref<6920xf32, #tpu.memory_space<vmem_shared>>
      %dma_start3A_944 = tpu.memref_slice %arg6[%add3A_718] : memref<1439424xf32, #tpu.memory_space<vmem_shared>> -> memref<6920xf32, #tpu.memory_space<vmem_shared>>
      tpu.enqueue_dma source(%arg9 : memref<6920xf32, #tpu.memory_space<vmem>>) target(%dma_start3A_944 : memref<6920xf32, #tpu.memory_space<vmem_shared>>) target_semaphore(%run_scoped3A : memref<!tpu.dma_semaphore, #tpu.memory_space<semaphore_mem>>)
      %dma_wait3A = tpu.memref_slice %arg6[%add3A_718] : memref<1439424xf32, #tpu.memory_space<vmem_shared>> -> memref<6920xf32, #tpu.memory_space<vmem_shared>>
      %dma_wait3A_945 = tpu.memref_slice %arg6[%add3A_718] : memref<1439424xf32, #tpu.memory_space<vmem_shared>> -> memref<6920xf32, #tpu.memory_space<vmem_shared>>
      tpu.wait_dma2 semaphore(%run_scoped3A : memref<!tpu.dma_semaphore, #tpu.memory_space<semaphore_mem>>) src(%arg9 : memref<6920xf32, #tpu.memory_space<vmem>>) dst(%dma_wait3A_945 : memref<6920xf32, #tpu.memory_space<vmem_shared>>)
      tpu.yield
    }) : () -> ()
    %mul3A_719 = arith.constant 89960 : i32
    %mul3A_720 = arith.muli %arg1, %mul3A_719 : i32
    %add3A_721 = arith.constant 13840 : i32
    %add3A_722 = arith.addi %mul3A_720, %add3A_721 : i32
    "tpu.region"() ({
      %run_scoped3A = tpu.sem_alloc : memref<!tpu.dma_semaphore, #tpu.memory_space<semaphore_mem>>
      %dma_start3A = tpu.memref_slice %arg6[%add3A_722] : memref<1439424xf32, #tpu.memory_space<vmem_shared>> -> memref<6920xf32, #tpu.memory_space<vmem_shared>>
      %dma_start3A_944 = tpu.memref_slice %arg6[%add3A_722] : memref<1439424xf32, #tpu.memory_space<vmem_shared>> -> memref<6920xf32, #tpu.memory_space<vmem_shared>>
      tpu.enqueue_dma source(%arg9 : memref<6920xf32, #tpu.memory_space<vmem>>) target(%dma_start3A_944 : memref<6920xf32, #tpu.memory_space<vmem_shared>>) target_semaphore(%run_scoped3A : memref<!tpu.dma_semaphore, #tpu.memory_space<semaphore_mem>>)
      %dma_wait3A = tpu.memref_slice %arg6[%add3A_722] : memref<1439424xf32, #tpu.memory_space<vmem_shared>> -> memref<6920xf32, #tpu.memory_space<vmem_shared>>
      %dma_wait3A_945 = tpu.memref_slice %arg6[%add3A_722] : memref<1439424xf32, #tpu.memory_space<vmem_shared>> -> memref<6920xf32, #tpu.memory_space<vmem_shared>>
      tpu.wait_dma2 semaphore(%run_scoped3A : memref<!tpu.dma_semaphore, #tpu.memory_space<semaphore_mem>>) src(%arg9 : memref<6920xf32, #tpu.memory_space<vmem>>) dst(%dma_wait3A_945 : memref<6920xf32, #tpu.memory_space<vmem_shared>>)
      tpu.yield
    }) : () -> ()
    %mul3A_723 = arith.constant 89960 : i32
    %mul3A_724 = arith.muli %arg1, %mul3A_723 : i32
    %add3A_725 = arith.constant 20760 : i32
    %add3A_726 = arith.addi %mul3A_724, %add3A_725 : i32
    "tpu.region"() ({
      %run_scoped3A = tpu.sem_alloc : memref<!tpu.dma_semaphore, #tpu.memory_space<semaphore_mem>>
      %dma_start3A = tpu.memref_slice %arg6[%add3A_726] : memref<1439424xf32, #tpu.memory_space<vmem_shared>> -> memref<6920xf32, #tpu.memory_space<vmem_shared>>
      %dma_start3A_944 = tpu.memref_slice %arg6[%add3A_726] : memref<1439424xf32, #tpu.memory_space<vmem_shared>> -> memref<6920xf32, #tpu.memory_space<vmem_shared>>
      tpu.enqueue_dma source(%arg9 : memref<6920xf32, #tpu.memory_space<vmem>>) target(%dma_start3A_944 : memref<6920xf32, #tpu.memory_space<vmem_shared>>) target_semaphore(%run_scoped3A : memref<!tpu.dma_semaphore, #tpu.memory_space<semaphore_mem>>)
      %dma_wait3A = tpu.memref_slice %arg6[%add3A_726] : memref<1439424xf32, #tpu.memory_space<vmem_shared>> -> memref<6920xf32, #tpu.memory_space<vmem_shared>>
      %dma_wait3A_945 = tpu.memref_slice %arg6[%add3A_726] : memref<1439424xf32, #tpu.memory_space<vmem_shared>> -> memref<6920xf32, #tpu.memory_space<vmem_shared>>
      tpu.wait_dma2 semaphore(%run_scoped3A : memref<!tpu.dma_semaphore, #tpu.memory_space<semaphore_mem>>) src(%arg9 : memref<6920xf32, #tpu.memory_space<vmem>>) dst(%dma_wait3A_945 : memref<6920xf32, #tpu.memory_space<vmem_shared>>)
      tpu.yield
    }) : () -> ()
    %mul3A_727 = arith.constant 89960 : i32
    %mul3A_728 = arith.muli %arg1, %mul3A_727 : i32
    %add3A_729 = arith.constant 27680 : i32
    %add3A_730 = arith.addi %mul3A_728, %add3A_729 : i32
    "tpu.region"() ({
      %run_scoped3A = tpu.sem_alloc : memref<!tpu.dma_semaphore, #tpu.memory_space<semaphore_mem>>
      %dma_start3A = tpu.memref_slice %arg6[%add3A_730] : memref<1439424xf32, #tpu.memory_space<vmem_shared>> -> memref<6920xf32, #tpu.memory_space<vmem_shared>>
      %dma_start3A_944 = tpu.memref_slice %arg6[%add3A_730] : memref<1439424xf32, #tpu.memory_space<vmem_shared>> -> memref<6920xf32, #tpu.memory_space<vmem_shared>>
      tpu.enqueue_dma source(%arg9 : memref<6920xf32, #tpu.memory_space<vmem>>) target(%dma_start3A_944 : memref<6920xf32, #tpu.memory_space<vmem_shared>>) target_semaphore(%run_scoped3A : memref<!tpu.dma_semaphore, #tpu.memory_space<semaphore_mem>>)
      %dma_wait3A = tpu.memref_slice %arg6[%add3A_730] : memref<1439424xf32, #tpu.memory_space<vmem_shared>> -> memref<6920xf32, #tpu.memory_space<vmem_shared>>
      %dma_wait3A_945 = tpu.memref_slice %arg6[%add3A_730] : memref<1439424xf32, #tpu.memory_space<vmem_shared>> -> memref<6920xf32, #tpu.memory_space<vmem_shared>>
      tpu.wait_dma2 semaphore(%run_scoped3A : memref<!tpu.dma_semaphore, #tpu.memory_space<semaphore_mem>>) src(%arg9 : memref<6920xf32, #tpu.memory_space<vmem>>) dst(%dma_wait3A_945 : memref<6920xf32, #tpu.memory_space<vmem_shared>>)
      tpu.yield
    }) : () -> ()
    %mul3A_731 = arith.constant 89960 : i32
    %mul3A_732 = arith.muli %arg1, %mul3A_731 : i32
    %add3A_733 = arith.constant 34600 : i32
    %add3A_734 = arith.addi %mul3A_732, %add3A_733 : i32
    "tpu.region"() ({
      %run_scoped3A = tpu.sem_alloc : memref<!tpu.dma_semaphore, #tpu.memory_space<semaphore_mem>>
      %dma_start3A = tpu.memref_slice %arg6[%add3A_734] : memref<1439424xf32, #tpu.memory_space<vmem_shared>> -> memref<6920xf32, #tpu.memory_space<vmem_shared>>
      %dma_start3A_944 = tpu.memref_slice %arg6[%add3A_734] : memref<1439424xf32, #tpu.memory_space<vmem_shared>> -> memref<6920xf32, #tpu.memory_space<vmem_shared>>
      tpu.enqueue_dma source(%arg9 : memref<6920xf32, #tpu.memory_space<vmem>>) target(%dma_start3A_944 : memref<6920xf32, #tpu.memory_space<vmem_shared>>) target_semaphore(%run_scoped3A : memref<!tpu.dma_semaphore, #tpu.memory_space<semaphore_mem>>)
      %dma_wait3A = tpu.memref_slice %arg6[%add3A_734] : memref<1439424xf32, #tpu.memory_space<vmem_shared>> -> memref<6920xf32, #tpu.memory_space<vmem_shared>>
      %dma_wait3A_945 = tpu.memref_slice %arg6[%add3A_734] : memref<1439424xf32, #tpu.memory_space<vmem_shared>> -> memref<6920xf32, #tpu.memory_space<vmem_shared>>
      tpu.wait_dma2 semaphore(%run_scoped3A : memref<!tpu.dma_semaphore, #tpu.memory_space<semaphore_mem>>) src(%arg9 : memref<6920xf32, #tpu.memory_space<vmem>>) dst(%dma_wait3A_945 : memref<6920xf32, #tpu.memory_space<vmem_shared>>)
      tpu.yield
    }) : () -> ()
    %mul3A_735 = arith.constant 89960 : i32
    %mul3A_736 = arith.muli %arg1, %mul3A_735 : i32
    %add3A_737 = arith.constant 41520 : i32
    %add3A_738 = arith.addi %mul3A_736, %add3A_737 : i32
    "tpu.region"() ({
      %run_scoped3A = tpu.sem_alloc : memref<!tpu.dma_semaphore, #tpu.memory_space<semaphore_mem>>
      %dma_start3A = tpu.memref_slice %arg6[%add3A_738] : memref<1439424xf32, #tpu.memory_space<vmem_shared>> -> memref<6920xf32, #tpu.memory_space<vmem_shared>>
      %dma_start3A_944 = tpu.memref_slice %arg6[%add3A_738] : memref<1439424xf32, #tpu.memory_space<vmem_shared>> -> memref<6920xf32, #tpu.memory_space<vmem_shared>>
      tpu.enqueue_dma source(%arg9 : memref<6920xf32, #tpu.memory_space<vmem>>) target(%dma_start3A_944 : memref<6920xf32, #tpu.memory_space<vmem_shared>>) target_semaphore(%run_scoped3A : memref<!tpu.dma_semaphore, #tpu.memory_space<semaphore_mem>>)
      %dma_wait3A = tpu.memref_slice %arg6[%add3A_738] : memref<1439424xf32, #tpu.memory_space<vmem_shared>> -> memref<6920xf32, #tpu.memory_space<vmem_shared>>
      %dma_wait3A_945 = tpu.memref_slice %arg6[%add3A_738] : memref<1439424xf32, #tpu.memory_space<vmem_shared>> -> memref<6920xf32, #tpu.memory_space<vmem_shared>>
      tpu.wait_dma2 semaphore(%run_scoped3A : memref<!tpu.dma_semaphore, #tpu.memory_space<semaphore_mem>>) src(%arg9 : memref<6920xf32, #tpu.memory_space<vmem>>) dst(%dma_wait3A_945 : memref<6920xf32, #tpu.memory_space<vmem_shared>>)
      tpu.yield
    }) : () -> ()
    %mul3A_739 = arith.constant 89960 : i32
    %mul3A_740 = arith.muli %arg1, %mul3A_739 : i32
    %add3A_741 = arith.constant 48440 : i32
    %add3A_742 = arith.addi %mul3A_740, %add3A_741 : i32
    "tpu.region"() ({
      %run_scoped3A = tpu.sem_alloc : memref<!tpu.dma_semaphore, #tpu.memory_space<semaphore_mem>>
      %dma_start3A = tpu.memref_slice %arg6[%add3A_742] : memref<1439424xf32, #tpu.memory_space<vmem_shared>> -> memref<6920xf32, #tpu.memory_space<vmem_shared>>
      %dma_start3A_944 = tpu.memref_slice %arg6[%add3A_742] : memref<1439424xf32, #tpu.memory_space<vmem_shared>> -> memref<6920xf32, #tpu.memory_space<vmem_shared>>
      tpu.enqueue_dma source(%arg9 : memref<6920xf32, #tpu.memory_space<vmem>>) target(%dma_start3A_944 : memref<6920xf32, #tpu.memory_space<vmem_shared>>) target_semaphore(%run_scoped3A : memref<!tpu.dma_semaphore, #tpu.memory_space<semaphore_mem>>)
      %dma_wait3A = tpu.memref_slice %arg6[%add3A_742] : memref<1439424xf32, #tpu.memory_space<vmem_shared>> -> memref<6920xf32, #tpu.memory_space<vmem_shared>>
      %dma_wait3A_945 = tpu.memref_slice %arg6[%add3A_742] : memref<1439424xf32, #tpu.memory_space<vmem_shared>> -> memref<6920xf32, #tpu.memory_space<vmem_shared>>
      tpu.wait_dma2 semaphore(%run_scoped3A : memref<!tpu.dma_semaphore, #tpu.memory_space<semaphore_mem>>) src(%arg9 : memref<6920xf32, #tpu.memory_space<vmem>>) dst(%dma_wait3A_945 : memref<6920xf32, #tpu.memory_space<vmem_shared>>)
      tpu.yield
    }) : () -> ()
    %mul3A_743 = arith.constant 89960 : i32
    %mul3A_744 = arith.muli %arg1, %mul3A_743 : i32
    %add3A_745 = arith.constant 55360 : i32
    %add3A_746 = arith.addi %mul3A_744, %add3A_745 : i32
    "tpu.region"() ({
      %run_scoped3A = tpu.sem_alloc : memref<!tpu.dma_semaphore, #tpu.memory_space<semaphore_mem>>
      %dma_start3A = tpu.memref_slice %arg6[%add3A_746] : memref<1439424xf32, #tpu.memory_space<vmem_shared>> -> memref<6920xf32, #tpu.memory_space<vmem_shared>>
      %dma_start3A_944 = tpu.memref_slice %arg6[%add3A_746] : memref<1439424xf32, #tpu.memory_space<vmem_shared>> -> memref<6920xf32, #tpu.memory_space<vmem_shared>>
      tpu.enqueue_dma source(%arg9 : memref<6920xf32, #tpu.memory_space<vmem>>) target(%dma_start3A_944 : memref<6920xf32, #tpu.memory_space<vmem_shared>>) target_semaphore(%run_scoped3A : memref<!tpu.dma_semaphore, #tpu.memory_space<semaphore_mem>>)
      %dma_wait3A = tpu.memref_slice %arg6[%add3A_746] : memref<1439424xf32, #tpu.memory_space<vmem_shared>> -> memref<6920xf32, #tpu.memory_space<vmem_shared>>
      %dma_wait3A_945 = tpu.memref_slice %arg6[%add3A_746] : memref<1439424xf32, #tpu.memory_space<vmem_shared>> -> memref<6920xf32, #tpu.memory_space<vmem_shared>>
      tpu.wait_dma2 semaphore(%run_scoped3A : memref<!tpu.dma_semaphore, #tpu.memory_space<semaphore_mem>>) src(%arg9 : memref<6920xf32, #tpu.memory_space<vmem>>) dst(%dma_wait3A_945 : memref<6920xf32, #tpu.memory_space<vmem_shared>>)
      tpu.yield
    }) : () -> ()
    %mul3A_747 = arith.constant 89960 : i32
    %mul3A_748 = arith.muli %arg1, %mul3A_747 : i32
    %add3A_749 = arith.constant 62280 : i32
    %add3A_750 = arith.addi %mul3A_748, %add3A_749 : i32
    "tpu.region"() ({
      %run_scoped3A = tpu.sem_alloc : memref<!tpu.dma_semaphore, #tpu.memory_space<semaphore_mem>>
      %dma_start3A = tpu.memref_slice %arg6[%add3A_750] : memref<1439424xf32, #tpu.memory_space<vmem_shared>> -> memref<6920xf32, #tpu.memory_space<vmem_shared>>
      %dma_start3A_944 = tpu.memref_slice %arg6[%add3A_750] : memref<1439424xf32, #tpu.memory_space<vmem_shared>> -> memref<6920xf32, #tpu.memory_space<vmem_shared>>
      tpu.enqueue_dma source(%arg9 : memref<6920xf32, #tpu.memory_space<vmem>>) target(%dma_start3A_944 : memref<6920xf32, #tpu.memory_space<vmem_shared>>) target_semaphore(%run_scoped3A : memref<!tpu.dma_semaphore, #tpu.memory_space<semaphore_mem>>)
      %dma_wait3A = tpu.memref_slice %arg6[%add3A_750] : memref<1439424xf32, #tpu.memory_space<vmem_shared>> -> memref<6920xf32, #tpu.memory_space<vmem_shared>>
      %dma_wait3A_945 = tpu.memref_slice %arg6[%add3A_750] : memref<1439424xf32, #tpu.memory_space<vmem_shared>> -> memref<6920xf32, #tpu.memory_space<vmem_shared>>
      tpu.wait_dma2 semaphore(%run_scoped3A : memref<!tpu.dma_semaphore, #tpu.memory_space<semaphore_mem>>) src(%arg9 : memref<6920xf32, #tpu.memory_space<vmem>>) dst(%dma_wait3A_945 : memref<6920xf32, #tpu.memory_space<vmem_shared>>)
      tpu.yield
    }) : () -> ()
    %mul3A_751 = arith.constant 89960 : i32
    %mul3A_752 = arith.muli %arg1, %mul3A_751 : i32
    %add3A_753 = arith.constant 69200 : i32
    %add3A_754 = arith.addi %mul3A_752, %add3A_753 : i32
    "tpu.region"() ({
      %run_scoped3A = tpu.sem_alloc : memref<!tpu.dma_semaphore, #tpu.memory_space<semaphore_mem>>
      %dma_start3A = tpu.memref_slice %arg6[%add3A_754] : memref<1439424xf32, #tpu.memory_space<vmem_shared>> -> memref<6920xf32, #tpu.memory_space<vmem_shared>>
      %dma_start3A_944 = tpu.memref_slice %arg6[%add3A_754] : memref<1439424xf32, #tpu.memory_space<vmem_shared>> -> memref<6920xf32, #tpu.memory_space<vmem_shared>>
      tpu.enqueue_dma source(%arg9 : memref<6920xf32, #tpu.memory_space<vmem>>) target(%dma_start3A_944 : memref<6920xf32, #tpu.memory_space<vmem_shared>>) target_semaphore(%run_scoped3A : memref<!tpu.dma_semaphore, #tpu.memory_space<semaphore_mem>>)
      %dma_wait3A = tpu.memref_slice %arg6[%add3A_754] : memref<1439424xf32, #tpu.memory_space<vmem_shared>> -> memref<6920xf32, #tpu.memory_space<vmem_shared>>
      %dma_wait3A_945 = tpu.memref_slice %arg6[%add3A_754] : memref<1439424xf32, #tpu.memory_space<vmem_shared>> -> memref<6920xf32, #tpu.memory_space<vmem_shared>>
      tpu.wait_dma2 semaphore(%run_scoped3A : memref<!tpu.dma_semaphore, #tpu.memory_space<semaphore_mem>>) src(%arg9 : memref<6920xf32, #tpu.memory_space<vmem>>) dst(%dma_wait3A_945 : memref<6920xf32, #tpu.memory_space<vmem_shared>>)
      tpu.yield
    }) : () -> ()
    %mul3A_755 = arith.constant 89960 : i32
    %mul3A_756 = arith.muli %arg1, %mul3A_755 : i32
    %add3A_757 = arith.constant 76120 : i32
    %add3A_758 = arith.addi %mul3A_756, %add3A_757 : i32
    "tpu.region"() ({
      %run_scoped3A = tpu.sem_alloc : memref<!tpu.dma_semaphore, #tpu.memory_space<semaphore_mem>>
      %dma_start3A = tpu.memref_slice %arg6[%add3A_758] : memref<1439424xf32, #tpu.memory_space<vmem_shared>> -> memref<6920xf32, #tpu.memory_space<vmem_shared>>
      %dma_start3A_944 = tpu.memref_slice %arg6[%add3A_758] : memref<1439424xf32, #tpu.memory_space<vmem_shared>> -> memref<6920xf32, #tpu.memory_space<vmem_shared>>
      tpu.enqueue_dma source(%arg9 : memref<6920xf32, #tpu.memory_space<vmem>>) target(%dma_start3A_944 : memref<6920xf32, #tpu.memory_space<vmem_shared>>) target_semaphore(%run_scoped3A : memref<!tpu.dma_semaphore, #tpu.memory_space<semaphore_mem>>)
      %dma_wait3A = tpu.memref_slice %arg6[%add3A_758] : memref<1439424xf32, #tpu.memory_space<vmem_shared>> -> memref<6920xf32, #tpu.memory_space<vmem_shared>>
      %dma_wait3A_945 = tpu.memref_slice %arg6[%add3A_758] : memref<1439424xf32, #tpu.memory_space<vmem_shared>> -> memref<6920xf32, #tpu.memory_space<vmem_shared>>
      tpu.wait_dma2 semaphore(%run_scoped3A : memref<!tpu.dma_semaphore, #tpu.memory_space<semaphore_mem>>) src(%arg9 : memref<6920xf32, #tpu.memory_space<vmem>>) dst(%dma_wait3A_945 : memref<6920xf32, #tpu.memory_space<vmem_shared>>)
      tpu.yield
    }) : () -> ()
    %mul3A_759 = arith.constant 89960 : i32
    %mul3A_760 = arith.muli %arg1, %mul3A_759 : i32
    %add3A_761 = arith.constant 83040 : i32
    %add3A_762 = arith.addi %mul3A_760, %add3A_761 : i32
    "tpu.region"() ({
      %run_scoped3A = tpu.sem_alloc : memref<!tpu.dma_semaphore, #tpu.memory_space<semaphore_mem>>
      %dma_start3A = tpu.memref_slice %arg6[%add3A_762] : memref<1439424xf32, #tpu.memory_space<vmem_shared>> -> memref<6920xf32, #tpu.memory_space<vmem_shared>>
      %dma_start3A_944 = tpu.memref_slice %arg6[%add3A_762] : memref<1439424xf32, #tpu.memory_space<vmem_shared>> -> memref<6920xf32, #tpu.memory_space<vmem_shared>>
      tpu.enqueue_dma source(%arg9 : memref<6920xf32, #tpu.memory_space<vmem>>) target(%dma_start3A_944 : memref<6920xf32, #tpu.memory_space<vmem_shared>>) target_semaphore(%run_scoped3A : memref<!tpu.dma_semaphore, #tpu.memory_space<semaphore_mem>>)
      %dma_wait3A = tpu.memref_slice %arg6[%add3A_762] : memref<1439424xf32, #tpu.memory_space<vmem_shared>> -> memref<6920xf32, #tpu.memory_space<vmem_shared>>
      %dma_wait3A_945 = tpu.memref_slice %arg6[%add3A_762] : memref<1439424xf32, #tpu.memory_space<vmem_shared>> -> memref<6920xf32, #tpu.memory_space<vmem_shared>>
      tpu.wait_dma2 semaphore(%run_scoped3A : memref<!tpu.dma_semaphore, #tpu.memory_space<semaphore_mem>>) src(%arg9 : memref<6920xf32, #tpu.memory_space<vmem>>) dst(%dma_wait3A_945 : memref<6920xf32, #tpu.memory_space<vmem_shared>>)
      tpu.yield
    }) : () -> ()
    %barrier3A_763 = arith.constant 0 : index
    tpu.barrier barrier_id(%barrier3A_763)
    %mul3A_764 = arith.constant 16 : i32
    %mul3A_765 = arith.muli %add3A_710, %mul3A_764 : i32
    %add3A_766 = arith.addi %mul3A_765, %arg1 : i32
    "tpu.region"() ({
      %run_scoped3A = tpu.sem_alloc : memref<!tpu.dma_semaphore, #tpu.memory_space<semaphore_mem>>
      %dma_start3A = arith.constant 0 : i32
      %dma_start3A_944 = arith.constant 0 : i32
      %dma_start3A_945 = tpu.memref_slice %arg2[%add3A_766, %dma_start3A, %dma_start3A_944] : memref<128x128x128xi32, #tpu.memory_space<hbm>> -> memref<1x32x128xi32, #tpu.memory_space<hbm>>
      %dma_start3A_946 = tpu.memref_squeeze %dma_start3A_945 : memref<1x32x128xi32, #tpu.memory_space<hbm>> -> memref<32x128xi32, #tpu.memory_space<hbm>>
      %dma_start3A_947 = arith.constant 0 : i32
      %dma_start3A_948 = arith.constant 0 : i32
      %dma_start3A_949 = tpu.memref_slice %arg2[%add3A_766, %dma_start3A_947, %dma_start3A_948] : memref<128x128x128xi32, #tpu.memory_space<hbm>> -> memref<1x32x128xi32, #tpu.memory_space<hbm>>
      %dma_start3A_950 = tpu.memref_squeeze %dma_start3A_949 : memref<1x32x128xi32, #tpu.memory_space<hbm>> -> memref<32x128xi32, #tpu.memory_space<hbm>>
      tpu.enqueue_dma source(%dma_start3A_950 : memref<32x128xi32, #tpu.memory_space<hbm>>) target(%arg7 : memref<32x128xi32, #tpu.memory_space<vmem>>) target_semaphore(%run_scoped3A : memref<!tpu.dma_semaphore, #tpu.memory_space<semaphore_mem>>)
      %dma_wait3A = arith.constant 0 : i32
      %dma_wait3A_951 = arith.constant 0 : i32
      %dma_wait3A_952 = tpu.memref_slice %arg2[%add3A_766, %dma_wait3A, %dma_wait3A_951] : memref<128x128x128xi32, #tpu.memory_space<hbm>> -> memref<1x32x128xi32, #tpu.memory_space<hbm>>
      %dma_wait3A_953 = tpu.memref_squeeze %dma_wait3A_952 : memref<1x32x128xi32, #tpu.memory_space<hbm>> -> memref<32x128xi32, #tpu.memory_space<hbm>>
      %dma_wait3A_954 = arith.constant 0 : i32
      %dma_wait3A_955 = arith.constant 0 : i32
      %dma_wait3A_956 = tpu.memref_slice %arg2[%add3A_766, %dma_wait3A_954, %dma_wait3A_955] : memref<128x128x128xi32, #tpu.memory_space<hbm>> -> memref<1x32x128xi32, #tpu.memory_space<hbm>>
      %dma_wait3A_957 = tpu.memref_squeeze %dma_wait3A_956 : memref<1x32x128xi32, #tpu.memory_space<hbm>> -> memref<32x128xi32, #tpu.memory_space<hbm>>
      tpu.wait_dma2 semaphore(%run_scoped3A : memref<!tpu.dma_semaphore, #tpu.memory_space<semaphore_mem>>) src(%dma_wait3A_957 : memref<32x128xi32, #tpu.memory_space<hbm>>) dst(%arg7 : memref<32x128xi32, #tpu.memory_space<vmem>>)
      tpu.yield
    }) : () -> ()
    %scan3A_767 = arith.constant 0 : i32
    %scan3A_768 = arith.constant 0 : i32
    %scan3A_769 = arith.constant 32 : i32
    %scan3A_770 = arith.addi %scan3A_768, %scan3A_769 : i32
    %scan3A_771 = arith.constant 1 : i32
    scf.for %scan3A_944 = %scan3A_768 to %scan3A_770 step %scan3A_771  : i32 {
      "tpu.region"() ({
        %run_scoped3A = tpu.sem_alloc : memref<!tpu.dma_semaphore, #tpu.memory_space<semaphore_mem>>
        %dma_start3A = arith.constant 0 : i32
        %dma_start3A_945 = tpu.memref_slice %arg7[%scan3A_944, %dma_start3A] : memref<32x128xi32, #tpu.memory_space<vmem>> -> memref<1x128xi32, #tpu.memory_space<vmem>>
        %dma_start3A_946 = tpu.memref_squeeze %dma_start3A_945 : memref<1x128xi32, #tpu.memory_space<vmem>> -> memref<128xi32, #tpu.memory_space<vmem>>
        %dma_start3A_947 = arith.constant 0 : i32
        %dma_start3A_948 = tpu.memref_slice %arg6[%dma_start3A_947] : memref<1439424xf32, #tpu.memory_space<vmem_shared>> -> memref<1439424xf32, #tpu.memory_space<vmem_shared>>
        tpu.enqueue_indirect_dma source(%arg8 : memref<128xf32, #tpu.memory_space<vmem>>) target(%dma_start3A_948 : memref<1439424xf32, #tpu.memory_space<vmem_shared>>) offsets(%dma_start3A_946 : memref<128xi32, #tpu.memory_space<vmem>>) semaphore(%run_scoped3A : memref<!tpu.dma_semaphore, #tpu.memory_space<semaphore_mem>>) {add = true}
        %dma_wait3A = arith.constant 0 : i32
        %dma_wait3A_949 = tpu.memref_slice %arg7[%scan3A_944, %dma_wait3A] : memref<32x128xi32, #tpu.memory_space<vmem>> -> memref<1x128xi32, #tpu.memory_space<vmem>>
        %dma_wait3A_950 = tpu.memref_squeeze %dma_wait3A_949 : memref<1x128xi32, #tpu.memory_space<vmem>> -> memref<128xi32, #tpu.memory_space<vmem>>
        %dma_wait3A_951 = arith.constant 0 : i32
        %dma_wait3A_952 = tpu.memref_slice %arg6[%dma_wait3A_951] : memref<1439424xf32, #tpu.memory_space<vmem_shared>> -> memref<1439424xf32, #tpu.memory_space<vmem_shared>>
        tpu.wait_indirect_dma semaphore(%run_scoped3A : memref<!tpu.dma_semaphore, #tpu.memory_space<semaphore_mem>>) src(%arg8 : memref<128xf32, #tpu.memory_space<vmem>>) dst(%dma_wait3A_952 : memref<1439424xf32, #tpu.memory_space<vmem_shared>>)
        tpu.yield
      }) : () -> ()
    }
    %scan3A_772 = arith.constant 32 : i32
    %mul3A_773 = arith.constant 16 : i32
    %mul3A_774 = arith.muli %add3A_710, %mul3A_773 : i32
    %add3A_775 = arith.addi %mul3A_774, %arg1 : i32
    "tpu.region"() ({
      %run_scoped3A = tpu.sem_alloc : memref<!tpu.dma_semaphore, #tpu.memory_space<semaphore_mem>>
      %dma_start3A = arith.constant 32 : i32
      %dma_start3A_944 = arith.constant 0 : i32
      %dma_start3A_945 = tpu.memref_slice %arg2[%add3A_775, %dma_start3A, %dma_start3A_944] : memref<128x128x128xi32, #tpu.memory_space<hbm>> -> memref<1x32x128xi32, #tpu.memory_space<hbm>>
      %dma_start3A_946 = tpu.memref_squeeze %dma_start3A_945 : memref<1x32x128xi32, #tpu.memory_space<hbm>> -> memref<32x128xi32, #tpu.memory_space<hbm>>
      %dma_start3A_947 = arith.constant 32 : i32
      %dma_start3A_948 = arith.constant 0 : i32
      %dma_start3A_949 = tpu.memref_slice %arg2[%add3A_775, %dma_start3A_947, %dma_start3A_948] : memref<128x128x128xi32, #tpu.memory_space<hbm>> -> memref<1x32x128xi32, #tpu.memory_space<hbm>>
      %dma_start3A_950 = tpu.memref_squeeze %dma_start3A_949 : memref<1x32x128xi32, #tpu.memory_space<hbm>> -> memref<32x128xi32, #tpu.memory_space<hbm>>
      tpu.enqueue_dma source(%dma_start3A_950 : memref<32x128xi32, #tpu.memory_space<hbm>>) target(%arg7 : memref<32x128xi32, #tpu.memory_space<vmem>>) target_semaphore(%run_scoped3A : memref<!tpu.dma_semaphore, #tpu.memory_space<semaphore_mem>>)
      %dma_wait3A = arith.constant 32 : i32
      %dma_wait3A_951 = arith.constant 0 : i32
      %dma_wait3A_952 = tpu.memref_slice %arg2[%add3A_775, %dma_wait3A, %dma_wait3A_951] : memref<128x128x128xi32, #tpu.memory_space<hbm>> -> memref<1x32x128xi32, #tpu.memory_space<hbm>>
      %dma_wait3A_953 = tpu.memref_squeeze %dma_wait3A_952 : memref<1x32x128xi32, #tpu.memory_space<hbm>> -> memref<32x128xi32, #tpu.memory_space<hbm>>
      %dma_wait3A_954 = arith.constant 32 : i32
      %dma_wait3A_955 = arith.constant 0 : i32
      %dma_wait3A_956 = tpu.memref_slice %arg2[%add3A_775, %dma_wait3A_954, %dma_wait3A_955] : memref<128x128x128xi32, #tpu.memory_space<hbm>> -> memref<1x32x128xi32, #tpu.memory_space<hbm>>
      %dma_wait3A_957 = tpu.memref_squeeze %dma_wait3A_956 : memref<1x32x128xi32, #tpu.memory_space<hbm>> -> memref<32x128xi32, #tpu.memory_space<hbm>>
      tpu.wait_dma2 semaphore(%run_scoped3A : memref<!tpu.dma_semaphore, #tpu.memory_space<semaphore_mem>>) src(%dma_wait3A_957 : memref<32x128xi32, #tpu.memory_space<hbm>>) dst(%arg7 : memref<32x128xi32, #tpu.memory_space<vmem>>)
      tpu.yield
    }) : () -> ()
    %scan3A_776 = arith.constant 0 : i32
    %scan3A_777 = arith.constant 0 : i32
    %scan3A_778 = arith.constant 32 : i32
    %scan3A_779 = arith.addi %scan3A_777, %scan3A_778 : i32
    %scan3A_780 = arith.constant 1 : i32
    scf.for %scan3A_944 = %scan3A_777 to %scan3A_779 step %scan3A_780  : i32 {
      "tpu.region"() ({
        %run_scoped3A = tpu.sem_alloc : memref<!tpu.dma_semaphore, #tpu.memory_space<semaphore_mem>>
        %dma_start3A = arith.constant 0 : i32
        %dma_start3A_945 = tpu.memref_slice %arg7[%scan3A_944, %dma_start3A] : memref<32x128xi32, #tpu.memory_space<vmem>> -> memref<1x128xi32, #tpu.memory_space<vmem>>
        %dma_start3A_946 = tpu.memref_squeeze %dma_start3A_945 : memref<1x128xi32, #tpu.memory_space<vmem>> -> memref<128xi32, #tpu.memory_space<vmem>>
        %dma_start3A_947 = arith.constant 0 : i32
        %dma_start3A_948 = tpu.memref_slice %arg6[%dma_start3A_947] : memref<1439424xf32, #tpu.memory_space<vmem_shared>> -> memref<1439424xf32, #tpu.memory_space<vmem_shared>>
        tpu.enqueue_indirect_dma source(%arg8 : memref<128xf32, #tpu.memory_space<vmem>>) target(%dma_start3A_948 : memref<1439424xf32, #tpu.memory_space<vmem_shared>>) offsets(%dma_start3A_946 : memref<128xi32, #tpu.memory_space<vmem>>) semaphore(%run_scoped3A : memref<!tpu.dma_semaphore, #tpu.memory_space<semaphore_mem>>) {add = true}
        %dma_wait3A = arith.constant 0 : i32
        %dma_wait3A_949 = tpu.memref_slice %arg7[%scan3A_944, %dma_wait3A] : memref<32x128xi32, #tpu.memory_space<vmem>> -> memref<1x128xi32, #tpu.memory_space<vmem>>
        %dma_wait3A_950 = tpu.memref_squeeze %dma_wait3A_949 : memref<1x128xi32, #tpu.memory_space<vmem>> -> memref<128xi32, #tpu.memory_space<vmem>>
        %dma_wait3A_951 = arith.constant 0 : i32
        %dma_wait3A_952 = tpu.memref_slice %arg6[%dma_wait3A_951] : memref<1439424xf32, #tpu.memory_space<vmem_shared>> -> memref<1439424xf32, #tpu.memory_space<vmem_shared>>
        tpu.wait_indirect_dma semaphore(%run_scoped3A : memref<!tpu.dma_semaphore, #tpu.memory_space<semaphore_mem>>) src(%arg8 : memref<128xf32, #tpu.memory_space<vmem>>) dst(%dma_wait3A_952 : memref<1439424xf32, #tpu.memory_space<vmem_shared>>)
        tpu.yield
      }) : () -> ()
    }
    %scan3A_781 = arith.constant 32 : i32
    %mul3A_782 = arith.constant 16 : i32
    %mul3A_783 = arith.muli %add3A_710, %mul3A_782 : i32
    %add3A_784 = arith.addi %mul3A_783, %arg1 : i32
    "tpu.region"() ({
      %run_scoped3A = tpu.sem_alloc : memref<!tpu.dma_semaphore, #tpu.memory_space<semaphore_mem>>
      %dma_start3A = arith.constant 64 : i32
      %dma_start3A_944 = arith.constant 0 : i32
      %dma_start3A_945 = tpu.memref_slice %arg2[%add3A_784, %dma_start3A, %dma_start3A_944] : memref<128x128x128xi32, #tpu.memory_space<hbm>> -> memref<1x32x128xi32, #tpu.memory_space<hbm>>
      %dma_start3A_946 = tpu.memref_squeeze %dma_start3A_945 : memref<1x32x128xi32, #tpu.memory_space<hbm>> -> memref<32x128xi32, #tpu.memory_space<hbm>>
      %dma_start3A_947 = arith.constant 64 : i32
      %dma_start3A_948 = arith.constant 0 : i32
      %dma_start3A_949 = tpu.memref_slice %arg2[%add3A_784, %dma_start3A_947, %dma_start3A_948] : memref<128x128x128xi32, #tpu.memory_space<hbm>> -> memref<1x32x128xi32, #tpu.memory_space<hbm>>
      %dma_start3A_950 = tpu.memref_squeeze %dma_start3A_949 : memref<1x32x128xi32, #tpu.memory_space<hbm>> -> memref<32x128xi32, #tpu.memory_space<hbm>>
      tpu.enqueue_dma source(%dma_start3A_950 : memref<32x128xi32, #tpu.memory_space<hbm>>) target(%arg7 : memref<32x128xi32, #tpu.memory_space<vmem>>) target_semaphore(%run_scoped3A : memref<!tpu.dma_semaphore, #tpu.memory_space<semaphore_mem>>)
      %dma_wait3A = arith.constant 64 : i32
      %dma_wait3A_951 = arith.constant 0 : i32
      %dma_wait3A_952 = tpu.memref_slice %arg2[%add3A_784, %dma_wait3A, %dma_wait3A_951] : memref<128x128x128xi32, #tpu.memory_space<hbm>> -> memref<1x32x128xi32, #tpu.memory_space<hbm>>
      %dma_wait3A_953 = tpu.memref_squeeze %dma_wait3A_952 : memref<1x32x128xi32, #tpu.memory_space<hbm>> -> memref<32x128xi32, #tpu.memory_space<hbm>>
      %dma_wait3A_954 = arith.constant 64 : i32
      %dma_wait3A_955 = arith.constant 0 : i32
      %dma_wait3A_956 = tpu.memref_slice %arg2[%add3A_784, %dma_wait3A_954, %dma_wait3A_955] : memref<128x128x128xi32, #tpu.memory_space<hbm>> -> memref<1x32x128xi32, #tpu.memory_space<hbm>>
      %dma_wait3A_957 = tpu.memref_squeeze %dma_wait3A_956 : memref<1x32x128xi32, #tpu.memory_space<hbm>> -> memref<32x128xi32, #tpu.memory_space<hbm>>
      tpu.wait_dma2 semaphore(%run_scoped3A : memref<!tpu.dma_semaphore, #tpu.memory_space<semaphore_mem>>) src(%dma_wait3A_957 : memref<32x128xi32, #tpu.memory_space<hbm>>) dst(%arg7 : memref<32x128xi32, #tpu.memory_space<vmem>>)
      tpu.yield
    }) : () -> ()
    %scan3A_785 = arith.constant 0 : i32
    %scan3A_786 = arith.constant 0 : i32
    %scan3A_787 = arith.constant 32 : i32
    %scan3A_788 = arith.addi %scan3A_786, %scan3A_787 : i32
    %scan3A_789 = arith.constant 1 : i32
    scf.for %scan3A_944 = %scan3A_786 to %scan3A_788 step %scan3A_789  : i32 {
      "tpu.region"() ({
        %run_scoped3A = tpu.sem_alloc : memref<!tpu.dma_semaphore, #tpu.memory_space<semaphore_mem>>
        %dma_start3A = arith.constant 0 : i32
        %dma_start3A_945 = tpu.memref_slice %arg7[%scan3A_944, %dma_start3A] : memref<32x128xi32, #tpu.memory_space<vmem>> -> memref<1x128xi32, #tpu.memory_space<vmem>>
        %dma_start3A_946 = tpu.memref_squeeze %dma_start3A_945 : memref<1x128xi32, #tpu.memory_space<vmem>> -> memref<128xi32, #tpu.memory_space<vmem>>
        %dma_start3A_947 = arith.constant 0 : i32
        %dma_start3A_948 = tpu.memref_slice %arg6[%dma_start3A_947] : memref<1439424xf32, #tpu.memory_space<vmem_shared>> -> memref<1439424xf32, #tpu.memory_space<vmem_shared>>
        tpu.enqueue_indirect_dma source(%arg8 : memref<128xf32, #tpu.memory_space<vmem>>) target(%dma_start3A_948 : memref<1439424xf32, #tpu.memory_space<vmem_shared>>) offsets(%dma_start3A_946 : memref<128xi32, #tpu.memory_space<vmem>>) semaphore(%run_scoped3A : memref<!tpu.dma_semaphore, #tpu.memory_space<semaphore_mem>>) {add = true}
        %dma_wait3A = arith.constant 0 : i32
        %dma_wait3A_949 = tpu.memref_slice %arg7[%scan3A_944, %dma_wait3A] : memref<32x128xi32, #tpu.memory_space<vmem>> -> memref<1x128xi32, #tpu.memory_space<vmem>>
        %dma_wait3A_950 = tpu.memref_squeeze %dma_wait3A_949 : memref<1x128xi32, #tpu.memory_space<vmem>> -> memref<128xi32, #tpu.memory_space<vmem>>
        %dma_wait3A_951 = arith.constant 0 : i32
        %dma_wait3A_952 = tpu.memref_slice %arg6[%dma_wait3A_951] : memref<1439424xf32, #tpu.memory_space<vmem_shared>> -> memref<1439424xf32, #tpu.memory_space<vmem_shared>>
        tpu.wait_indirect_dma semaphore(%run_scoped3A : memref<!tpu.dma_semaphore, #tpu.memory_space<semaphore_mem>>) src(%arg8 : memref<128xf32, #tpu.memory_space<vmem>>) dst(%dma_wait3A_952 : memref<1439424xf32, #tpu.memory_space<vmem_shared>>)
        tpu.yield
      }) : () -> ()
    }
    %scan3A_790 = arith.constant 32 : i32
    %mul3A_791 = arith.constant 16 : i32
    %mul3A_792 = arith.muli %add3A_710, %mul3A_791 : i32
    %add3A_793 = arith.addi %mul3A_792, %arg1 : i32
    "tpu.region"() ({
      %run_scoped3A = tpu.sem_alloc : memref<!tpu.dma_semaphore, #tpu.memory_space<semaphore_mem>>
      %dma_start3A = arith.constant 96 : i32
      %dma_start3A_944 = arith.constant 0 : i32
      %dma_start3A_945 = tpu.memref_slice %arg2[%add3A_793, %dma_start3A, %dma_start3A_944] : memref<128x128x128xi32, #tpu.memory_space<hbm>> -> memref<1x32x128xi32, #tpu.memory_space<hbm>>
      %dma_start3A_946 = tpu.memref_squeeze %dma_start3A_945 : memref<1x32x128xi32, #tpu.memory_space<hbm>> -> memref<32x128xi32, #tpu.memory_space<hbm>>
      %dma_start3A_947 = arith.constant 96 : i32
      %dma_start3A_948 = arith.constant 0 : i32
      %dma_start3A_949 = tpu.memref_slice %arg2[%add3A_793, %dma_start3A_947, %dma_start3A_948] : memref<128x128x128xi32, #tpu.memory_space<hbm>> -> memref<1x32x128xi32, #tpu.memory_space<hbm>>
      %dma_start3A_950 = tpu.memref_squeeze %dma_start3A_949 : memref<1x32x128xi32, #tpu.memory_space<hbm>> -> memref<32x128xi32, #tpu.memory_space<hbm>>
      tpu.enqueue_dma source(%dma_start3A_950 : memref<32x128xi32, #tpu.memory_space<hbm>>) target(%arg7 : memref<32x128xi32, #tpu.memory_space<vmem>>) target_semaphore(%run_scoped3A : memref<!tpu.dma_semaphore, #tpu.memory_space<semaphore_mem>>)
      %dma_wait3A = arith.constant 96 : i32
      %dma_wait3A_951 = arith.constant 0 : i32
      %dma_wait3A_952 = tpu.memref_slice %arg2[%add3A_793, %dma_wait3A, %dma_wait3A_951] : memref<128x128x128xi32, #tpu.memory_space<hbm>> -> memref<1x32x128xi32, #tpu.memory_space<hbm>>
      %dma_wait3A_953 = tpu.memref_squeeze %dma_wait3A_952 : memref<1x32x128xi32, #tpu.memory_space<hbm>> -> memref<32x128xi32, #tpu.memory_space<hbm>>
      %dma_wait3A_954 = arith.constant 96 : i32
      %dma_wait3A_955 = arith.constant 0 : i32
      %dma_wait3A_956 = tpu.memref_slice %arg2[%add3A_793, %dma_wait3A_954, %dma_wait3A_955] : memref<128x128x128xi32, #tpu.memory_space<hbm>> -> memref<1x32x128xi32, #tpu.memory_space<hbm>>
      %dma_wait3A_957 = tpu.memref_squeeze %dma_wait3A_956 : memref<1x32x128xi32, #tpu.memory_space<hbm>> -> memref<32x128xi32, #tpu.memory_space<hbm>>
      tpu.wait_dma2 semaphore(%run_scoped3A : memref<!tpu.dma_semaphore, #tpu.memory_space<semaphore_mem>>) src(%dma_wait3A_957 : memref<32x128xi32, #tpu.memory_space<hbm>>) dst(%arg7 : memref<32x128xi32, #tpu.memory_space<vmem>>)
      tpu.yield
    }) : () -> ()
    %scan3A_794 = arith.constant 0 : i32
    %scan3A_795 = arith.constant 0 : i32
    %scan3A_796 = arith.constant 32 : i32
    %scan3A_797 = arith.addi %scan3A_795, %scan3A_796 : i32
    %scan3A_798 = arith.constant 1 : i32
    scf.for %scan3A_944 = %scan3A_795 to %scan3A_797 step %scan3A_798  : i32 {
      "tpu.region"() ({
        %run_scoped3A = tpu.sem_alloc : memref<!tpu.dma_semaphore, #tpu.memory_space<semaphore_mem>>
        %dma_start3A = arith.constant 0 : i32
        %dma_start3A_945 = tpu.memref_slice %arg7[%scan3A_944, %dma_start3A] : memref<32x128xi32, #tpu.memory_space<vmem>> -> memref<1x128xi32, #tpu.memory_space<vmem>>
        %dma_start3A_946 = tpu.memref_squeeze %dma_start3A_945 : memref<1x128xi32, #tpu.memory_space<vmem>> -> memref<128xi32, #tpu.memory_space<vmem>>
        %dma_start3A_947 = arith.constant 0 : i32
        %dma_start3A_948 = tpu.memref_slice %arg6[%dma_start3A_947] : memref<1439424xf32, #tpu.memory_space<vmem_shared>> -> memref<1439424xf32, #tpu.memory_space<vmem_shared>>
        tpu.enqueue_indirect_dma source(%arg8 : memref<128xf32, #tpu.memory_space<vmem>>) target(%dma_start3A_948 : memref<1439424xf32, #tpu.memory_space<vmem_shared>>) offsets(%dma_start3A_946 : memref<128xi32, #tpu.memory_space<vmem>>) semaphore(%run_scoped3A : memref<!tpu.dma_semaphore, #tpu.memory_space<semaphore_mem>>) {add = true}
        %dma_wait3A = arith.constant 0 : i32
        %dma_wait3A_949 = tpu.memref_slice %arg7[%scan3A_944, %dma_wait3A] : memref<32x128xi32, #tpu.memory_space<vmem>> -> memref<1x128xi32, #tpu.memory_space<vmem>>
        %dma_wait3A_950 = tpu.memref_squeeze %dma_wait3A_949 : memref<1x128xi32, #tpu.memory_space<vmem>> -> memref<128xi32, #tpu.memory_space<vmem>>
        %dma_wait3A_951 = arith.constant 0 : i32
        %dma_wait3A_952 = tpu.memref_slice %arg6[%dma_wait3A_951] : memref<1439424xf32, #tpu.memory_space<vmem_shared>> -> memref<1439424xf32, #tpu.memory_space<vmem_shared>>
        tpu.wait_indirect_dma semaphore(%run_scoped3A : memref<!tpu.dma_semaphore, #tpu.memory_space<semaphore_mem>>) src(%arg8 : memref<128xf32, #tpu.memory_space<vmem>>) dst(%dma_wait3A_952 : memref<1439424xf32, #tpu.memory_space<vmem_shared>>)
        tpu.yield
      }) : () -> ()
    }
    %scan3A_799 = arith.constant 32 : i32
    %barrier3A_800 = arith.constant 0 : index
    tpu.barrier barrier_id(%barrier3A_800)
    %mul3A_801 = arith.constant 89960 : i32
    %mul3A_802 = arith.muli %arg1, %mul3A_801 : i32
    %add3A_803 = arith.constant 0 : i32
    %add3A_804 = arith.addi %mul3A_802, %add3A_803 : i32
    "tpu.region"() ({
      %run_scoped3A = tpu.sem_alloc : memref<!tpu.dma_semaphore, #tpu.memory_space<semaphore_mem>>
      %dma_start3A = tpu.memref_slice %arg6[%add3A_804] : memref<1439424xf32, #tpu.memory_space<vmem_shared>> -> memref<6920xf32, #tpu.memory_space<vmem_shared>>
      %dma_start3A_944 = tpu.memref_slice %arg6[%add3A_804] : memref<1439424xf32, #tpu.memory_space<vmem_shared>> -> memref<6920xf32, #tpu.memory_space<vmem_shared>>
      tpu.enqueue_dma source(%dma_start3A_944 : memref<6920xf32, #tpu.memory_space<vmem_shared>>) target(%arg10 : memref<6920xf32, #tpu.memory_space<vmem>>) target_semaphore(%run_scoped3A : memref<!tpu.dma_semaphore, #tpu.memory_space<semaphore_mem>>)
      %dma_wait3A = tpu.memref_slice %arg6[%add3A_804] : memref<1439424xf32, #tpu.memory_space<vmem_shared>> -> memref<6920xf32, #tpu.memory_space<vmem_shared>>
      %dma_wait3A_945 = tpu.memref_slice %arg6[%add3A_804] : memref<1439424xf32, #tpu.memory_space<vmem_shared>> -> memref<6920xf32, #tpu.memory_space<vmem_shared>>
      tpu.wait_dma2 semaphore(%run_scoped3A : memref<!tpu.dma_semaphore, #tpu.memory_space<semaphore_mem>>) src(%dma_wait3A_945 : memref<6920xf32, #tpu.memory_space<vmem_shared>>) dst(%arg10 : memref<6920xf32, #tpu.memory_space<vmem>>)
      tpu.yield
    }) : () -> ()
    %mul3A_805 = arith.constant 16 : i32
    %mul3A_806 = arith.muli %add3A_710, %mul3A_805 : i32
    %add3A_807 = arith.addi %mul3A_806, %arg1 : i32
    %mul3A_808 = arith.constant 89960 : i32
    %mul3A_809 = arith.muli %add3A_807, %mul3A_808 : i32
    %add3A_810 = arith.constant 0 : i32
    %add3A_811 = arith.addi %mul3A_809, %add3A_810 : i32
    "tpu.region"() ({
      %run_scoped3A = tpu.sem_alloc : memref<!tpu.dma_semaphore, #tpu.memory_space<semaphore_mem>>
      %dma_start3A = tpu.memref_slice %arg5[%add3A_811] : memref<11514880xf32, #tpu.memory_space<hbm>> -> memref<6920xf32, #tpu.memory_space<hbm>>
      %dma_start3A_944 = tpu.memref_slice %arg5[%add3A_811] : memref<11514880xf32, #tpu.memory_space<hbm>> -> memref<6920xf32, #tpu.memory_space<hbm>>
      tpu.enqueue_dma source(%arg10 : memref<6920xf32, #tpu.memory_space<vmem>>) target(%dma_start3A_944 : memref<6920xf32, #tpu.memory_space<hbm>>) target_semaphore(%run_scoped3A : memref<!tpu.dma_semaphore, #tpu.memory_space<semaphore_mem>>)
      %dma_wait3A = tpu.memref_slice %arg5[%add3A_811] : memref<11514880xf32, #tpu.memory_space<hbm>> -> memref<6920xf32, #tpu.memory_space<hbm>>
      %dma_wait3A_945 = tpu.memref_slice %arg5[%add3A_811] : memref<11514880xf32, #tpu.memory_space<hbm>> -> memref<6920xf32, #tpu.memory_space<hbm>>
      tpu.wait_dma2 semaphore(%run_scoped3A : memref<!tpu.dma_semaphore, #tpu.memory_space<semaphore_mem>>) src(%arg10 : memref<6920xf32, #tpu.memory_space<vmem>>) dst(%dma_wait3A_945 : memref<6920xf32, #tpu.memory_space<hbm>>)
      tpu.yield
    }) : () -> ()
    %mul3A_812 = arith.constant 89960 : i32
    %mul3A_813 = arith.muli %arg1, %mul3A_812 : i32
    %add3A_814 = arith.constant 6920 : i32
    %add3A_815 = arith.addi %mul3A_813, %add3A_814 : i32
    "tpu.region"() ({
      %run_scoped3A = tpu.sem_alloc : memref<!tpu.dma_semaphore, #tpu.memory_space<semaphore_mem>>
      %dma_start3A = tpu.memref_slice %arg6[%add3A_815] : memref<1439424xf32, #tpu.memory_space<vmem_shared>> -> memref<6920xf32, #tpu.memory_space<vmem_shared>>
      %dma_start3A_944 = tpu.memref_slice %arg6[%add3A_815] : memref<1439424xf32, #tpu.memory_space<vmem_shared>> -> memref<6920xf32, #tpu.memory_space<vmem_shared>>
      tpu.enqueue_dma source(%dma_start3A_944 : memref<6920xf32, #tpu.memory_space<vmem_shared>>) target(%arg10 : memref<6920xf32, #tpu.memory_space<vmem>>) target_semaphore(%run_scoped3A : memref<!tpu.dma_semaphore, #tpu.memory_space<semaphore_mem>>)
      %dma_wait3A = tpu.memref_slice %arg6[%add3A_815] : memref<1439424xf32, #tpu.memory_space<vmem_shared>> -> memref<6920xf32, #tpu.memory_space<vmem_shared>>
      %dma_wait3A_945 = tpu.memref_slice %arg6[%add3A_815] : memref<1439424xf32, #tpu.memory_space<vmem_shared>> -> memref<6920xf32, #tpu.memory_space<vmem_shared>>
      tpu.wait_dma2 semaphore(%run_scoped3A : memref<!tpu.dma_semaphore, #tpu.memory_space<semaphore_mem>>) src(%dma_wait3A_945 : memref<6920xf32, #tpu.memory_space<vmem_shared>>) dst(%arg10 : memref<6920xf32, #tpu.memory_space<vmem>>)
      tpu.yield
    }) : () -> ()
    %mul3A_816 = arith.constant 16 : i32
    %mul3A_817 = arith.muli %add3A_710, %mul3A_816 : i32
    %add3A_818 = arith.addi %mul3A_817, %arg1 : i32
    %mul3A_819 = arith.constant 89960 : i32
    %mul3A_820 = arith.muli %add3A_818, %mul3A_819 : i32
    %add3A_821 = arith.constant 6920 : i32
    %add3A_822 = arith.addi %mul3A_820, %add3A_821 : i32
    "tpu.region"() ({
      %run_scoped3A = tpu.sem_alloc : memref<!tpu.dma_semaphore, #tpu.memory_space<semaphore_mem>>
      %dma_start3A = tpu.memref_slice %arg5[%add3A_822] : memref<11514880xf32, #tpu.memory_space<hbm>> -> memref<6920xf32, #tpu.memory_space<hbm>>
      %dma_start3A_944 = tpu.memref_slice %arg5[%add3A_822] : memref<11514880xf32, #tpu.memory_space<hbm>> -> memref<6920xf32, #tpu.memory_space<hbm>>
      tpu.enqueue_dma source(%arg10 : memref<6920xf32, #tpu.memory_space<vmem>>) target(%dma_start3A_944 : memref<6920xf32, #tpu.memory_space<hbm>>) target_semaphore(%run_scoped3A : memref<!tpu.dma_semaphore, #tpu.memory_space<semaphore_mem>>)
      %dma_wait3A = tpu.memref_slice %arg5[%add3A_822] : memref<11514880xf32, #tpu.memory_space<hbm>> -> memref<6920xf32, #tpu.memory_space<hbm>>
      %dma_wait3A_945 = tpu.memref_slice %arg5[%add3A_822] : memref<11514880xf32, #tpu.memory_space<hbm>> -> memref<6920xf32, #tpu.memory_space<hbm>>
      tpu.wait_dma2 semaphore(%run_scoped3A : memref<!tpu.dma_semaphore, #tpu.memory_space<semaphore_mem>>) src(%arg10 : memref<6920xf32, #tpu.memory_space<vmem>>) dst(%dma_wait3A_945 : memref<6920xf32, #tpu.memory_space<hbm>>)
      tpu.yield
    }) : () -> ()
    %mul3A_823 = arith.constant 89960 : i32
    %mul3A_824 = arith.muli %arg1, %mul3A_823 : i32
    %add3A_825 = arith.constant 13840 : i32
    %add3A_826 = arith.addi %mul3A_824, %add3A_825 : i32
    "tpu.region"() ({
      %run_scoped3A = tpu.sem_alloc : memref<!tpu.dma_semaphore, #tpu.memory_space<semaphore_mem>>
      %dma_start3A = tpu.memref_slice %arg6[%add3A_826] : memref<1439424xf32, #tpu.memory_space<vmem_shared>> -> memref<6920xf32, #tpu.memory_space<vmem_shared>>
      %dma_start3A_944 = tpu.memref_slice %arg6[%add3A_826] : memref<1439424xf32, #tpu.memory_space<vmem_shared>> -> memref<6920xf32, #tpu.memory_space<vmem_shared>>
      tpu.enqueue_dma source(%dma_start3A_944 : memref<6920xf32, #tpu.memory_space<vmem_shared>>) target(%arg10 : memref<6920xf32, #tpu.memory_space<vmem>>) target_semaphore(%run_scoped3A : memref<!tpu.dma_semaphore, #tpu.memory_space<semaphore_mem>>)
      %dma_wait3A = tpu.memref_slice %arg6[%add3A_826] : memref<1439424xf32, #tpu.memory_space<vmem_shared>> -> memref<6920xf32, #tpu.memory_space<vmem_shared>>
      %dma_wait3A_945 = tpu.memref_slice %arg6[%add3A_826] : memref<1439424xf32, #tpu.memory_space<vmem_shared>> -> memref<6920xf32, #tpu.memory_space<vmem_shared>>
      tpu.wait_dma2 semaphore(%run_scoped3A : memref<!tpu.dma_semaphore, #tpu.memory_space<semaphore_mem>>) src(%dma_wait3A_945 : memref<6920xf32, #tpu.memory_space<vmem_shared>>) dst(%arg10 : memref<6920xf32, #tpu.memory_space<vmem>>)
      tpu.yield
    }) : () -> ()
    %mul3A_827 = arith.constant 16 : i32
    %mul3A_828 = arith.muli %add3A_710, %mul3A_827 : i32
    %add3A_829 = arith.addi %mul3A_828, %arg1 : i32
    %mul3A_830 = arith.constant 89960 : i32
    %mul3A_831 = arith.muli %add3A_829, %mul3A_830 : i32
    %add3A_832 = arith.constant 13840 : i32
    %add3A_833 = arith.addi %mul3A_831, %add3A_832 : i32
    "tpu.region"() ({
      %run_scoped3A = tpu.sem_alloc : memref<!tpu.dma_semaphore, #tpu.memory_space<semaphore_mem>>
      %dma_start3A = tpu.memref_slice %arg5[%add3A_833] : memref<11514880xf32, #tpu.memory_space<hbm>> -> memref<6920xf32, #tpu.memory_space<hbm>>
      %dma_start3A_944 = tpu.memref_slice %arg5[%add3A_833] : memref<11514880xf32, #tpu.memory_space<hbm>> -> memref<6920xf32, #tpu.memory_space<hbm>>
      tpu.enqueue_dma source(%arg10 : memref<6920xf32, #tpu.memory_space<vmem>>) target(%dma_start3A_944 : memref<6920xf32, #tpu.memory_space<hbm>>) target_semaphore(%run_scoped3A : memref<!tpu.dma_semaphore, #tpu.memory_space<semaphore_mem>>)
      %dma_wait3A = tpu.memref_slice %arg5[%add3A_833] : memref<11514880xf32, #tpu.memory_space<hbm>> -> memref<6920xf32, #tpu.memory_space<hbm>>
      %dma_wait3A_945 = tpu.memref_slice %arg5[%add3A_833] : memref<11514880xf32, #tpu.memory_space<hbm>> -> memref<6920xf32, #tpu.memory_space<hbm>>
      tpu.wait_dma2 semaphore(%run_scoped3A : memref<!tpu.dma_semaphore, #tpu.memory_space<semaphore_mem>>) src(%arg10 : memref<6920xf32, #tpu.memory_space<vmem>>) dst(%dma_wait3A_945 : memref<6920xf32, #tpu.memory_space<hbm>>)
      tpu.yield
    }) : () -> ()
    %mul3A_834 = arith.constant 89960 : i32
    %mul3A_835 = arith.muli %arg1, %mul3A_834 : i32
    %add3A_836 = arith.constant 20760 : i32
    %add3A_837 = arith.addi %mul3A_835, %add3A_836 : i32
    "tpu.region"() ({
      %run_scoped3A = tpu.sem_alloc : memref<!tpu.dma_semaphore, #tpu.memory_space<semaphore_mem>>
      %dma_start3A = tpu.memref_slice %arg6[%add3A_837] : memref<1439424xf32, #tpu.memory_space<vmem_shared>> -> memref<6920xf32, #tpu.memory_space<vmem_shared>>
      %dma_start3A_944 = tpu.memref_slice %arg6[%add3A_837] : memref<1439424xf32, #tpu.memory_space<vmem_shared>> -> memref<6920xf32, #tpu.memory_space<vmem_shared>>
      tpu.enqueue_dma source(%dma_start3A_944 : memref<6920xf32, #tpu.memory_space<vmem_shared>>) target(%arg10 : memref<6920xf32, #tpu.memory_space<vmem>>) target_semaphore(%run_scoped3A : memref<!tpu.dma_semaphore, #tpu.memory_space<semaphore_mem>>)
      %dma_wait3A = tpu.memref_slice %arg6[%add3A_837] : memref<1439424xf32, #tpu.memory_space<vmem_shared>> -> memref<6920xf32, #tpu.memory_space<vmem_shared>>
      %dma_wait3A_945 = tpu.memref_slice %arg6[%add3A_837] : memref<1439424xf32, #tpu.memory_space<vmem_shared>> -> memref<6920xf32, #tpu.memory_space<vmem_shared>>
      tpu.wait_dma2 semaphore(%run_scoped3A : memref<!tpu.dma_semaphore, #tpu.memory_space<semaphore_mem>>) src(%dma_wait3A_945 : memref<6920xf32, #tpu.memory_space<vmem_shared>>) dst(%arg10 : memref<6920xf32, #tpu.memory_space<vmem>>)
      tpu.yield
    }) : () -> ()
    %mul3A_838 = arith.constant 16 : i32
    %mul3A_839 = arith.muli %add3A_710, %mul3A_838 : i32
    %add3A_840 = arith.addi %mul3A_839, %arg1 : i32
    %mul3A_841 = arith.constant 89960 : i32
    %mul3A_842 = arith.muli %add3A_840, %mul3A_841 : i32
    %add3A_843 = arith.constant 20760 : i32
    %add3A_844 = arith.addi %mul3A_842, %add3A_843 : i32
    "tpu.region"() ({
      %run_scoped3A = tpu.sem_alloc : memref<!tpu.dma_semaphore, #tpu.memory_space<semaphore_mem>>
      %dma_start3A = tpu.memref_slice %arg5[%add3A_844] : memref<11514880xf32, #tpu.memory_space<hbm>> -> memref<6920xf32, #tpu.memory_space<hbm>>
      %dma_start3A_944 = tpu.memref_slice %arg5[%add3A_844] : memref<11514880xf32, #tpu.memory_space<hbm>> -> memref<6920xf32, #tpu.memory_space<hbm>>
      tpu.enqueue_dma source(%arg10 : memref<6920xf32, #tpu.memory_space<vmem>>) target(%dma_start3A_944 : memref<6920xf32, #tpu.memory_space<hbm>>) target_semaphore(%run_scoped3A : memref<!tpu.dma_semaphore, #tpu.memory_space<semaphore_mem>>)
      %dma_wait3A = tpu.memref_slice %arg5[%add3A_844] : memref<11514880xf32, #tpu.memory_space<hbm>> -> memref<6920xf32, #tpu.memory_space<hbm>>
      %dma_wait3A_945 = tpu.memref_slice %arg5[%add3A_844] : memref<11514880xf32, #tpu.memory_space<hbm>> -> memref<6920xf32, #tpu.memory_space<hbm>>
      tpu.wait_dma2 semaphore(%run_scoped3A : memref<!tpu.dma_semaphore, #tpu.memory_space<semaphore_mem>>) src(%arg10 : memref<6920xf32, #tpu.memory_space<vmem>>) dst(%dma_wait3A_945 : memref<6920xf32, #tpu.memory_space<hbm>>)
      tpu.yield
    }) : () -> ()
    %mul3A_845 = arith.constant 89960 : i32
    %mul3A_846 = arith.muli %arg1, %mul3A_845 : i32
    %add3A_847 = arith.constant 27680 : i32
    %add3A_848 = arith.addi %mul3A_846, %add3A_847 : i32
    "tpu.region"() ({
      %run_scoped3A = tpu.sem_alloc : memref<!tpu.dma_semaphore, #tpu.memory_space<semaphore_mem>>
      %dma_start3A = tpu.memref_slice %arg6[%add3A_848] : memref<1439424xf32, #tpu.memory_space<vmem_shared>> -> memref<6920xf32, #tpu.memory_space<vmem_shared>>
      %dma_start3A_944 = tpu.memref_slice %arg6[%add3A_848] : memref<1439424xf32, #tpu.memory_space<vmem_shared>> -> memref<6920xf32, #tpu.memory_space<vmem_shared>>
      tpu.enqueue_dma source(%dma_start3A_944 : memref<6920xf32, #tpu.memory_space<vmem_shared>>) target(%arg10 : memref<6920xf32, #tpu.memory_space<vmem>>) target_semaphore(%run_scoped3A : memref<!tpu.dma_semaphore, #tpu.memory_space<semaphore_mem>>)
      %dma_wait3A = tpu.memref_slice %arg6[%add3A_848] : memref<1439424xf32, #tpu.memory_space<vmem_shared>> -> memref<6920xf32, #tpu.memory_space<vmem_shared>>
      %dma_wait3A_945 = tpu.memref_slice %arg6[%add3A_848] : memref<1439424xf32, #tpu.memory_space<vmem_shared>> -> memref<6920xf32, #tpu.memory_space<vmem_shared>>
      tpu.wait_dma2 semaphore(%run_scoped3A : memref<!tpu.dma_semaphore, #tpu.memory_space<semaphore_mem>>) src(%dma_wait3A_945 : memref<6920xf32, #tpu.memory_space<vmem_shared>>) dst(%arg10 : memref<6920xf32, #tpu.memory_space<vmem>>)
      tpu.yield
    }) : () -> ()
    %mul3A_849 = arith.constant 16 : i32
    %mul3A_850 = arith.muli %add3A_710, %mul3A_849 : i32
    %add3A_851 = arith.addi %mul3A_850, %arg1 : i32
    %mul3A_852 = arith.constant 89960 : i32
    %mul3A_853 = arith.muli %add3A_851, %mul3A_852 : i32
    %add3A_854 = arith.constant 27680 : i32
    %add3A_855 = arith.addi %mul3A_853, %add3A_854 : i32
    "tpu.region"() ({
      %run_scoped3A = tpu.sem_alloc : memref<!tpu.dma_semaphore, #tpu.memory_space<semaphore_mem>>
      %dma_start3A = tpu.memref_slice %arg5[%add3A_855] : memref<11514880xf32, #tpu.memory_space<hbm>> -> memref<6920xf32, #tpu.memory_space<hbm>>
      %dma_start3A_944 = tpu.memref_slice %arg5[%add3A_855] : memref<11514880xf32, #tpu.memory_space<hbm>> -> memref<6920xf32, #tpu.memory_space<hbm>>
      tpu.enqueue_dma source(%arg10 : memref<6920xf32, #tpu.memory_space<vmem>>) target(%dma_start3A_944 : memref<6920xf32, #tpu.memory_space<hbm>>) target_semaphore(%run_scoped3A : memref<!tpu.dma_semaphore, #tpu.memory_space<semaphore_mem>>)
      %dma_wait3A = tpu.memref_slice %arg5[%add3A_855] : memref<11514880xf32, #tpu.memory_space<hbm>> -> memref<6920xf32, #tpu.memory_space<hbm>>
      %dma_wait3A_945 = tpu.memref_slice %arg5[%add3A_855] : memref<11514880xf32, #tpu.memory_space<hbm>> -> memref<6920xf32, #tpu.memory_space<hbm>>
      tpu.wait_dma2 semaphore(%run_scoped3A : memref<!tpu.dma_semaphore, #tpu.memory_space<semaphore_mem>>) src(%arg10 : memref<6920xf32, #tpu.memory_space<vmem>>) dst(%dma_wait3A_945 : memref<6920xf32, #tpu.memory_space<hbm>>)
      tpu.yield
    }) : () -> ()
    %mul3A_856 = arith.constant 89960 : i32
    %mul3A_857 = arith.muli %arg1, %mul3A_856 : i32
    %add3A_858 = arith.constant 34600 : i32
    %add3A_859 = arith.addi %mul3A_857, %add3A_858 : i32
    "tpu.region"() ({
      %run_scoped3A = tpu.sem_alloc : memref<!tpu.dma_semaphore, #tpu.memory_space<semaphore_mem>>
      %dma_start3A = tpu.memref_slice %arg6[%add3A_859] : memref<1439424xf32, #tpu.memory_space<vmem_shared>> -> memref<6920xf32, #tpu.memory_space<vmem_shared>>
      %dma_start3A_944 = tpu.memref_slice %arg6[%add3A_859] : memref<1439424xf32, #tpu.memory_space<vmem_shared>> -> memref<6920xf32, #tpu.memory_space<vmem_shared>>
      tpu.enqueue_dma source(%dma_start3A_944 : memref<6920xf32, #tpu.memory_space<vmem_shared>>) target(%arg10 : memref<6920xf32, #tpu.memory_space<vmem>>) target_semaphore(%run_scoped3A : memref<!tpu.dma_semaphore, #tpu.memory_space<semaphore_mem>>)
      %dma_wait3A = tpu.memref_slice %arg6[%add3A_859] : memref<1439424xf32, #tpu.memory_space<vmem_shared>> -> memref<6920xf32, #tpu.memory_space<vmem_shared>>
      %dma_wait3A_945 = tpu.memref_slice %arg6[%add3A_859] : memref<1439424xf32, #tpu.memory_space<vmem_shared>> -> memref<6920xf32, #tpu.memory_space<vmem_shared>>
      tpu.wait_dma2 semaphore(%run_scoped3A : memref<!tpu.dma_semaphore, #tpu.memory_space<semaphore_mem>>) src(%dma_wait3A_945 : memref<6920xf32, #tpu.memory_space<vmem_shared>>) dst(%arg10 : memref<6920xf32, #tpu.memory_space<vmem>>)
      tpu.yield
    }) : () -> ()
    %mul3A_860 = arith.constant 16 : i32
    %mul3A_861 = arith.muli %add3A_710, %mul3A_860 : i32
    %add3A_862 = arith.addi %mul3A_861, %arg1 : i32
    %mul3A_863 = arith.constant 89960 : i32
    %mul3A_864 = arith.muli %add3A_862, %mul3A_863 : i32
    %add3A_865 = arith.constant 34600 : i32
    %add3A_866 = arith.addi %mul3A_864, %add3A_865 : i32
    "tpu.region"() ({
      %run_scoped3A = tpu.sem_alloc : memref<!tpu.dma_semaphore, #tpu.memory_space<semaphore_mem>>
      %dma_start3A = tpu.memref_slice %arg5[%add3A_866] : memref<11514880xf32, #tpu.memory_space<hbm>> -> memref<6920xf32, #tpu.memory_space<hbm>>
      %dma_start3A_944 = tpu.memref_slice %arg5[%add3A_866] : memref<11514880xf32, #tpu.memory_space<hbm>> -> memref<6920xf32, #tpu.memory_space<hbm>>
      tpu.enqueue_dma source(%arg10 : memref<6920xf32, #tpu.memory_space<vmem>>) target(%dma_start3A_944 : memref<6920xf32, #tpu.memory_space<hbm>>) target_semaphore(%run_scoped3A : memref<!tpu.dma_semaphore, #tpu.memory_space<semaphore_mem>>)
      %dma_wait3A = tpu.memref_slice %arg5[%add3A_866] : memref<11514880xf32, #tpu.memory_space<hbm>> -> memref<6920xf32, #tpu.memory_space<hbm>>
      %dma_wait3A_945 = tpu.memref_slice %arg5[%add3A_866] : memref<11514880xf32, #tpu.memory_space<hbm>> -> memref<6920xf32, #tpu.memory_space<hbm>>
      tpu.wait_dma2 semaphore(%run_scoped3A : memref<!tpu.dma_semaphore, #tpu.memory_space<semaphore_mem>>) src(%arg10 : memref<6920xf32, #tpu.memory_space<vmem>>) dst(%dma_wait3A_945 : memref<6920xf32, #tpu.memory_space<hbm>>)
      tpu.yield
    }) : () -> ()
    %mul3A_867 = arith.constant 89960 : i32
    %mul3A_868 = arith.muli %arg1, %mul3A_867 : i32
    %add3A_869 = arith.constant 41520 : i32
    %add3A_870 = arith.addi %mul3A_868, %add3A_869 : i32
    "tpu.region"() ({
      %run_scoped3A = tpu.sem_alloc : memref<!tpu.dma_semaphore, #tpu.memory_space<semaphore_mem>>
      %dma_start3A = tpu.memref_slice %arg6[%add3A_870] : memref<1439424xf32, #tpu.memory_space<vmem_shared>> -> memref<6920xf32, #tpu.memory_space<vmem_shared>>
      %dma_start3A_944 = tpu.memref_slice %arg6[%add3A_870] : memref<1439424xf32, #tpu.memory_space<vmem_shared>> -> memref<6920xf32, #tpu.memory_space<vmem_shared>>
      tpu.enqueue_dma source(%dma_start3A_944 : memref<6920xf32, #tpu.memory_space<vmem_shared>>) target(%arg10 : memref<6920xf32, #tpu.memory_space<vmem>>) target_semaphore(%run_scoped3A : memref<!tpu.dma_semaphore, #tpu.memory_space<semaphore_mem>>)
      %dma_wait3A = tpu.memref_slice %arg6[%add3A_870] : memref<1439424xf32, #tpu.memory_space<vmem_shared>> -> memref<6920xf32, #tpu.memory_space<vmem_shared>>
      %dma_wait3A_945 = tpu.memref_slice %arg6[%add3A_870] : memref<1439424xf32, #tpu.memory_space<vmem_shared>> -> memref<6920xf32, #tpu.memory_space<vmem_shared>>
      tpu.wait_dma2 semaphore(%run_scoped3A : memref<!tpu.dma_semaphore, #tpu.memory_space<semaphore_mem>>) src(%dma_wait3A_945 : memref<6920xf32, #tpu.memory_space<vmem_shared>>) dst(%arg10 : memref<6920xf32, #tpu.memory_space<vmem>>)
      tpu.yield
    }) : () -> ()
    %mul3A_871 = arith.constant 16 : i32
    %mul3A_872 = arith.muli %add3A_710, %mul3A_871 : i32
    %add3A_873 = arith.addi %mul3A_872, %arg1 : i32
    %mul3A_874 = arith.constant 89960 : i32
    %mul3A_875 = arith.muli %add3A_873, %mul3A_874 : i32
    %add3A_876 = arith.constant 41520 : i32
    %add3A_877 = arith.addi %mul3A_875, %add3A_876 : i32
    "tpu.region"() ({
      %run_scoped3A = tpu.sem_alloc : memref<!tpu.dma_semaphore, #tpu.memory_space<semaphore_mem>>
      %dma_start3A = tpu.memref_slice %arg5[%add3A_877] : memref<11514880xf32, #tpu.memory_space<hbm>> -> memref<6920xf32, #tpu.memory_space<hbm>>
      %dma_start3A_944 = tpu.memref_slice %arg5[%add3A_877] : memref<11514880xf32, #tpu.memory_space<hbm>> -> memref<6920xf32, #tpu.memory_space<hbm>>
      tpu.enqueue_dma source(%arg10 : memref<6920xf32, #tpu.memory_space<vmem>>) target(%dma_start3A_944 : memref<6920xf32, #tpu.memory_space<hbm>>) target_semaphore(%run_scoped3A : memref<!tpu.dma_semaphore, #tpu.memory_space<semaphore_mem>>)
      %dma_wait3A = tpu.memref_slice %arg5[%add3A_877] : memref<11514880xf32, #tpu.memory_space<hbm>> -> memref<6920xf32, #tpu.memory_space<hbm>>
      %dma_wait3A_945 = tpu.memref_slice %arg5[%add3A_877] : memref<11514880xf32, #tpu.memory_space<hbm>> -> memref<6920xf32, #tpu.memory_space<hbm>>
      tpu.wait_dma2 semaphore(%run_scoped3A : memref<!tpu.dma_semaphore, #tpu.memory_space<semaphore_mem>>) src(%arg10 : memref<6920xf32, #tpu.memory_space<vmem>>) dst(%dma_wait3A_945 : memref<6920xf32, #tpu.memory_space<hbm>>)
      tpu.yield
    }) : () -> ()
    %mul3A_878 = arith.constant 89960 : i32
    %mul3A_879 = arith.muli %arg1, %mul3A_878 : i32
    %add3A_880 = arith.constant 48440 : i32
    %add3A_881 = arith.addi %mul3A_879, %add3A_880 : i32
    "tpu.region"() ({
      %run_scoped3A = tpu.sem_alloc : memref<!tpu.dma_semaphore, #tpu.memory_space<semaphore_mem>>
      %dma_start3A = tpu.memref_slice %arg6[%add3A_881] : memref<1439424xf32, #tpu.memory_space<vmem_shared>> -> memref<6920xf32, #tpu.memory_space<vmem_shared>>
      %dma_start3A_944 = tpu.memref_slice %arg6[%add3A_881] : memref<1439424xf32, #tpu.memory_space<vmem_shared>> -> memref<6920xf32, #tpu.memory_space<vmem_shared>>
      tpu.enqueue_dma source(%dma_start3A_944 : memref<6920xf32, #tpu.memory_space<vmem_shared>>) target(%arg10 : memref<6920xf32, #tpu.memory_space<vmem>>) target_semaphore(%run_scoped3A : memref<!tpu.dma_semaphore, #tpu.memory_space<semaphore_mem>>)
      %dma_wait3A = tpu.memref_slice %arg6[%add3A_881] : memref<1439424xf32, #tpu.memory_space<vmem_shared>> -> memref<6920xf32, #tpu.memory_space<vmem_shared>>
      %dma_wait3A_945 = tpu.memref_slice %arg6[%add3A_881] : memref<1439424xf32, #tpu.memory_space<vmem_shared>> -> memref<6920xf32, #tpu.memory_space<vmem_shared>>
      tpu.wait_dma2 semaphore(%run_scoped3A : memref<!tpu.dma_semaphore, #tpu.memory_space<semaphore_mem>>) src(%dma_wait3A_945 : memref<6920xf32, #tpu.memory_space<vmem_shared>>) dst(%arg10 : memref<6920xf32, #tpu.memory_space<vmem>>)
      tpu.yield
    }) : () -> ()
    %mul3A_882 = arith.constant 16 : i32
    %mul3A_883 = arith.muli %add3A_710, %mul3A_882 : i32
    %add3A_884 = arith.addi %mul3A_883, %arg1 : i32
    %mul3A_885 = arith.constant 89960 : i32
    %mul3A_886 = arith.muli %add3A_884, %mul3A_885 : i32
    %add3A_887 = arith.constant 48440 : i32
    %add3A_888 = arith.addi %mul3A_886, %add3A_887 : i32
    "tpu.region"() ({
      %run_scoped3A = tpu.sem_alloc : memref<!tpu.dma_semaphore, #tpu.memory_space<semaphore_mem>>
      %dma_start3A = tpu.memref_slice %arg5[%add3A_888] : memref<11514880xf32, #tpu.memory_space<hbm>> -> memref<6920xf32, #tpu.memory_space<hbm>>
      %dma_start3A_944 = tpu.memref_slice %arg5[%add3A_888] : memref<11514880xf32, #tpu.memory_space<hbm>> -> memref<6920xf32, #tpu.memory_space<hbm>>
      tpu.enqueue_dma source(%arg10 : memref<6920xf32, #tpu.memory_space<vmem>>) target(%dma_start3A_944 : memref<6920xf32, #tpu.memory_space<hbm>>) target_semaphore(%run_scoped3A : memref<!tpu.dma_semaphore, #tpu.memory_space<semaphore_mem>>)
      %dma_wait3A = tpu.memref_slice %arg5[%add3A_888] : memref<11514880xf32, #tpu.memory_space<hbm>> -> memref<6920xf32, #tpu.memory_space<hbm>>
      %dma_wait3A_945 = tpu.memref_slice %arg5[%add3A_888] : memref<11514880xf32, #tpu.memory_space<hbm>> -> memref<6920xf32, #tpu.memory_space<hbm>>
      tpu.wait_dma2 semaphore(%run_scoped3A : memref<!tpu.dma_semaphore, #tpu.memory_space<semaphore_mem>>) src(%arg10 : memref<6920xf32, #tpu.memory_space<vmem>>) dst(%dma_wait3A_945 : memref<6920xf32, #tpu.memory_space<hbm>>)
      tpu.yield
    }) : () -> ()
    %mul3A_889 = arith.constant 89960 : i32
    %mul3A_890 = arith.muli %arg1, %mul3A_889 : i32
    %add3A_891 = arith.constant 55360 : i32
    %add3A_892 = arith.addi %mul3A_890, %add3A_891 : i32
    "tpu.region"() ({
      %run_scoped3A = tpu.sem_alloc : memref<!tpu.dma_semaphore, #tpu.memory_space<semaphore_mem>>
      %dma_start3A = tpu.memref_slice %arg6[%add3A_892] : memref<1439424xf32, #tpu.memory_space<vmem_shared>> -> memref<6920xf32, #tpu.memory_space<vmem_shared>>
      %dma_start3A_944 = tpu.memref_slice %arg6[%add3A_892] : memref<1439424xf32, #tpu.memory_space<vmem_shared>> -> memref<6920xf32, #tpu.memory_space<vmem_shared>>
      tpu.enqueue_dma source(%dma_start3A_944 : memref<6920xf32, #tpu.memory_space<vmem_shared>>) target(%arg10 : memref<6920xf32, #tpu.memory_space<vmem>>) target_semaphore(%run_scoped3A : memref<!tpu.dma_semaphore, #tpu.memory_space<semaphore_mem>>)
      %dma_wait3A = tpu.memref_slice %arg6[%add3A_892] : memref<1439424xf32, #tpu.memory_space<vmem_shared>> -> memref<6920xf32, #tpu.memory_space<vmem_shared>>
      %dma_wait3A_945 = tpu.memref_slice %arg6[%add3A_892] : memref<1439424xf32, #tpu.memory_space<vmem_shared>> -> memref<6920xf32, #tpu.memory_space<vmem_shared>>
      tpu.wait_dma2 semaphore(%run_scoped3A : memref<!tpu.dma_semaphore, #tpu.memory_space<semaphore_mem>>) src(%dma_wait3A_945 : memref<6920xf32, #tpu.memory_space<vmem_shared>>) dst(%arg10 : memref<6920xf32, #tpu.memory_space<vmem>>)
      tpu.yield
    }) : () -> ()
    %mul3A_893 = arith.constant 16 : i32
    %mul3A_894 = arith.muli %add3A_710, %mul3A_893 : i32
    %add3A_895 = arith.addi %mul3A_894, %arg1 : i32
    %mul3A_896 = arith.constant 89960 : i32
    %mul3A_897 = arith.muli %add3A_895, %mul3A_896 : i32
    %add3A_898 = arith.constant 55360 : i32
    %add3A_899 = arith.addi %mul3A_897, %add3A_898 : i32
    "tpu.region"() ({
      %run_scoped3A = tpu.sem_alloc : memref<!tpu.dma_semaphore, #tpu.memory_space<semaphore_mem>>
      %dma_start3A = tpu.memref_slice %arg5[%add3A_899] : memref<11514880xf32, #tpu.memory_space<hbm>> -> memref<6920xf32, #tpu.memory_space<hbm>>
      %dma_start3A_944 = tpu.memref_slice %arg5[%add3A_899] : memref<11514880xf32, #tpu.memory_space<hbm>> -> memref<6920xf32, #tpu.memory_space<hbm>>
      tpu.enqueue_dma source(%arg10 : memref<6920xf32, #tpu.memory_space<vmem>>) target(%dma_start3A_944 : memref<6920xf32, #tpu.memory_space<hbm>>) target_semaphore(%run_scoped3A : memref<!tpu.dma_semaphore, #tpu.memory_space<semaphore_mem>>)
      %dma_wait3A = tpu.memref_slice %arg5[%add3A_899] : memref<11514880xf32, #tpu.memory_space<hbm>> -> memref<6920xf32, #tpu.memory_space<hbm>>
      %dma_wait3A_945 = tpu.memref_slice %arg5[%add3A_899] : memref<11514880xf32, #tpu.memory_space<hbm>> -> memref<6920xf32, #tpu.memory_space<hbm>>
      tpu.wait_dma2 semaphore(%run_scoped3A : memref<!tpu.dma_semaphore, #tpu.memory_space<semaphore_mem>>) src(%arg10 : memref<6920xf32, #tpu.memory_space<vmem>>) dst(%dma_wait3A_945 : memref<6920xf32, #tpu.memory_space<hbm>>)
      tpu.yield
    }) : () -> ()
    %mul3A_900 = arith.constant 89960 : i32
    %mul3A_901 = arith.muli %arg1, %mul3A_900 : i32
    %add3A_902 = arith.constant 62280 : i32
    %add3A_903 = arith.addi %mul3A_901, %add3A_902 : i32
    "tpu.region"() ({
      %run_scoped3A = tpu.sem_alloc : memref<!tpu.dma_semaphore, #tpu.memory_space<semaphore_mem>>
      %dma_start3A = tpu.memref_slice %arg6[%add3A_903] : memref<1439424xf32, #tpu.memory_space<vmem_shared>> -> memref<6920xf32, #tpu.memory_space<vmem_shared>>
      %dma_start3A_944 = tpu.memref_slice %arg6[%add3A_903] : memref<1439424xf32, #tpu.memory_space<vmem_shared>> -> memref<6920xf32, #tpu.memory_space<vmem_shared>>
      tpu.enqueue_dma source(%dma_start3A_944 : memref<6920xf32, #tpu.memory_space<vmem_shared>>) target(%arg10 : memref<6920xf32, #tpu.memory_space<vmem>>) target_semaphore(%run_scoped3A : memref<!tpu.dma_semaphore, #tpu.memory_space<semaphore_mem>>)
      %dma_wait3A = tpu.memref_slice %arg6[%add3A_903] : memref<1439424xf32, #tpu.memory_space<vmem_shared>> -> memref<6920xf32, #tpu.memory_space<vmem_shared>>
      %dma_wait3A_945 = tpu.memref_slice %arg6[%add3A_903] : memref<1439424xf32, #tpu.memory_space<vmem_shared>> -> memref<6920xf32, #tpu.memory_space<vmem_shared>>
      tpu.wait_dma2 semaphore(%run_scoped3A : memref<!tpu.dma_semaphore, #tpu.memory_space<semaphore_mem>>) src(%dma_wait3A_945 : memref<6920xf32, #tpu.memory_space<vmem_shared>>) dst(%arg10 : memref<6920xf32, #tpu.memory_space<vmem>>)
      tpu.yield
    }) : () -> ()
    %mul3A_904 = arith.constant 16 : i32
    %mul3A_905 = arith.muli %add3A_710, %mul3A_904 : i32
    %add3A_906 = arith.addi %mul3A_905, %arg1 : i32
    %mul3A_907 = arith.constant 89960 : i32
    %mul3A_908 = arith.muli %add3A_906, %mul3A_907 : i32
    %add3A_909 = arith.constant 62280 : i32
    %add3A_910 = arith.addi %mul3A_908, %add3A_909 : i32
    "tpu.region"() ({
      %run_scoped3A = tpu.sem_alloc : memref<!tpu.dma_semaphore, #tpu.memory_space<semaphore_mem>>
      %dma_start3A = tpu.memref_slice %arg5[%add3A_910] : memref<11514880xf32, #tpu.memory_space<hbm>> -> memref<6920xf32, #tpu.memory_space<hbm>>
      %dma_start3A_944 = tpu.memref_slice %arg5[%add3A_910] : memref<11514880xf32, #tpu.memory_space<hbm>> -> memref<6920xf32, #tpu.memory_space<hbm>>
      tpu.enqueue_dma source(%arg10 : memref<6920xf32, #tpu.memory_space<vmem>>) target(%dma_start3A_944 : memref<6920xf32, #tpu.memory_space<hbm>>) target_semaphore(%run_scoped3A : memref<!tpu.dma_semaphore, #tpu.memory_space<semaphore_mem>>)
      %dma_wait3A = tpu.memref_slice %arg5[%add3A_910] : memref<11514880xf32, #tpu.memory_space<hbm>> -> memref<6920xf32, #tpu.memory_space<hbm>>
      %dma_wait3A_945 = tpu.memref_slice %arg5[%add3A_910] : memref<11514880xf32, #tpu.memory_space<hbm>> -> memref<6920xf32, #tpu.memory_space<hbm>>
      tpu.wait_dma2 semaphore(%run_scoped3A : memref<!tpu.dma_semaphore, #tpu.memory_space<semaphore_mem>>) src(%arg10 : memref<6920xf32, #tpu.memory_space<vmem>>) dst(%dma_wait3A_945 : memref<6920xf32, #tpu.memory_space<hbm>>)
      tpu.yield
    }) : () -> ()
    %mul3A_911 = arith.constant 89960 : i32
    %mul3A_912 = arith.muli %arg1, %mul3A_911 : i32
    %add3A_913 = arith.constant 69200 : i32
    %add3A_914 = arith.addi %mul3A_912, %add3A_913 : i32
    "tpu.region"() ({
      %run_scoped3A = tpu.sem_alloc : memref<!tpu.dma_semaphore, #tpu.memory_space<semaphore_mem>>
      %dma_start3A = tpu.memref_slice %arg6[%add3A_914] : memref<1439424xf32, #tpu.memory_space<vmem_shared>> -> memref<6920xf32, #tpu.memory_space<vmem_shared>>
      %dma_start3A_944 = tpu.memref_slice %arg6[%add3A_914] : memref<1439424xf32, #tpu.memory_space<vmem_shared>> -> memref<6920xf32, #tpu.memory_space<vmem_shared>>
      tpu.enqueue_dma source(%dma_start3A_944 : memref<6920xf32, #tpu.memory_space<vmem_shared>>) target(%arg10 : memref<6920xf32, #tpu.memory_space<vmem>>) target_semaphore(%run_scoped3A : memref<!tpu.dma_semaphore, #tpu.memory_space<semaphore_mem>>)
      %dma_wait3A = tpu.memref_slice %arg6[%add3A_914] : memref<1439424xf32, #tpu.memory_space<vmem_shared>> -> memref<6920xf32, #tpu.memory_space<vmem_shared>>
      %dma_wait3A_945 = tpu.memref_slice %arg6[%add3A_914] : memref<1439424xf32, #tpu.memory_space<vmem_shared>> -> memref<6920xf32, #tpu.memory_space<vmem_shared>>
      tpu.wait_dma2 semaphore(%run_scoped3A : memref<!tpu.dma_semaphore, #tpu.memory_space<semaphore_mem>>) src(%dma_wait3A_945 : memref<6920xf32, #tpu.memory_space<vmem_shared>>) dst(%arg10 : memref<6920xf32, #tpu.memory_space<vmem>>)
      tpu.yield
    }) : () -> ()
    %mul3A_915 = arith.constant 16 : i32
    %mul3A_916 = arith.muli %add3A_710, %mul3A_915 : i32
    %add3A_917 = arith.addi %mul3A_916, %arg1 : i32
    %mul3A_918 = arith.constant 89960 : i32
    %mul3A_919 = arith.muli %add3A_917, %mul3A_918 : i32
    %add3A_920 = arith.constant 69200 : i32
    %add3A_921 = arith.addi %mul3A_919, %add3A_920 : i32
    "tpu.region"() ({
      %run_scoped3A = tpu.sem_alloc : memref<!tpu.dma_semaphore, #tpu.memory_space<semaphore_mem>>
      %dma_start3A = tpu.memref_slice %arg5[%add3A_921] : memref<11514880xf32, #tpu.memory_space<hbm>> -> memref<6920xf32, #tpu.memory_space<hbm>>
      %dma_start3A_944 = tpu.memref_slice %arg5[%add3A_921] : memref<11514880xf32, #tpu.memory_space<hbm>> -> memref<6920xf32, #tpu.memory_space<hbm>>
      tpu.enqueue_dma source(%arg10 : memref<6920xf32, #tpu.memory_space<vmem>>) target(%dma_start3A_944 : memref<6920xf32, #tpu.memory_space<hbm>>) target_semaphore(%run_scoped3A : memref<!tpu.dma_semaphore, #tpu.memory_space<semaphore_mem>>)
      %dma_wait3A = tpu.memref_slice %arg5[%add3A_921] : memref<11514880xf32, #tpu.memory_space<hbm>> -> memref<6920xf32, #tpu.memory_space<hbm>>
      %dma_wait3A_945 = tpu.memref_slice %arg5[%add3A_921] : memref<11514880xf32, #tpu.memory_space<hbm>> -> memref<6920xf32, #tpu.memory_space<hbm>>
      tpu.wait_dma2 semaphore(%run_scoped3A : memref<!tpu.dma_semaphore, #tpu.memory_space<semaphore_mem>>) src(%arg10 : memref<6920xf32, #tpu.memory_space<vmem>>) dst(%dma_wait3A_945 : memref<6920xf32, #tpu.memory_space<hbm>>)
      tpu.yield
    }) : () -> ()
    %mul3A_922 = arith.constant 89960 : i32
    %mul3A_923 = arith.muli %arg1, %mul3A_922 : i32
    %add3A_924 = arith.constant 76120 : i32
    %add3A_925 = arith.addi %mul3A_923, %add3A_924 : i32
    "tpu.region"() ({
      %run_scoped3A = tpu.sem_alloc : memref<!tpu.dma_semaphore, #tpu.memory_space<semaphore_mem>>
      %dma_start3A = tpu.memref_slice %arg6[%add3A_925] : memref<1439424xf32, #tpu.memory_space<vmem_shared>> -> memref<6920xf32, #tpu.memory_space<vmem_shared>>
      %dma_start3A_944 = tpu.memref_slice %arg6[%add3A_925] : memref<1439424xf32, #tpu.memory_space<vmem_shared>> -> memref<6920xf32, #tpu.memory_space<vmem_shared>>
      tpu.enqueue_dma source(%dma_start3A_944 : memref<6920xf32, #tpu.memory_space<vmem_shared>>) target(%arg10 : memref<6920xf32, #tpu.memory_space<vmem>>) target_semaphore(%run_scoped3A : memref<!tpu.dma_semaphore, #tpu.memory_space<semaphore_mem>>)
      %dma_wait3A = tpu.memref_slice %arg6[%add3A_925] : memref<1439424xf32, #tpu.memory_space<vmem_shared>> -> memref<6920xf32, #tpu.memory_space<vmem_shared>>
      %dma_wait3A_945 = tpu.memref_slice %arg6[%add3A_925] : memref<1439424xf32, #tpu.memory_space<vmem_shared>> -> memref<6920xf32, #tpu.memory_space<vmem_shared>>
      tpu.wait_dma2 semaphore(%run_scoped3A : memref<!tpu.dma_semaphore, #tpu.memory_space<semaphore_mem>>) src(%dma_wait3A_945 : memref<6920xf32, #tpu.memory_space<vmem_shared>>) dst(%arg10 : memref<6920xf32, #tpu.memory_space<vmem>>)
      tpu.yield
    }) : () -> ()
    %mul3A_926 = arith.constant 16 : i32
    %mul3A_927 = arith.muli %add3A_710, %mul3A_926 : i32
    %add3A_928 = arith.addi %mul3A_927, %arg1 : i32
    %mul3A_929 = arith.constant 89960 : i32
    %mul3A_930 = arith.muli %add3A_928, %mul3A_929 : i32
    %add3A_931 = arith.constant 76120 : i32
    %add3A_932 = arith.addi %mul3A_930, %add3A_931 : i32
    "tpu.region"() ({
      %run_scoped3A = tpu.sem_alloc : memref<!tpu.dma_semaphore, #tpu.memory_space<semaphore_mem>>
      %dma_start3A = tpu.memref_slice %arg5[%add3A_932] : memref<11514880xf32, #tpu.memory_space<hbm>> -> memref<6920xf32, #tpu.memory_space<hbm>>
      %dma_start3A_944 = tpu.memref_slice %arg5[%add3A_932] : memref<11514880xf32, #tpu.memory_space<hbm>> -> memref<6920xf32, #tpu.memory_space<hbm>>
      tpu.enqueue_dma source(%arg10 : memref<6920xf32, #tpu.memory_space<vmem>>) target(%dma_start3A_944 : memref<6920xf32, #tpu.memory_space<hbm>>) target_semaphore(%run_scoped3A : memref<!tpu.dma_semaphore, #tpu.memory_space<semaphore_mem>>)
      %dma_wait3A = tpu.memref_slice %arg5[%add3A_932] : memref<11514880xf32, #tpu.memory_space<hbm>> -> memref<6920xf32, #tpu.memory_space<hbm>>
      %dma_wait3A_945 = tpu.memref_slice %arg5[%add3A_932] : memref<11514880xf32, #tpu.memory_space<hbm>> -> memref<6920xf32, #tpu.memory_space<hbm>>
      tpu.wait_dma2 semaphore(%run_scoped3A : memref<!tpu.dma_semaphore, #tpu.memory_space<semaphore_mem>>) src(%arg10 : memref<6920xf32, #tpu.memory_space<vmem>>) dst(%dma_wait3A_945 : memref<6920xf32, #tpu.memory_space<hbm>>)
      tpu.yield
    }) : () -> ()
    %mul3A_933 = arith.constant 89960 : i32
    %mul3A_934 = arith.muli %arg1, %mul3A_933 : i32
    %add3A_935 = arith.constant 83040 : i32
    %add3A_936 = arith.addi %mul3A_934, %add3A_935 : i32
    "tpu.region"() ({
      %run_scoped3A = tpu.sem_alloc : memref<!tpu.dma_semaphore, #tpu.memory_space<semaphore_mem>>
      %dma_start3A = tpu.memref_slice %arg6[%add3A_936] : memref<1439424xf32, #tpu.memory_space<vmem_shared>> -> memref<6920xf32, #tpu.memory_space<vmem_shared>>
      %dma_start3A_944 = tpu.memref_slice %arg6[%add3A_936] : memref<1439424xf32, #tpu.memory_space<vmem_shared>> -> memref<6920xf32, #tpu.memory_space<vmem_shared>>
      tpu.enqueue_dma source(%dma_start3A_944 : memref<6920xf32, #tpu.memory_space<vmem_shared>>) target(%arg10 : memref<6920xf32, #tpu.memory_space<vmem>>) target_semaphore(%run_scoped3A : memref<!tpu.dma_semaphore, #tpu.memory_space<semaphore_mem>>)
      %dma_wait3A = tpu.memref_slice %arg6[%add3A_936] : memref<1439424xf32, #tpu.memory_space<vmem_shared>> -> memref<6920xf32, #tpu.memory_space<vmem_shared>>
      %dma_wait3A_945 = tpu.memref_slice %arg6[%add3A_936] : memref<1439424xf32, #tpu.memory_space<vmem_shared>> -> memref<6920xf32, #tpu.memory_space<vmem_shared>>
      tpu.wait_dma2 semaphore(%run_scoped3A : memref<!tpu.dma_semaphore, #tpu.memory_space<semaphore_mem>>) src(%dma_wait3A_945 : memref<6920xf32, #tpu.memory_space<vmem_shared>>) dst(%arg10 : memref<6920xf32, #tpu.memory_space<vmem>>)
      tpu.yield
    }) : () -> ()
    %mul3A_937 = arith.constant 16 : i32
    %mul3A_938 = arith.muli %add3A_710, %mul3A_937 : i32
    %add3A_939 = arith.addi %mul3A_938, %arg1 : i32
    %mul3A_940 = arith.constant 89960 : i32
    %mul3A_941 = arith.muli %add3A_939, %mul3A_940 : i32
    %add3A_942 = arith.constant 83040 : i32
    %add3A_943 = arith.addi %mul3A_941, %add3A_942 : i32
    "tpu.region"() ({
      %run_scoped3A = tpu.sem_alloc : memref<!tpu.dma_semaphore, #tpu.memory_space<semaphore_mem>>
      %dma_start3A = tpu.memref_slice %arg5[%add3A_943] : memref<11514880xf32, #tpu.memory_space<hbm>> -> memref<6920xf32, #tpu.memory_space<hbm>>
      %dma_start3A_944 = tpu.memref_slice %arg5[%add3A_943] : memref<11514880xf32, #tpu.memory_space<hbm>> -> memref<6920xf32, #tpu.memory_space<hbm>>
      tpu.enqueue_dma source(%arg10 : memref<6920xf32, #tpu.memory_space<vmem>>) target(%dma_start3A_944 : memref<6920xf32, #tpu.memory_space<hbm>>) target_semaphore(%run_scoped3A : memref<!tpu.dma_semaphore, #tpu.memory_space<semaphore_mem>>)
      %dma_wait3A = tpu.memref_slice %arg5[%add3A_943] : memref<11514880xf32, #tpu.memory_space<hbm>> -> memref<6920xf32, #tpu.memory_space<hbm>>
      %dma_wait3A_945 = tpu.memref_slice %arg5[%add3A_943] : memref<11514880xf32, #tpu.memory_space<hbm>> -> memref<6920xf32, #tpu.memory_space<hbm>>
      tpu.wait_dma2 semaphore(%run_scoped3A : memref<!tpu.dma_semaphore, #tpu.memory_space<semaphore_mem>>) src(%arg10 : memref<6920xf32, #tpu.memory_space<vmem>>) dst(%dma_wait3A_945 : memref<6920xf32, #tpu.memory_space<hbm>>)
      tpu.yield
    }) : () -> ()
    return
  }
}

module attributes {stable_mosaic.version = 14 : i64} {
  func.func @_prep_body(%arg0: i32, %arg1: memref<1x1x250000xf32, #tpu.memory_space<vmem>>, %arg2: memref<1x1x250000xf32, #tpu.memory_space<vmem>>, %arg3: memref<1x1x250000xf32, #tpu.memory_space<vmem>>, %arg4: memref<1x1x262144xi32, #tpu.memory_space<vmem>>) attributes {dimension_semantics = [#tpu.dimension_semantics<arbitrary>], iteration_bounds = array<i64: 8>, scalar_prefetch = 0 : i64, scratch_operands = 0 : i64, tpu.core_type = #tpu.core_type<tc>, window_params = [{transform_indices = @transform_0, window_bounds = array<i64: 1, 1, 250000>}, {transform_indices = @transform_1, window_bounds = array<i64: 1, 1, 250000>}, {transform_indices = @transform_2, window_bounds = array<i64: 1, 1, 250000>}, {transform_indices = @transform_3, window_bounds = array<i64: 1, 1, 262144>}]} {
    %get3A = arith.constant 0 : index
    %get3A_0 = arith.constant 0 : index
    %get3A_1 = arith.constant 0 : index
    %get3A_2 = vector.load %arg3[%get3A, %get3A_0, %get3A_1] : memref<1x1x250000xf32, #tpu.memory_space<vmem>>, vector<1x1x250000xf32>
    %get3A_3 = vector.shape_cast %get3A_2 : vector<1x1x250000xf32> to vector<1x250000xf32>
    %reduce_max3A = vector.shape_cast %get3A_3 : vector<1x250000xf32> to vector<1x1x250000xf32>
    %reduce_max3A_4 = arith.constant dense<0xFF800000> : vector<1xf32>
    %reduce_max3A_5 = vector.multi_reduction <maximumf>, %reduce_max3A, %reduce_max3A_4 [1, 2] : vector<1x1x250000xf32> to vector<1xf32>
    %reduce_max3A_6 = vector.shape_cast %reduce_max3A_5 : vector<1xf32> to vector<1x1x1xf32>
    %reduce_max3A_7 = vector.extract %reduce_max3A_6[0, 0, 0] : f32 from vector<1x1x1xf32>
    %div3A = vector.broadcast %reduce_max3A_7 : f32 to vector<1x250000xf32>
    %div3A_8 = arith.divf %get3A_3, %div3A : vector<1x250000xf32>
    %mul3A = arith.constant 1.600000e+01 : f32
    %mul3A_9 = vector.broadcast %mul3A : f32 to vector<1x250000xf32>
    %mul3A_10 = arith.mulf %div3A_8, %mul3A_9 : vector<1x250000xf32>
    %convert_element_type3A = arith.fptosi %mul3A_10 : vector<1x250000xf32> to vector<1x250000xi32>
    %eq3A = arith.constant 16 : i32
    %eq3A_11 = vector.broadcast %eq3A : i32 to vector<1x250000xi32>
    %eq3A_12 = arith.cmpi eq, %convert_element_type3A, %eq3A_11 : vector<1x250000xi32>
    %jit3A = arith.constant 15 : i32
    %broadcast_in_dim3A = vector.broadcast %jit3A : i32 to vector<1x250000xi32>
    %select_n3A = arith.select %eq3A_12, %broadcast_in_dim3A, %convert_element_type3A : vector<1x250000xi1>, vector<1x250000xi32>
    %get3A_13 = arith.constant 0 : index
    %get3A_14 = arith.constant 0 : index
    %get3A_15 = arith.constant 0 : index
    %get3A_16 = vector.load %arg1[%get3A_13, %get3A_14, %get3A_15] : memref<1x1x250000xf32, #tpu.memory_space<vmem>>, vector<1x1x250000xf32>
    %get3A_17 = vector.shape_cast %get3A_16 : vector<1x1x250000xf32> to vector<1x250000xf32>
    %convert_element_type3A_18 = arith.fptosi %get3A_17 : vector<1x250000xf32> to vector<1x250000xi32>
    %get3A_19 = arith.constant 0 : index
    %get3A_20 = arith.constant 0 : index
    %get3A_21 = arith.constant 0 : index
    %get3A_22 = vector.load %arg2[%get3A_19, %get3A_20, %get3A_21] : memref<1x1x250000xf32, #tpu.memory_space<vmem>>, vector<1x1x250000xf32>
    %get3A_23 = vector.shape_cast %get3A_22 : vector<1x1x250000xf32> to vector<1x250000xf32>
    %convert_element_type3A_24 = arith.fptosi %get3A_23 : vector<1x250000xf32> to vector<1x250000xi32>
    %mul3A_25 = arith.constant 346 : i32
    %mul3A_26 = vector.broadcast %mul3A_25 : i32 to vector<1x250000xi32>
    %mul3A_27 = arith.muli %mul3A_26, %convert_element_type3A_24 : vector<1x250000xi32>
    %add3A = arith.addi %convert_element_type3A_18, %mul3A_27 : vector<1x250000xi32>
    %mul3A_28 = arith.constant 89960 : i32
    %mul3A_29 = vector.broadcast %mul3A_28 : i32 to vector<1x250000xi32>
    %mul3A_30 = arith.muli %mul3A_29, %select_n3A : vector<1x250000xi32>
    %add3A_31 = arith.addi %add3A, %mul3A_30 : vector<1x250000xi32>
    %broadcast_in_dim3A_32 = arith.constant 1439360 : i32
    %broadcast_in_dim3A_33 = vector.broadcast %broadcast_in_dim3A_32 : i32 to vector<1x12144xi32>
    %concatenate3A = tpu.concatenate %add3A_31, %broadcast_in_dim3A_33 in 1 : vector<1x250000xi32>, vector<1x12144xi32> -> vector<1x262144xi32>
    %swap3A = arith.constant 0 : index
    %swap3A_34 = arith.constant 0 : index
    %swap3A_35 = arith.constant 0 : index
    %swap3A_36 = vector.load %arg4[%swap3A, %swap3A_34, %swap3A_35] : memref<1x1x262144xi32, #tpu.memory_space<vmem>>, vector<1x1x262144xi32>
    %swap3A_37 = vector.shape_cast %swap3A_36 : vector<1x1x262144xi32> to vector<1x262144xi32>
    %swap3A_38 = vector.shape_cast %concatenate3A : vector<1x262144xi32> to vector<1x1x262144xi32>
    tpu.vector_store %arg4[%swap3A, %swap3A_34, %swap3A_35], %swap3A_38 {strides = array<i32>} : memref<1x1x262144xi32, #tpu.memory_space<vmem>>, vector<1x1x262144xi32>,
    return
  }
  func.func @transform_0(%arg0: i32) -> (i32, i32, i32) {
    %c0_i32 = arith.constant 0 : i32
    %c0_i32_0 = arith.constant 0 : i32
    %c0_i32_1 = arith.constant 0 : i32
    return %arg0, %c0_i32, %c0_i32_0 : i32, i32, i32
  }
  func.func @transform_1(%arg0: i32) -> (i32, i32, i32) {
    %c0_i32 = arith.constant 0 : i32
    %c0_i32_0 = arith.constant 0 : i32
    %c0_i32_1 = arith.constant 0 : i32
    return %arg0, %c0_i32, %c0_i32_0 : i32, i32, i32
  }
  func.func @transform_2(%arg0: i32) -> (i32, i32, i32) {
    %c0_i32 = arith.constant 0 : i32
    %c0_i32_0 = arith.constant 0 : i32
    %c0_i32_1 = arith.constant 0 : i32
    return %arg0, %c0_i32, %c0_i32_0 : i32, i32, i32
  }
  func.func @transform_3(%arg0: i32) -> (i32, i32, i32) {
    %c0_i32 = arith.constant 0 : i32
    %c0_i32_0 = arith.constant 0 : i32
    %c0_i32_1 = arith.constant 0 : i32
    return %arg0, %c0_i32, %c0_i32_0 : i32, i32, i32
  }
}

module attributes {stable_mosaic.version = 14 : i64} {
  func.func @_vox_body(%arg0: i32, %arg1: memref<1x16x260x346xf32, #tpu.memory_space<vmem>>, %arg2: memref<1x5x260x346xf32, #tpu.memory_space<vmem>>) attributes {dimension_semantics = [#tpu.dimension_semantics<arbitrary>], iteration_bounds = array<i64: 8>, scalar_prefetch = 0 : i64, scratch_operands = 0 : i64, tpu.core_type = #tpu.core_type<tc>, window_params = [{transform_indices = @transform_0, window_bounds = array<i64: 1, 16, 260, 346>}, {transform_indices = @transform_1, window_bounds = array<i64: 1, 5, 260, 346>}]} {
    %get3A = arith.constant 0 : index
    %get3A_0 = arith.constant 0 : index
    %get3A_1 = arith.constant 0 : index
    %get3A_2 = arith.constant 0 : index
    %get3A_3 = vector.load %arg1[%get3A, %get3A_0, %get3A_1, %get3A_2] : memref<1x16x260x346xf32, #tpu.memory_space<vmem>>, vector<1x16x260x346xf32>
    %get3A_4 = vector.shape_cast %get3A_3 : vector<1x16x260x346xf32> to vector<16x260x346xf32>
    %gt3A = arith.constant 0.000000e+00 : f32
    %gt3A_5 = vector.broadcast %gt3A : f32 to vector<16x260x346xf32>
    %gt3A_6 = arith.cmpf ogt, %get3A_4, %gt3A_5 : vector<16x260x346xf32>
    %convert_element_type3A = arith.extui %gt3A_6 : vector<16x260x346xi1> to vector<16x260x346xi32>
    %convert_element_type3A_7 = arith.sitofp %convert_element_type3A : vector<16x260x346xi32> to vector<16x260x346xf32>
    %slice3A = vector.extract_strided_slice %convert_element_type3A_7 {offsets = [0, 0, 0], sizes = [1, 260, 346], strides = [1, 1, 1]} : vector<16x260x346xf32> to vector<1x260x346xf32>
    %squeeze3A = vector.shape_cast %slice3A : vector<1x260x346xf32> to vector<260x346xf32>
    %slice3A_8 = vector.extract_strided_slice %convert_element_type3A_7 {offsets = [0, 0, 0], sizes = [1, 260, 346], strides = [1, 1, 1]} : vector<16x260x346xf32> to vector<1x260x346xf32>
    %squeeze3A_9 = vector.shape_cast %slice3A_8 : vector<1x260x346xf32> to vector<260x346xf32>
    %slice3A_10 = vector.extract_strided_slice %convert_element_type3A_7 {offsets = [1, 0, 0], sizes = [1, 260, 346], strides = [1, 1, 1]} : vector<16x260x346xf32> to vector<1x260x346xf32>
    %squeeze3A_11 = vector.shape_cast %slice3A_10 : vector<1x260x346xf32> to vector<260x346xf32>
    %mul3A = arith.constant 1.437500e+00 : f32
    %mul3A_12 = vector.broadcast %mul3A : f32 to vector<260x346xf32>
    %mul3A_13 = arith.mulf %squeeze3A_11, %mul3A_12 : vector<260x346xf32>
    %mul3A_14 = arith.constant 6.250000e-02 : f32
    %mul3A_15 = vector.broadcast %mul3A_14 : f32 to vector<260x346xf32>
    %mul3A_16 = arith.mulf %squeeze3A, %mul3A_15 : vector<260x346xf32>
    %add3A = arith.addf %mul3A_13, %mul3A_16 : vector<260x346xf32>
    %convert_element_type3A_17 = arith.truncf %add3A : vector<260x346xf32> to vector<260x346xbf16>
    %convert_element_type3A_18 = arith.extf %convert_element_type3A_17 : vector<260x346xbf16> to vector<260x346xf32>
    %broadcast_in_dim3A = arith.constant 0.000000e+00 : f32
    %broadcast_in_dim3A_19 = vector.broadcast %broadcast_in_dim3A : f32 to vector<1x346xf32>
    %broadcast_in_dim3A_20 = arith.constant 0.000000e+00 : f32
    %broadcast_in_dim3A_21 = vector.broadcast %broadcast_in_dim3A_20 : f32 to vector<260x1xf32>
    %slice3A_22 = vector.extract_strided_slice %convert_element_type3A_18 {offsets = [0, 0], sizes = [259, 346], strides = [1, 1]} : vector<260x346xf32> to vector<259x346xf32>
    %concatenate3A = tpu.concatenate %broadcast_in_dim3A_19, %slice3A_22 in 0 : vector<1x346xf32>, vector<259x346xf32> -> vector<260x346xf32>
    %slice3A_23 = vector.extract_strided_slice %convert_element_type3A_18 {offsets = [1, 0], sizes = [259, 346], strides = [1, 1]} : vector<260x346xf32> to vector<259x346xf32>
    %concatenate3A_24 = tpu.concatenate %slice3A_23, %broadcast_in_dim3A_19 in 0 : vector<259x346xf32>, vector<1x346xf32> -> vector<260x346xf32>
    %slice3A_25 = vector.extract_strided_slice %concatenate3A {offsets = [0, 0], sizes = [260, 345], strides = [1, 1]} : vector<260x346xf32> to vector<260x345xf32>
    %concatenate3A_26 = tpu.concatenate %broadcast_in_dim3A_21, %slice3A_25 in 1 : vector<260x1xf32>, vector<260x345xf32> -> vector<260x346xf32>
    %slice3A_27 = vector.extract_strided_slice %concatenate3A {offsets = [0, 1], sizes = [260, 345], strides = [1, 1]} : vector<260x346xf32> to vector<260x345xf32>
    %concatenate3A_28 = tpu.concatenate %slice3A_27, %broadcast_in_dim3A_21 in 1 : vector<260x345xf32>, vector<260x1xf32> -> vector<260x346xf32>
    %slice3A_29 = vector.extract_strided_slice %convert_element_type3A_18 {offsets = [0, 0], sizes = [260, 345], strides = [1, 1]} : vector<260x346xf32> to vector<260x345xf32>
    %concatenate3A_30 = tpu.concatenate %broadcast_in_dim3A_21, %slice3A_29 in 1 : vector<260x1xf32>, vector<260x345xf32> -> vector<260x346xf32>
    %slice3A_31 = vector.extract_strided_slice %convert_element_type3A_18 {offsets = [0, 1], sizes = [260, 345], strides = [1, 1]} : vector<260x346xf32> to vector<260x345xf32>
    %concatenate3A_32 = tpu.concatenate %slice3A_31, %broadcast_in_dim3A_21 in 1 : vector<260x345xf32>, vector<260x1xf32> -> vector<260x346xf32>
    %slice3A_33 = vector.extract_strided_slice %concatenate3A_24 {offsets = [0, 0], sizes = [260, 345], strides = [1, 1]} : vector<260x346xf32> to vector<260x345xf32>
    %concatenate3A_34 = tpu.concatenate %broadcast_in_dim3A_21, %slice3A_33 in 1 : vector<260x1xf32>, vector<260x345xf32> -> vector<260x346xf32>
    %slice3A_35 = vector.extract_strided_slice %concatenate3A_24 {offsets = [0, 1], sizes = [260, 345], strides = [1, 1]} : vector<260x346xf32> to vector<260x345xf32>
    %concatenate3A_36 = tpu.concatenate %slice3A_35, %broadcast_in_dim3A_21 in 1 : vector<260x345xf32>, vector<260x1xf32> -> vector<260x346xf32>
    %add3A_37 = arith.addf %concatenate3A_26, %concatenate3A : vector<260x346xf32>
    %add3A_38 = arith.addf %add3A_37, %concatenate3A_28 : vector<260x346xf32>
    %add3A_39 = arith.addf %add3A_38, %concatenate3A_30 : vector<260x346xf32>
    %add3A_40 = arith.addf %add3A_39, %concatenate3A_32 : vector<260x346xf32>
    %add3A_41 = arith.addf %add3A_40, %concatenate3A_34 : vector<260x346xf32>
    %add3A_42 = arith.addf %add3A_41, %concatenate3A_24 : vector<260x346xf32>
    %add3A_43 = arith.addf %add3A_42, %concatenate3A_36 : vector<260x346xf32>
    %mul3A_44 = arith.constant 1.250000e-01 : f32
    %mul3A_45 = vector.broadcast %mul3A_44 : f32 to vector<260x346xf32>
    %mul3A_46 = arith.mulf %add3A_43, %mul3A_45 : vector<260x346xf32>
    %sub3A = arith.constant 2.500000e-01 : f32
    %sub3A_47 = vector.broadcast %sub3A : f32 to vector<260x346xf32>
    %sub3A_48 = arith.subf %mul3A_46, %sub3A_47 : vector<260x346xf32>
    %gt3A_49 = arith.constant 0.000000e+00 : f32
    %gt3A_50 = vector.broadcast %gt3A_49 : f32 to vector<260x346xf32>
    %gt3A_51 = arith.cmpf ogt, %sub3A_48, %gt3A_50 : vector<260x346xf32>
    %convert_element_type3A_52 = arith.extui %gt3A_51 : vector<260x346xi1> to vector<260x346xi32>
    %convert_element_type3A_53 = arith.sitofp %convert_element_type3A_52 : vector<260x346xi32> to vector<260x346xf32>
    %add3A_54 = arith.addf %squeeze3A_9, %convert_element_type3A_53 : vector<260x346xf32>
    %slice3A_55 = vector.extract_strided_slice %convert_element_type3A_7 {offsets = [2, 0, 0], sizes = [1, 260, 346], strides = [1, 1, 1]} : vector<16x260x346xf32> to vector<1x260x346xf32>
    %squeeze3A_56 = vector.shape_cast %slice3A_55 : vector<1x260x346xf32> to vector<260x346xf32>
    %mul3A_57 = arith.constant 1.375000e+00 : f32
    %mul3A_58 = vector.broadcast %mul3A_57 : f32 to vector<260x346xf32>
    %mul3A_59 = arith.mulf %squeeze3A_56, %mul3A_58 : vector<260x346xf32>
    %mul3A_60 = arith.constant 1.250000e-01 : f32
    %mul3A_61 = vector.broadcast %mul3A_60 : f32 to vector<260x346xf32>
    %mul3A_62 = arith.mulf %sub3A_48, %mul3A_61 : vector<260x346xf32>
    %add3A_63 = arith.addf %mul3A_59, %mul3A_62 : vector<260x346xf32>
    %convert_element_type3A_64 = arith.truncf %add3A_63 : vector<260x346xf32> to vector<260x346xbf16>
    %convert_element_type3A_65 = arith.extf %convert_element_type3A_64 : vector<260x346xbf16> to vector<260x346xf32>
    %broadcast_in_dim3A_66 = arith.constant 0.000000e+00 : f32
    %broadcast_in_dim3A_67 = vector.broadcast %broadcast_in_dim3A_66 : f32 to vector<1x346xf32>
    %broadcast_in_dim3A_68 = arith.constant 0.000000e+00 : f32
    %broadcast_in_dim3A_69 = vector.broadcast %broadcast_in_dim3A_68 : f32 to vector<260x1xf32>
    %slice3A_70 = vector.extract_strided_slice %convert_element_type3A_65 {offsets = [0, 0], sizes = [259, 346], strides = [1, 1]} : vector<260x346xf32> to vector<259x346xf32>
    %concatenate3A_71 = tpu.concatenate %broadcast_in_dim3A_67, %slice3A_70 in 0 : vector<1x346xf32>, vector<259x346xf32> -> vector<260x346xf32>
    %slice3A_72 = vector.extract_strided_slice %convert_element_type3A_65 {offsets = [1, 0], sizes = [259, 346], strides = [1, 1]} : vector<260x346xf32> to vector<259x346xf32>
    %concatenate3A_73 = tpu.concatenate %slice3A_72, %broadcast_in_dim3A_67 in 0 : vector<259x346xf32>, vector<1x346xf32> -> vector<260x346xf32>
    %slice3A_74 = vector.extract_strided_slice %concatenate3A_71 {offsets = [0, 0], sizes = [260, 345], strides = [1, 1]} : vector<260x346xf32> to vector<260x345xf32>
    %concatenate3A_75 = tpu.concatenate %broadcast_in_dim3A_69, %slice3A_74 in 1 : vector<260x1xf32>, vector<260x345xf32> -> vector<260x346xf32>
    %slice3A_76 = vector.extract_strided_slice %concatenate3A_71 {offsets = [0, 1], sizes = [260, 345], strides = [1, 1]} : vector<260x346xf32> to vector<260x345xf32>
    %concatenate3A_77 = tpu.concatenate %slice3A_76, %broadcast_in_dim3A_69 in 1 : vector<260x345xf32>, vector<260x1xf32> -> vector<260x346xf32>
    %slice3A_78 = vector.extract_strided_slice %convert_element_type3A_65 {offsets = [0, 0], sizes = [260, 345], strides = [1, 1]} : vector<260x346xf32> to vector<260x345xf32>
    %concatenate3A_79 = tpu.concatenate %broadcast_in_dim3A_69, %slice3A_78 in 1 : vector<260x1xf32>, vector<260x345xf32> -> vector<260x346xf32>
    %slice3A_80 = vector.extract_strided_slice %convert_element_type3A_65 {offsets = [0, 1], sizes = [260, 345], strides = [1, 1]} : vector<260x346xf32> to vector<260x345xf32>
    %concatenate3A_81 = tpu.concatenate %slice3A_80, %broadcast_in_dim3A_69 in 1 : vector<260x345xf32>, vector<260x1xf32> -> vector<260x346xf32>
    %slice3A_82 = vector.extract_strided_slice %concatenate3A_73 {offsets = [0, 0], sizes = [260, 345], strides = [1, 1]} : vector<260x346xf32> to vector<260x345xf32>
    %concatenate3A_83 = tpu.concatenate %broadcast_in_dim3A_69, %slice3A_82 in 1 : vector<260x1xf32>, vector<260x345xf32> -> vector<260x346xf32>
    %slice3A_84 = vector.extract_strided_slice %concatenate3A_73 {offsets = [0, 1], sizes = [260, 345], strides = [1, 1]} : vector<260x346xf32> to vector<260x345xf32>
    %concatenate3A_85 = tpu.concatenate %slice3A_84, %broadcast_in_dim3A_69 in 1 : vector<260x345xf32>, vector<260x1xf32> -> vector<260x346xf32>
    %add3A_86 = arith.addf %concatenate3A_75, %concatenate3A_71 : vector<260x346xf32>
    %add3A_87 = arith.addf %add3A_86, %concatenate3A_77 : vector<260x346xf32>
    %add3A_88 = arith.addf %add3A_87, %concatenate3A_79 : vector<260x346xf32>
    %add3A_89 = arith.addf %add3A_88, %concatenate3A_81 : vector<260x346xf32>
    %add3A_90 = arith.addf %add3A_89, %concatenate3A_83 : vector<260x346xf32>
    %add3A_91 = arith.addf %add3A_90, %concatenate3A_73 : vector<260x346xf32>
    %add3A_92 = arith.addf %add3A_91, %concatenate3A_85 : vector<260x346xf32>
    %mul3A_93 = arith.constant 1.250000e-01 : f32
    %mul3A_94 = vector.broadcast %mul3A_93 : f32 to vector<260x346xf32>
    %mul3A_95 = arith.mulf %add3A_92, %mul3A_94 : vector<260x346xf32>
    %sub3A_96 = arith.constant 2.500000e-01 : f32
    %sub3A_97 = vector.broadcast %sub3A_96 : f32 to vector<260x346xf32>
    %sub3A_98 = arith.subf %mul3A_95, %sub3A_97 : vector<260x346xf32>
    %gt3A_99 = arith.constant 0.000000e+00 : f32
    %gt3A_100 = vector.broadcast %gt3A_99 : f32 to vector<260x346xf32>
    %gt3A_101 = arith.cmpf ogt, %sub3A_98, %gt3A_100 : vector<260x346xf32>
    %convert_element_type3A_102 = arith.extui %gt3A_101 : vector<260x346xi1> to vector<260x346xi32>
    %convert_element_type3A_103 = arith.sitofp %convert_element_type3A_102 : vector<260x346xi32> to vector<260x346xf32>
    %add3A_104 = arith.addf %add3A_54, %convert_element_type3A_103 : vector<260x346xf32>
    %slice3A_105 = vector.extract_strided_slice %convert_element_type3A_7 {offsets = [3, 0, 0], sizes = [1, 260, 346], strides = [1, 1, 1]} : vector<16x260x346xf32> to vector<1x260x346xf32>
    %squeeze3A_106 = vector.shape_cast %slice3A_105 : vector<1x260x346xf32> to vector<260x346xf32>
    %mul3A_107 = arith.constant 1.312500e+00 : f32
    %mul3A_108 = vector.broadcast %mul3A_107 : f32 to vector<260x346xf32>
    %mul3A_109 = arith.mulf %squeeze3A_106, %mul3A_108 : vector<260x346xf32>
    %mul3A_110 = arith.constant 1.875000e-01 : f32
    %mul3A_111 = vector.broadcast %mul3A_110 : f32 to vector<260x346xf32>
    %mul3A_112 = arith.mulf %sub3A_98, %mul3A_111 : vector<260x346xf32>
    %add3A_113 = arith.addf %mul3A_109, %mul3A_112 : vector<260x346xf32>
    %convert_element_type3A_114 = arith.truncf %add3A_113 : vector<260x346xf32> to vector<260x346xbf16>
    %convert_element_type3A_115 = arith.extf %convert_element_type3A_114 : vector<260x346xbf16> to vector<260x346xf32>
    %broadcast_in_dim3A_116 = arith.constant 0.000000e+00 : f32
    %broadcast_in_dim3A_117 = vector.broadcast %broadcast_in_dim3A_116 : f32 to vector<1x346xf32>
    %broadcast_in_dim3A_118 = arith.constant 0.000000e+00 : f32
    %broadcast_in_dim3A_119 = vector.broadcast %broadcast_in_dim3A_118 : f32 to vector<260x1xf32>
    %slice3A_120 = vector.extract_strided_slice %convert_element_type3A_115 {offsets = [0, 0], sizes = [259, 346], strides = [1, 1]} : vector<260x346xf32> to vector<259x346xf32>
    %concatenate3A_121 = tpu.concatenate %broadcast_in_dim3A_117, %slice3A_120 in 0 : vector<1x346xf32>, vector<259x346xf32> -> vector<260x346xf32>
    %slice3A_122 = vector.extract_strided_slice %convert_element_type3A_115 {offsets = [1, 0], sizes = [259, 346], strides = [1, 1]} : vector<260x346xf32> to vector<259x346xf32>
    %concatenate3A_123 = tpu.concatenate %slice3A_122, %broadcast_in_dim3A_117 in 0 : vector<259x346xf32>, vector<1x346xf32> -> vector<260x346xf32>
    %slice3A_124 = vector.extract_strided_slice %concatenate3A_121 {offsets = [0, 0], sizes = [260, 345], strides = [1, 1]} : vector<260x346xf32> to vector<260x345xf32>
    %concatenate3A_125 = tpu.concatenate %broadcast_in_dim3A_119, %slice3A_124 in 1 : vector<260x1xf32>, vector<260x345xf32> -> vector<260x346xf32>
    %slice3A_126 = vector.extract_strided_slice %concatenate3A_121 {offsets = [0, 1], sizes = [260, 345], strides = [1, 1]} : vector<260x346xf32> to vector<260x345xf32>
    %concatenate3A_127 = tpu.concatenate %slice3A_126, %broadcast_in_dim3A_119 in 1 : vector<260x345xf32>, vector<260x1xf32> -> vector<260x346xf32>
    %slice3A_128 = vector.extract_strided_slice %convert_element_type3A_115 {offsets = [0, 0], sizes = [260, 345], strides = [1, 1]} : vector<260x346xf32> to vector<260x345xf32>
    %concatenate3A_129 = tpu.concatenate %broadcast_in_dim3A_119, %slice3A_128 in 1 : vector<260x1xf32>, vector<260x345xf32> -> vector<260x346xf32>
    %slice3A_130 = vector.extract_strided_slice %convert_element_type3A_115 {offsets = [0, 1], sizes = [260, 345], strides = [1, 1]} : vector<260x346xf32> to vector<260x345xf32>
    %concatenate3A_131 = tpu.concatenate %slice3A_130, %broadcast_in_dim3A_119 in 1 : vector<260x345xf32>, vector<260x1xf32> -> vector<260x346xf32>
    %slice3A_132 = vector.extract_strided_slice %concatenate3A_123 {offsets = [0, 0], sizes = [260, 345], strides = [1, 1]} : vector<260x346xf32> to vector<260x345xf32>
    %concatenate3A_133 = tpu.concatenate %broadcast_in_dim3A_119, %slice3A_132 in 1 : vector<260x1xf32>, vector<260x345xf32> -> vector<260x346xf32>
    %slice3A_134 = vector.extract_strided_slice %concatenate3A_123 {offsets = [0, 1], sizes = [260, 345], strides = [1, 1]} : vector<260x346xf32> to vector<260x345xf32>
    %concatenate3A_135 = tpu.concatenate %slice3A_134, %broadcast_in_dim3A_119 in 1 : vector<260x345xf32>, vector<260x1xf32> -> vector<260x346xf32>
    %add3A_136 = arith.addf %concatenate3A_125, %concatenate3A_121 : vector<260x346xf32>
    %add3A_137 = arith.addf %add3A_136, %concatenate3A_127 : vector<260x346xf32>
    %add3A_138 = arith.addf %add3A_137, %concatenate3A_129 : vector<260x346xf32>
    %add3A_139 = arith.addf %add3A_138, %concatenate3A_131 : vector<260x346xf32>
    %add3A_140 = arith.addf %add3A_139, %concatenate3A_133 : vector<260x346xf32>
    %add3A_141 = arith.addf %add3A_140, %concatenate3A_123 : vector<260x346xf32>
    %add3A_142 = arith.addf %add3A_141, %concatenate3A_135 : vector<260x346xf32>
    %mul3A_143 = arith.constant 1.250000e-01 : f32
    %mul3A_144 = vector.broadcast %mul3A_143 : f32 to vector<260x346xf32>
    %mul3A_145 = arith.mulf %add3A_142, %mul3A_144 : vector<260x346xf32>
    %sub3A_146 = arith.constant 2.500000e-01 : f32
    %sub3A_147 = vector.broadcast %sub3A_146 : f32 to vector<260x346xf32>
    %sub3A_148 = arith.subf %mul3A_145, %sub3A_147 : vector<260x346xf32>
    %gt3A_149 = arith.constant 0.000000e+00 : f32
    %gt3A_150 = vector.broadcast %gt3A_149 : f32 to vector<260x346xf32>
    %gt3A_151 = arith.cmpf ogt, %sub3A_148, %gt3A_150 : vector<260x346xf32>
    %convert_element_type3A_152 = arith.extui %gt3A_151 : vector<260x346xi1> to vector<260x346xi32>
    %convert_element_type3A_153 = arith.sitofp %convert_element_type3A_152 : vector<260x346xi32> to vector<260x346xf32>
    %add3A_154 = arith.addf %add3A_104, %convert_element_type3A_153 : vector<260x346xf32>
    %slice3A_155 = vector.extract_strided_slice %convert_element_type3A_7 {offsets = [4, 0, 0], sizes = [1, 260, 346], strides = [1, 1, 1]} : vector<16x260x346xf32> to vector<1x260x346xf32>
    %squeeze3A_156 = vector.shape_cast %slice3A_155 : vector<1x260x346xf32> to vector<260x346xf32>
    %mul3A_157 = arith.constant 1.250000e+00 : f32
    %mul3A_158 = vector.broadcast %mul3A_157 : f32 to vector<260x346xf32>
    %mul3A_159 = arith.mulf %squeeze3A_156, %mul3A_158 : vector<260x346xf32>
    %mul3A_160 = arith.constant 2.500000e-01 : f32
    %mul3A_161 = vector.broadcast %mul3A_160 : f32 to vector<260x346xf32>
    %mul3A_162 = arith.mulf %sub3A_148, %mul3A_161 : vector<260x346xf32>
    %add3A_163 = arith.addf %mul3A_159, %mul3A_162 : vector<260x346xf32>
    %convert_element_type3A_164 = arith.truncf %add3A_163 : vector<260x346xf32> to vector<260x346xbf16>
    %convert_element_type3A_165 = arith.extf %convert_element_type3A_164 : vector<260x346xbf16> to vector<260x346xf32>
    %broadcast_in_dim3A_166 = arith.constant 0.000000e+00 : f32
    %broadcast_in_dim3A_167 = vector.broadcast %broadcast_in_dim3A_166 : f32 to vector<1x346xf32>
    %broadcast_in_dim3A_168 = arith.constant 0.000000e+00 : f32
    %broadcast_in_dim3A_169 = vector.broadcast %broadcast_in_dim3A_168 : f32 to vector<260x1xf32>
    %slice3A_170 = vector.extract_strided_slice %convert_element_type3A_165 {offsets = [0, 0], sizes = [259, 346], strides = [1, 1]} : vector<260x346xf32> to vector<259x346xf32>
    %concatenate3A_171 = tpu.concatenate %broadcast_in_dim3A_167, %slice3A_170 in 0 : vector<1x346xf32>, vector<259x346xf32> -> vector<260x346xf32>
    %slice3A_172 = vector.extract_strided_slice %convert_element_type3A_165 {offsets = [1, 0], sizes = [259, 346], strides = [1, 1]} : vector<260x346xf32> to vector<259x346xf32>
    %concatenate3A_173 = tpu.concatenate %slice3A_172, %broadcast_in_dim3A_167 in 0 : vector<259x346xf32>, vector<1x346xf32> -> vector<260x346xf32>
    %slice3A_174 = vector.extract_strided_slice %concatenate3A_171 {offsets = [0, 0], sizes = [260, 345], strides = [1, 1]} : vector<260x346xf32> to vector<260x345xf32>
    %concatenate3A_175 = tpu.concatenate %broadcast_in_dim3A_169, %slice3A_174 in 1 : vector<260x1xf32>, vector<260x345xf32> -> vector<260x346xf32>
    %slice3A_176 = vector.extract_strided_slice %concatenate3A_171 {offsets = [0, 1], sizes = [260, 345], strides = [1, 1]} : vector<260x346xf32> to vector<260x345xf32>
    %concatenate3A_177 = tpu.concatenate %slice3A_176, %broadcast_in_dim3A_169 in 1 : vector<260x345xf32>, vector<260x1xf32> -> vector<260x346xf32>
    %slice3A_178 = vector.extract_strided_slice %convert_element_type3A_165 {offsets = [0, 0], sizes = [260, 345], strides = [1, 1]} : vector<260x346xf32> to vector<260x345xf32>
    %concatenate3A_179 = tpu.concatenate %broadcast_in_dim3A_169, %slice3A_178 in 1 : vector<260x1xf32>, vector<260x345xf32> -> vector<260x346xf32>
    %slice3A_180 = vector.extract_strided_slice %convert_element_type3A_165 {offsets = [0, 1], sizes = [260, 345], strides = [1, 1]} : vector<260x346xf32> to vector<260x345xf32>
    %concatenate3A_181 = tpu.concatenate %slice3A_180, %broadcast_in_dim3A_169 in 1 : vector<260x345xf32>, vector<260x1xf32> -> vector<260x346xf32>
    %slice3A_182 = vector.extract_strided_slice %concatenate3A_173 {offsets = [0, 0], sizes = [260, 345], strides = [1, 1]} : vector<260x346xf32> to vector<260x345xf32>
    %concatenate3A_183 = tpu.concatenate %broadcast_in_dim3A_169, %slice3A_182 in 1 : vector<260x1xf32>, vector<260x345xf32> -> vector<260x346xf32>
    %slice3A_184 = vector.extract_strided_slice %concatenate3A_173 {offsets = [0, 1], sizes = [260, 345], strides = [1, 1]} : vector<260x346xf32> to vector<260x345xf32>
    %concatenate3A_185 = tpu.concatenate %slice3A_184, %broadcast_in_dim3A_169 in 1 : vector<260x345xf32>, vector<260x1xf32> -> vector<260x346xf32>
    %add3A_186 = arith.addf %concatenate3A_175, %concatenate3A_171 : vector<260x346xf32>
    %add3A_187 = arith.addf %add3A_186, %concatenate3A_177 : vector<260x346xf32>
    %add3A_188 = arith.addf %add3A_187, %concatenate3A_179 : vector<260x346xf32>
    %add3A_189 = arith.addf %add3A_188, %concatenate3A_181 : vector<260x346xf32>
    %add3A_190 = arith.addf %add3A_189, %concatenate3A_183 : vector<260x346xf32>
    %add3A_191 = arith.addf %add3A_190, %concatenate3A_173 : vector<260x346xf32>
    %add3A_192 = arith.addf %add3A_191, %concatenate3A_185 : vector<260x346xf32>
    %mul3A_193 = arith.constant 1.250000e-01 : f32
    %mul3A_194 = vector.broadcast %mul3A_193 : f32 to vector<260x346xf32>
    %mul3A_195 = arith.mulf %add3A_192, %mul3A_194 : vector<260x346xf32>
    %sub3A_196 = arith.constant 2.500000e-01 : f32
    %sub3A_197 = vector.broadcast %sub3A_196 : f32 to vector<260x346xf32>
    %sub3A_198 = arith.subf %mul3A_195, %sub3A_197 : vector<260x346xf32>
    %gt3A_199 = arith.constant 0.000000e+00 : f32
    %gt3A_200 = vector.broadcast %gt3A_199 : f32 to vector<260x346xf32>
    %gt3A_201 = arith.cmpf ogt, %sub3A_198, %gt3A_200 : vector<260x346xf32>
    %convert_element_type3A_202 = arith.extui %gt3A_201 : vector<260x346xi1> to vector<260x346xi32>
    %convert_element_type3A_203 = arith.sitofp %convert_element_type3A_202 : vector<260x346xi32> to vector<260x346xf32>
    %add3A_204 = arith.addf %add3A_154, %convert_element_type3A_203 : vector<260x346xf32>
    %slice3A_205 = vector.extract_strided_slice %convert_element_type3A_7 {offsets = [5, 0, 0], sizes = [1, 260, 346], strides = [1, 1, 1]} : vector<16x260x346xf32> to vector<1x260x346xf32>
    %squeeze3A_206 = vector.shape_cast %slice3A_205 : vector<1x260x346xf32> to vector<260x346xf32>
    %mul3A_207 = arith.constant 1.187500e+00 : f32
    %mul3A_208 = vector.broadcast %mul3A_207 : f32 to vector<260x346xf32>
    %mul3A_209 = arith.mulf %squeeze3A_206, %mul3A_208 : vector<260x346xf32>
    %mul3A_210 = arith.constant 3.125000e-01 : f32
    %mul3A_211 = vector.broadcast %mul3A_210 : f32 to vector<260x346xf32>
    %mul3A_212 = arith.mulf %sub3A_198, %mul3A_211 : vector<260x346xf32>
    %add3A_213 = arith.addf %mul3A_209, %mul3A_212 : vector<260x346xf32>
    %convert_element_type3A_214 = arith.truncf %add3A_213 : vector<260x346xf32> to vector<260x346xbf16>
    %convert_element_type3A_215 = arith.extf %convert_element_type3A_214 : vector<260x346xbf16> to vector<260x346xf32>
    %broadcast_in_dim3A_216 = arith.constant 0.000000e+00 : f32
    %broadcast_in_dim3A_217 = vector.broadcast %broadcast_in_dim3A_216 : f32 to vector<1x346xf32>
    %broadcast_in_dim3A_218 = arith.constant 0.000000e+00 : f32
    %broadcast_in_dim3A_219 = vector.broadcast %broadcast_in_dim3A_218 : f32 to vector<260x1xf32>
    %slice3A_220 = vector.extract_strided_slice %convert_element_type3A_215 {offsets = [0, 0], sizes = [259, 346], strides = [1, 1]} : vector<260x346xf32> to vector<259x346xf32>
    %concatenate3A_221 = tpu.concatenate %broadcast_in_dim3A_217, %slice3A_220 in 0 : vector<1x346xf32>, vector<259x346xf32> -> vector<260x346xf32>
    %slice3A_222 = vector.extract_strided_slice %convert_element_type3A_215 {offsets = [1, 0], sizes = [259, 346], strides = [1, 1]} : vector<260x346xf32> to vector<259x346xf32>
    %concatenate3A_223 = tpu.concatenate %slice3A_222, %broadcast_in_dim3A_217 in 0 : vector<259x346xf32>, vector<1x346xf32> -> vector<260x346xf32>
    %slice3A_224 = vector.extract_strided_slice %concatenate3A_221 {offsets = [0, 0], sizes = [260, 345], strides = [1, 1]} : vector<260x346xf32> to vector<260x345xf32>
    %concatenate3A_225 = tpu.concatenate %broadcast_in_dim3A_219, %slice3A_224 in 1 : vector<260x1xf32>, vector<260x345xf32> -> vector<260x346xf32>
    %slice3A_226 = vector.extract_strided_slice %concatenate3A_221 {offsets = [0, 1], sizes = [260, 345], strides = [1, 1]} : vector<260x346xf32> to vector<260x345xf32>
    %concatenate3A_227 = tpu.concatenate %slice3A_226, %broadcast_in_dim3A_219 in 1 : vector<260x345xf32>, vector<260x1xf32> -> vector<260x346xf32>
    %slice3A_228 = vector.extract_strided_slice %convert_element_type3A_215 {offsets = [0, 0], sizes = [260, 345], strides = [1, 1]} : vector<260x346xf32> to vector<260x345xf32>
    %concatenate3A_229 = tpu.concatenate %broadcast_in_dim3A_219, %slice3A_228 in 1 : vector<260x1xf32>, vector<260x345xf32> -> vector<260x346xf32>
    %slice3A_230 = vector.extract_strided_slice %convert_element_type3A_215 {offsets = [0, 1], sizes = [260, 345], strides = [1, 1]} : vector<260x346xf32> to vector<260x345xf32>
    %concatenate3A_231 = tpu.concatenate %slice3A_230, %broadcast_in_dim3A_219 in 1 : vector<260x345xf32>, vector<260x1xf32> -> vector<260x346xf32>
    %slice3A_232 = vector.extract_strided_slice %concatenate3A_223 {offsets = [0, 0], sizes = [260, 345], strides = [1, 1]} : vector<260x346xf32> to vector<260x345xf32>
    %concatenate3A_233 = tpu.concatenate %broadcast_in_dim3A_219, %slice3A_232 in 1 : vector<260x1xf32>, vector<260x345xf32> -> vector<260x346xf32>
    %slice3A_234 = vector.extract_strided_slice %concatenate3A_223 {offsets = [0, 1], sizes = [260, 345], strides = [1, 1]} : vector<260x346xf32> to vector<260x345xf32>
    %concatenate3A_235 = tpu.concatenate %slice3A_234, %broadcast_in_dim3A_219 in 1 : vector<260x345xf32>, vector<260x1xf32> -> vector<260x346xf32>
    %add3A_236 = arith.addf %concatenate3A_225, %concatenate3A_221 : vector<260x346xf32>
    %add3A_237 = arith.addf %add3A_236, %concatenate3A_227 : vector<260x346xf32>
    %add3A_238 = arith.addf %add3A_237, %concatenate3A_229 : vector<260x346xf32>
    %add3A_239 = arith.addf %add3A_238, %concatenate3A_231 : vector<260x346xf32>
    %add3A_240 = arith.addf %add3A_239, %concatenate3A_233 : vector<260x346xf32>
    %add3A_241 = arith.addf %add3A_240, %concatenate3A_223 : vector<260x346xf32>
    %add3A_242 = arith.addf %add3A_241, %concatenate3A_235 : vector<260x346xf32>
    %mul3A_243 = arith.constant 1.250000e-01 : f32
    %mul3A_244 = vector.broadcast %mul3A_243 : f32 to vector<260x346xf32>
    %mul3A_245 = arith.mulf %add3A_242, %mul3A_244 : vector<260x346xf32>
    %sub3A_246 = arith.constant 2.500000e-01 : f32
    %sub3A_247 = vector.broadcast %sub3A_246 : f32 to vector<260x346xf32>
    %sub3A_248 = arith.subf %mul3A_245, %sub3A_247 : vector<260x346xf32>
    %gt3A_249 = arith.constant 0.000000e+00 : f32
    %gt3A_250 = vector.broadcast %gt3A_249 : f32 to vector<260x346xf32>
    %gt3A_251 = arith.cmpf ogt, %sub3A_248, %gt3A_250 : vector<260x346xf32>
    %convert_element_type3A_252 = arith.extui %gt3A_251 : vector<260x346xi1> to vector<260x346xi32>
    %convert_element_type3A_253 = arith.sitofp %convert_element_type3A_252 : vector<260x346xi32> to vector<260x346xf32>
    %add3A_254 = arith.addf %add3A_204, %convert_element_type3A_253 : vector<260x346xf32>
    %slice3A_255 = vector.extract_strided_slice %convert_element_type3A_7 {offsets = [6, 0, 0], sizes = [1, 260, 346], strides = [1, 1, 1]} : vector<16x260x346xf32> to vector<1x260x346xf32>
    %squeeze3A_256 = vector.shape_cast %slice3A_255 : vector<1x260x346xf32> to vector<260x346xf32>
    %mul3A_257 = arith.constant 1.125000e+00 : f32
    %mul3A_258 = vector.broadcast %mul3A_257 : f32 to vector<260x346xf32>
    %mul3A_259 = arith.mulf %squeeze3A_256, %mul3A_258 : vector<260x346xf32>
    %mul3A_260 = arith.constant 3.750000e-01 : f32
    %mul3A_261 = vector.broadcast %mul3A_260 : f32 to vector<260x346xf32>
    %mul3A_262 = arith.mulf %sub3A_248, %mul3A_261 : vector<260x346xf32>
    %add3A_263 = arith.addf %mul3A_259, %mul3A_262 : vector<260x346xf32>
    %convert_element_type3A_264 = arith.truncf %add3A_263 : vector<260x346xf32> to vector<260x346xbf16>
    %convert_element_type3A_265 = arith.extf %convert_element_type3A_264 : vector<260x346xbf16> to vector<260x346xf32>
    %broadcast_in_dim3A_266 = arith.constant 0.000000e+00 : f32
    %broadcast_in_dim3A_267 = vector.broadcast %broadcast_in_dim3A_266 : f32 to vector<1x346xf32>
    %broadcast_in_dim3A_268 = arith.constant 0.000000e+00 : f32
    %broadcast_in_dim3A_269 = vector.broadcast %broadcast_in_dim3A_268 : f32 to vector<260x1xf32>
    %slice3A_270 = vector.extract_strided_slice %convert_element_type3A_265 {offsets = [0, 0], sizes = [259, 346], strides = [1, 1]} : vector<260x346xf32> to vector<259x346xf32>
    %concatenate3A_271 = tpu.concatenate %broadcast_in_dim3A_267, %slice3A_270 in 0 : vector<1x346xf32>, vector<259x346xf32> -> vector<260x346xf32>
    %slice3A_272 = vector.extract_strided_slice %convert_element_type3A_265 {offsets = [1, 0], sizes = [259, 346], strides = [1, 1]} : vector<260x346xf32> to vector<259x346xf32>
    %concatenate3A_273 = tpu.concatenate %slice3A_272, %broadcast_in_dim3A_267 in 0 : vector<259x346xf32>, vector<1x346xf32> -> vector<260x346xf32>
    %slice3A_274 = vector.extract_strided_slice %concatenate3A_271 {offsets = [0, 0], sizes = [260, 345], strides = [1, 1]} : vector<260x346xf32> to vector<260x345xf32>
    %concatenate3A_275 = tpu.concatenate %broadcast_in_dim3A_269, %slice3A_274 in 1 : vector<260x1xf32>, vector<260x345xf32> -> vector<260x346xf32>
    %slice3A_276 = vector.extract_strided_slice %concatenate3A_271 {offsets = [0, 1], sizes = [260, 345], strides = [1, 1]} : vector<260x346xf32> to vector<260x345xf32>
    %concatenate3A_277 = tpu.concatenate %slice3A_276, %broadcast_in_dim3A_269 in 1 : vector<260x345xf32>, vector<260x1xf32> -> vector<260x346xf32>
    %slice3A_278 = vector.extract_strided_slice %convert_element_type3A_265 {offsets = [0, 0], sizes = [260, 345], strides = [1, 1]} : vector<260x346xf32> to vector<260x345xf32>
    %concatenate3A_279 = tpu.concatenate %broadcast_in_dim3A_269, %slice3A_278 in 1 : vector<260x1xf32>, vector<260x345xf32> -> vector<260x346xf32>
    %slice3A_280 = vector.extract_strided_slice %convert_element_type3A_265 {offsets = [0, 1], sizes = [260, 345], strides = [1, 1]} : vector<260x346xf32> to vector<260x345xf32>
    %concatenate3A_281 = tpu.concatenate %slice3A_280, %broadcast_in_dim3A_269 in 1 : vector<260x345xf32>, vector<260x1xf32> -> vector<260x346xf32>
    %slice3A_282 = vector.extract_strided_slice %concatenate3A_273 {offsets = [0, 0], sizes = [260, 345], strides = [1, 1]} : vector<260x346xf32> to vector<260x345xf32>
    %concatenate3A_283 = tpu.concatenate %broadcast_in_dim3A_269, %slice3A_282 in 1 : vector<260x1xf32>, vector<260x345xf32> -> vector<260x346xf32>
    %slice3A_284 = vector.extract_strided_slice %concatenate3A_273 {offsets = [0, 1], sizes = [260, 345], strides = [1, 1]} : vector<260x346xf32> to vector<260x345xf32>
    %concatenate3A_285 = tpu.concatenate %slice3A_284, %broadcast_in_dim3A_269 in 1 : vector<260x345xf32>, vector<260x1xf32> -> vector<260x346xf32>
    %add3A_286 = arith.addf %concatenate3A_275, %concatenate3A_271 : vector<260x346xf32>
    %add3A_287 = arith.addf %add3A_286, %concatenate3A_277 : vector<260x346xf32>
    %add3A_288 = arith.addf %add3A_287, %concatenate3A_279 : vector<260x346xf32>
    %add3A_289 = arith.addf %add3A_288, %concatenate3A_281 : vector<260x346xf32>
    %add3A_290 = arith.addf %add3A_289, %concatenate3A_283 : vector<260x346xf32>
    %add3A_291 = arith.addf %add3A_290, %concatenate3A_273 : vector<260x346xf32>
    %add3A_292 = arith.addf %add3A_291, %concatenate3A_285 : vector<260x346xf32>
    %mul3A_293 = arith.constant 1.250000e-01 : f32
    %mul3A_294 = vector.broadcast %mul3A_293 : f32 to vector<260x346xf32>
    %mul3A_295 = arith.mulf %add3A_292, %mul3A_294 : vector<260x346xf32>
    %sub3A_296 = arith.constant 2.500000e-01 : f32
    %sub3A_297 = vector.broadcast %sub3A_296 : f32 to vector<260x346xf32>
    %sub3A_298 = arith.subf %mul3A_295, %sub3A_297 : vector<260x346xf32>
    %gt3A_299 = arith.constant 0.000000e+00 : f32
    %gt3A_300 = vector.broadcast %gt3A_299 : f32 to vector<260x346xf32>
    %gt3A_301 = arith.cmpf ogt, %sub3A_298, %gt3A_300 : vector<260x346xf32>
    %convert_element_type3A_302 = arith.extui %gt3A_301 : vector<260x346xi1> to vector<260x346xi32>
    %convert_element_type3A_303 = arith.sitofp %convert_element_type3A_302 : vector<260x346xi32> to vector<260x346xf32>
    %add3A_304 = arith.addf %add3A_254, %convert_element_type3A_303 : vector<260x346xf32>
    %slice3A_305 = vector.extract_strided_slice %convert_element_type3A_7 {offsets = [7, 0, 0], sizes = [1, 260, 346], strides = [1, 1, 1]} : vector<16x260x346xf32> to vector<1x260x346xf32>
    %squeeze3A_306 = vector.shape_cast %slice3A_305 : vector<1x260x346xf32> to vector<260x346xf32>
    %mul3A_307 = arith.constant 1.062500e+00 : f32
    %mul3A_308 = vector.broadcast %mul3A_307 : f32 to vector<260x346xf32>
    %mul3A_309 = arith.mulf %squeeze3A_306, %mul3A_308 : vector<260x346xf32>
    %mul3A_310 = arith.constant 4.375000e-01 : f32
    %mul3A_311 = vector.broadcast %mul3A_310 : f32 to vector<260x346xf32>
    %mul3A_312 = arith.mulf %sub3A_298, %mul3A_311 : vector<260x346xf32>
    %add3A_313 = arith.addf %mul3A_309, %mul3A_312 : vector<260x346xf32>
    %convert_element_type3A_314 = arith.truncf %add3A_313 : vector<260x346xf32> to vector<260x346xbf16>
    %convert_element_type3A_315 = arith.extf %convert_element_type3A_314 : vector<260x346xbf16> to vector<260x346xf32>
    %broadcast_in_dim3A_316 = arith.constant 0.000000e+00 : f32
    %broadcast_in_dim3A_317 = vector.broadcast %broadcast_in_dim3A_316 : f32 to vector<1x346xf32>
    %broadcast_in_dim3A_318 = arith.constant 0.000000e+00 : f32
    %broadcast_in_dim3A_319 = vector.broadcast %broadcast_in_dim3A_318 : f32 to vector<260x1xf32>
    %slice3A_320 = vector.extract_strided_slice %convert_element_type3A_315 {offsets = [0, 0], sizes = [259, 346], strides = [1, 1]} : vector<260x346xf32> to vector<259x346xf32>
    %concatenate3A_321 = tpu.concatenate %broadcast_in_dim3A_317, %slice3A_320 in 0 : vector<1x346xf32>, vector<259x346xf32> -> vector<260x346xf32>
    %slice3A_322 = vector.extract_strided_slice %convert_element_type3A_315 {offsets = [1, 0], sizes = [259, 346], strides = [1, 1]} : vector<260x346xf32> to vector<259x346xf32>
    %concatenate3A_323 = tpu.concatenate %slice3A_322, %broadcast_in_dim3A_317 in 0 : vector<259x346xf32>, vector<1x346xf32> -> vector<260x346xf32>
    %slice3A_324 = vector.extract_strided_slice %concatenate3A_321 {offsets = [0, 0], sizes = [260, 345], strides = [1, 1]} : vector<260x346xf32> to vector<260x345xf32>
    %concatenate3A_325 = tpu.concatenate %broadcast_in_dim3A_319, %slice3A_324 in 1 : vector<260x1xf32>, vector<260x345xf32> -> vector<260x346xf32>
    %slice3A_326 = vector.extract_strided_slice %concatenate3A_321 {offsets = [0, 1], sizes = [260, 345], strides = [1, 1]} : vector<260x346xf32> to vector<260x345xf32>
    %concatenate3A_327 = tpu.concatenate %slice3A_326, %broadcast_in_dim3A_319 in 1 : vector<260x345xf32>, vector<260x1xf32> -> vector<260x346xf32>
    %slice3A_328 = vector.extract_strided_slice %convert_element_type3A_315 {offsets = [0, 0], sizes = [260, 345], strides = [1, 1]} : vector<260x346xf32> to vector<260x345xf32>
    %concatenate3A_329 = tpu.concatenate %broadcast_in_dim3A_319, %slice3A_328 in 1 : vector<260x1xf32>, vector<260x345xf32> -> vector<260x346xf32>
    %slice3A_330 = vector.extract_strided_slice %convert_element_type3A_315 {offsets = [0, 1], sizes = [260, 345], strides = [1, 1]} : vector<260x346xf32> to vector<260x345xf32>
    %concatenate3A_331 = tpu.concatenate %slice3A_330, %broadcast_in_dim3A_319 in 1 : vector<260x345xf32>, vector<260x1xf32> -> vector<260x346xf32>
    %slice3A_332 = vector.extract_strided_slice %concatenate3A_323 {offsets = [0, 0], sizes = [260, 345], strides = [1, 1]} : vector<260x346xf32> to vector<260x345xf32>
    %concatenate3A_333 = tpu.concatenate %broadcast_in_dim3A_319, %slice3A_332 in 1 : vector<260x1xf32>, vector<260x345xf32> -> vector<260x346xf32>
    %slice3A_334 = vector.extract_strided_slice %concatenate3A_323 {offsets = [0, 1], sizes = [260, 345], strides = [1, 1]} : vector<260x346xf32> to vector<260x345xf32>
    %concatenate3A_335 = tpu.concatenate %slice3A_334, %broadcast_in_dim3A_319 in 1 : vector<260x345xf32>, vector<260x1xf32> -> vector<260x346xf32>
    %add3A_336 = arith.addf %concatenate3A_325, %concatenate3A_321 : vector<260x346xf32>
    %add3A_337 = arith.addf %add3A_336, %concatenate3A_327 : vector<260x346xf32>
    %add3A_338 = arith.addf %add3A_337, %concatenate3A_329 : vector<260x346xf32>
    %add3A_339 = arith.addf %add3A_338, %concatenate3A_331 : vector<260x346xf32>
    %add3A_340 = arith.addf %add3A_339, %concatenate3A_333 : vector<260x346xf32>
    %add3A_341 = arith.addf %add3A_340, %concatenate3A_323 : vector<260x346xf32>
    %add3A_342 = arith.addf %add3A_341, %concatenate3A_335 : vector<260x346xf32>
    %mul3A_343 = arith.constant 1.250000e-01 : f32
    %mul3A_344 = vector.broadcast %mul3A_343 : f32 to vector<260x346xf32>
    %mul3A_345 = arith.mulf %add3A_342, %mul3A_344 : vector<260x346xf32>
    %sub3A_346 = arith.constant 2.500000e-01 : f32
    %sub3A_347 = vector.broadcast %sub3A_346 : f32 to vector<260x346xf32>
    %sub3A_348 = arith.subf %mul3A_345, %sub3A_347 : vector<260x346xf32>
    %gt3A_349 = arith.constant 0.000000e+00 : f32
    %gt3A_350 = vector.broadcast %gt3A_349 : f32 to vector<260x346xf32>
    %gt3A_351 = arith.cmpf ogt, %sub3A_348, %gt3A_350 : vector<260x346xf32>
    %convert_element_type3A_352 = arith.extui %gt3A_351 : vector<260x346xi1> to vector<260x346xi32>
    %convert_element_type3A_353 = arith.sitofp %convert_element_type3A_352 : vector<260x346xi32> to vector<260x346xf32>
    %add3A_354 = arith.addf %add3A_304, %convert_element_type3A_353 : vector<260x346xf32>
    %slice3A_355 = vector.extract_strided_slice %convert_element_type3A_7 {offsets = [8, 0, 0], sizes = [1, 260, 346], strides = [1, 1, 1]} : vector<16x260x346xf32> to vector<1x260x346xf32>
    %squeeze3A_356 = vector.shape_cast %slice3A_355 : vector<1x260x346xf32> to vector<260x346xf32>
    %mul3A_357 = arith.constant 1.000000e+00 : f32
    %mul3A_358 = vector.broadcast %mul3A_357 : f32 to vector<260x346xf32>
    %mul3A_359 = arith.mulf %squeeze3A_356, %mul3A_358 : vector<260x346xf32>
    %mul3A_360 = arith.constant 5.000000e-01 : f32
    %mul3A_361 = vector.broadcast %mul3A_360 : f32 to vector<260x346xf32>
    %mul3A_362 = arith.mulf %sub3A_348, %mul3A_361 : vector<260x346xf32>
    %add3A_363 = arith.addf %mul3A_359, %mul3A_362 : vector<260x346xf32>
    %convert_element_type3A_364 = arith.truncf %add3A_363 : vector<260x346xf32> to vector<260x346xbf16>
    %convert_element_type3A_365 = arith.extf %convert_element_type3A_364 : vector<260x346xbf16> to vector<260x346xf32>
    %broadcast_in_dim3A_366 = arith.constant 0.000000e+00 : f32
    %broadcast_in_dim3A_367 = vector.broadcast %broadcast_in_dim3A_366 : f32 to vector<1x346xf32>
    %broadcast_in_dim3A_368 = arith.constant 0.000000e+00 : f32
    %broadcast_in_dim3A_369 = vector.broadcast %broadcast_in_dim3A_368 : f32 to vector<260x1xf32>
    %slice3A_370 = vector.extract_strided_slice %convert_element_type3A_365 {offsets = [0, 0], sizes = [259, 346], strides = [1, 1]} : vector<260x346xf32> to vector<259x346xf32>
    %concatenate3A_371 = tpu.concatenate %broadcast_in_dim3A_367, %slice3A_370 in 0 : vector<1x346xf32>, vector<259x346xf32> -> vector<260x346xf32>
    %slice3A_372 = vector.extract_strided_slice %convert_element_type3A_365 {offsets = [1, 0], sizes = [259, 346], strides = [1, 1]} : vector<260x346xf32> to vector<259x346xf32>
    %concatenate3A_373 = tpu.concatenate %slice3A_372, %broadcast_in_dim3A_367 in 0 : vector<259x346xf32>, vector<1x346xf32> -> vector<260x346xf32>
    %slice3A_374 = vector.extract_strided_slice %concatenate3A_371 {offsets = [0, 0], sizes = [260, 345], strides = [1, 1]} : vector<260x346xf32> to vector<260x345xf32>
    %concatenate3A_375 = tpu.concatenate %broadcast_in_dim3A_369, %slice3A_374 in 1 : vector<260x1xf32>, vector<260x345xf32> -> vector<260x346xf32>
    %slice3A_376 = vector.extract_strided_slice %concatenate3A_371 {offsets = [0, 1], sizes = [260, 345], strides = [1, 1]} : vector<260x346xf32> to vector<260x345xf32>
    %concatenate3A_377 = tpu.concatenate %slice3A_376, %broadcast_in_dim3A_369 in 1 : vector<260x345xf32>, vector<260x1xf32> -> vector<260x346xf32>
    %slice3A_378 = vector.extract_strided_slice %convert_element_type3A_365 {offsets = [0, 0], sizes = [260, 345], strides = [1, 1]} : vector<260x346xf32> to vector<260x345xf32>
    %concatenate3A_379 = tpu.concatenate %broadcast_in_dim3A_369, %slice3A_378 in 1 : vector<260x1xf32>, vector<260x345xf32> -> vector<260x346xf32>
    %slice3A_380 = vector.extract_strided_slice %convert_element_type3A_365 {offsets = [0, 1], sizes = [260, 345], strides = [1, 1]} : vector<260x346xf32> to vector<260x345xf32>
    %concatenate3A_381 = tpu.concatenate %slice3A_380, %broadcast_in_dim3A_369 in 1 : vector<260x345xf32>, vector<260x1xf32> -> vector<260x346xf32>
    %slice3A_382 = vector.extract_strided_slice %concatenate3A_373 {offsets = [0, 0], sizes = [260, 345], strides = [1, 1]} : vector<260x346xf32> to vector<260x345xf32>
    %concatenate3A_383 = tpu.concatenate %broadcast_in_dim3A_369, %slice3A_382 in 1 : vector<260x1xf32>, vector<260x345xf32> -> vector<260x346xf32>
    %slice3A_384 = vector.extract_strided_slice %concatenate3A_373 {offsets = [0, 1], sizes = [260, 345], strides = [1, 1]} : vector<260x346xf32> to vector<260x345xf32>
    %concatenate3A_385 = tpu.concatenate %slice3A_384, %broadcast_in_dim3A_369 in 1 : vector<260x345xf32>, vector<260x1xf32> -> vector<260x346xf32>
    %add3A_386 = arith.addf %concatenate3A_375, %concatenate3A_371 : vector<260x346xf32>
    %add3A_387 = arith.addf %add3A_386, %concatenate3A_377 : vector<260x346xf32>
    %add3A_388 = arith.addf %add3A_387, %concatenate3A_379 : vector<260x346xf32>
    %add3A_389 = arith.addf %add3A_388, %concatenate3A_381 : vector<260x346xf32>
    %add3A_390 = arith.addf %add3A_389, %concatenate3A_383 : vector<260x346xf32>
    %add3A_391 = arith.addf %add3A_390, %concatenate3A_373 : vector<260x346xf32>
    %add3A_392 = arith.addf %add3A_391, %concatenate3A_385 : vector<260x346xf32>
    %mul3A_393 = arith.constant 1.250000e-01 : f32
    %mul3A_394 = vector.broadcast %mul3A_393 : f32 to vector<260x346xf32>
    %mul3A_395 = arith.mulf %add3A_392, %mul3A_394 : vector<260x346xf32>
    %sub3A_396 = arith.constant 2.500000e-01 : f32
    %sub3A_397 = vector.broadcast %sub3A_396 : f32 to vector<260x346xf32>
    %sub3A_398 = arith.subf %mul3A_395, %sub3A_397 : vector<260x346xf32>
    %gt3A_399 = arith.constant 0.000000e+00 : f32
    %gt3A_400 = vector.broadcast %gt3A_399 : f32 to vector<260x346xf32>
    %gt3A_401 = arith.cmpf ogt, %sub3A_398, %gt3A_400 : vector<260x346xf32>
    %convert_element_type3A_402 = arith.extui %gt3A_401 : vector<260x346xi1> to vector<260x346xi32>
    %convert_element_type3A_403 = arith.sitofp %convert_element_type3A_402 : vector<260x346xi32> to vector<260x346xf32>
    %add3A_404 = arith.addf %add3A_354, %convert_element_type3A_403 : vector<260x346xf32>
    %slice3A_405 = vector.extract_strided_slice %convert_element_type3A_7 {offsets = [9, 0, 0], sizes = [1, 260, 346], strides = [1, 1, 1]} : vector<16x260x346xf32> to vector<1x260x346xf32>
    %squeeze3A_406 = vector.shape_cast %slice3A_405 : vector<1x260x346xf32> to vector<260x346xf32>
    %mul3A_407 = arith.constant 9.375000e-01 : f32
    %mul3A_408 = vector.broadcast %mul3A_407 : f32 to vector<260x346xf32>
    %mul3A_409 = arith.mulf %squeeze3A_406, %mul3A_408 : vector<260x346xf32>
    %mul3A_410 = arith.constant 5.625000e-01 : f32
    %mul3A_411 = vector.broadcast %mul3A_410 : f32 to vector<260x346xf32>
    %mul3A_412 = arith.mulf %sub3A_398, %mul3A_411 : vector<260x346xf32>
    %add3A_413 = arith.addf %mul3A_409, %mul3A_412 : vector<260x346xf32>
    %convert_element_type3A_414 = arith.truncf %add3A_413 : vector<260x346xf32> to vector<260x346xbf16>
    %convert_element_type3A_415 = arith.extf %convert_element_type3A_414 : vector<260x346xbf16> to vector<260x346xf32>
    %broadcast_in_dim3A_416 = arith.constant 0.000000e+00 : f32
    %broadcast_in_dim3A_417 = vector.broadcast %broadcast_in_dim3A_416 : f32 to vector<1x346xf32>
    %broadcast_in_dim3A_418 = arith.constant 0.000000e+00 : f32
    %broadcast_in_dim3A_419 = vector.broadcast %broadcast_in_dim3A_418 : f32 to vector<260x1xf32>
    %slice3A_420 = vector.extract_strided_slice %convert_element_type3A_415 {offsets = [0, 0], sizes = [259, 346], strides = [1, 1]} : vector<260x346xf32> to vector<259x346xf32>
    %concatenate3A_421 = tpu.concatenate %broadcast_in_dim3A_417, %slice3A_420 in 0 : vector<1x346xf32>, vector<259x346xf32> -> vector<260x346xf32>
    %slice3A_422 = vector.extract_strided_slice %convert_element_type3A_415 {offsets = [1, 0], sizes = [259, 346], strides = [1, 1]} : vector<260x346xf32> to vector<259x346xf32>
    %concatenate3A_423 = tpu.concatenate %slice3A_422, %broadcast_in_dim3A_417 in 0 : vector<259x346xf32>, vector<1x346xf32> -> vector<260x346xf32>
    %slice3A_424 = vector.extract_strided_slice %concatenate3A_421 {offsets = [0, 0], sizes = [260, 345], strides = [1, 1]} : vector<260x346xf32> to vector<260x345xf32>
    %concatenate3A_425 = tpu.concatenate %broadcast_in_dim3A_419, %slice3A_424 in 1 : vector<260x1xf32>, vector<260x345xf32> -> vector<260x346xf32>
    %slice3A_426 = vector.extract_strided_slice %concatenate3A_421 {offsets = [0, 1], sizes = [260, 345], strides = [1, 1]} : vector<260x346xf32> to vector<260x345xf32>
    %concatenate3A_427 = tpu.concatenate %slice3A_426, %broadcast_in_dim3A_419 in 1 : vector<260x345xf32>, vector<260x1xf32> -> vector<260x346xf32>
    %slice3A_428 = vector.extract_strided_slice %convert_element_type3A_415 {offsets = [0, 0], sizes = [260, 345], strides = [1, 1]} : vector<260x346xf32> to vector<260x345xf32>
    %concatenate3A_429 = tpu.concatenate %broadcast_in_dim3A_419, %slice3A_428 in 1 : vector<260x1xf32>, vector<260x345xf32> -> vector<260x346xf32>
    %slice3A_430 = vector.extract_strided_slice %convert_element_type3A_415 {offsets = [0, 1], sizes = [260, 345], strides = [1, 1]} : vector<260x346xf32> to vector<260x345xf32>
    %concatenate3A_431 = tpu.concatenate %slice3A_430, %broadcast_in_dim3A_419 in 1 : vector<260x345xf32>, vector<260x1xf32> -> vector<260x346xf32>
    %slice3A_432 = vector.extract_strided_slice %concatenate3A_423 {offsets = [0, 0], sizes = [260, 345], strides = [1, 1]} : vector<260x346xf32> to vector<260x345xf32>
    %concatenate3A_433 = tpu.concatenate %broadcast_in_dim3A_419, %slice3A_432 in 1 : vector<260x1xf32>, vector<260x345xf32> -> vector<260x346xf32>
    %slice3A_434 = vector.extract_strided_slice %concatenate3A_423 {offsets = [0, 1], sizes = [260, 345], strides = [1, 1]} : vector<260x346xf32> to vector<260x345xf32>
    %concatenate3A_435 = tpu.concatenate %slice3A_434, %broadcast_in_dim3A_419 in 1 : vector<260x345xf32>, vector<260x1xf32> -> vector<260x346xf32>
    %add3A_436 = arith.addf %concatenate3A_425, %concatenate3A_421 : vector<260x346xf32>
    %add3A_437 = arith.addf %add3A_436, %concatenate3A_427 : vector<260x346xf32>
    %add3A_438 = arith.addf %add3A_437, %concatenate3A_429 : vector<260x346xf32>
    %add3A_439 = arith.addf %add3A_438, %concatenate3A_431 : vector<260x346xf32>
    %add3A_440 = arith.addf %add3A_439, %concatenate3A_433 : vector<260x346xf32>
    %add3A_441 = arith.addf %add3A_440, %concatenate3A_423 : vector<260x346xf32>
    %add3A_442 = arith.addf %add3A_441, %concatenate3A_435 : vector<260x346xf32>
    %mul3A_443 = arith.constant 1.250000e-01 : f32
    %mul3A_444 = vector.broadcast %mul3A_443 : f32 to vector<260x346xf32>
    %mul3A_445 = arith.mulf %add3A_442, %mul3A_444 : vector<260x346xf32>
    %sub3A_446 = arith.constant 2.500000e-01 : f32
    %sub3A_447 = vector.broadcast %sub3A_446 : f32 to vector<260x346xf32>
    %sub3A_448 = arith.subf %mul3A_445, %sub3A_447 : vector<260x346xf32>
    %gt3A_449 = arith.constant 0.000000e+00 : f32
    %gt3A_450 = vector.broadcast %gt3A_449 : f32 to vector<260x346xf32>
    %gt3A_451 = arith.cmpf ogt, %sub3A_448, %gt3A_450 : vector<260x346xf32>
    %convert_element_type3A_452 = arith.extui %gt3A_451 : vector<260x346xi1> to vector<260x346xi32>
    %convert_element_type3A_453 = arith.sitofp %convert_element_type3A_452 : vector<260x346xi32> to vector<260x346xf32>
    %add3A_454 = arith.addf %add3A_404, %convert_element_type3A_453 : vector<260x346xf32>
    %slice3A_455 = vector.extract_strided_slice %convert_element_type3A_7 {offsets = [10, 0, 0], sizes = [1, 260, 346], strides = [1, 1, 1]} : vector<16x260x346xf32> to vector<1x260x346xf32>
    %squeeze3A_456 = vector.shape_cast %slice3A_455 : vector<1x260x346xf32> to vector<260x346xf32>
    %mul3A_457 = arith.constant 8.750000e-01 : f32
    %mul3A_458 = vector.broadcast %mul3A_457 : f32 to vector<260x346xf32>
    %mul3A_459 = arith.mulf %squeeze3A_456, %mul3A_458 : vector<260x346xf32>
    %mul3A_460 = arith.constant 6.250000e-01 : f32
    %mul3A_461 = vector.broadcast %mul3A_460 : f32 to vector<260x346xf32>
    %mul3A_462 = arith.mulf %sub3A_448, %mul3A_461 : vector<260x346xf32>
    %add3A_463 = arith.addf %mul3A_459, %mul3A_462 : vector<260x346xf32>
    %convert_element_type3A_464 = arith.truncf %add3A_463 : vector<260x346xf32> to vector<260x346xbf16>
    %convert_element_type3A_465 = arith.extf %convert_element_type3A_464 : vector<260x346xbf16> to vector<260x346xf32>
    %broadcast_in_dim3A_466 = arith.constant 0.000000e+00 : f32
    %broadcast_in_dim3A_467 = vector.broadcast %broadcast_in_dim3A_466 : f32 to vector<1x346xf32>
    %broadcast_in_dim3A_468 = arith.constant 0.000000e+00 : f32
    %broadcast_in_dim3A_469 = vector.broadcast %broadcast_in_dim3A_468 : f32 to vector<260x1xf32>
    %slice3A_470 = vector.extract_strided_slice %convert_element_type3A_465 {offsets = [0, 0], sizes = [259, 346], strides = [1, 1]} : vector<260x346xf32> to vector<259x346xf32>
    %concatenate3A_471 = tpu.concatenate %broadcast_in_dim3A_467, %slice3A_470 in 0 : vector<1x346xf32>, vector<259x346xf32> -> vector<260x346xf32>
    %slice3A_472 = vector.extract_strided_slice %convert_element_type3A_465 {offsets = [1, 0], sizes = [259, 346], strides = [1, 1]} : vector<260x346xf32> to vector<259x346xf32>
    %concatenate3A_473 = tpu.concatenate %slice3A_472, %broadcast_in_dim3A_467 in 0 : vector<259x346xf32>, vector<1x346xf32> -> vector<260x346xf32>
    %slice3A_474 = vector.extract_strided_slice %concatenate3A_471 {offsets = [0, 0], sizes = [260, 345], strides = [1, 1]} : vector<260x346xf32> to vector<260x345xf32>
    %concatenate3A_475 = tpu.concatenate %broadcast_in_dim3A_469, %slice3A_474 in 1 : vector<260x1xf32>, vector<260x345xf32> -> vector<260x346xf32>
    %slice3A_476 = vector.extract_strided_slice %concatenate3A_471 {offsets = [0, 1], sizes = [260, 345], strides = [1, 1]} : vector<260x346xf32> to vector<260x345xf32>
    %concatenate3A_477 = tpu.concatenate %slice3A_476, %broadcast_in_dim3A_469 in 1 : vector<260x345xf32>, vector<260x1xf32> -> vector<260x346xf32>
    %slice3A_478 = vector.extract_strided_slice %convert_element_type3A_465 {offsets = [0, 0], sizes = [260, 345], strides = [1, 1]} : vector<260x346xf32> to vector<260x345xf32>
    %concatenate3A_479 = tpu.concatenate %broadcast_in_dim3A_469, %slice3A_478 in 1 : vector<260x1xf32>, vector<260x345xf32> -> vector<260x346xf32>
    %slice3A_480 = vector.extract_strided_slice %convert_element_type3A_465 {offsets = [0, 1], sizes = [260, 345], strides = [1, 1]} : vector<260x346xf32> to vector<260x345xf32>
    %concatenate3A_481 = tpu.concatenate %slice3A_480, %broadcast_in_dim3A_469 in 1 : vector<260x345xf32>, vector<260x1xf32> -> vector<260x346xf32>
    %slice3A_482 = vector.extract_strided_slice %concatenate3A_473 {offsets = [0, 0], sizes = [260, 345], strides = [1, 1]} : vector<260x346xf32> to vector<260x345xf32>
    %concatenate3A_483 = tpu.concatenate %broadcast_in_dim3A_469, %slice3A_482 in 1 : vector<260x1xf32>, vector<260x345xf32> -> vector<260x346xf32>
    %slice3A_484 = vector.extract_strided_slice %concatenate3A_473 {offsets = [0, 1], sizes = [260, 345], strides = [1, 1]} : vector<260x346xf32> to vector<260x345xf32>
    %concatenate3A_485 = tpu.concatenate %slice3A_484, %broadcast_in_dim3A_469 in 1 : vector<260x345xf32>, vector<260x1xf32> -> vector<260x346xf32>
    %add3A_486 = arith.addf %concatenate3A_475, %concatenate3A_471 : vector<260x346xf32>
    %add3A_487 = arith.addf %add3A_486, %concatenate3A_477 : vector<260x346xf32>
    %add3A_488 = arith.addf %add3A_487, %concatenate3A_479 : vector<260x346xf32>
    %add3A_489 = arith.addf %add3A_488, %concatenate3A_481 : vector<260x346xf32>
    %add3A_490 = arith.addf %add3A_489, %concatenate3A_483 : vector<260x346xf32>
    %add3A_491 = arith.addf %add3A_490, %concatenate3A_473 : vector<260x346xf32>
    %add3A_492 = arith.addf %add3A_491, %concatenate3A_485 : vector<260x346xf32>
    %mul3A_493 = arith.constant 1.250000e-01 : f32
    %mul3A_494 = vector.broadcast %mul3A_493 : f32 to vector<260x346xf32>
    %mul3A_495 = arith.mulf %add3A_492, %mul3A_494 : vector<260x346xf32>
    %sub3A_496 = arith.constant 2.500000e-01 : f32
    %sub3A_497 = vector.broadcast %sub3A_496 : f32 to vector<260x346xf32>
    %sub3A_498 = arith.subf %mul3A_495, %sub3A_497 : vector<260x346xf32>
    %gt3A_499 = arith.constant 0.000000e+00 : f32
    %gt3A_500 = vector.broadcast %gt3A_499 : f32 to vector<260x346xf32>
    %gt3A_501 = arith.cmpf ogt, %sub3A_498, %gt3A_500 : vector<260x346xf32>
    %convert_element_type3A_502 = arith.extui %gt3A_501 : vector<260x346xi1> to vector<260x346xi32>
    %convert_element_type3A_503 = arith.sitofp %convert_element_type3A_502 : vector<260x346xi32> to vector<260x346xf32>
    %add3A_504 = arith.addf %add3A_454, %convert_element_type3A_503 : vector<260x346xf32>
    %slice3A_505 = vector.extract_strided_slice %convert_element_type3A_7 {offsets = [11, 0, 0], sizes = [1, 260, 346], strides = [1, 1, 1]} : vector<16x260x346xf32> to vector<1x260x346xf32>
    %squeeze3A_506 = vector.shape_cast %slice3A_505 : vector<1x260x346xf32> to vector<260x346xf32>
    %mul3A_507 = arith.constant 8.125000e-01 : f32
    %mul3A_508 = vector.broadcast %mul3A_507 : f32 to vector<260x346xf32>
    %mul3A_509 = arith.mulf %squeeze3A_506, %mul3A_508 : vector<260x346xf32>
    %mul3A_510 = arith.constant 6.875000e-01 : f32
    %mul3A_511 = vector.broadcast %mul3A_510 : f32 to vector<260x346xf32>
    %mul3A_512 = arith.mulf %sub3A_498, %mul3A_511 : vector<260x346xf32>
    %add3A_513 = arith.addf %mul3A_509, %mul3A_512 : vector<260x346xf32>
    %convert_element_type3A_514 = arith.truncf %add3A_513 : vector<260x346xf32> to vector<260x346xbf16>
    %convert_element_type3A_515 = arith.extf %convert_element_type3A_514 : vector<260x346xbf16> to vector<260x346xf32>
    %broadcast_in_dim3A_516 = arith.constant 0.000000e+00 : f32
    %broadcast_in_dim3A_517 = vector.broadcast %broadcast_in_dim3A_516 : f32 to vector<1x346xf32>
    %broadcast_in_dim3A_518 = arith.constant 0.000000e+00 : f32
    %broadcast_in_dim3A_519 = vector.broadcast %broadcast_in_dim3A_518 : f32 to vector<260x1xf32>
    %slice3A_520 = vector.extract_strided_slice %convert_element_type3A_515 {offsets = [0, 0], sizes = [259, 346], strides = [1, 1]} : vector<260x346xf32> to vector<259x346xf32>
    %concatenate3A_521 = tpu.concatenate %broadcast_in_dim3A_517, %slice3A_520 in 0 : vector<1x346xf32>, vector<259x346xf32> -> vector<260x346xf32>
    %slice3A_522 = vector.extract_strided_slice %convert_element_type3A_515 {offsets = [1, 0], sizes = [259, 346], strides = [1, 1]} : vector<260x346xf32> to vector<259x346xf32>
    %concatenate3A_523 = tpu.concatenate %slice3A_522, %broadcast_in_dim3A_517 in 0 : vector<259x346xf32>, vector<1x346xf32> -> vector<260x346xf32>
    %slice3A_524 = vector.extract_strided_slice %concatenate3A_521 {offsets = [0, 0], sizes = [260, 345], strides = [1, 1]} : vector<260x346xf32> to vector<260x345xf32>
    %concatenate3A_525 = tpu.concatenate %broadcast_in_dim3A_519, %slice3A_524 in 1 : vector<260x1xf32>, vector<260x345xf32> -> vector<260x346xf32>
    %slice3A_526 = vector.extract_strided_slice %concatenate3A_521 {offsets = [0, 1], sizes = [260, 345], strides = [1, 1]} : vector<260x346xf32> to vector<260x345xf32>
    %concatenate3A_527 = tpu.concatenate %slice3A_526, %broadcast_in_dim3A_519 in 1 : vector<260x345xf32>, vector<260x1xf32> -> vector<260x346xf32>
    %slice3A_528 = vector.extract_strided_slice %convert_element_type3A_515 {offsets = [0, 0], sizes = [260, 345], strides = [1, 1]} : vector<260x346xf32> to vector<260x345xf32>
    %concatenate3A_529 = tpu.concatenate %broadcast_in_dim3A_519, %slice3A_528 in 1 : vector<260x1xf32>, vector<260x345xf32> -> vector<260x346xf32>
    %slice3A_530 = vector.extract_strided_slice %convert_element_type3A_515 {offsets = [0, 1], sizes = [260, 345], strides = [1, 1]} : vector<260x346xf32> to vector<260x345xf32>
    %concatenate3A_531 = tpu.concatenate %slice3A_530, %broadcast_in_dim3A_519 in 1 : vector<260x345xf32>, vector<260x1xf32> -> vector<260x346xf32>
    %slice3A_532 = vector.extract_strided_slice %concatenate3A_523 {offsets = [0, 0], sizes = [260, 345], strides = [1, 1]} : vector<260x346xf32> to vector<260x345xf32>
    %concatenate3A_533 = tpu.concatenate %broadcast_in_dim3A_519, %slice3A_532 in 1 : vector<260x1xf32>, vector<260x345xf32> -> vector<260x346xf32>
    %slice3A_534 = vector.extract_strided_slice %concatenate3A_523 {offsets = [0, 1], sizes = [260, 345], strides = [1, 1]} : vector<260x346xf32> to vector<260x345xf32>
    %concatenate3A_535 = tpu.concatenate %slice3A_534, %broadcast_in_dim3A_519 in 1 : vector<260x345xf32>, vector<260x1xf32> -> vector<260x346xf32>
    %add3A_536 = arith.addf %concatenate3A_525, %concatenate3A_521 : vector<260x346xf32>
    %add3A_537 = arith.addf %add3A_536, %concatenate3A_527 : vector<260x346xf32>
    %add3A_538 = arith.addf %add3A_537, %concatenate3A_529 : vector<260x346xf32>
    %add3A_539 = arith.addf %add3A_538, %concatenate3A_531 : vector<260x346xf32>
    %add3A_540 = arith.addf %add3A_539, %concatenate3A_533 : vector<260x346xf32>
    %add3A_541 = arith.addf %add3A_540, %concatenate3A_523 : vector<260x346xf32>
    %add3A_542 = arith.addf %add3A_541, %concatenate3A_535 : vector<260x346xf32>
    %mul3A_543 = arith.constant 1.250000e-01 : f32
    %mul3A_544 = vector.broadcast %mul3A_543 : f32 to vector<260x346xf32>
    %mul3A_545 = arith.mulf %add3A_542, %mul3A_544 : vector<260x346xf32>
    %sub3A_546 = arith.constant 2.500000e-01 : f32
    %sub3A_547 = vector.broadcast %sub3A_546 : f32 to vector<260x346xf32>
    %sub3A_548 = arith.subf %mul3A_545, %sub3A_547 : vector<260x346xf32>
    %gt3A_549 = arith.constant 0.000000e+00 : f32
    %gt3A_550 = vector.broadcast %gt3A_549 : f32 to vector<260x346xf32>
    %gt3A_551 = arith.cmpf ogt, %sub3A_548, %gt3A_550 : vector<260x346xf32>
    %convert_element_type3A_552 = arith.extui %gt3A_551 : vector<260x346xi1> to vector<260x346xi32>
    %convert_element_type3A_553 = arith.sitofp %convert_element_type3A_552 : vector<260x346xi32> to vector<260x346xf32>
    %add3A_554 = arith.addf %add3A_504, %convert_element_type3A_553 : vector<260x346xf32>
    %slice3A_555 = vector.extract_strided_slice %convert_element_type3A_7 {offsets = [12, 0, 0], sizes = [1, 260, 346], strides = [1, 1, 1]} : vector<16x260x346xf32> to vector<1x260x346xf32>
    %squeeze3A_556 = vector.shape_cast %slice3A_555 : vector<1x260x346xf32> to vector<260x346xf32>
    %mul3A_557 = arith.constant 7.500000e-01 : f32
    %mul3A_558 = vector.broadcast %mul3A_557 : f32 to vector<260x346xf32>
    %mul3A_559 = arith.mulf %squeeze3A_556, %mul3A_558 : vector<260x346xf32>
    %mul3A_560 = arith.constant 7.500000e-01 : f32
    %mul3A_561 = vector.broadcast %mul3A_560 : f32 to vector<260x346xf32>
    %mul3A_562 = arith.mulf %sub3A_548, %mul3A_561 : vector<260x346xf32>
    %add3A_563 = arith.addf %mul3A_559, %mul3A_562 : vector<260x346xf32>
    %convert_element_type3A_564 = arith.truncf %add3A_563 : vector<260x346xf32> to vector<260x346xbf16>
    %convert_element_type3A_565 = arith.extf %convert_element_type3A_564 : vector<260x346xbf16> to vector<260x346xf32>
    %broadcast_in_dim3A_566 = arith.constant 0.000000e+00 : f32
    %broadcast_in_dim3A_567 = vector.broadcast %broadcast_in_dim3A_566 : f32 to vector<1x346xf32>
    %broadcast_in_dim3A_568 = arith.constant 0.000000e+00 : f32
    %broadcast_in_dim3A_569 = vector.broadcast %broadcast_in_dim3A_568 : f32 to vector<260x1xf32>
    %slice3A_570 = vector.extract_strided_slice %convert_element_type3A_565 {offsets = [0, 0], sizes = [259, 346], strides = [1, 1]} : vector<260x346xf32> to vector<259x346xf32>
    %concatenate3A_571 = tpu.concatenate %broadcast_in_dim3A_567, %slice3A_570 in 0 : vector<1x346xf32>, vector<259x346xf32> -> vector<260x346xf32>
    %slice3A_572 = vector.extract_strided_slice %convert_element_type3A_565 {offsets = [1, 0], sizes = [259, 346], strides = [1, 1]} : vector<260x346xf32> to vector<259x346xf32>
    %concatenate3A_573 = tpu.concatenate %slice3A_572, %broadcast_in_dim3A_567 in 0 : vector<259x346xf32>, vector<1x346xf32> -> vector<260x346xf32>
    %slice3A_574 = vector.extract_strided_slice %concatenate3A_571 {offsets = [0, 0], sizes = [260, 345], strides = [1, 1]} : vector<260x346xf32> to vector<260x345xf32>
    %concatenate3A_575 = tpu.concatenate %broadcast_in_dim3A_569, %slice3A_574 in 1 : vector<260x1xf32>, vector<260x345xf32> -> vector<260x346xf32>
    %slice3A_576 = vector.extract_strided_slice %concatenate3A_571 {offsets = [0, 1], sizes = [260, 345], strides = [1, 1]} : vector<260x346xf32> to vector<260x345xf32>
    %concatenate3A_577 = tpu.concatenate %slice3A_576, %broadcast_in_dim3A_569 in 1 : vector<260x345xf32>, vector<260x1xf32> -> vector<260x346xf32>
    %slice3A_578 = vector.extract_strided_slice %convert_element_type3A_565 {offsets = [0, 0], sizes = [260, 345], strides = [1, 1]} : vector<260x346xf32> to vector<260x345xf32>
    %concatenate3A_579 = tpu.concatenate %broadcast_in_dim3A_569, %slice3A_578 in 1 : vector<260x1xf32>, vector<260x345xf32> -> vector<260x346xf32>
    %slice3A_580 = vector.extract_strided_slice %convert_element_type3A_565 {offsets = [0, 1], sizes = [260, 345], strides = [1, 1]} : vector<260x346xf32> to vector<260x345xf32>
    %concatenate3A_581 = tpu.concatenate %slice3A_580, %broadcast_in_dim3A_569 in 1 : vector<260x345xf32>, vector<260x1xf32> -> vector<260x346xf32>
    %slice3A_582 = vector.extract_strided_slice %concatenate3A_573 {offsets = [0, 0], sizes = [260, 345], strides = [1, 1]} : vector<260x346xf32> to vector<260x345xf32>
    %concatenate3A_583 = tpu.concatenate %broadcast_in_dim3A_569, %slice3A_582 in 1 : vector<260x1xf32>, vector<260x345xf32> -> vector<260x346xf32>
    %slice3A_584 = vector.extract_strided_slice %concatenate3A_573 {offsets = [0, 1], sizes = [260, 345], strides = [1, 1]} : vector<260x346xf32> to vector<260x345xf32>
    %concatenate3A_585 = tpu.concatenate %slice3A_584, %broadcast_in_dim3A_569 in 1 : vector<260x345xf32>, vector<260x1xf32> -> vector<260x346xf32>
    %add3A_586 = arith.addf %concatenate3A_575, %concatenate3A_571 : vector<260x346xf32>
    %add3A_587 = arith.addf %add3A_586, %concatenate3A_577 : vector<260x346xf32>
    %add3A_588 = arith.addf %add3A_587, %concatenate3A_579 : vector<260x346xf32>
    %add3A_589 = arith.addf %add3A_588, %concatenate3A_581 : vector<260x346xf32>
    %add3A_590 = arith.addf %add3A_589, %concatenate3A_583 : vector<260x346xf32>
    %add3A_591 = arith.addf %add3A_590, %concatenate3A_573 : vector<260x346xf32>
    %add3A_592 = arith.addf %add3A_591, %concatenate3A_585 : vector<260x346xf32>
    %mul3A_593 = arith.constant 1.250000e-01 : f32
    %mul3A_594 = vector.broadcast %mul3A_593 : f32 to vector<260x346xf32>
    %mul3A_595 = arith.mulf %add3A_592, %mul3A_594 : vector<260x346xf32>
    %sub3A_596 = arith.constant 2.500000e-01 : f32
    %sub3A_597 = vector.broadcast %sub3A_596 : f32 to vector<260x346xf32>
    %sub3A_598 = arith.subf %mul3A_595, %sub3A_597 : vector<260x346xf32>
    %gt3A_599 = arith.constant 0.000000e+00 : f32
    %gt3A_600 = vector.broadcast %gt3A_599 : f32 to vector<260x346xf32>
    %gt3A_601 = arith.cmpf ogt, %sub3A_598, %gt3A_600 : vector<260x346xf32>
    %convert_element_type3A_602 = arith.extui %gt3A_601 : vector<260x346xi1> to vector<260x346xi32>
    %convert_element_type3A_603 = arith.sitofp %convert_element_type3A_602 : vector<260x346xi32> to vector<260x346xf32>
    %add3A_604 = arith.addf %add3A_554, %convert_element_type3A_603 : vector<260x346xf32>
    %slice3A_605 = vector.extract_strided_slice %convert_element_type3A_7 {offsets = [13, 0, 0], sizes = [1, 260, 346], strides = [1, 1, 1]} : vector<16x260x346xf32> to vector<1x260x346xf32>
    %squeeze3A_606 = vector.shape_cast %slice3A_605 : vector<1x260x346xf32> to vector<260x346xf32>
    %mul3A_607 = arith.constant 6.875000e-01 : f32
    %mul3A_608 = vector.broadcast %mul3A_607 : f32 to vector<260x346xf32>
    %mul3A_609 = arith.mulf %squeeze3A_606, %mul3A_608 : vector<260x346xf32>
    %mul3A_610 = arith.constant 8.125000e-01 : f32
    %mul3A_611 = vector.broadcast %mul3A_610 : f32 to vector<260x346xf32>
    %mul3A_612 = arith.mulf %sub3A_598, %mul3A_611 : vector<260x346xf32>
    %add3A_613 = arith.addf %mul3A_609, %mul3A_612 : vector<260x346xf32>
    %convert_element_type3A_614 = arith.truncf %add3A_613 : vector<260x346xf32> to vector<260x346xbf16>
    %convert_element_type3A_615 = arith.extf %convert_element_type3A_614 : vector<260x346xbf16> to vector<260x346xf32>
    %broadcast_in_dim3A_616 = arith.constant 0.000000e+00 : f32
    %broadcast_in_dim3A_617 = vector.broadcast %broadcast_in_dim3A_616 : f32 to vector<1x346xf32>
    %broadcast_in_dim3A_618 = arith.constant 0.000000e+00 : f32
    %broadcast_in_dim3A_619 = vector.broadcast %broadcast_in_dim3A_618 : f32 to vector<260x1xf32>
    %slice3A_620 = vector.extract_strided_slice %convert_element_type3A_615 {offsets = [0, 0], sizes = [259, 346], strides = [1, 1]} : vector<260x346xf32> to vector<259x346xf32>
    %concatenate3A_621 = tpu.concatenate %broadcast_in_dim3A_617, %slice3A_620 in 0 : vector<1x346xf32>, vector<259x346xf32> -> vector<260x346xf32>
    %slice3A_622 = vector.extract_strided_slice %convert_element_type3A_615 {offsets = [1, 0], sizes = [259, 346], strides = [1, 1]} : vector<260x346xf32> to vector<259x346xf32>
    %concatenate3A_623 = tpu.concatenate %slice3A_622, %broadcast_in_dim3A_617 in 0 : vector<259x346xf32>, vector<1x346xf32> -> vector<260x346xf32>
    %slice3A_624 = vector.extract_strided_slice %concatenate3A_621 {offsets = [0, 0], sizes = [260, 345], strides = [1, 1]} : vector<260x346xf32> to vector<260x345xf32>
    %concatenate3A_625 = tpu.concatenate %broadcast_in_dim3A_619, %slice3A_624 in 1 : vector<260x1xf32>, vector<260x345xf32> -> vector<260x346xf32>
    %slice3A_626 = vector.extract_strided_slice %concatenate3A_621 {offsets = [0, 1], sizes = [260, 345], strides = [1, 1]} : vector<260x346xf32> to vector<260x345xf32>
    %concatenate3A_627 = tpu.concatenate %slice3A_626, %broadcast_in_dim3A_619 in 1 : vector<260x345xf32>, vector<260x1xf32> -> vector<260x346xf32>
    %slice3A_628 = vector.extract_strided_slice %convert_element_type3A_615 {offsets = [0, 0], sizes = [260, 345], strides = [1, 1]} : vector<260x346xf32> to vector<260x345xf32>
    %concatenate3A_629 = tpu.concatenate %broadcast_in_dim3A_619, %slice3A_628 in 1 : vector<260x1xf32>, vector<260x345xf32> -> vector<260x346xf32>
    %slice3A_630 = vector.extract_strided_slice %convert_element_type3A_615 {offsets = [0, 1], sizes = [260, 345], strides = [1, 1]} : vector<260x346xf32> to vector<260x345xf32>
    %concatenate3A_631 = tpu.concatenate %slice3A_630, %broadcast_in_dim3A_619 in 1 : vector<260x345xf32>, vector<260x1xf32> -> vector<260x346xf32>
    %slice3A_632 = vector.extract_strided_slice %concatenate3A_623 {offsets = [0, 0], sizes = [260, 345], strides = [1, 1]} : vector<260x346xf32> to vector<260x345xf32>
    %concatenate3A_633 = tpu.concatenate %broadcast_in_dim3A_619, %slice3A_632 in 1 : vector<260x1xf32>, vector<260x345xf32> -> vector<260x346xf32>
    %slice3A_634 = vector.extract_strided_slice %concatenate3A_623 {offsets = [0, 1], sizes = [260, 345], strides = [1, 1]} : vector<260x346xf32> to vector<260x345xf32>
    %concatenate3A_635 = tpu.concatenate %slice3A_634, %broadcast_in_dim3A_619 in 1 : vector<260x345xf32>, vector<260x1xf32> -> vector<260x346xf32>
    %add3A_636 = arith.addf %concatenate3A_625, %concatenate3A_621 : vector<260x346xf32>
    %add3A_637 = arith.addf %add3A_636, %concatenate3A_627 : vector<260x346xf32>
    %add3A_638 = arith.addf %add3A_637, %concatenate3A_629 : vector<260x346xf32>
    %add3A_639 = arith.addf %add3A_638, %concatenate3A_631 : vector<260x346xf32>
    %add3A_640 = arith.addf %add3A_639, %concatenate3A_633 : vector<260x346xf32>
    %add3A_641 = arith.addf %add3A_640, %concatenate3A_623 : vector<260x346xf32>
    %add3A_642 = arith.addf %add3A_641, %concatenate3A_635 : vector<260x346xf32>
    %mul3A_643 = arith.constant 1.250000e-01 : f32
    %mul3A_644 = vector.broadcast %mul3A_643 : f32 to vector<260x346xf32>
    %mul3A_645 = arith.mulf %add3A_642, %mul3A_644 : vector<260x346xf32>
    %sub3A_646 = arith.constant 2.500000e-01 : f32
    %sub3A_647 = vector.broadcast %sub3A_646 : f32 to vector<260x346xf32>
    %sub3A_648 = arith.subf %mul3A_645, %sub3A_647 : vector<260x346xf32>
    %gt3A_649 = arith.constant 0.000000e+00 : f32
    %gt3A_650 = vector.broadcast %gt3A_649 : f32 to vector<260x346xf32>
    %gt3A_651 = arith.cmpf ogt, %sub3A_648, %gt3A_650 : vector<260x346xf32>
    %convert_element_type3A_652 = arith.extui %gt3A_651 : vector<260x346xi1> to vector<260x346xi32>
    %convert_element_type3A_653 = arith.sitofp %convert_element_type3A_652 : vector<260x346xi32> to vector<260x346xf32>
    %add3A_654 = arith.addf %add3A_604, %convert_element_type3A_653 : vector<260x346xf32>
    %slice3A_655 = vector.extract_strided_slice %convert_element_type3A_7 {offsets = [14, 0, 0], sizes = [1, 260, 346], strides = [1, 1, 1]} : vector<16x260x346xf32> to vector<1x260x346xf32>
    %squeeze3A_656 = vector.shape_cast %slice3A_655 : vector<1x260x346xf32> to vector<260x346xf32>
    %mul3A_657 = arith.constant 6.250000e-01 : f32
    %mul3A_658 = vector.broadcast %mul3A_657 : f32 to vector<260x346xf32>
    %mul3A_659 = arith.mulf %squeeze3A_656, %mul3A_658 : vector<260x346xf32>
    %mul3A_660 = arith.constant 8.750000e-01 : f32
    %mul3A_661 = vector.broadcast %mul3A_660 : f32 to vector<260x346xf32>
    %mul3A_662 = arith.mulf %sub3A_648, %mul3A_661 : vector<260x346xf32>
    %add3A_663 = arith.addf %mul3A_659, %mul3A_662 : vector<260x346xf32>
    %convert_element_type3A_664 = arith.truncf %add3A_663 : vector<260x346xf32> to vector<260x346xbf16>
    %convert_element_type3A_665 = arith.extf %convert_element_type3A_664 : vector<260x346xbf16> to vector<260x346xf32>
    %broadcast_in_dim3A_666 = arith.constant 0.000000e+00 : f32
    %broadcast_in_dim3A_667 = vector.broadcast %broadcast_in_dim3A_666 : f32 to vector<1x346xf32>
    %broadcast_in_dim3A_668 = arith.constant 0.000000e+00 : f32
    %broadcast_in_dim3A_669 = vector.broadcast %broadcast_in_dim3A_668 : f32 to vector<260x1xf32>
    %slice3A_670 = vector.extract_strided_slice %convert_element_type3A_665 {offsets = [0, 0], sizes = [259, 346], strides = [1, 1]} : vector<260x346xf32> to vector<259x346xf32>
    %concatenate3A_671 = tpu.concatenate %broadcast_in_dim3A_667, %slice3A_670 in 0 : vector<1x346xf32>, vector<259x346xf32> -> vector<260x346xf32>
    %slice3A_672 = vector.extract_strided_slice %convert_element_type3A_665 {offsets = [1, 0], sizes = [259, 346], strides = [1, 1]} : vector<260x346xf32> to vector<259x346xf32>
    %concatenate3A_673 = tpu.concatenate %slice3A_672, %broadcast_in_dim3A_667 in 0 : vector<259x346xf32>, vector<1x346xf32> -> vector<260x346xf32>
    %slice3A_674 = vector.extract_strided_slice %concatenate3A_671 {offsets = [0, 0], sizes = [260, 345], strides = [1, 1]} : vector<260x346xf32> to vector<260x345xf32>
    %concatenate3A_675 = tpu.concatenate %broadcast_in_dim3A_669, %slice3A_674 in 1 : vector<260x1xf32>, vector<260x345xf32> -> vector<260x346xf32>
    %slice3A_676 = vector.extract_strided_slice %concatenate3A_671 {offsets = [0, 1], sizes = [260, 345], strides = [1, 1]} : vector<260x346xf32> to vector<260x345xf32>
    %concatenate3A_677 = tpu.concatenate %slice3A_676, %broadcast_in_dim3A_669 in 1 : vector<260x345xf32>, vector<260x1xf32> -> vector<260x346xf32>
    %slice3A_678 = vector.extract_strided_slice %convert_element_type3A_665 {offsets = [0, 0], sizes = [260, 345], strides = [1, 1]} : vector<260x346xf32> to vector<260x345xf32>
    %concatenate3A_679 = tpu.concatenate %broadcast_in_dim3A_669, %slice3A_678 in 1 : vector<260x1xf32>, vector<260x345xf32> -> vector<260x346xf32>
    %slice3A_680 = vector.extract_strided_slice %convert_element_type3A_665 {offsets = [0, 1], sizes = [260, 345], strides = [1, 1]} : vector<260x346xf32> to vector<260x345xf32>
    %concatenate3A_681 = tpu.concatenate %slice3A_680, %broadcast_in_dim3A_669 in 1 : vector<260x345xf32>, vector<260x1xf32> -> vector<260x346xf32>
    %slice3A_682 = vector.extract_strided_slice %concatenate3A_673 {offsets = [0, 0], sizes = [260, 345], strides = [1, 1]} : vector<260x346xf32> to vector<260x345xf32>
    %concatenate3A_683 = tpu.concatenate %broadcast_in_dim3A_669, %slice3A_682 in 1 : vector<260x1xf32>, vector<260x345xf32> -> vector<260x346xf32>
    %slice3A_684 = vector.extract_strided_slice %concatenate3A_673 {offsets = [0, 1], sizes = [260, 345], strides = [1, 1]} : vector<260x346xf32> to vector<260x345xf32>
    %concatenate3A_685 = tpu.concatenate %slice3A_684, %broadcast_in_dim3A_669 in 1 : vector<260x345xf32>, vector<260x1xf32> -> vector<260x346xf32>
    %add3A_686 = arith.addf %concatenate3A_675, %concatenate3A_671 : vector<260x346xf32>
    %add3A_687 = arith.addf %add3A_686, %concatenate3A_677 : vector<260x346xf32>
    %add3A_688 = arith.addf %add3A_687, %concatenate3A_679 : vector<260x346xf32>
    %add3A_689 = arith.addf %add3A_688, %concatenate3A_681 : vector<260x346xf32>
    %add3A_690 = arith.addf %add3A_689, %concatenate3A_683 : vector<260x346xf32>
    %add3A_691 = arith.addf %add3A_690, %concatenate3A_673 : vector<260x346xf32>
    %add3A_692 = arith.addf %add3A_691, %concatenate3A_685 : vector<260x346xf32>
    %mul3A_693 = arith.constant 1.250000e-01 : f32
    %mul3A_694 = vector.broadcast %mul3A_693 : f32 to vector<260x346xf32>
    %mul3A_695 = arith.mulf %add3A_692, %mul3A_694 : vector<260x346xf32>
    %sub3A_696 = arith.constant 2.500000e-01 : f32
    %sub3A_697 = vector.broadcast %sub3A_696 : f32 to vector<260x346xf32>
    %sub3A_698 = arith.subf %mul3A_695, %sub3A_697 : vector<260x346xf32>
    %gt3A_699 = arith.constant 0.000000e+00 : f32
    %gt3A_700 = vector.broadcast %gt3A_699 : f32 to vector<260x346xf32>
    %gt3A_701 = arith.cmpf ogt, %sub3A_698, %gt3A_700 : vector<260x346xf32>
    %convert_element_type3A_702 = arith.extui %gt3A_701 : vector<260x346xi1> to vector<260x346xi32>
    %convert_element_type3A_703 = arith.sitofp %convert_element_type3A_702 : vector<260x346xi32> to vector<260x346xf32>
    %add3A_704 = arith.addf %add3A_654, %convert_element_type3A_703 : vector<260x346xf32>
    %slice3A_705 = vector.extract_strided_slice %convert_element_type3A_7 {offsets = [15, 0, 0], sizes = [1, 260, 346], strides = [1, 1, 1]} : vector<16x260x346xf32> to vector<1x260x346xf32>
    %squeeze3A_706 = vector.shape_cast %slice3A_705 : vector<1x260x346xf32> to vector<260x346xf32>
    %mul3A_707 = arith.constant 5.625000e-01 : f32
    %mul3A_708 = vector.broadcast %mul3A_707 : f32 to vector<260x346xf32>
    %mul3A_709 = arith.mulf %squeeze3A_706, %mul3A_708 : vector<260x346xf32>
    %mul3A_710 = arith.constant 9.375000e-01 : f32
    %mul3A_711 = vector.broadcast %mul3A_710 : f32 to vector<260x346xf32>
    %mul3A_712 = arith.mulf %sub3A_698, %mul3A_711 : vector<260x346xf32>
    %add3A_713 = arith.addf %mul3A_709, %mul3A_712 : vector<260x346xf32>
    %convert_element_type3A_714 = arith.truncf %add3A_713 : vector<260x346xf32> to vector<260x346xbf16>
    %convert_element_type3A_715 = arith.extf %convert_element_type3A_714 : vector<260x346xbf16> to vector<260x346xf32>
    %broadcast_in_dim3A_716 = arith.constant 0.000000e+00 : f32
    %broadcast_in_dim3A_717 = vector.broadcast %broadcast_in_dim3A_716 : f32 to vector<1x346xf32>
    %broadcast_in_dim3A_718 = arith.constant 0.000000e+00 : f32
    %broadcast_in_dim3A_719 = vector.broadcast %broadcast_in_dim3A_718 : f32 to vector<260x1xf32>
    %slice3A_720 = vector.extract_strided_slice %convert_element_type3A_715 {offsets = [0, 0], sizes = [259, 346], strides = [1, 1]} : vector<260x346xf32> to vector<259x346xf32>
    %concatenate3A_721 = tpu.concatenate %broadcast_in_dim3A_717, %slice3A_720 in 0 : vector<1x346xf32>, vector<259x346xf32> -> vector<260x346xf32>
    %slice3A_722 = vector.extract_strided_slice %convert_element_type3A_715 {offsets = [1, 0], sizes = [259, 346], strides = [1, 1]} : vector<260x346xf32> to vector<259x346xf32>
    %concatenate3A_723 = tpu.concatenate %slice3A_722, %broadcast_in_dim3A_717 in 0 : vector<259x346xf32>, vector<1x346xf32> -> vector<260x346xf32>
    %slice3A_724 = vector.extract_strided_slice %concatenate3A_721 {offsets = [0, 0], sizes = [260, 345], strides = [1, 1]} : vector<260x346xf32> to vector<260x345xf32>
    %concatenate3A_725 = tpu.concatenate %broadcast_in_dim3A_719, %slice3A_724 in 1 : vector<260x1xf32>, vector<260x345xf32> -> vector<260x346xf32>
    %slice3A_726 = vector.extract_strided_slice %concatenate3A_721 {offsets = [0, 1], sizes = [260, 345], strides = [1, 1]} : vector<260x346xf32> to vector<260x345xf32>
    %concatenate3A_727 = tpu.concatenate %slice3A_726, %broadcast_in_dim3A_719 in 1 : vector<260x345xf32>, vector<260x1xf32> -> vector<260x346xf32>
    %slice3A_728 = vector.extract_strided_slice %convert_element_type3A_715 {offsets = [0, 0], sizes = [260, 345], strides = [1, 1]} : vector<260x346xf32> to vector<260x345xf32>
    %concatenate3A_729 = tpu.concatenate %broadcast_in_dim3A_719, %slice3A_728 in 1 : vector<260x1xf32>, vector<260x345xf32> -> vector<260x346xf32>
    %slice3A_730 = vector.extract_strided_slice %convert_element_type3A_715 {offsets = [0, 1], sizes = [260, 345], strides = [1, 1]} : vector<260x346xf32> to vector<260x345xf32>
    %concatenate3A_731 = tpu.concatenate %slice3A_730, %broadcast_in_dim3A_719 in 1 : vector<260x345xf32>, vector<260x1xf32> -> vector<260x346xf32>
    %slice3A_732 = vector.extract_strided_slice %concatenate3A_723 {offsets = [0, 0], sizes = [260, 345], strides = [1, 1]} : vector<260x346xf32> to vector<260x345xf32>
    %concatenate3A_733 = tpu.concatenate %broadcast_in_dim3A_719, %slice3A_732 in 1 : vector<260x1xf32>, vector<260x345xf32> -> vector<260x346xf32>
    %slice3A_734 = vector.extract_strided_slice %concatenate3A_723 {offsets = [0, 1], sizes = [260, 345], strides = [1, 1]} : vector<260x346xf32> to vector<260x345xf32>
    %concatenate3A_735 = tpu.concatenate %slice3A_734, %broadcast_in_dim3A_719 in 1 : vector<260x345xf32>, vector<260x1xf32> -> vector<260x346xf32>
    %add3A_736 = arith.addf %concatenate3A_725, %concatenate3A_721 : vector<260x346xf32>
    %add3A_737 = arith.addf %add3A_736, %concatenate3A_727 : vector<260x346xf32>
    %add3A_738 = arith.addf %add3A_737, %concatenate3A_729 : vector<260x346xf32>
    %add3A_739 = arith.addf %add3A_738, %concatenate3A_731 : vector<260x346xf32>
    %add3A_740 = arith.addf %add3A_739, %concatenate3A_733 : vector<260x346xf32>
    %add3A_741 = arith.addf %add3A_740, %concatenate3A_723 : vector<260x346xf32>
    %add3A_742 = arith.addf %add3A_741, %concatenate3A_735 : vector<260x346xf32>
    %mul3A_743 = arith.constant 1.250000e-01 : f32
    %mul3A_744 = vector.broadcast %mul3A_743 : f32 to vector<260x346xf32>
    %mul3A_745 = arith.mulf %add3A_742, %mul3A_744 : vector<260x346xf32>
    %sub3A_746 = arith.constant 2.500000e-01 : f32
    %sub3A_747 = vector.broadcast %sub3A_746 : f32 to vector<260x346xf32>
    %sub3A_748 = arith.subf %mul3A_745, %sub3A_747 : vector<260x346xf32>
    %gt3A_749 = arith.constant 0.000000e+00 : f32
    %gt3A_750 = vector.broadcast %gt3A_749 : f32 to vector<260x346xf32>
    %gt3A_751 = arith.cmpf ogt, %sub3A_748, %gt3A_750 : vector<260x346xf32>
    %convert_element_type3A_752 = arith.extui %gt3A_751 : vector<260x346xi1> to vector<260x346xi32>
    %convert_element_type3A_753 = arith.sitofp %convert_element_type3A_752 : vector<260x346xi32> to vector<260x346xf32>
    %add3A_754 = arith.addf %add3A_704, %convert_element_type3A_753 : vector<260x346xf32>
    %gt3A_755 = arith.constant 0.000000e+00 : f32
    %gt3A_756 = vector.broadcast %gt3A_755 : f32 to vector<260x346xf32>
    %gt3A_757 = arith.cmpf ogt, %add3A_754, %gt3A_756 : vector<260x346xf32>
    %convert_element_type3A_758 = arith.extui %gt3A_757 : vector<260x346xi1> to vector<260x346xi32>
    %convert_element_type3A_759 = arith.sitofp %convert_element_type3A_758 : vector<260x346xi32> to vector<260x346xf32>
    %reduce_sum3A = vector.shape_cast %convert_element_type3A_759 : vector<260x346xf32> to vector<1x260x346xf32>
    %reduce_sum3A_760 = arith.constant dense<0.000000e+00> : vector<1xf32>
    %reduce_sum3A_761 = vector.multi_reduction <add>, %reduce_sum3A, %reduce_sum3A_760 [1, 2] : vector<1x260x346xf32> to vector<1xf32>
    %reduce_sum3A_762 = vector.shape_cast %reduce_sum3A_761 : vector<1xf32> to vector<1x1x1xf32>
    %reduce_sum3A_763 = vector.extract %reduce_sum3A_762[0, 0, 0] : f32 from vector<1x1x1xf32>
    %mul3A_764 = arith.constant 6.250000e-02 : f32
    %mul3A_765 = arith.mulf %reduce_sum3A_763, %mul3A_764 : f32
    %floor3A = math.floor %mul3A_765 : f32
    %slice3A_766 = vector.extract_strided_slice %gt3A_6 {offsets = [12, 0, 0], sizes = [1, 260, 346], strides = [1, 1, 1]} : vector<16x260x346xi1> to vector<1x260x346xi1>
    %squeeze3A_767 = vector.shape_cast %slice3A_766 : vector<1x260x346xi1> to vector<260x346xi1>
    %and3A = arith.andi %squeeze3A_767, %gt3A_757 : vector<260x346xi1>
    %convert_element_type3A_768 = arith.extui %and3A : vector<260x346xi1> to vector<260x346xi32>
    %convert_element_type3A_769 = arith.sitofp %convert_element_type3A_768 : vector<260x346xi32> to vector<260x346xf32>
    %reduce_sum3A_770 = vector.shape_cast %convert_element_type3A_769 : vector<260x346xf32> to vector<1x260x346xf32>
    %reduce_sum3A_771 = arith.constant dense<0.000000e+00> : vector<1xf32>
    %reduce_sum3A_772 = vector.multi_reduction <add>, %reduce_sum3A_770, %reduce_sum3A_771 [1, 2] : vector<1x260x346xf32> to vector<1xf32>
    %reduce_sum3A_773 = vector.shape_cast %reduce_sum3A_772 : vector<1xf32> to vector<1x1x1xf32>
    %reduce_sum3A_774 = vector.extract %reduce_sum3A_773[0, 0, 0] : f32 from vector<1x1x1xf32>
    %lt3A = arith.cmpf olt, %reduce_sum3A_774, %floor3A : f32
    %and3A_775 = arith.constant true
    %and3A_776 = arith.andi %and3A_775, %lt3A : i1
    %slice3A_777 = vector.extract_strided_slice %gt3A_6 {offsets = [11, 0, 0], sizes = [1, 260, 346], strides = [1, 1, 1]} : vector<16x260x346xi1> to vector<1x260x346xi1>
    %squeeze3A_778 = vector.shape_cast %slice3A_777 : vector<1x260x346xi1> to vector<260x346xi1>
    %and3A_779 = arith.andi %squeeze3A_778, %gt3A_757 : vector<260x346xi1>
    %and3A_780 = vector.broadcast %and3A_776 : i1 to vector<260x346xi1>
    %and3A_781 = arith.andi %and3A_779, %and3A_780 : vector<260x346xi1>
    %or3A = arith.ori %and3A, %and3A_781 : vector<260x346xi1>
    %convert_element_type3A_782 = arith.extui %or3A : vector<260x346xi1> to vector<260x346xi32>
    %convert_element_type3A_783 = arith.sitofp %convert_element_type3A_782 : vector<260x346xi32> to vector<260x346xf32>
    %reduce_sum3A_784 = vector.shape_cast %convert_element_type3A_783 : vector<260x346xf32> to vector<1x260x346xf32>
    %reduce_sum3A_785 = arith.constant dense<0.000000e+00> : vector<1xf32>
    %reduce_sum3A_786 = vector.multi_reduction <add>, %reduce_sum3A_784, %reduce_sum3A_785 [1, 2] : vector<1x260x346xf32> to vector<1xf32>
    %reduce_sum3A_787 = vector.shape_cast %reduce_sum3A_786 : vector<1xf32> to vector<1x1x1xf32>
    %reduce_sum3A_788 = vector.extract %reduce_sum3A_787[0, 0, 0] : f32 from vector<1x1x1xf32>
    %lt3A_789 = arith.cmpf olt, %reduce_sum3A_788, %floor3A : f32
    %and3A_790 = arith.andi %and3A_776, %lt3A_789 : i1
    %slice3A_791 = vector.extract_strided_slice %gt3A_6 {offsets = [10, 0, 0], sizes = [1, 260, 346], strides = [1, 1, 1]} : vector<16x260x346xi1> to vector<1x260x346xi1>
    %squeeze3A_792 = vector.shape_cast %slice3A_791 : vector<1x260x346xi1> to vector<260x346xi1>
    %and3A_793 = arith.andi %squeeze3A_792, %gt3A_757 : vector<260x346xi1>
    %and3A_794 = vector.broadcast %and3A_790 : i1 to vector<260x346xi1>
    %and3A_795 = arith.andi %and3A_793, %and3A_794 : vector<260x346xi1>
    %or3A_796 = arith.ori %or3A, %and3A_795 : vector<260x346xi1>
    %convert_element_type3A_797 = arith.extui %or3A_796 : vector<260x346xi1> to vector<260x346xi32>
    %convert_element_type3A_798 = arith.sitofp %convert_element_type3A_797 : vector<260x346xi32> to vector<260x346xf32>
    %reduce_sum3A_799 = vector.shape_cast %convert_element_type3A_798 : vector<260x346xf32> to vector<1x260x346xf32>
    %reduce_sum3A_800 = arith.constant dense<0.000000e+00> : vector<1xf32>
    %reduce_sum3A_801 = vector.multi_reduction <add>, %reduce_sum3A_799, %reduce_sum3A_800 [1, 2] : vector<1x260x346xf32> to vector<1xf32>
    %reduce_sum3A_802 = vector.shape_cast %reduce_sum3A_801 : vector<1xf32> to vector<1x1x1xf32>
    %reduce_sum3A_803 = vector.extract %reduce_sum3A_802[0, 0, 0] : f32 from vector<1x1x1xf32>
    %lt3A_804 = arith.cmpf olt, %reduce_sum3A_803, %floor3A : f32
    %and3A_805 = arith.andi %and3A_790, %lt3A_804 : i1
    %slice3A_806 = vector.extract_strided_slice %gt3A_6 {offsets = [9, 0, 0], sizes = [1, 260, 346], strides = [1, 1, 1]} : vector<16x260x346xi1> to vector<1x260x346xi1>
    %squeeze3A_807 = vector.shape_cast %slice3A_806 : vector<1x260x346xi1> to vector<260x346xi1>
    %and3A_808 = arith.andi %squeeze3A_807, %gt3A_757 : vector<260x346xi1>
    %and3A_809 = vector.broadcast %and3A_805 : i1 to vector<260x346xi1>
    %and3A_810 = arith.andi %and3A_808, %and3A_809 : vector<260x346xi1>
    %or3A_811 = arith.ori %or3A_796, %and3A_810 : vector<260x346xi1>
    %convert_element_type3A_812 = arith.extui %or3A_811 : vector<260x346xi1> to vector<260x346xi32>
    %convert_element_type3A_813 = arith.sitofp %convert_element_type3A_812 : vector<260x346xi32> to vector<260x346xf32>
    %reduce_sum3A_814 = vector.shape_cast %convert_element_type3A_813 : vector<260x346xf32> to vector<1x260x346xf32>
    %reduce_sum3A_815 = arith.constant dense<0.000000e+00> : vector<1xf32>
    %reduce_sum3A_816 = vector.multi_reduction <add>, %reduce_sum3A_814, %reduce_sum3A_815 [1, 2] : vector<1x260x346xf32> to vector<1xf32>
    %reduce_sum3A_817 = vector.shape_cast %reduce_sum3A_816 : vector<1xf32> to vector<1x1x1xf32>
    %reduce_sum3A_818 = vector.extract %reduce_sum3A_817[0, 0, 0] : f32 from vector<1x1x1xf32>
    %lt3A_819 = arith.cmpf olt, %reduce_sum3A_818, %floor3A : f32
    %and3A_820 = arith.andi %and3A_805, %lt3A_819 : i1
    %slice3A_821 = vector.extract_strided_slice %gt3A_6 {offsets = [8, 0, 0], sizes = [1, 260, 346], strides = [1, 1, 1]} : vector<16x260x346xi1> to vector<1x260x346xi1>
    %squeeze3A_822 = vector.shape_cast %slice3A_821 : vector<1x260x346xi1> to vector<260x346xi1>
    %and3A_823 = arith.andi %squeeze3A_822, %gt3A_757 : vector<260x346xi1>
    %and3A_824 = vector.broadcast %and3A_820 : i1 to vector<260x346xi1>
    %and3A_825 = arith.andi %and3A_823, %and3A_824 : vector<260x346xi1>
    %or3A_826 = arith.ori %or3A_811, %and3A_825 : vector<260x346xi1>
    %convert_element_type3A_827 = arith.extui %or3A_826 : vector<260x346xi1> to vector<260x346xi32>
    %convert_element_type3A_828 = arith.sitofp %convert_element_type3A_827 : vector<260x346xi32> to vector<260x346xf32>
    %swap3A = arith.constant 0 : index
    %swap3A_829 = arith.constant 1 : index
    %swap3A_830 = arith.constant 0 : index
    %swap3A_831 = arith.constant 0 : index
    %swap3A_832 = vector.load %arg2[%swap3A, %swap3A_829, %swap3A_830, %swap3A_831] : memref<1x5x260x346xf32, #tpu.memory_space<vmem>>, vector<1x1x260x346xf32>
    %swap3A_833 = vector.shape_cast %swap3A_832 : vector<1x1x260x346xf32> to vector<260x346xf32>
    %swap3A_834 = vector.shape_cast %convert_element_type3A_828 : vector<260x346xf32> to vector<1x1x260x346xf32>
    tpu.vector_store %arg2[%swap3A, %swap3A_829, %swap3A_830, %swap3A_831], %swap3A_834 {strides = array<i32>} : memref<1x5x260x346xf32, #tpu.memory_space<vmem>>, vector<1x1x260x346xf32>,
    %slice3A_835 = vector.extract_strided_slice %gt3A_6 {offsets = [15, 0, 0], sizes = [1, 260, 346], strides = [1, 1, 1]} : vector<16x260x346xi1> to vector<1x260x346xi1>
    %squeeze3A_836 = vector.shape_cast %slice3A_835 : vector<1x260x346xi1> to vector<260x346xi1>
    %and3A_837 = arith.andi %squeeze3A_836, %gt3A_757 : vector<260x346xi1>
    %convert_element_type3A_838 = arith.extui %and3A_837 : vector<260x346xi1> to vector<260x346xi32>
    %convert_element_type3A_839 = arith.sitofp %convert_element_type3A_838 : vector<260x346xi32> to vector<260x346xf32>
    %reduce_sum3A_840 = vector.shape_cast %convert_element_type3A_839 : vector<260x346xf32> to vector<1x260x346xf32>
    %reduce_sum3A_841 = arith.constant dense<0.000000e+00> : vector<1xf32>
    %reduce_sum3A_842 = vector.multi_reduction <add>, %reduce_sum3A_840, %reduce_sum3A_841 [1, 2] : vector<1x260x346xf32> to vector<1xf32>
    %reduce_sum3A_843 = vector.shape_cast %reduce_sum3A_842 : vector<1xf32> to vector<1x1x1xf32>
    %reduce_sum3A_844 = vector.extract %reduce_sum3A_843[0, 0, 0] : f32 from vector<1x1x1xf32>
    %lt3A_845 = arith.cmpf olt, %reduce_sum3A_844, %floor3A : f32
    %and3A_846 = arith.constant true
    %and3A_847 = arith.andi %and3A_846, %lt3A_845 : i1
    %slice3A_848 = vector.extract_strided_slice %gt3A_6 {offsets = [14, 0, 0], sizes = [1, 260, 346], strides = [1, 1, 1]} : vector<16x260x346xi1> to vector<1x260x346xi1>
    %squeeze3A_849 = vector.shape_cast %slice3A_848 : vector<1x260x346xi1> to vector<260x346xi1>
    %and3A_850 = arith.andi %squeeze3A_849, %gt3A_757 : vector<260x346xi1>
    %and3A_851 = vector.broadcast %and3A_847 : i1 to vector<260x346xi1>
    %and3A_852 = arith.andi %and3A_850, %and3A_851 : vector<260x346xi1>
    %or3A_853 = arith.ori %and3A_837, %and3A_852 : vector<260x346xi1>
    %convert_element_type3A_854 = arith.extui %or3A_853 : vector<260x346xi1> to vector<260x346xi32>
    %convert_element_type3A_855 = arith.sitofp %convert_element_type3A_854 : vector<260x346xi32> to vector<260x346xf32>
    %reduce_sum3A_856 = vector.shape_cast %convert_element_type3A_855 : vector<260x346xf32> to vector<1x260x346xf32>
    %reduce_sum3A_857 = arith.constant dense<0.000000e+00> : vector<1xf32>
    %reduce_sum3A_858 = vector.multi_reduction <add>, %reduce_sum3A_856, %reduce_sum3A_857 [1, 2] : vector<1x260x346xf32> to vector<1xf32>
    %reduce_sum3A_859 = vector.shape_cast %reduce_sum3A_858 : vector<1xf32> to vector<1x1x1xf32>
    %reduce_sum3A_860 = vector.extract %reduce_sum3A_859[0, 0, 0] : f32 from vector<1x1x1xf32>
    %lt3A_861 = arith.cmpf olt, %reduce_sum3A_860, %floor3A : f32
    %and3A_862 = arith.andi %and3A_847, %lt3A_861 : i1
    %slice3A_863 = vector.extract_strided_slice %gt3A_6 {offsets = [13, 0, 0], sizes = [1, 260, 346], strides = [1, 1, 1]} : vector<16x260x346xi1> to vector<1x260x346xi1>
    %squeeze3A_864 = vector.shape_cast %slice3A_863 : vector<1x260x346xi1> to vector<260x346xi1>
    %and3A_865 = arith.andi %squeeze3A_864, %gt3A_757 : vector<260x346xi1>
    %and3A_866 = vector.broadcast %and3A_862 : i1 to vector<260x346xi1>
    %and3A_867 = arith.andi %and3A_865, %and3A_866 : vector<260x346xi1>
    %or3A_868 = arith.ori %or3A_853, %and3A_867 : vector<260x346xi1>
    %convert_element_type3A_869 = arith.extui %or3A_868 : vector<260x346xi1> to vector<260x346xi32>
    %convert_element_type3A_870 = arith.sitofp %convert_element_type3A_869 : vector<260x346xi32> to vector<260x346xf32>
    %reduce_sum3A_871 = vector.shape_cast %convert_element_type3A_870 : vector<260x346xf32> to vector<1x260x346xf32>
    %reduce_sum3A_872 = arith.constant dense<0.000000e+00> : vector<1xf32>
    %reduce_sum3A_873 = vector.multi_reduction <add>, %reduce_sum3A_871, %reduce_sum3A_872 [1, 2] : vector<1x260x346xf32> to vector<1xf32>
    %reduce_sum3A_874 = vector.shape_cast %reduce_sum3A_873 : vector<1xf32> to vector<1x1x1xf32>
    %reduce_sum3A_875 = vector.extract %reduce_sum3A_874[0, 0, 0] : f32 from vector<1x1x1xf32>
    %lt3A_876 = arith.cmpf olt, %reduce_sum3A_875, %floor3A : f32
    %and3A_877 = arith.andi %and3A_862, %lt3A_876 : i1
    %slice3A_878 = vector.extract_strided_slice %gt3A_6 {offsets = [12, 0, 0], sizes = [1, 260, 346], strides = [1, 1, 1]} : vector<16x260x346xi1> to vector<1x260x346xi1>
    %squeeze3A_879 = vector.shape_cast %slice3A_878 : vector<1x260x346xi1> to vector<260x346xi1>
    %and3A_880 = arith.andi %squeeze3A_879, %gt3A_757 : vector<260x346xi1>
    %and3A_881 = vector.broadcast %and3A_877 : i1 to vector<260x346xi1>
    %and3A_882 = arith.andi %and3A_880, %and3A_881 : vector<260x346xi1>
    %or3A_883 = arith.ori %or3A_868, %and3A_882 : vector<260x346xi1>
    %convert_element_type3A_884 = arith.extui %or3A_883 : vector<260x346xi1> to vector<260x346xi32>
    %convert_element_type3A_885 = arith.sitofp %convert_element_type3A_884 : vector<260x346xi32> to vector<260x346xf32>
    %reduce_sum3A_886 = vector.shape_cast %convert_element_type3A_885 : vector<260x346xf32> to vector<1x260x346xf32>
    %reduce_sum3A_887 = arith.constant dense<0.000000e+00> : vector<1xf32>
    %reduce_sum3A_888 = vector.multi_reduction <add>, %reduce_sum3A_886, %reduce_sum3A_887 [1, 2] : vector<1x260x346xf32> to vector<1xf32>
    %reduce_sum3A_889 = vector.shape_cast %reduce_sum3A_888 : vector<1xf32> to vector<1x1x1xf32>
    %reduce_sum3A_890 = vector.extract %reduce_sum3A_889[0, 0, 0] : f32 from vector<1x1x1xf32>
    %lt3A_891 = arith.cmpf olt, %reduce_sum3A_890, %floor3A : f32
    %and3A_892 = arith.andi %and3A_877, %lt3A_891 : i1
    %slice3A_893 = vector.extract_strided_slice %gt3A_6 {offsets = [11, 0, 0], sizes = [1, 260, 346], strides = [1, 1, 1]} : vector<16x260x346xi1> to vector<1x260x346xi1>
    %squeeze3A_894 = vector.shape_cast %slice3A_893 : vector<1x260x346xi1> to vector<260x346xi1>
    %and3A_895 = arith.andi %squeeze3A_894, %gt3A_757 : vector<260x346xi1>
    %and3A_896 = vector.broadcast %and3A_892 : i1 to vector<260x346xi1>
    %and3A_897 = arith.andi %and3A_895, %and3A_896 : vector<260x346xi1>
    %or3A_898 = arith.ori %or3A_883, %and3A_897 : vector<260x346xi1>
    %convert_element_type3A_899 = arith.extui %or3A_898 : vector<260x346xi1> to vector<260x346xi32>
    %convert_element_type3A_900 = arith.sitofp %convert_element_type3A_899 : vector<260x346xi32> to vector<260x346xf32>
    %swap3A_901 = arith.constant 0 : index
    %swap3A_902 = arith.constant 2 : index
    %swap3A_903 = arith.constant 0 : index
    %swap3A_904 = arith.constant 0 : index
    %swap3A_905 = vector.load %arg2[%swap3A_901, %swap3A_902, %swap3A_903, %swap3A_904] : memref<1x5x260x346xf32, #tpu.memory_space<vmem>>, vector<1x1x260x346xf32>
    %swap3A_906 = vector.shape_cast %swap3A_905 : vector<1x1x260x346xf32> to vector<260x346xf32>
    %swap3A_907 = vector.shape_cast %convert_element_type3A_900 : vector<260x346xf32> to vector<1x1x260x346xf32>
    tpu.vector_store %arg2[%swap3A_901, %swap3A_902, %swap3A_903, %swap3A_904], %swap3A_907 {strides = array<i32>} : memref<1x5x260x346xf32, #tpu.memory_space<vmem>>, vector<1x1x260x346xf32>,
    %slice3A_908 = vector.extract_strided_slice %gt3A_6 {offsets = [6, 0, 0], sizes = [1, 260, 346], strides = [1, 1, 1]} : vector<16x260x346xi1> to vector<1x260x346xi1>
    %squeeze3A_909 = vector.shape_cast %slice3A_908 : vector<1x260x346xi1> to vector<260x346xi1>
    %and3A_910 = arith.andi %squeeze3A_909, %gt3A_757 : vector<260x346xi1>
    %convert_element_type3A_911 = arith.extui %and3A_910 : vector<260x346xi1> to vector<260x346xi32>
    %convert_element_type3A_912 = arith.sitofp %convert_element_type3A_911 : vector<260x346xi32> to vector<260x346xf32>
    %reduce_sum3A_913 = vector.shape_cast %convert_element_type3A_912 : vector<260x346xf32> to vector<1x260x346xf32>
    %reduce_sum3A_914 = arith.constant dense<0.000000e+00> : vector<1xf32>
    %reduce_sum3A_915 = vector.multi_reduction <add>, %reduce_sum3A_913, %reduce_sum3A_914 [1, 2] : vector<1x260x346xf32> to vector<1xf32>
    %reduce_sum3A_916 = vector.shape_cast %reduce_sum3A_915 : vector<1xf32> to vector<1x1x1xf32>
    %reduce_sum3A_917 = vector.extract %reduce_sum3A_916[0, 0, 0] : f32 from vector<1x1x1xf32>
    %lt3A_918 = arith.cmpf olt, %reduce_sum3A_917, %floor3A : f32
    %and3A_919 = arith.constant true
    %and3A_920 = arith.andi %and3A_919, %lt3A_918 : i1
    %slice3A_921 = vector.extract_strided_slice %gt3A_6 {offsets = [5, 0, 0], sizes = [1, 260, 346], strides = [1, 1, 1]} : vector<16x260x346xi1> to vector<1x260x346xi1>
    %squeeze3A_922 = vector.shape_cast %slice3A_921 : vector<1x260x346xi1> to vector<260x346xi1>
    %and3A_923 = arith.andi %squeeze3A_922, %gt3A_757 : vector<260x346xi1>
    %and3A_924 = vector.broadcast %and3A_920 : i1 to vector<260x346xi1>
    %and3A_925 = arith.andi %and3A_923, %and3A_924 : vector<260x346xi1>
    %or3A_926 = arith.ori %and3A_910, %and3A_925 : vector<260x346xi1>
    %convert_element_type3A_927 = arith.extui %or3A_926 : vector<260x346xi1> to vector<260x346xi32>
    %convert_element_type3A_928 = arith.sitofp %convert_element_type3A_927 : vector<260x346xi32> to vector<260x346xf32>
    %reduce_sum3A_929 = vector.shape_cast %convert_element_type3A_928 : vector<260x346xf32> to vector<1x260x346xf32>
    %reduce_sum3A_930 = arith.constant dense<0.000000e+00> : vector<1xf32>
    %reduce_sum3A_931 = vector.multi_reduction <add>, %reduce_sum3A_929, %reduce_sum3A_930 [1, 2] : vector<1x260x346xf32> to vector<1xf32>
    %reduce_sum3A_932 = vector.shape_cast %reduce_sum3A_931 : vector<1xf32> to vector<1x1x1xf32>
    %reduce_sum3A_933 = vector.extract %reduce_sum3A_932[0, 0, 0] : f32 from vector<1x1x1xf32>
    %lt3A_934 = arith.cmpf olt, %reduce_sum3A_933, %floor3A : f32
    %and3A_935 = arith.andi %and3A_920, %lt3A_934 : i1
    %slice3A_936 = vector.extract_strided_slice %gt3A_6 {offsets = [4, 0, 0], sizes = [1, 260, 346], strides = [1, 1, 1]} : vector<16x260x346xi1> to vector<1x260x346xi1>
    %squeeze3A_937 = vector.shape_cast %slice3A_936 : vector<1x260x346xi1> to vector<260x346xi1>
    %and3A_938 = arith.andi %squeeze3A_937, %gt3A_757 : vector<260x346xi1>
    %and3A_939 = vector.broadcast %and3A_935 : i1 to vector<260x346xi1>
    %and3A_940 = arith.andi %and3A_938, %and3A_939 : vector<260x346xi1>
    %or3A_941 = arith.ori %or3A_926, %and3A_940 : vector<260x346xi1>
    %convert_element_type3A_942 = arith.extui %or3A_941 : vector<260x346xi1> to vector<260x346xi32>
    %convert_element_type3A_943 = arith.sitofp %convert_element_type3A_942 : vector<260x346xi32> to vector<260x346xf32>
    %reduce_sum3A_944 = vector.shape_cast %convert_element_type3A_943 : vector<260x346xf32> to vector<1x260x346xf32>
    %reduce_sum3A_945 = arith.constant dense<0.000000e+00> : vector<1xf32>
    %reduce_sum3A_946 = vector.multi_reduction <add>, %reduce_sum3A_944, %reduce_sum3A_945 [1, 2] : vector<1x260x346xf32> to vector<1xf32>
    %reduce_sum3A_947 = vector.shape_cast %reduce_sum3A_946 : vector<1xf32> to vector<1x1x1xf32>
    %reduce_sum3A_948 = vector.extract %reduce_sum3A_947[0, 0, 0] : f32 from vector<1x1x1xf32>
    %lt3A_949 = arith.cmpf olt, %reduce_sum3A_948, %floor3A : f32
    %and3A_950 = arith.andi %and3A_935, %lt3A_949 : i1
    %slice3A_951 = vector.extract_strided_slice %gt3A_6 {offsets = [3, 0, 0], sizes = [1, 260, 346], strides = [1, 1, 1]} : vector<16x260x346xi1> to vector<1x260x346xi1>
    %squeeze3A_952 = vector.shape_cast %slice3A_951 : vector<1x260x346xi1> to vector<260x346xi1>
    %and3A_953 = arith.andi %squeeze3A_952, %gt3A_757 : vector<260x346xi1>
    %and3A_954 = vector.broadcast %and3A_950 : i1 to vector<260x346xi1>
    %and3A_955 = arith.andi %and3A_953, %and3A_954 : vector<260x346xi1>
    %or3A_956 = arith.ori %or3A_941, %and3A_955 : vector<260x346xi1>
    %convert_element_type3A_957 = arith.extui %or3A_956 : vector<260x346xi1> to vector<260x346xi32>
    %convert_element_type3A_958 = arith.sitofp %convert_element_type3A_957 : vector<260x346xi32> to vector<260x346xf32>
    %reduce_sum3A_959 = vector.shape_cast %convert_element_type3A_958 : vector<260x346xf32> to vector<1x260x346xf32>
    %reduce_sum3A_960 = arith.constant dense<0.000000e+00> : vector<1xf32>
    %reduce_sum3A_961 = vector.multi_reduction <add>, %reduce_sum3A_959, %reduce_sum3A_960 [1, 2] : vector<1x260x346xf32> to vector<1xf32>
    %reduce_sum3A_962 = vector.shape_cast %reduce_sum3A_961 : vector<1xf32> to vector<1x1x1xf32>
    %reduce_sum3A_963 = vector.extract %reduce_sum3A_962[0, 0, 0] : f32 from vector<1x1x1xf32>
    %lt3A_964 = arith.cmpf olt, %reduce_sum3A_963, %floor3A : f32
    %and3A_965 = arith.andi %and3A_950, %lt3A_964 : i1
    %slice3A_966 = vector.extract_strided_slice %gt3A_6 {offsets = [2, 0, 0], sizes = [1, 260, 346], strides = [1, 1, 1]} : vector<16x260x346xi1> to vector<1x260x346xi1>
    %squeeze3A_967 = vector.shape_cast %slice3A_966 : vector<1x260x346xi1> to vector<260x346xi1>
    %and3A_968 = arith.andi %squeeze3A_967, %gt3A_757 : vector<260x346xi1>
    %and3A_969 = vector.broadcast %and3A_965 : i1 to vector<260x346xi1>
    %and3A_970 = arith.andi %and3A_968, %and3A_969 : vector<260x346xi1>
    %or3A_971 = arith.ori %or3A_956, %and3A_970 : vector<260x346xi1>
    %convert_element_type3A_972 = arith.extui %or3A_971 : vector<260x346xi1> to vector<260x346xi32>
    %convert_element_type3A_973 = arith.sitofp %convert_element_type3A_972 : vector<260x346xi32> to vector<260x346xf32>
    %swap3A_974 = arith.constant 0 : index
    %swap3A_975 = arith.constant 3 : index
    %swap3A_976 = arith.constant 0 : index
    %swap3A_977 = arith.constant 0 : index
    %swap3A_978 = vector.load %arg2[%swap3A_974, %swap3A_975, %swap3A_976, %swap3A_977] : memref<1x5x260x346xf32, #tpu.memory_space<vmem>>, vector<1x1x260x346xf32>
    %swap3A_979 = vector.shape_cast %swap3A_978 : vector<1x1x260x346xf32> to vector<260x346xf32>
    %swap3A_980 = vector.shape_cast %convert_element_type3A_973 : vector<260x346xf32> to vector<1x1x260x346xf32>
    tpu.vector_store %arg2[%swap3A_974, %swap3A_975, %swap3A_976, %swap3A_977], %swap3A_980 {strides = array<i32>} : memref<1x5x260x346xf32, #tpu.memory_space<vmem>>, vector<1x1x260x346xf32>,
    %slice3A_981 = vector.extract_strided_slice %gt3A_6 {offsets = [0, 0, 0], sizes = [1, 260, 346], strides = [1, 1, 1]} : vector<16x260x346xi1> to vector<1x260x346xi1>
    %squeeze3A_982 = vector.shape_cast %slice3A_981 : vector<1x260x346xi1> to vector<260x346xi1>
    %and3A_983 = arith.andi %squeeze3A_982, %gt3A_757 : vector<260x346xi1>
    %convert_element_type3A_984 = arith.extui %and3A_983 : vector<260x346xi1> to vector<260x346xi32>
    %convert_element_type3A_985 = arith.sitofp %convert_element_type3A_984 : vector<260x346xi32> to vector<260x346xf32>
    %reduce_sum3A_986 = vector.shape_cast %convert_element_type3A_985 : vector<260x346xf32> to vector<1x260x346xf32>
    %reduce_sum3A_987 = arith.constant dense<0.000000e+00> : vector<1xf32>
    %reduce_sum3A_988 = vector.multi_reduction <add>, %reduce_sum3A_986, %reduce_sum3A_987 [1, 2] : vector<1x260x346xf32> to vector<1xf32>
    %reduce_sum3A_989 = vector.shape_cast %reduce_sum3A_988 : vector<1xf32> to vector<1x1x1xf32>
    %reduce_sum3A_990 = vector.extract %reduce_sum3A_989[0, 0, 0] : f32 from vector<1x1x1xf32>
    %lt3A_991 = arith.cmpf olt, %reduce_sum3A_990, %floor3A : f32
    %and3A_992 = arith.constant true
    %and3A_993 = arith.andi %and3A_992, %lt3A_991 : i1
    %slice3A_994 = vector.extract_strided_slice %gt3A_6 {offsets = [1, 0, 0], sizes = [1, 260, 346], strides = [1, 1, 1]} : vector<16x260x346xi1> to vector<1x260x346xi1>
    %squeeze3A_995 = vector.shape_cast %slice3A_994 : vector<1x260x346xi1> to vector<260x346xi1>
    %and3A_996 = arith.andi %squeeze3A_995, %gt3A_757 : vector<260x346xi1>
    %and3A_997 = vector.broadcast %and3A_993 : i1 to vector<260x346xi1>
    %and3A_998 = arith.andi %and3A_996, %and3A_997 : vector<260x346xi1>
    %or3A_999 = arith.ori %and3A_983, %and3A_998 : vector<260x346xi1>
    %convert_element_type3A_1000 = arith.extui %or3A_999 : vector<260x346xi1> to vector<260x346xi32>
    %convert_element_type3A_1001 = arith.sitofp %convert_element_type3A_1000 : vector<260x346xi32> to vector<260x346xf32>
    %reduce_sum3A_1002 = vector.shape_cast %convert_element_type3A_1001 : vector<260x346xf32> to vector<1x260x346xf32>
    %reduce_sum3A_1003 = arith.constant dense<0.000000e+00> : vector<1xf32>
    %reduce_sum3A_1004 = vector.multi_reduction <add>, %reduce_sum3A_1002, %reduce_sum3A_1003 [1, 2] : vector<1x260x346xf32> to vector<1xf32>
    %reduce_sum3A_1005 = vector.shape_cast %reduce_sum3A_1004 : vector<1xf32> to vector<1x1x1xf32>
    %reduce_sum3A_1006 = vector.extract %reduce_sum3A_1005[0, 0, 0] : f32 from vector<1x1x1xf32>
    %lt3A_1007 = arith.cmpf olt, %reduce_sum3A_1006, %floor3A : f32
    %and3A_1008 = arith.andi %and3A_993, %lt3A_1007 : i1
    %slice3A_1009 = vector.extract_strided_slice %gt3A_6 {offsets = [2, 0, 0], sizes = [1, 260, 346], strides = [1, 1, 1]} : vector<16x260x346xi1> to vector<1x260x346xi1>
    %squeeze3A_1010 = vector.shape_cast %slice3A_1009 : vector<1x260x346xi1> to vector<260x346xi1>
    %and3A_1011 = arith.andi %squeeze3A_1010, %gt3A_757 : vector<260x346xi1>
    %and3A_1012 = vector.broadcast %and3A_1008 : i1 to vector<260x346xi1>
    %and3A_1013 = arith.andi %and3A_1011, %and3A_1012 : vector<260x346xi1>
    %or3A_1014 = arith.ori %or3A_999, %and3A_1013 : vector<260x346xi1>
    %convert_element_type3A_1015 = arith.extui %or3A_1014 : vector<260x346xi1> to vector<260x346xi32>
    %convert_element_type3A_1016 = arith.sitofp %convert_element_type3A_1015 : vector<260x346xi32> to vector<260x346xf32>
    %reduce_sum3A_1017 = vector.shape_cast %convert_element_type3A_1016 : vector<260x346xf32> to vector<1x260x346xf32>
    %reduce_sum3A_1018 = arith.constant dense<0.000000e+00> : vector<1xf32>
    %reduce_sum3A_1019 = vector.multi_reduction <add>, %reduce_sum3A_1017, %reduce_sum3A_1018 [1, 2] : vector<1x260x346xf32> to vector<1xf32>
    %reduce_sum3A_1020 = vector.shape_cast %reduce_sum3A_1019 : vector<1xf32> to vector<1x1x1xf32>
    %reduce_sum3A_1021 = vector.extract %reduce_sum3A_1020[0, 0, 0] : f32 from vector<1x1x1xf32>
    %lt3A_1022 = arith.cmpf olt, %reduce_sum3A_1021, %floor3A : f32
    %and3A_1023 = arith.andi %and3A_1008, %lt3A_1022 : i1
    %slice3A_1024 = vector.extract_strided_slice %gt3A_6 {offsets = [3, 0, 0], sizes = [1, 260, 346], strides = [1, 1, 1]} : vector<16x260x346xi1> to vector<1x260x346xi1>
    %squeeze3A_1025 = vector.shape_cast %slice3A_1024 : vector<1x260x346xi1> to vector<260x346xi1>
    %and3A_1026 = arith.andi %squeeze3A_1025, %gt3A_757 : vector<260x346xi1>
    %and3A_1027 = vector.broadcast %and3A_1023 : i1 to vector<260x346xi1>
    %and3A_1028 = arith.andi %and3A_1026, %and3A_1027 : vector<260x346xi1>
    %or3A_1029 = arith.ori %or3A_1014, %and3A_1028 : vector<260x346xi1>
    %convert_element_type3A_1030 = arith.extui %or3A_1029 : vector<260x346xi1> to vector<260x346xi32>
    %convert_element_type3A_1031 = arith.sitofp %convert_element_type3A_1030 : vector<260x346xi32> to vector<260x346xf32>
    %reduce_sum3A_1032 = vector.shape_cast %convert_element_type3A_1031 : vector<260x346xf32> to vector<1x260x346xf32>
    %reduce_sum3A_1033 = arith.constant dense<0.000000e+00> : vector<1xf32>
    %reduce_sum3A_1034 = vector.multi_reduction <add>, %reduce_sum3A_1032, %reduce_sum3A_1033 [1, 2] : vector<1x260x346xf32> to vector<1xf32>
    %reduce_sum3A_1035 = vector.shape_cast %reduce_sum3A_1034 : vector<1xf32> to vector<1x1x1xf32>
    %reduce_sum3A_1036 = vector.extract %reduce_sum3A_1035[0, 0, 0] : f32 from vector<1x1x1xf32>
    %lt3A_1037 = arith.cmpf olt, %reduce_sum3A_1036, %floor3A : f32
    %and3A_1038 = arith.andi %and3A_1023, %lt3A_1037 : i1
    %slice3A_1039 = vector.extract_strided_slice %gt3A_6 {offsets = [4, 0, 0], sizes = [1, 260, 346], strides = [1, 1, 1]} : vector<16x260x346xi1> to vector<1x260x346xi1>
    %squeeze3A_1040 = vector.shape_cast %slice3A_1039 : vector<1x260x346xi1> to vector<260x346xi1>
    %and3A_1041 = arith.andi %squeeze3A_1040, %gt3A_757 : vector<260x346xi1>
    %and3A_1042 = vector.broadcast %and3A_1038 : i1 to vector<260x346xi1>
    %and3A_1043 = arith.andi %and3A_1041, %and3A_1042 : vector<260x346xi1>
    %or3A_1044 = arith.ori %or3A_1029, %and3A_1043 : vector<260x346xi1>
    %convert_element_type3A_1045 = arith.extui %or3A_1044 : vector<260x346xi1> to vector<260x346xi32>
    %convert_element_type3A_1046 = arith.sitofp %convert_element_type3A_1045 : vector<260x346xi32> to vector<260x346xf32>
    %swap3A_1047 = arith.constant 0 : index
    %swap3A_1048 = arith.constant 4 : index
    %swap3A_1049 = arith.constant 0 : index
    %swap3A_1050 = arith.constant 0 : index
    %swap3A_1051 = vector.load %arg2[%swap3A_1047, %swap3A_1048, %swap3A_1049, %swap3A_1050] : memref<1x5x260x346xf32, #tpu.memory_space<vmem>>, vector<1x1x260x346xf32>
    %swap3A_1052 = vector.shape_cast %swap3A_1051 : vector<1x1x260x346xf32> to vector<260x346xf32>
    %swap3A_1053 = vector.shape_cast %convert_element_type3A_1046 : vector<260x346xf32> to vector<1x1x260x346xf32>
    tpu.vector_store %arg2[%swap3A_1047, %swap3A_1048, %swap3A_1049, %swap3A_1050], %swap3A_1053 {strides = array<i32>} : memref<1x5x260x346xf32, #tpu.memory_space<vmem>>, vector<1x1x260x346xf32>,
    %reduce_max3A = vector.shape_cast %add3A_754 : vector<260x346xf32> to vector<1x260x346xf32>
    %reduce_max3A_1054 = arith.constant dense<0xFF800000> : vector<1xf32>
    %reduce_max3A_1055 = vector.multi_reduction <maximumf>, %reduce_max3A, %reduce_max3A_1054 [1, 2] : vector<1x260x346xf32> to vector<1xf32>
    %reduce_max3A_1056 = vector.shape_cast %reduce_max3A_1055 : vector<1xf32> to vector<1x1x1xf32>
    %reduce_max3A_1057 = vector.extract %reduce_max3A_1056[0, 0, 0] : f32 from vector<1x1x1xf32>
    %div3A = vector.broadcast %reduce_max3A_1057 : f32 to vector<260x346xf32>
    %div3A_1058 = arith.divf %add3A_754, %div3A : vector<260x346xf32>
    %swap3A_1059 = arith.constant 0 : index
    %swap3A_1060 = arith.constant 0 : index
    %swap3A_1061 = arith.constant 0 : index
    %swap3A_1062 = arith.constant 0 : index
    %swap3A_1063 = vector.load %arg2[%swap3A_1059, %swap3A_1060, %swap3A_1061, %swap3A_1062] : memref<1x5x260x346xf32, #tpu.memory_space<vmem>>, vector<1x1x260x346xf32>
    %swap3A_1064 = vector.shape_cast %swap3A_1063 : vector<1x1x260x346xf32> to vector<260x346xf32>
    %swap3A_1065 = vector.shape_cast %div3A_1058 : vector<260x346xf32> to vector<1x1x260x346xf32>
    tpu.vector_store %arg2[%swap3A_1059, %swap3A_1060, %swap3A_1061, %swap3A_1062], %swap3A_1065 {strides = array<i32>} : memref<1x5x260x346xf32, #tpu.memory_space<vmem>>, vector<1x1x260x346xf32>,
    return
  }
  func.func @transform_0(%arg0: i32) -> (i32, i32, i32, i32) {
    %c0_i32 = arith.constant 0 : i32
    %c0_i32_0 = arith.constant 0 : i32
    %c0_i32_1 = arith.constant 0 : i32
    %c0_i32_2 = arith.constant 0 : i32
    return %arg0, %c0_i32, %c0_i32_0, %c0_i32_1 : i32, i32, i32, i32
  }
  func.func @transform_1(%arg0: i32) -> (i32, i32, i32, i32) {
    %c0_i32 = arith.constant 0 : i32
    %c0_i32_0 = arith.constant 0 : i32
    %c0_i32_1 = arith.constant 0 : i32
    %c0_i32_2 = arith.constant 0 : i32
    return %arg0, %c0_i32, %c0_i32_0, %c0_i32_1 : i32, i32, i32, i32
  }
}

</mosaic_0001>

<sc_bundles>
// kernel: kernel.5.cloned.1.call-start
scs
__scs_entry_jumppad:
0x0: {  	(pc) =	sbr.rel $0x88, $3  }
0x1: {  	(tag) =	ssettag $0x0;
	lr =	simm.s32 $0x1  }
0x2: {  	[smem:$0x3FA0] =	sst lr;
	_ =	strace $0xD0000000  }
0x3: {  	_ = 	snop  }
0x4: {  	_ = 	snop  }
0x5: {  	_ = 	snop  }
0x6: {  	_ = 	snop  }
0x7: {  	_ = 	snop  }
__scs_overlays_trampoline_lowered:
0x8: {  	[smem:$0x3FAF] =	sst s0  }
0x9: {  	[smem:$0x3FB0] =	sst s1  }
0xa: {  	[smem:$0x3FB1] =	sst s2  }
0xb: {  	[smem:$0x3FB2] =	sst s3  }
0xc: {  	[smem:$0x3FB3] =	sst s4  }
0xd: {  	[smem:$0x3FB4] =	sst s5  }
0xe: {  	[smem:$0x3FB5] =	sst s6  }
0xf: {  	[smem:$0x3FB6] =	sst s7  }
0x10: {  	[smem:$0x3FB7] =	sst s8  }
0x11: {  	[smem:$0x3FB8] =	sst s9;
	s0 =	simm.s32 @!p0 $0x0  }
0x12: {  	s1 =	sld [smem:$0x3F9E];
	s0 =	simm.s32 @p0 $0x1  }
0x13: {  	[smem:$0x3FB9] =	sst s0;
	s0 =	simm.s32 @!p1 $0x0  }
0x14: {  	s2 =	sld [smem:$0x3F9D];
	s0 =	simm.s32 @p1 $0x1  }
0x15: {  	[smem:$0x3FBA] =	sst s0;
	s0 =	simm.s32 @!p2 $0x0  }
0x16: {  	s3 =	sld [smem:$0x3FDB];
	s0 =	simm.s32 @p2 $0x1  }
0x17: {  	s4 =	simm.s32 $0x1BF5;
	[smem:$0x3FBC] =	sst s0  }
0x18: {  	s0 =	sld [smem:$0x3F9F];
	_ =	swait.ge [sflag:s4], $0x0  }
0x19: {  	s7 =	sld [smem:$0x3FA0]  }
0x1a: {  	s8 =	sadd.s32 $0xFFFFE003, lr  }
0x1b: {  	s9 =	sadd.s32 $0xFFFFFEF7, lr;
	s5 =	simm.s32 $0xFFFFFFFF;
	p2 =	slt.u32 s8, $0xFFFFF086  }
0x1c: {  	p1 =	slt.u32 s9, $0xF7A;
	s5 =	simm.s32 @!p2 $0x0  }
0x1d: {  	s5 =	simm.s32 @p1 $0x1;
	p0 =	seq.s32 s7, s2  }
0x1e: {  	s7 =	smul.u32 @!p0 $0xF7A, s2;
	p2 =	seq.s32 @!p0 s5, $0x0  }
0x1f: {  	s9 =	smul.u32 $0xF7A, s1;
	s8 =	simm.s32 @!p0 $0x1BF5;
	p2 =	por !p2, p0  }
0x20: {  	[sflag:s8] =	ssyncset.s32 @!p0 $0xFFFFF086;
	s6 =	sadd.s32 @!p0 s3, s7;
	s7 =	simm.s32 @!p0 $0x108  }
0x21: {  	s3 =	sadd.s32 s3, s9;
	s6 =	sadd.s32 @!p0 $0x88, s6;
	s7 =	simm.s32 @p2 $0x1082  }
0x22: {  	[simem:s7], [sflag:s8] =	dma.local @!p0 [hbm:s6], $0xF7A  }
0x23: {  	s9 =	sor.u32 $0xD0000000, s2;
	s6 =	simm.s32 $0x108;
	_ =	swait.ge @!p0 [sflag:s8], $0x0  }
0x24: {  	s3 =	sadd.s32 $0x88, s3;
	s6 =	simm.s32 @!p1 $0x1082;
	[sflag:s4] =	ssyncset.s32 $0xFFFFF086  }
0x25: {  	[simem:s6], [sflag:s4] =	dma.local [hbm:s3], $0xF7A  }
0x26: {  	[smem:$0x3FA0] =	sst s1;
	(tag) =	ssettag s2;
	_ =	strace s9  }
0x27: {  	s1 =	sld [smem:$0x3FB0]  }
0x28: {  	s2 =	sld [smem:$0x3FB1]  }
0x29: {  	s4 =	sld [smem:$0x3FB3]  }
0x2a: {  	p0 =	seq.s32 s5, $0x0;
	s5 =	sld [smem:$0x3FB4]  }
0x2b: {  	s6 =	sld [smem:$0x3FB5]  }
0x2c: {  	s7 =	sld [smem:$0x3FB6]  }
0x2d: {  	s3 =	simm.s32 $0x108;
	s8 =	sld [smem:$0x3FB7]  }
0x2e: {  	s3 =	simm.s32 @!p0 $0x1082;
	s9 =	sld [smem:$0x3FB8]  }
0x2f: {  	lr =	sadd.s32 s0, s3;
	s0 =	sld [smem:$0x3FAF]  }
0x30: {  	s3 =	sld [smem:$0x3FB2]  }
0x31: {  	[smem:$0x3FBB] =	sst s10  }
0x32: {  	s10 =	sld [smem:$0x3FB9];
	_ =	sdelay $0x3  }
0x33: {  	p0 =	seq.s32 s10, $0x1;
	s10 =	sld [smem:$0x3FBB];
	_ =	sdelay $0x3  }
0x34: {  	[smem:$0x3FBB] =	sst s10  }
0x35: {  	s10 =	sld [smem:$0x3FBA];
	_ =	sdelay $0x3  }
0x36: {  	p1 =	seq.s32 s10, $0x1;
	s10 =	sld [smem:$0x3FBB];
	_ =	sdelay $0x3  }
0x37: {  	[smem:$0x3FBB] =	sst s10  }
0x38: {  	s10 =	sld [smem:$0x3FBC]  }
0x39: {  	_ = 	snop;
	(pc) =	sbr.ind lr, $3  }
0x3a: {  	_ = 	snop  }
0x3b: {  	_ = 	snop  }
0x3c: {  	p2 =	seq.s32 s10, $0x1;
	s10 =	sld [smem:$0x3FBB]  }
0x3d: {  	_ =	shalt  }
0x3e: {  	_ =	shalt  }
0x3f: {  	_ =	shalt  }
0x40: {  	_ =	shalt  }
0x41: {  	_ =	shalt  }
0x42: {  	_ =	shalt  }
0x43: {  	_ =	shalt  }
0x44: {  	_ =	shalt  }
0x45: {  	_ =	shalt  }
0x46: {  	_ =	shalt  }
0x47: {  	_ =	shalt  }
0x48: {  	_ =	shalt  }
0x49: {  	_ =	shalt  }
0x4a: {  	_ =	shalt  }
0x4b: {  	_ =	shalt  }
0x4c: {  	_ =	shalt  }
0x4d: {  	_ =	shalt  }
0x4e: {  	_ =	shalt  }
0x4f: {  	_ =	shalt  }
0x50: {  	_ =	shalt  }
0x51: {  	_ =	shalt  }
0x52: {  	_ =	shalt  }
0x53: {  	_ =	shalt  }
0x54: {  	_ =	shalt  }
0x55: {  	_ =	shalt  }
0x56: {  	_ =	shalt  }
0x57: {  	_ =	shalt  }
0x58: {  	_ =	shalt  }
0x59: {  	_ =	shalt  }
0x5a: {  	_ =	shalt  }
0x5b: {  	_ =	shalt  }
0x5c: {  	_ =	shalt  }
0x5d: {  	_ =	shalt  }
0x5e: {  	_ =	shalt  }
0x5f: {  	_ =	shalt  }
0x60: {  	_ =	shalt  }
0x61: {  	_ =	shalt  }
0x62: {  	_ =	shalt  }
0x63: {  	_ =	shalt  }
0x64: {  	_ =	shalt  }
0x65: {  	_ =	shalt  }
0x66: {  	_ =	shalt  }
0x67: {  	_ =	shalt  }
0x68: {  	_ =	shalt  }
0x69: {  	_ =	shalt  }
0x6a: {  	_ =	shalt  }
0x6b: {  	_ =	shalt  }
0x6c: {  	_ =	shalt  }
0x6d: {  	_ =	shalt  }
0x6e: {  	_ =	shalt  }
0x6f: {  	_ =	shalt  }
0x70: {  	_ =	shalt  }
0x71: {  	_ =	shalt  }
0x72: {  	_ =	shalt  }
0x73: {  	_ =	shalt  }
0x74: {  	_ =	shalt  }
0x75: {  	_ =	shalt  }
0x76: {  	_ =	shalt  }
0x77: {  	_ =	shalt  }
0x78: {  	_ =	shalt  }
0x79: {  	_ =	shalt  }
0x7a: {  	_ =	shalt  }
0x7b: {  	_ =	shalt  }
0x7c: {  	_ =	shalt  }
0x7d: {  	_ =	shalt  }
0x7e: {  	_ =	shalt  }
0x7f: {  	_ =	shalt  }
0x80: {  	_ =	shalt  }
0x81: {  	_ =	shalt  }
0x82: {  	_ =	shalt  }
0x83: {  	_ =	shalt  }
0x84: {  	_ =	shalt  }
0x85: {  	_ =	shalt  }
0x86: {  	_ =	shalt  }
0x87: {  	_ =	shalt  }
.Lfunc_end0:
.L_simem_size_0:
called_computation_lowered:
.L_overlay_start_0:
0x88: {  	s2 =	sld [smem:$0x3FD9]  }
0x89: {  	s3 =	sld [smem:$0x3FFE];
	_ =	sdelay $0x1  }
0x8a: {  	s1 =	srdreg.scid  }
0x8b: {  	s0 =	sand.u32 $0x1, s1  }
0x8c: {  	s17 =	sshll.u32 s0, $0xA;
	s2 =	sadd.s32 s3, s2  }
0x8d: {  	s2 =	sadd.s32 s2, s17  }
0x8e: {  	[smem:$0x3FC7] =	sst s2  }
0x8f: {  	_ = 	snop  }
0x90: {  	s2 =	sld [smem:$0x3FD0];
	(tm) =	ssettm $0x1  }
0x91: {  	s18 =	sld [smem:$0x3FFB];
	_ =	sdelay $0x3  }
0x92: {  	_ =	strace s18  }
0x93: {  	s3 =	sld [smem:$0x3FFC];
	_ =	sdelay $0x3  }
0x94: {  	_ =	strace s3  }
0x95: {  	s3 =	sld [smem:$0x3FFD];
	_ =	sdelay $0x3  }
0x96: {  	_ =	strace s3  }
0x97: {  	_ =	strace $0x8FFFFFFF  }
0x98: {  	s19 =	sld [smem:$0x3FDB];
	_ =	sdelay $0x1  }
0x99: {  	s4 =	simm.s32 $_scs_section_size  }
0x9a: {  	s5 =	simm.s32 $_size__tile_overlayer_lowered;
	s6 =	simm.s32 $_tile_overlayer_lowered  }
0x9b: {  	s22 =	simm.s32 $0x1BFF;
	s21 =	sshll.u32 s6, $0x1;
	s3 =	sadd.s32 s4, s19  }
0x9c: {  	s7 =	simm.s32 $0x0;
	s20 =	sshll.u32 s5, $0x1;
	s5 =	sadd.s32 s21, s3  }
0x9d: {  	[timem:s7], [sflag:s22] =	dma.local [hbm:s5], s20  }
0x9e: {  	_ =	swait.ge [sflag:s22], s20  }
0x9f: {  	s4 =	ssub.s32 $0x0, s20;
	[sflag:s22] =	ssyncset.done $0x0  }
0xa0: {  	[sflag:s22] =	ssyncadd.s32 s4;
	_ =	sdelay $0x1  }
0xa1: {  	s23 =	simm.s32 $0x1B8B  }
0xa2: {  	_ =	swait.ge [sflag:s23], $0x1  }
0xa3: {  	[sflag:s23] =	ssyncset.done $0x0  }
0xa4: {  	s25 =	simm.s32 $0x1B8E;
	s24 =	sld [smem:$0x3FFE];
	[sflag:s23] =	ssyncadd.s32 $0xFFFFFFFF  }
0xa5: {  	s26 =	simm.s32 $execute0_lowered;
	[smem:$0x3FD2] =	sst s25  }
0xa6: {  	s5 =	sshll.u32 s26, $0x1;
	_ =	strace $0x80000046;
	[dreg:$0x1] =	wrdreg $0xFFFFFFFF  }
0xa7: {  	s28 =	simm.s32 $_size_execute0_lowered;
	s3 =	sadd.s32 s3, s5;
	[dreg:$0x0] =	wrdreg $0x0  }
0xa8: {  	s5 =	sshll.u32 s28, $0x1;
	[dreg:$0x2] =	wrdreg s3  }
0xa9: {  	[dreg:$0x3] =	wrdreg s5  }
0xaa: {  	[dreg:$0x4] =	wrdreg $0xC0  }
0xab: {  	_ =	task [dreg:s7], $0x5FFFF  }
0xac: {  	[dreg:$0x1] =	wrdreg $0xFFFFFFFF  }
0xad: {  	[dreg:$0x0] =	wrdreg $0x60  }
0xae: {  	[dreg:$0x2] =	wrdreg s2  }
0xaf: {  	[dreg:$0x3] =	wrdreg s24  }
0xb0: {  	[dreg:$0x4] =	wrdreg $0x0  }
0xb1: {  	[dreg:$0x5] =	wrdreg $0x9  }
0xb2: {  	_ =	task.clear_ibuf [dreg:s7], $0x6FFFF;
	_ =	strace $0x90000046  }
0xb3: {  	s29 =	simm.s32 $0x9;
	_ =	strace $0x80000048  }
0xb4: {  	_ =	swait.ge [sflag:s29], $0x1  }
0xb5: {  	[sflag:s29] =	ssyncadd.s32 $0xFFFFFFFF  }
0xb6: {  	_ =	strace $0x90000048  }
0xb7: {  	_ =	sfence  }
0xb8: {  	s30 =	sld [smem:$0x0];
	_ =	sdelay $0x2  }
0xb9: {  	s31 =	sshll.u32 s1, $0xD;
	s1 =	sshrl.u32 s1, $0x2  }
0xba: {  	s3 =	sand.u32 $0x4000, s31;
	s1 =	sadd.s32 s1, s30  }
0xbb: {  	s0 =	sor.u32 s3, s0;
	s1 =	sshll.u32 s1, $0x11  }
0xbc: {  	s0 =	sor.u32 s1, s0  }
0xbd: {  	s0 =	sadd.s32 $0x8F2B, s0  }
0xbe: {  	[sflag:s0] =	ssyncadd.remote.s32 $0x1  }
0xbf: {  	_ =	sfence.sel $0xFFFF  }
0xc0: {  	[dreg:$0x0] =	wrdreg $0xFFFFFFFF;
	(pc) =	sbr.abs _section_cstart, $3  }
0xc1: {  	[dreg:$0x1] =	wrdreg $0xFFFFFFFF  }
0xc2: {  	_ =	task.clear_ibuf [dreg:s7], $0x2FFFF;
	_ =	strace $0x9FFFFFFF  }
0xc3: {  	(tm) =	ssettm $0x7FFFFFFF  }
tec
execute0_lowered:
.L_overlay_start_1:
0x0: {  	(tag) =	ssettag $0x1  }
0x1: {  	s0 =	srdreg.scid;
	s1 =	rddreg [dreg:$0x0]  }
0x2: {  	s13 =	rddreg [dreg:$0x1];
	s2 =	simm.s32 $0x0;
	s0 =	sand.u32 $0x1, s0  }
0x3: {  	s6 =	stileid.u32;
	[smem:$0x7FF] =	sst s2;
	s5 =	sshll.u32 s0, $0x6  }
0x4: {  	s24 =	sadd.s32 $0x200, s1;
	s3 =	ssub.s32 $0x2, s0;
	s23 =	sor.u32 s6, s5  }
0x5: {  	s26 =	sadd.s32 $0x400, s1;
	s4 =	sshrl.u32 s3, $0x1;
	s5 =	sshll.u32 s23, $0xB  }
0x6: {  	s14 =	sadd.s32 $0x600, s1;
	s0 =	ssub.s32 s3, s4;
	s7 =	sadd.s32 s1, s5  }
0x7: {  	s4 =	smul.u32 $0x57DA0, s6;
	s25 =	sadd.s32 s5, s24;
	[dreg:$0x4] =	wrdreg s7  }
0x8: {  	s9 =	sor.u32 $0x10, s23;
	s8 =	sadd.s32 s5, s26;
	[dreg:$0x5] =	wrdreg s25  }
0x9: {  	s5 =	sadd.s32 s5, s14;
	s15 =	sshll.u32 s9, $0xB;
	[dreg:$0x6] =	wrdreg s8  }
0xa: {  	s10 =	smul.u32 $0x15F68, s23;
	[dreg:$0x7] =	wrdreg s5;
	s11 =	sadd.s32 s1, s15  }
0xb: {  	s16 =	sadd.s32 s15, s24;
	s12 =	sadd.s32 s15, s26;
	[dreg:$0x8] =	wrdreg s11  }
0xc: {  	s5 =	sadd.s32 s15, s14;
	s6 =	sadd.s32 $0x1B08, s10;
	[dreg:$0x9] =	wrdreg s16  }
0xd: {  	s7 =	sadd.s32 $0x5118, s10;
	s11 =	sor.u32 $0x20, s23;
	[dreg:$0xa] =	wrdreg s12  }
0xe: {  	s8 =	sadd.s32 $0x8728, s10;
	[dreg:$0xb] =	wrdreg s5;
	s17 =	sshll.u32 s11, $0xB  }
0xf: {  	s5 =	sor.u32 $0x30, s23;
	s3 =	sshrl.u32 s6, $0x3;
	s18 =	sadd.s32 s1, s17  }
0x10: {  	s12 =	sshrl.u32 s7, $0x3;
	s19 =	sadd.s32 s17, s24;
	[dreg:$0xc] =	wrdreg s18  }
0x11: {  	s16 =	sadd.s32 $0xBD38, s10;
	s20 =	sadd.s32 s17, s26;
	[dreg:$0xd] =	wrdreg s19  }
0x12: {  	s22 =	sshll.u32 s5, $0xB;
	s21 =	sadd.s32 s17, s14;
	[dreg:$0xe] =	wrdreg s20  }
0x13: {  	s6 =	smul.u32 $0x15F68, s9;
	s1 =	sadd.s32 s1, s22;
	[dreg:$0xf] =	wrdreg s21  }
0x14: {  	s5 =	smul.u32 $0x15F68, s5;
	s23 =	sadd.s32 s22, s24;
	[dreg:$0x10] =	wrdreg s1  }
0x15: {  	s24 =	sadd.s32 s22, s26;
	s25 =	sadd.s32 s22, s14;
	[dreg:$0x11] =	wrdreg s23  }
0x16: {  	s26 =	sshrl.u32 s10, $0x3;
	s14 =	sshrl.u32 s8, $0x3;
	[dreg:$0x12] =	wrdreg s24  }
0x17: {  	s17 =	sadd.s32 $0xF348, s10;
	s22 =	sshrl.u32 s6, $0x3;
	[dreg:$0x13] =	wrdreg s25  }
0x18: {  	s1 =	sadd.s32 $0x600, s13;
	s18 =	sshrl.u32 s17, $0x3;
	s20 =	sadd.s32 $0x12958, s10  }
0x19: {  	s23 =	sadd.s32 $0x1B08, s6;
	s24 =	sadd.s32 $0x5118, s6;
	s25 =	sadd.s32 $0x8728, s6  }
0x1a: {  	s19 =	sadd.s32 s1, s26;
	s3 =	sadd.s32 s1, s3;
	s15 =	sadd.s32 s1, s14  }
0x1b: {  	s21 =	sshrl.u32 s20, $0x3;
	s26 =	sadd.s32 s1, s22;
	s9 =	sshrl.u32 s24, $0x3  }
0x1c: {  	s10 =	sshrl.u32 s25, $0x3;
	s14 =	sadd.s32 $0xBD38, s6;
	[dreg:$0x14] =	wrdreg s3  }
0x1d: {  	s3 =	sadd.s32 s1, s12;
	[dreg:$0x16] =	wrdreg s15;
	s12 =	sadd.s32 s1, s10  }
0x1e: {  	s15 =	smul.u32 $0x15F68, s11;
	[dreg:$0x15] =	wrdreg s3;
	s3 =	sshrl.u32 s16, $0x3  }
0x1f: {  	[dreg:$0x1c] =	wrdreg s12;
	s16 =	sadd.s32 $0xF348, s6;
	s6 =	sadd.s32 $0x12958, s6  }
0x20: {  	s3 =	sadd.s32 s1, s3;
	s17 =	sshrl.u32 s16, $0x3;
	s20 =	sshrl.u32 s15, $0x3  }
0x21: {  	s22 =	sadd.s32 $0x5118, s15;
	s10 =	sadd.s32 $0xBD38, s15;
	s11 =	sadd.s32 $0xF348, s15  }
0x22: {  	s7 =	sadd.s32 $0x12958, s15;
	[dreg:$0x17] =	wrdreg s3;
	s3 =	sadd.s32 s1, s18  }
0x23: {  	s18 =	sshrl.u32 s6, $0x3;
	s24 =	sshrl.u32 s22, $0x3;
	s12 =	sshrl.u32 s11, $0x3  }
0x24: {  	[dreg:$0x18] =	wrdreg s3;
	s3 =	sadd.s32 s1, s21;
	s21 =	sadd.s32 $0x1B08, s15  }
0x25: {  	[dreg:$0x19] =	wrdreg s3;
	s3 =	sshrl.u32 s23, $0x3;
	s6 =	sshrl.u32 s21, $0x3  }
0x26: {  	s23 =	sadd.s32 $0x8728, s15;
	s15 =	sadd.s32 $0x1B08, s5;
	s21 =	sadd.s32 $0xBD38, s5  }
0x27: {  	s3 =	sadd.s32 s1, s3;
	s16 =	sshrl.u32 s15, $0x3;
	s15 =	rddreg [dreg:$0x2]  }
0x28: {  	s6 =	sadd.s32 s1, s6;
	s25 =	sshrl.u32 s23, $0x3;
	[dreg:$0x1a] =	wrdreg s3  }
0x29: {  	s23 =	sshrl.u32 s21, $0x3;
	s3 =	sadd.s32 s1, s9;
	[smem:$0x7DB] =	sst s6  }
0x2a: {  	s6 =	sadd.s32 s1, s24;
	[dreg:$0x1b] =	wrdreg s3;
	s3 =	sshrl.u32 s14, $0x3  }
0x2b: {  	[smem:$0x7DC] =	sst s6;
	s6 =	sshrl.u32 s10, $0x3;
	s3 =	sadd.s32 s1, s3  }
0x2c: {  	s9 =	sadd.s32 s1, s25;
	s6 =	sadd.s32 s1, s6;
	[dreg:$0x1d] =	wrdreg s3  }
0x2d: {  	s24 =	sadd.s32 s1, s23;
	s3 =	sadd.s32 s1, s17;
	[smem:$0x7DE] =	sst s6  }
0x2e: {  	s25 =	sadd.s32 $0xF348, s5;
	s6 =	sadd.s32 s1, s12;
	[dreg:$0x1e] =	wrdreg s3  }
0x2f: {  	s14 =	sshrl.u32 s7, $0x3;
	s3 =	sadd.s32 s1, s18;
	[smem:$0x7DF] =	sst s6  }
0x30: {  	s6 =	sadd.s32 s1, s14;
	s18 =	sadd.s32 $0x5118, s5;
	[dreg:$0x1f] =	wrdreg s3  }
0x31: {  	s3 =	sadd.s32 s1, s20;
	[smem:$0x7E0] =	sst s6;
	s6 =	sadd.s32 s1, s16  }
0x32: {  	s20 =	sadd.s32 $0x8728, s5;
	[smem:$0x7E1] =	sst s6;
	s6 =	sshrl.u32 s18, $0x3  }
0x33: {  	[smem:$0x7DD] =	sst s9;
	s22 =	sshrl.u32 s20, $0x3;
	s6 =	sadd.s32 s1, s6  }
0x34: {  	s17 =	sshrl.u32 s5, $0x3;
	[smem:$0x7E2] =	sst s6;
	s6 =	sadd.s32 s1, s22  }
0x35: {  	s5 =	sadd.s32 $0x12958, s5;
	[smem:$0x7E3] =	sst s6;
	s6 =	sshrl.u32 s25, $0x3  }
0x36: {  	[smem:$0x7E4] =	sst s24;
	s5 =	sshrl.u32 s5, $0x3;
	s6 =	sadd.s32 s1, s6  }
0x37: {  	s10 =	sadd.s32 s1, s17;
	s1 =	sadd.s32 s1, s5;
	[smem:$0x7E5] =	sst s6  }
0x38: {  	s0 =	smax.u32 s0, $0x1;
	[smem:$0x7E6] =	sst s1  }
0x39: {  	s7 =	sadd.s32 $0x200, s13;
	_ =	strace $0x80000047;
	[smem:$0x7E7] =	sst s0  }
0x3a: {  	s8 =	sadd.s32 $0x6C2, s19;
	[smem:$0x7E8] =	sst s7  }
0x3b: {  	s9 =	sadd.s32 $0xD84, s19;
	[smem:$0x7E9] =	sst s8  }
0x3c: {  	s11 =	sadd.s32 $0x1446, s19;
	[smem:$0x7EA] =	sst s9  }
0x3d: {  	s12 =	sadd.s32 $0x1B08, s19;
	[smem:$0x7EB] =	sst s11  }
0x3e: {  	s13 =	sadd.s32 $0x21CA, s19;
	[smem:$0x7EC] =	sst s12  }
0x3f: {  	s14 =	sadd.s32 $0x288C, s19;
	[smem:$0x7ED] =	sst s13  }
0x40: {  	s16 =	sadd.s32 $0x6C2, s26;
	[smem:$0x7EE] =	sst s14  }
0x41: {  	s17 =	sadd.s32 $0xD84, s26;
	[smem:$0x7EF] =	sst s16  }
0x42: {  	s4 =	sshrl.u32 s4, $0x2;
	s20 =	sadd.s32 $0x1446, s26;
	[smem:$0x7F0] =	sst s17  }
0x43: {  	s21 =	sadd.s32 $0x1B08, s26;
	s18 =	sadd.s32 s4, s15;
	[smem:$0x7F1] =	sst s20  }
0x44: {  	s23 =	sadd.s32 $0x3610, s18;
	[smem:$0x7F2] =	sst s21;
	s7 =	sadd.s32 $0x21CA, s26  }
0x45: {  	s24 =	sadd.s32 $0x5118, s18;
	s8 =	sadd.s32 $0x288C, s26;
	[smem:$0x7F3] =	sst s7  }
0x46: {  	s28 =	sadd.s32 $0x8728, s18;
	s9 =	sadd.s32 $0x6C2, s3;
	[smem:$0x7F4] =	sst s8  }
0x47: {  	s29 =	sadd.s32 $0xA230, s18;
	s11 =	sadd.s32 $0xD84, s3;
	[smem:$0x7F5] =	sst s9  }
0x48: {  	s30 =	sadd.s32 $0xBD38, s18;
	s12 =	sadd.s32 $0x1446, s3;
	[smem:$0x7F6] =	sst s11  }
0x49: {  	s31 =	sadd.s32 $0xD840, s18;
	s13 =	sadd.s32 $0x1B08, s3;
	[smem:$0x7F7] =	sst s12  }
0x4a: {  	s4 =	sadd.s32 $0x12958, s18;
	s14 =	sadd.s32 $0x21CA, s3;
	[smem:$0x7F8] =	sst s13  }
0x4b: {  	s22 =	sadd.s32 $0x1B08, s18;
	s16 =	sadd.s32 $0x288C, s3;
	[smem:$0x7F9] =	sst s14  }
0x4c: {  	s25 =	sadd.s32 $0x6C20, s18;
	s17 =	sadd.s32 $0x6C2, s10;
	[smem:$0x7FA] =	sst s16  }
0x4d: {  	s5 =	sadd.s32 $0x14460, s18;
	s20 =	sadd.s32 $0xD84, s10;
	[smem:$0x7FB] =	sst s17  }
0x4e: {  	s1 =	sadd.s32 $0x10E50, s18;
	s21 =	sadd.s32 $0x1446, s10;
	[smem:$0x7FC] =	sst s20  }
0x4f: {  	s6 =	simm.s32 $0x16F70;
	s0 =	sadd.s32 $0xF348, s18;
	[smem:$0x7FD] =	sst s21  }
0x50: {  	s17 =	sadd.s32 $0x1B08, s10;
	s20 =	sadd.s32 $0x21CA, s10;
	s21 =	sadd.s32 $0x288C, s10  }
0x51: {  	s7 =	simm.s32 $0x1;
	s8 =	simm.s32 $0x16FF0;
	s9 =	simm.s32 $0x15F70  }
0x52: {  	s11 =	simm.s32 $0x80;
	s12 =	simm.s32 $0x18B70;
	s13 =	simm.s32 $0x0  }
.LBB2_1:
0x53: {  	s14 =	rddreg [dreg:$0x1]  }
0x54: {  	[tilespmem:s6], [sflag:$0x1] =	stream.linear.gather [hbm4b:s14+s2], $0x80, $0x38;
	[tilespmem:$0x1A6F0] =	vst v63  }
0x55: {  	_ =	swait.ge [sflag:s7], $0x80  }
0x56: {  	s16 =	sld [smem:$0x7E8]  }
0x57: {  	[sflag:s7] =	ssyncset.done $0x0  }
0x58: {  	[sflag:s7] =	ssyncadd.s32 $0xFFFFFF80  }
0x59: {  	[tilespmem:s8], [sflag:$0x1] =	stream.linear.gather [hbm4b:s16+s2], $0x1B80, $0x38;
	[tilespmem:$0x1A6F0] =	vst v63  }
0x5a: {  	_ =	swait.ge [sflag:s7], $0x1B80  }
0x5b: {  	[sflag:s7] =	ssyncset.done $0x0  }
0x5c: {  	[sflag:s7] =	ssyncadd.s32 $0xFFFFE480  }
0x5d: {  	[spmem:s18] =	stream.linear.scatter [tilespmem:s8], [sflag:$0x1], $0x1B08, $0x38;
	[tilespmem:$0x1A6F0] =	vst v63  }
0x5e: {  	_ =	swait.ge [sflag:s7], $0x1B08  }
0x5f: {  	[sflag:s7] =	ssyncset.done $0x0  }
0x60: {  	[sflag:s7] =	ssyncadd.s32 $0xFFFFE4F8  }
0x61: {  	[spmem:s22] =	stream.linear.scatter [tilespmem:s8], [sflag:$0x1], $0x1B08, $0x38;
	[tilespmem:$0x1A6F0] =	vst v63  }
0x62: {  	_ =	swait.ge [sflag:s7], $0x1B08  }
0x63: {  	[sflag:s7] =	ssyncset.done $0x0  }
0x64: {  	[sflag:s7] =	ssyncadd.s32 $0xFFFFE4F8  }
0x65: {  	[spmem:s23] =	stream.linear.scatter [tilespmem:s8], [sflag:$0x1], $0x1B08, $0x38;
	[tilespmem:$0x1A6F0] =	vst v63  }
0x66: {  	_ =	swait.ge [sflag:s7], $0x1B08  }
0x67: {  	[sflag:s7] =	ssyncset.done $0x0  }
0x68: {  	[sflag:s7] =	ssyncadd.s32 $0xFFFFE4F8  }
0x69: {  	[spmem:s24] =	stream.linear.scatter [tilespmem:s8], [sflag:$0x1], $0x1B08, $0x38;
	[tilespmem:$0x1A6F0] =	vst v63  }
0x6a: {  	_ =	swait.ge [sflag:s7], $0x1B08  }
0x6b: {  	[sflag:s7] =	ssyncset.done $0x0  }
0x6c: {  	[sflag:s7] =	ssyncadd.s32 $0xFFFFE4F8  }
0x6d: {  	[spmem:s25] =	stream.linear.scatter [tilespmem:s8], [sflag:$0x1], $0x1B08, $0x38;
	[tilespmem:$0x1A6F0] =	vst v63  }
0x6e: {  	_ =	swait.ge [sflag:s7], $0x1B08  }
0x6f: {  	[sflag:s7] =	ssyncset.done $0x0  }
0x70: {  	[sflag:s7] =	ssyncadd.s32 $0xFFFFE4F8  }
0x71: {  	[spmem:s28] =	stream.linear.scatter [tilespmem:s8], [sflag:$0x1], $0x1B08, $0x38;
	[tilespmem:$0x1A6F0] =	vst v63  }
0x72: {  	_ =	swait.ge [sflag:s7], $0x1B08  }
0x73: {  	[sflag:s7] =	ssyncset.done $0x0  }
0x74: {  	[sflag:s7] =	ssyncadd.s32 $0xFFFFE4F8  }
0x75: {  	[spmem:s29] =	stream.linear.scatter [tilespmem:s8], [sflag:$0x1], $0x1B08, $0x38;
	[tilespmem:$0x1A6F0] =	vst v63  }
0x76: {  	_ =	swait.ge [sflag:s7], $0x1B08  }
0x77: {  	[sflag:s7] =	ssyncset.done $0x0  }
0x78: {  	[sflag:s7] =	ssyncadd.s32 $0xFFFFE4F8  }
0x79: {  	[spmem:s30] =	stream.linear.scatter [tilespmem:s8], [sflag:$0x1], $0x1B08, $0x38;
	[tilespmem:$0x1A6F0] =	vst v63  }
0x7a: {  	_ =	swait.ge [sflag:s7], $0x1B08  }
0x7b: {  	[sflag:s7] =	ssyncset.done $0x0  }
0x7c: {  	[sflag:s7] =	ssyncadd.s32 $0xFFFFE4F8  }
0x7d: {  	[spmem:s31] =	stream.linear.scatter [tilespmem:s8], [sflag:$0x1], $0x1B08, $0x38;
	[tilespmem:$0x1A6F0] =	vst v63  }
0x7e: {  	_ =	swait.ge [sflag:s7], $0x1B08  }
0x7f: {  	[sflag:s7] =	ssyncset.done $0x0  }
0x80: {  	[sflag:s7] =	ssyncadd.s32 $0xFFFFE4F8  }
0x81: {  	[spmem:s0] =	stream.linear.scatter [tilespmem:s8], [sflag:$0x1], $0x1B08, $0x38;
	[tilespmem:$0x1A6F0] =	vst v63  }
0x82: {  	_ =	swait.ge [sflag:s7], $0x1B08  }
0x83: {  	[sflag:s7] =	ssyncset.done $0x0  }
0x84: {  	[sflag:s7] =	ssyncadd.s32 $0xFFFFE4F8  }
0x85: {  	[spmem:s1] =	stream.linear.scatter [tilespmem:s8], [sflag:$0x1], $0x1B08, $0x38;
	[tilespmem:$0x1A6F0] =	vst v63  }
0x86: {  	_ =	swait.ge [sflag:s7], $0x1B08  }
0x87: {  	[sflag:s7] =	ssyncset.done $0x0  }
0x88: {  	[sflag:s7] =	ssyncadd.s32 $0xFFFFE4F8  }
0x89: {  	[spmem:s4] =	stream.linear.scatter [tilespmem:s8], [sflag:$0x1], $0x1B08, $0x38;
	[tilespmem:$0x1A6F0] =	vst v63  }
0x8a: {  	_ =	swait.ge [sflag:s7], $0x1B08  }
0x8b: {  	[sflag:s7] =	ssyncset.done $0x0  }
0x8c: {  	[sflag:s7] =	ssyncadd.s32 $0xFFFFE4F8  }
0x8d: {  	[spmem:s5] =	stream.linear.scatter [tilespmem:s8], [sflag:$0x1], $0x1B08, $0x38;
	[tilespmem:$0x1A6F0] =	vst v63  }
0x8e: {  	_ =	swait.ge [sflag:s7], $0x1B08  }
0x8f: {  	[sflag:s7] =	ssyncset.done $0x0  }
0x90: {  	[sflag:s7] =	ssyncadd.s32 $0xFFFFE4F8  }
0x91: {  	[bflag:$0x0] =	sbarrier.arrive $0xFFFF  }
0x92: {  	s16 =	rddreg [dreg:$0x4]  }
0x93: {  	[tilespmem:s9], [sflag:$0x1] =	stream.linear.gather [hbm4b:s16+s2], $0x1000, $0x38;
	[tilespmem:$0x1A6F0] =	vst v63  }
0x94: {  	_ =	swait.ge [sflag:s7], $0x1000  }
0x95: {  	[sflag:s7] =	ssyncset.done $0x0  }
0x96: {  	s16 =	simm.s32 $0x15F70;
	[sflag:s7] =	ssyncadd.s32 $0xFFFFF000  }
0x97: {  	[spmem:s15] =	stream.indirect.scatter.add.f32 [tilespmem:s6], [sflag:$0x1], $0x1, s16, s11, $0xb8;
	[tilespmem:$0x1A6F0] =	vst v63  }
0x98: {  	s14 =	simm.s32 $0x200;
	_ =	swait.ge [sflag:s7], $0x80  }
.LBB2_2:
0x99: {  	s16 =	sshra.s32 s14, $0x2;
	[sflag:s7] =	ssyncset.done $0x0;
	p0 =	sne.s32 s14, $0x3E00  }
.Ltmp0:
0x9a: {  	s16 =	sadd.s32 $0x15F70, s16;
	[sflag:s7] =	ssyncadd.s32 $0xFFFFFF80;
	(pc) =	sbr.rel @p0 .LBB2_2-.Ltmp0, $3  }
0x9b: {  	[spmem:s15] =	stream.indirect.scatter.add.f32 [tilespmem:s6], [sflag:$0x1], $0x1, s16, s11, $0xb8;
	[tilespmem:$0x1A6F0] =	vst v63  }
0x9c: {  	s14 =	sadd.s32 $0x200, s14;
	_ =	sdelay $0x1  }
0x9d: {  	_ =	swait.ge [sflag:s7], $0x80  }
0x9e: {  	[sflag:s7] =	ssyncset.done $0x0  }
0x9f: {  	s14 =	simm.s32 $0x0;
	s16 =	rddreg [dreg:$0x5];
	[sflag:s7] =	ssyncadd.s32 $0xFFFFFF80  }
0xa0: {  	[tilespmem:s9], [sflag:$0x1] =	stream.linear.gather [hbm4b:s16+s14], $0x1000, $0x38;
	[tilespmem:$0x1A6F0] =	vst v63  }
0xa1: {  	_ =	swait.ge [sflag:s7], $0x1000  }
0xa2: {  	[sflag:s7] =	ssyncset.done $0x0  }
0xa3: {  	s16 =	simm.s32 $0x15F70;
	[sflag:s7] =	ssyncadd.s32 $0xFFFFF000  }
0xa4: {  	[spmem:s15] =	stream.indirect.scatter.add.f32 [tilespmem:s6], [sflag:$0x1], $0x1, s16, s11, $0xb8;
	[tilespmem:$0x1A6F0] =	vst v63  }
0xa5: {  	s14 =	simm.s32 $0x200;
	_ =	swait.ge [sflag:s7], $0x80  }
.LBB2_4:
0xa6: {  	s16 =	sshra.s32 s14, $0x2;
	[sflag:s7] =	ssyncset.done $0x0;
	p0 =	sne.s32 s14, $0x3E00  }
.Ltmp1:
0xa7: {  	s16 =	sadd.s32 $0x15F70, s16;
	[sflag:s7] =	ssyncadd.s32 $0xFFFFFF80;
	(pc) =	sbr.rel @p0 .LBB2_4-.Ltmp1, $3  }
0xa8: {  	[spmem:s15] =	stream.indirect.scatter.add.f32 [tilespmem:s6], [sflag:$0x1], $0x1, s16, s11, $0xb8;
	[tilespmem:$0x1A6F0] =	vst v63  }
0xa9: {  	s14 =	sadd.s32 $0x200, s14;
	_ =	sdelay $0x1  }
0xaa: {  	_ =	swait.ge [sflag:s7], $0x80  }
0xab: {  	[sflag:s7] =	ssyncset.done $0x0  }
0xac: {  	s14 =	simm.s32 $0x0;
	s16 =	rddreg [dreg:$0x6];
	[sflag:s7] =	ssyncadd.s32 $0xFFFFFF80  }
0xad: {  	[tilespmem:s9], [sflag:$0x1] =	stream.linear.gather [hbm4b:s16+s14], $0x1000, $0x38;
	[tilespmem:$0x1A6F0] =	vst v63  }
0xae: {  	_ =	swait.ge [sflag:s7], $0x1000  }
0xaf: {  	[sflag:s7] =	ssyncset.done $0x0  }
0xb0: {  	s16 =	simm.s32 $0x15F70;
	[sflag:s7] =	ssyncadd.s32 $0xFFFFF000  }
0xb1: {  	[spmem:s15] =	stream.indirect.scatter.add.f32 [tilespmem:s6], [sflag:$0x1], $0x1, s16, s11, $0xb8;
	[tilespmem:$0x1A6F0] =	vst v63  }
0xb2: {  	s14 =	simm.s32 $0x200;
	_ =	swait.ge [sflag:s7], $0x80  }
.LBB2_6:
0xb3: {  	s16 =	sshra.s32 s14, $0x2;
	[sflag:s7] =	ssyncset.done $0x0;
	p0 =	sne.s32 s14, $0x3E00  }
.Ltmp2:
0xb4: {  	s16 =	sadd.s32 $0x15F70, s16;
	[sflag:s7] =	ssyncadd.s32 $0xFFFFFF80;
	(pc) =	sbr.rel @p0 .LBB2_6-.Ltmp2, $3  }
0xb5: {  	[spmem:s15] =	stream.indirect.scatter.add.f32 [tilespmem:s6], [sflag:$0x1], $0x1, s16, s11, $0xb8;
	[tilespmem:$0x1A6F0] =	vst v63  }
0xb6: {  	s14 =	sadd.s32 $0x200, s14;
	_ =	sdelay $0x1  }
0xb7: {  	_ =	swait.ge [sflag:s7], $0x80  }
0xb8: {  	[sflag:s7] =	ssyncset.done $0x0  }
0xb9: {  	s14 =	simm.s32 $0x0;
	s16 =	rddreg [dreg:$0x7];
	[sflag:s7] =	ssyncadd.s32 $0xFFFFFF80  }
0xba: {  	[tilespmem:s9], [sflag:$0x1] =	stream.linear.gather [hbm4b:s16+s14], $0x1000, $0x38;
	[tilespmem:$0x1A6F0] =	vst v63  }
0xbb: {  	_ =	swait.ge [sflag:s7], $0x1000  }
0xbc: {  	[sflag:s7] =	ssyncset.done $0x0  }
0xbd: {  	s16 =	simm.s32 $0x15F70;
	[sflag:s7] =	ssyncadd.s32 $0xFFFFF000  }
0xbe: {  	[spmem:s15] =	stream.indirect.scatter.add.f32 [tilespmem:s6], [sflag:$0x1], $0x1, s16, s11, $0xb8;
	[tilespmem:$0x1A6F0] =	vst v63  }
0xbf: {  	s14 =	simm.s32 $0x200;
	_ =	swait.ge [sflag:s7], $0x80  }
.LBB2_8:
0xc0: {  	s16 =	sshra.s32 s14, $0x2;
	[sflag:s7] =	ssyncset.done $0x0;
	p0 =	sne.s32 s14, $0x3E00  }
.Ltmp3:
0xc1: {  	s16 =	sadd.s32 $0x15F70, s16;
	[sflag:s7] =	ssyncadd.s32 $0xFFFFFF80;
	(pc) =	sbr.rel @p0 .LBB2_8-.Ltmp3, $3  }
0xc2: {  	[spmem:s15] =	stream.indirect.scatter.add.f32 [tilespmem:s6], [sflag:$0x1], $0x1, s16, s11, $0xb8;
	[tilespmem:$0x1A6F0] =	vst v63  }
0xc3: {  	s14 =	sadd.s32 $0x200, s14;
	_ =	sdelay $0x1  }
0xc4: {  	_ =	swait.ge [sflag:s7], $0x80  }
0xc5: {  	[sflag:s7] =	ssyncset.done $0x0  }
0xc6: {  	[sflag:s7] =	ssyncadd.s32 $0xFFFFFF80  }
0xc7: {  	[bflag:$0x0] =	sbarrier.arrive $0xFFFF  }
0xc8: {  	[tilespmem:s12], [sflag:$0x1] =	stream.linear.gather [spmem:s18], $0x1B08, $0x38;
	[tilespmem:$0x1A6F0] =	vst v63  }
0xc9: {  	_ =	swait.ge [sflag:s7], $0x1B08  }
0xca: {  	[sflag:s7] =	ssyncset.done $0x0  }
0xcb: {  	s14 =	simm.s32 $0x0;
	[sflag:s7] =	ssyncadd.s32 $0xFFFFE4F8  }
0xcc: {  	[hbm4b:s19+s14] =	stream.linear.scatter [tilespmem:s12], [sflag:$0x1], $0x1B08, $0x38;
	[tilespmem:$0x1A6F0] =	vst v63  }
0xcd: {  	_ =	swait.ge [sflag:s7], $0x1B08  }
0xce: {  	[sflag:s7] =	ssyncset.done $0x0  }
0xcf: {  	[sflag:s7] =	ssyncadd.s32 $0xFFFFE4F8  }
0xd0: {  	[tilespmem:s12], [sflag:$0x1] =	stream.linear.gather [spmem:s22], $0x1B08, $0x38;
	[tilespmem:$0x1A6F0] =	vst v63  }
0xd1: {  	_ =	swait.ge [sflag:s7], $0x1B08  }
0xd2: {  	[sflag:s7] =	ssyncset.done $0x0  }
0xd3: {  	s16 =	rddreg [dreg:$0x14];
	[sflag:s7] =	ssyncadd.s32 $0xFFFFE4F8  }
0xd4: {  	[hbm4b:s16+s14] =	stream.linear.scatter [tilespmem:s12], [sflag:$0x1], $0x1B08, $0x38;
	[tilespmem:$0x1A6F0] =	vst v63  }
0xd5: {  	_ =	swait.ge [sflag:s7], $0x1B08  }
0xd6: {  	[sflag:s7] =	ssyncset.done $0x0  }
0xd7: {  	[sflag:s7] =	ssyncadd.s32 $0xFFFFE4F8  }
0xd8: {  	[tilespmem:s12], [sflag:$0x1] =	stream.linear.gather [spmem:s23], $0x1B08, $0x38;
	[tilespmem:$0x1A6F0] =	vst v63  }
0xd9: {  	_ =	swait.ge [sflag:s7], $0x1B08  }
0xda: {  	s16 =	sld [smem:$0x7E9]  }
0xdb: {  	[sflag:s7] =	ssyncset.done $0x0  }
0xdc: {  	[sflag:s7] =	ssyncadd.s32 $0xFFFFE4F8  }
0xdd: {  	[hbm4b:s16+s14] =	stream.linear.scatter [tilespmem:s12], [sflag:$0x1], $0x1B08, $0x38;
	[tilespmem:$0x1A6F0] =	vst v63  }
0xde: {  	_ =	swait.ge [sflag:s7], $0x1B08  }
0xdf: {  	[sflag:s7] =	ssyncset.done $0x0  }
0xe0: {  	[sflag:s7] =	ssyncadd.s32 $0xFFFFE4F8  }
0xe1: {  	[tilespmem:s12], [sflag:$0x1] =	stream.linear.gather [spmem:s24], $0x1B08, $0x38;
	[tilespmem:$0x1A6F0] =	vst v63  }
0xe2: {  	_ =	swait.ge [sflag:s7], $0x1B08  }
0xe3: {  	[sflag:s7] =	ssyncset.done $0x0  }
0xe4: {  	s16 =	rddreg [dreg:$0x15];
	[sflag:s7] =	ssyncadd.s32 $0xFFFFE4F8  }
0xe5: {  	[hbm4b:s16+s14] =	stream.linear.scatter [tilespmem:s12], [sflag:$0x1], $0x1B08, $0x38;
	[tilespmem:$0x1A6F0] =	vst v63  }
0xe6: {  	_ =	swait.ge [sflag:s7], $0x1B08  }
0xe7: {  	[sflag:s7] =	ssyncset.done $0x0  }
0xe8: {  	[sflag:s7] =	ssyncadd.s32 $0xFFFFE4F8  }
0xe9: {  	[tilespmem:s12], [sflag:$0x1] =	stream.linear.gather [spmem:s25], $0x1B08, $0x38;
	[tilespmem:$0x1A6F0] =	vst v63  }
0xea: {  	_ =	swait.ge [sflag:s7], $0x1B08  }
0xeb: {  	s16 =	sld [smem:$0x7EA]  }
0xec: {  	[sflag:s7] =	ssyncset.done $0x0  }
0xed: {  	[sflag:s7] =	ssyncadd.s32 $0xFFFFE4F8  }
0xee: {  	[hbm4b:s16+s14] =	stream.linear.scatter [tilespmem:s12], [sflag:$0x1], $0x1B08, $0x38;
	[tilespmem:$0x1A6F0] =	vst v63  }
0xef: {  	_ =	swait.ge [sflag:s7], $0x1B08  }
0xf0: {  	[sflag:s7] =	ssyncset.done $0x0  }
0xf1: {  	[sflag:s7] =	ssyncadd.s32 $0xFFFFE4F8  }
0xf2: {  	[tilespmem:s12], [sflag:$0x1] =	stream.linear.gather [spmem:s28], $0x1B08, $0x38;
	[tilespmem:$0x1A6F0] =	vst v63  }
0xf3: {  	_ =	swait.ge [sflag:s7], $0x1B08  }
0xf4: {  	[sflag:s7] =	ssyncset.done $0x0  }
0xf5: {  	s16 =	rddreg [dreg:$0x16];
	[sflag:s7] =	ssyncadd.s32 $0xFFFFE4F8  }
0xf6: {  	[hbm4b:s16+s14] =	stream.linear.scatter [tilespmem:s12], [sflag:$0x1], $0x1B08, $0x38;
	[tilespmem:$0x1A6F0] =	vst v63  }
0xf7: {  	_ =	swait.ge [sflag:s7], $0x1B08  }
0xf8: {  	[sflag:s7] =	ssyncset.done $0x0  }
0xf9: {  	[sflag:s7] =	ssyncadd.s32 $0xFFFFE4F8  }
0xfa: {  	[tilespmem:s12], [sflag:$0x1] =	stream.linear.gather [spmem:s29], $0x1B08, $0x38;
	[tilespmem:$0x1A6F0] =	vst v63  }
0xfb: {  	_ =	swait.ge [sflag:s7], $0x1B08  }
0xfc: {  	s16 =	sld [smem:$0x7EB]  }
0xfd: {  	[sflag:s7] =	ssyncset.done $0x0  }
0xfe: {  	[sflag:s7] =	ssyncadd.s32 $0xFFFFE4F8  }
0xff: {  	[hbm4b:s16+s14] =	stream.linear.scatter [tilespmem:s12], [sflag:$0x1], $0x1B08, $0x38;
	[tilespmem:$0x1A6F0] =	vst v63  }
0x100: {  	_ =	swait.ge [sflag:s7], $0x1B08  }
0x101: {  	[sflag:s7] =	ssyncset.done $0x0  }
0x102: {  	[sflag:s7] =	ssyncadd.s32 $0xFFFFE4F8  }
0x103: {  	[tilespmem:s12], [sflag:$0x1] =	stream.linear.gather [spmem:s30], $0x1B08, $0x38;
	[tilespmem:$0x1A6F0] =	vst v63  }
0x104: {  	_ =	swait.ge [sflag:s7], $0x1B08  }
0x105: {  	[sflag:s7] =	ssyncset.done $0x0  }
0x106: {  	s16 =	rddreg [dreg:$0x17];
	[sflag:s7] =	ssyncadd.s32 $0xFFFFE4F8  }
0x107: {  	[hbm4b:s16+s14] =	stream.linear.scatter [tilespmem:s12], [sflag:$0x1], $0x1B08, $0x38;
	[tilespmem:$0x1A6F0] =	vst v63  }
0x108: {  	_ =	swait.ge [sflag:s7], $0x1B08  }
0x109: {  	[sflag:s7] =	ssyncset.done $0x0  }
0x10a: {  	[sflag:s7] =	ssyncadd.s32 $0xFFFFE4F8  }
0x10b: {  	[tilespmem:s12], [sflag:$0x1] =	stream.linear.gather [spmem:s31], $0x1B08, $0x38;
	[tilespmem:$0x1A6F0] =	vst v63  }
0x10c: {  	_ =	swait.ge [sflag:s7], $0x1B08  }
0x10d: {  	s16 =	sld [smem:$0x7EC]  }
0x10e: {  	[sflag:s7] =	ssyncset.done $0x0  }
0x10f: {  	[sflag:s7] =	ssyncadd.s32 $0xFFFFE4F8  }
0x110: {  	[hbm4b:s16+s14] =	stream.linear.scatter [tilespmem:s12], [sflag:$0x1], $0x1B08, $0x38;
	[tilespmem:$0x1A6F0] =	vst v63  }
0x111: {  	_ =	swait.ge [sflag:s7], $0x1B08  }
0x112: {  	[sflag:s7] =	ssyncset.done $0x0  }
0x113: {  	[sflag:s7] =	ssyncadd.s32 $0xFFFFE4F8  }
0x114: {  	[tilespmem:s12], [sflag:$0x1] =	stream.linear.gather [spmem:s0], $0x1B08, $0x38;
	[tilespmem:$0x1A6F0] =	vst v63  }
0x115: {  	_ =	swait.ge [sflag:s7], $0x1B08  }
0x116: {  	[sflag:s7] =	ssyncset.done $0x0  }
0x117: {  	s16 =	rddreg [dreg:$0x18];
	[sflag:s7] =	ssyncadd.s32 $0xFFFFE4F8  }
0x118: {  	[hbm4b:s16+s14] =	stream.linear.scatter [tilespmem:s12], [sflag:$0x1], $0x1B08, $0x38;
	[tilespmem:$0x1A6F0] =	vst v63  }
0x119: {  	_ =	swait.ge [sflag:s7], $0x1B08  }
0x11a: {  	[sflag:s7] =	ssyncset.done $0x0  }
0x11b: {  	[sflag:s7] =	ssyncadd.s32 $0xFFFFE4F8  }
0x11c: {  	[tilespmem:s12], [sflag:$0x1] =	stream.linear.gather [spmem:s1], $0x1B08, $0x38;
	[tilespmem:$0x1A6F0] =	vst v63  }
0x11d: {  	_ =	swait.ge [sflag:s7], $0x1B08  }
0x11e: {  	s16 =	sld [smem:$0x7ED]  }
0x11f: {  	[sflag:s7] =	ssyncset.done $0x0  }
0x120: {  	[sflag:s7] =	ssyncadd.s32 $0xFFFFE4F8  }
0x121: {  	[hbm4b:s16+s14] =	stream.linear.scatter [tilespmem:s12], [sflag:$0x1], $0x1B08, $0x38;
	[tilespmem:$0x1A6F0] =	vst v63  }
0x122: {  	_ =	swait.ge [sflag:s7], $0x1B08  }
0x123: {  	[sflag:s7] =	ssyncset.done $0x0  }
0x124: {  	[sflag:s7] =	ssyncadd.s32 $0xFFFFE4F8  }
0x125: {  	[tilespmem:s12], [sflag:$0x1] =	stream.linear.gather [spmem:s4], $0x1B08, $0x38;
	[tilespmem:$0x1A6F0] =	vst v63  }
0x126: {  	_ =	swait.ge [sflag:s7], $0x1B08  }
0x127: {  	[sflag:s7] =	ssyncset.done $0x0  }
0x128: {  	s16 =	rddreg [dreg:$0x19];
	[sflag:s7] =	ssyncadd.s32 $0xFFFFE4F8  }
0x129: {  	[hbm4b:s16+s14] =	stream.linear.scatter [tilespmem:s12], [sflag:$0x1], $0x1B08, $0x38;
	[tilespmem:$0x1A6F0] =	vst v63  }
0x12a: {  	_ =	swait.ge [sflag:s7], $0x1B08  }
0x12b: {  	[sflag:s7] =	ssyncset.done $0x0  }
0x12c: {  	[sflag:s7] =	ssyncadd.s32 $0xFFFFE4F8  }
0x12d: {  	[tilespmem:s12], [sflag:$0x1] =	stream.linear.gather [spmem:s5], $0x1B08, $0x38;
	[tilespmem:$0x1A6F0] =	vst v63  }
0x12e: {  	_ =	swait.ge [sflag:s7], $0x1B08  }
0x12f: {  	s16 =	sld [smem:$0x7EE]  }
0x130: {  	[sflag:s7] =	ssyncset.done $0x0  }
0x131: {  	[sflag:s7] =	ssyncadd.s32 $0xFFFFE4F8  }
0x132: {  	[hbm4b:s16+s14] =	stream.linear.scatter [tilespmem:s12], [sflag:$0x1], $0x1B08, $0x38;
	[tilespmem:$0x1A6F0] =	vst v63  }
0x133: {  	_ =	swait.ge [sflag:s7], $0x1B08  }
0x134: {  	[sflag:s7] =	ssyncset.done $0x0  }
0x135: {  	[sflag:s7] =	ssyncadd.s32 $0xFFFFE4F8  }
0x136: {  	[spmem:s18] =	stream.linear.scatter [tilespmem:s8], [sflag:$0x1], $0x1B08, $0x38;
	[tilespmem:$0x1A6F0] =	vst v63  }
0x137: {  	_ =	swait.ge [sflag:s7], $0x1B08  }
0x138: {  	[sflag:s7] =	ssyncset.done $0x0  }
0x139: {  	[sflag:s7] =	ssyncadd.s32 $0xFFFFE4F8  }
0x13a: {  	[spmem:s22] =	stream.linear.scatter [tilespmem:s8], [sflag:$0x1], $0x1B08, $0x38;
	[tilespmem:$0x1A6F0] =	vst v63  }
0x13b: {  	_ =	swait.ge [sflag:s7], $0x1B08  }
0x13c: {  	[sflag:s7] =	ssyncset.done $0x0  }
0x13d: {  	[sflag:s7] =	ssyncadd.s32 $0xFFFFE4F8  }
0x13e: {  	[spmem:s23] =	stream.linear.scatter [tilespmem:s8], [sflag:$0x1], $0x1B08, $0x38;
	[tilespmem:$0x1A6F0] =	vst v63  }
0x13f: {  	_ =	swait.ge [sflag:s7], $0x1B08  }
0x140: {  	[sflag:s7] =	ssyncset.done $0x0  }
0x141: {  	[sflag:s7] =	ssyncadd.s32 $0xFFFFE4F8  }
0x142: {  	[spmem:s24] =	stream.linear.scatter [tilespmem:s8], [sflag:$0x1], $0x1B08, $0x38;
	[tilespmem:$0x1A6F0] =	vst v63  }
0x143: {  	_ =	swait.ge [sflag:s7], $0x1B08  }
0x144: {  	[sflag:s7] =	ssyncset.done $0x0  }
0x145: {  	[sflag:s7] =	ssyncadd.s32 $0xFFFFE4F8  }
0x146: {  	[spmem:s25] =	stream.linear.scatter [tilespmem:s8], [sflag:$0x1], $0x1B08, $0x38;
	[tilespmem:$0x1A6F0] =	vst v63  }
0x147: {  	_ =	swait.ge [sflag:s7], $0x1B08  }
0x148: {  	[sflag:s7] =	ssyncset.done $0x0  }
0x149: {  	[sflag:s7] =	ssyncadd.s32 $0xFFFFE4F8  }
0x14a: {  	[spmem:s28] =	stream.linear.scatter [tilespmem:s8], [sflag:$0x1], $0x1B08, $0x38;
	[tilespmem:$0x1A6F0] =	vst v63  }
0x14b: {  	_ =	swait.ge [sflag:s7], $0x1B08  }
0x14c: {  	[sflag:s7] =	ssyncset.done $0x0  }
0x14d: {  	[sflag:s7] =	ssyncadd.s32 $0xFFFFE4F8  }
0x14e: {  	[spmem:s29] =	stream.linear.scatter [tilespmem:s8], [sflag:$0x1], $0x1B08, $0x38;
	[tilespmem:$0x1A6F0] =	vst v63  }
0x14f: {  	_ =	swait.ge [sflag:s7], $0x1B08  }
0x150: {  	[sflag:s7] =	ssyncset.done $0x0  }
0x151: {  	[sflag:s7] =	ssyncadd.s32 $0xFFFFE4F8  }
0x152: {  	[spmem:s30] =	stream.linear.scatter [tilespmem:s8], [sflag:$0x1], $0x1B08, $0x38;
	[tilespmem:$0x1A6F0] =	vst v63  }
0x153: {  	_ =	swait.ge [sflag:s7], $0x1B08  }
0x154: {  	[sflag:s7] =	ssyncset.done $0x0  }
0x155: {  	[sflag:s7] =	ssyncadd.s32 $0xFFFFE4F8  }
0x156: {  	[spmem:s31] =	stream.linear.scatter [tilespmem:s8], [sflag:$0x1], $0x1B08, $0x38;
	[tilespmem:$0x1A6F0] =	vst v63  }
0x157: {  	_ =	swait.ge [sflag:s7], $0x1B08  }
0x158: {  	[sflag:s7] =	ssyncset.done $0x0  }
0x159: {  	[sflag:s7] =	ssyncadd.s32 $0xFFFFE4F8  }
0x15a: {  	[spmem:s0] =	stream.linear.scatter [tilespmem:s8], [sflag:$0x1], $0x1B08, $0x38;
	[tilespmem:$0x1A6F0] =	vst v63  }
0x15b: {  	_ =	swait.ge [sflag:s7], $0x1B08  }
0x15c: {  	[sflag:s7] =	ssyncset.done $0x0  }
0x15d: {  	[sflag:s7] =	ssyncadd.s32 $0xFFFFE4F8  }
0x15e: {  	[spmem:s1] =	stream.linear.scatter [tilespmem:s8], [sflag:$0x1], $0x1B08, $0x38;
	[tilespmem:$0x1A6F0] =	vst v63  }
0x15f: {  	_ =	swait.ge [sflag:s7], $0x1B08  }
0x160: {  	[sflag:s7] =	ssyncset.done $0x0  }
0x161: {  	[sflag:s7] =	ssyncadd.s32 $0xFFFFE4F8  }
0x162: {  	[spmem:s4] =	stream.linear.scatter [tilespmem:s8], [sflag:$0x1], $0x1B08, $0x38;
	[tilespmem:$0x1A6F0] =	vst v63  }
0x163: {  	_ =	swait.ge [sflag:s7], $0x1B08  }
0x164: {  	[sflag:s7] =	ssyncset.done $0x0  }
0x165: {  	[sflag:s7] =	ssyncadd.s32 $0xFFFFE4F8  }
0x166: {  	[spmem:s5] =	stream.linear.scatter [tilespmem:s8], [sflag:$0x1], $0x1B08, $0x38;
	[tilespmem:$0x1A6F0] =	vst v63  }
0x167: {  	_ =	swait.ge [sflag:s7], $0x1B08  }
0x168: {  	[sflag:s7] =	ssyncset.done $0x0  }
0x169: {  	[sflag:s7] =	ssyncadd.s32 $0xFFFFE4F8  }
0x16a: {  	[bflag:$0x0] =	sbarrier.arrive $0xFFFF  }
0x16b: {  	s16 =	rddreg [dreg:$0x8]  }
0x16c: {  	[tilespmem:s9], [sflag:$0x1] =	stream.linear.gather [hbm4b:s16+s14], $0x1000, $0x38;
	[tilespmem:$0x1A6F0] =	vst v63  }
0x16d: {  	_ =	swait.ge [sflag:s7], $0x1000  }
0x16e: {  	[sflag:s7] =	ssyncset.done $0x0  }
0x16f: {  	s16 =	simm.s32 $0x15F70;
	[sflag:s7] =	ssyncadd.s32 $0xFFFFF000  }
0x170: {  	[spmem:s15] =	stream.indirect.scatter.add.f32 [tilespmem:s6], [sflag:$0x1], $0x1, s16, s11, $0xb8;
	[tilespmem:$0x1A6F0] =	vst v63  }
0x171: {  	s14 =	simm.s32 $0x200;
	_ =	swait.ge [sflag:s7], $0x80  }
.LBB2_10:
0x172: {  	s16 =	sshra.s32 s14, $0x2;
	[sflag:s7] =	ssyncset.done $0x0;
	p0 =	sne.s32 s14, $0x3E00  }
.Ltmp4:
0x173: {  	s16 =	sadd.s32 $0x15F70, s16;
	[sflag:s7] =	ssyncadd.s32 $0xFFFFFF80;
	(pc) =	sbr.rel @p0 .LBB2_10-.Ltmp4, $3  }
0x174: {  	[spmem:s15] =	stream.indirect.scatter.add.f32 [tilespmem:s6], [sflag:$0x1], $0x1, s16, s11, $0xb8;
	[tilespmem:$0x1A6F0] =	vst v63  }
0x175: {  	s14 =	sadd.s32 $0x200, s14;
	_ =	sdelay $0x1  }
0x176: {  	_ =	swait.ge [sflag:s7], $0x80  }
0x177: {  	[sflag:s7] =	ssyncset.done $0x0  }
0x178: {  	s14 =	simm.s32 $0x0;
	s16 =	rddreg [dreg:$0x9];
	[sflag:s7] =	ssyncadd.s32 $0xFFFFFF80  }
0x179: {  	[tilespmem:s9], [sflag:$0x1] =	stream.linear.gather [hbm4b:s16+s14], $0x1000, $0x38;
	[tilespmem:$0x1A6F0] =	vst v63  }
0x17a: {  	_ =	swait.ge [sflag:s7], $0x1000  }
0x17b: {  	[sflag:s7] =	ssyncset.done $0x0  }
0x17c: {  	s16 =	simm.s32 $0x15F70;
	[sflag:s7] =	ssyncadd.s32 $0xFFFFF000  }
0x17d: {  	[spmem:s15] =	stream.indirect.scatter.add.f32 [tilespmem:s6], [sflag:$0x1], $0x1, s16, s11, $0xb8;
	[tilespmem:$0x1A6F0] =	vst v63  }
0x17e: {  	s14 =	simm.s32 $0x200;
	_ =	swait.ge [sflag:s7], $0x80  }
.LBB2_12:
0x17f: {  	s16 =	sshra.s32 s14, $0x2;
	[sflag:s7] =	ssyncset.done $0x0;
	p0 =	sne.s32 s14, $0x3E00  }
.Ltmp5:
0x180: {  	s16 =	sadd.s32 $0x15F70, s16;
	[sflag:s7] =	ssyncadd.s32 $0xFFFFFF80;
	(pc) =	sbr.rel @p0 .LBB2_12-.Ltmp5, $3  }
0x181: {  	[spmem:s15] =	stream.indirect.scatter.add.f32 [tilespmem:s6], [sflag:$0x1], $0x1, s16, s11, $0xb8;
	[tilespmem:$0x1A6F0] =	vst v63  }
0x182: {  	s14 =	sadd.s32 $0x200, s14;
	_ =	sdelay $0x1  }
0x183: {  	_ =	swait.ge [sflag:s7], $0x80  }
0x184: {  	[sflag:s7] =	ssyncset.done $0x0  }
0x185: {  	s14 =	simm.s32 $0x0;
	s16 =	rddreg [dreg:$0xa];
	[sflag:s7] =	ssyncadd.s32 $0xFFFFFF80  }
0x186: {  	[tilespmem:s9], [sflag:$0x1] =	stream.linear.gather [hbm4b:s16+s14], $0x1000, $0x38;
	[tilespmem:$0x1A6F0] =	vst v63  }
0x187: {  	_ =	swait.ge [sflag:s7], $0x1000  }
0x188: {  	[sflag:s7] =	ssyncset.done $0x0  }
0x189: {  	s16 =	simm.s32 $0x15F70;
	[sflag:s7] =	ssyncadd.s32 $0xFFFFF000  }
0x18a: {  	[spmem:s15] =	stream.indirect.scatter.add.f32 [tilespmem:s6], [sflag:$0x1], $0x1, s16, s11, $0xb8;
	[tilespmem:$0x1A6F0] =	vst v63  }
0x18b: {  	s14 =	simm.s32 $0x200;
	_ =	swait.ge [sflag:s7], $0x80  }
.LBB2_14:
0x18c: {  	s16 =	sshra.s32 s14, $0x2;
	[sflag:s7] =	ssyncset.done $0x0;
	p0 =	sne.s32 s14, $0x3E00  }
.Ltmp6:
0x18d: {  	s16 =	sadd.s32 $0x15F70, s16;
	[sflag:s7] =	ssyncadd.s32 $0xFFFFFF80;
	(pc) =	sbr.rel @p0 .LBB2_14-.Ltmp6, $3  }
0x18e: {  	[spmem:s15] =	stream.indirect.scatter.add.f32 [tilespmem:s6], [sflag:$0x1], $0x1, s16, s11, $0xb8;
	[tilespmem:$0x1A6F0] =	vst v63  }
0x18f: {  	s14 =	sadd.s32 $0x200, s14;
	_ =	sdelay $0x1  }
0x190: {  	_ =	swait.ge [sflag:s7], $0x80  }
0x191: {  	[sflag:s7] =	ssyncset.done $0x0  }
0x192: {  	s14 =	simm.s32 $0x0;
	s16 =	rddreg [dreg:$0xb];
	[sflag:s7] =	ssyncadd.s32 $0xFFFFFF80  }
0x193: {  	[tilespmem:s9], [sflag:$0x1] =	stream.linear.gather [hbm4b:s16+s14], $0x1000, $0x38;
	[tilespmem:$0x1A6F0] =	vst v63  }
0x194: {  	_ =	swait.ge [sflag:s7], $0x1000  }
0x195: {  	[sflag:s7] =	ssyncset.done $0x0  }
0x196: {  	s16 =	simm.s32 $0x15F70;
	[sflag:s7] =	ssyncadd.s32 $0xFFFFF000  }
0x197: {  	[spmem:s15] =	stream.indirect.scatter.add.f32 [tilespmem:s6], [sflag:$0x1], $0x1, s16, s11, $0xb8;
	[tilespmem:$0x1A6F0] =	vst v63  }
0x198: {  	s14 =	simm.s32 $0x200;
	_ =	swait.ge [sflag:s7], $0x80  }
.LBB2_16:
0x199: {  	s16 =	sshra.s32 s14, $0x2;
	[sflag:s7] =	ssyncset.done $0x0;
	p0 =	sne.s32 s14, $0x3E00  }
.Ltmp7:
0x19a: {  	s16 =	sadd.s32 $0x15F70, s16;
	[sflag:s7] =	ssyncadd.s32 $0xFFFFFF80;
	(pc) =	sbr.rel @p0 .LBB2_16-.Ltmp7, $3  }
0x19b: {  	[spmem:s15] =	stream.indirect.scatter.add.f32 [tilespmem:s6], [sflag:$0x1], $0x1, s16, s11, $0xb8;
	[tilespmem:$0x1A6F0] =	vst v63  }
0x19c: {  	s14 =	sadd.s32 $0x200, s14;
	_ =	sdelay $0x1  }
0x19d: {  	_ =	swait.ge [sflag:s7], $0x80  }
0x19e: {  	[sflag:s7] =	ssyncset.done $0x0  }
0x19f: {  	[sflag:s7] =	ssyncadd.s32 $0xFFFFFF80  }
0x1a0: {  	[bflag:$0x0] =	sbarrier.arrive $0xFFFF  }
0x1a1: {  	[tilespmem:s12], [sflag:$0x1] =	stream.linear.gather [spmem:s18], $0x1B08, $0x38;
	[tilespmem:$0x1A6F0] =	vst v63  }
0x1a2: {  	_ =	swait.ge [sflag:s7], $0x1B08  }
0x1a3: {  	[sflag:s7] =	ssyncset.done $0x0  }
0x1a4: {  	s14 =	simm.s32 $0x0;
	[sflag:s7] =	ssyncadd.s32 $0xFFFFE4F8  }
0x1a5: {  	[hbm4b:s26+s14] =	stream.linear.scatter [tilespmem:s12], [sflag:$0x1], $0x1B08, $0x38;
	[tilespmem:$0x1A6F0] =	vst v63  }
0x1a6: {  	_ =	swait.ge [sflag:s7], $0x1B08  }
0x1a7: {  	[sflag:s7] =	ssyncset.done $0x0  }
0x1a8: {  	[sflag:s7] =	ssyncadd.s32 $0xFFFFE4F8  }
0x1a9: {  	[tilespmem:s12], [sflag:$0x1] =	stream.linear.gather [spmem:s22], $0x1B08, $0x38;
	[tilespmem:$0x1A6F0] =	vst v63  }
0x1aa: {  	_ =	swait.ge [sflag:s7], $0x1B08  }
0x1ab: {  	[sflag:s7] =	ssyncset.done $0x0  }
0x1ac: {  	s16 =	rddreg [dreg:$0x1a];
	[sflag:s7] =	ssyncadd.s32 $0xFFFFE4F8  }
0x1ad: {  	[hbm4b:s16+s14] =	stream.linear.scatter [tilespmem:s12], [sflag:$0x1], $0x1B08, $0x38;
	[tilespmem:$0x1A6F0] =	vst v63  }
0x1ae: {  	_ =	swait.ge [sflag:s7], $0x1B08  }
0x1af: {  	[sflag:s7] =	ssyncset.done $0x0  }
0x1b0: {  	[sflag:s7] =	ssyncadd.s32 $0xFFFFE4F8  }
0x1b1: {  	[tilespmem:s12], [sflag:$0x1] =	stream.linear.gather [spmem:s23], $0x1B08, $0x38;
	[tilespmem:$0x1A6F0] =	vst v63  }
0x1b2: {  	_ =	swait.ge [sflag:s7], $0x1B08  }
0x1b3: {  	s16 =	sld [smem:$0x7EF]  }
0x1b4: {  	[sflag:s7] =	ssyncset.done $0x0  }
0x1b5: {  	[sflag:s7] =	ssyncadd.s32 $0xFFFFE4F8  }
0x1b6: {  	[hbm4b:s16+s14] =	stream.linear.scatter [tilespmem:s12], [sflag:$0x1], $0x1B08, $0x38;
	[tilespmem:$0x1A6F0] =	vst v63  }
0x1b7: {  	_ =	swait.ge [sflag:s7], $0x1B08  }
0x1b8: {  	[sflag:s7] =	ssyncset.done $0x0  }
0x1b9: {  	[sflag:s7] =	ssyncadd.s32 $0xFFFFE4F8  }
0x1ba: {  	[tilespmem:s12], [sflag:$0x1] =	stream.linear.gather [spmem:s24], $0x1B08, $0x38;
	[tilespmem:$0x1A6F0] =	vst v63  }
0x1bb: {  	_ =	swait.ge [sflag:s7], $0x1B08  }
0x1bc: {  	[sflag:s7] =	ssyncset.done $0x0  }
0x1bd: {  	s16 =	rddreg [dreg:$0x1b];
	[sflag:s7] =	ssyncadd.s32 $0xFFFFE4F8  }
0x1be: {  	[hbm4b:s16+s14] =	stream.linear.scatter [tilespmem:s12], [sflag:$0x1], $0x1B08, $0x38;
	[tilespmem:$0x1A6F0] =	vst v63  }
0x1bf: {  	_ =	swait.ge [sflag:s7], $0x1B08  }
0x1c0: {  	[sflag:s7] =	ssyncset.done $0x0  }
0x1c1: {  	[sflag:s7] =	ssyncadd.s32 $0xFFFFE4F8  }
0x1c2: {  	[tilespmem:s12], [sflag:$0x1] =	stream.linear.gather [spmem:s25], $0x1B08, $0x38;
	[tilespmem:$0x1A6F0] =	vst v63  }
0x1c3: {  	_ =	swait.ge [sflag:s7], $0x1B08  }
0x1c4: {  	s16 =	sld [smem:$0x7F0]  }
0x1c5: {  	[sflag:s7] =	ssyncset.done $0x0  }
0x1c6: {  	[sflag:s7] =	ssyncadd.s32 $0xFFFFE4F8  }
0x1c7: {  	[hbm4b:s16+s14] =	stream.linear.scatter [tilespmem:s12], [sflag:$0x1], $0x1B08, $0x38;
	[tilespmem:$0x1A6F0] =	vst v63  }
0x1c8: {  	_ =	swait.ge [sflag:s7], $0x1B08  }
0x1c9: {  	[sflag:s7] =	ssyncset.done $0x0  }
0x1ca: {  	[sflag:s7] =	ssyncadd.s32 $0xFFFFE4F8  }
0x1cb: {  	[tilespmem:s12], [sflag:$0x1] =	stream.linear.gather [spmem:s28], $0x1B08, $0x38;
	[tilespmem:$0x1A6F0] =	vst v63  }
0x1cc: {  	_ =	swait.ge [sflag:s7], $0x1B08  }
0x1cd: {  	[sflag:s7] =	ssyncset.done $0x0  }
0x1ce: {  	s16 =	rddreg [dreg:$0x1c];
	[sflag:s7] =	ssyncadd.s32 $0xFFFFE4F8  }
0x1cf: {  	[hbm4b:s16+s14] =	stream.linear.scatter [tilespmem:s12], [sflag:$0x1], $0x1B08, $0x38;
	[tilespmem:$0x1A6F0] =	vst v63  }
0x1d0: {  	_ =	swait.ge [sflag:s7], $0x1B08  }
0x1d1: {  	[sflag:s7] =	ssyncset.done $0x0  }
0x1d2: {  	[sflag:s7] =	ssyncadd.s32 $0xFFFFE4F8  }
0x1d3: {  	[tilespmem:s12], [sflag:$0x1] =	stream.linear.gather [spmem:s29], $0x1B08, $0x38;
	[tilespmem:$0x1A6F0] =	vst v63  }
0x1d4: {  	_ =	swait.ge [sflag:s7], $0x1B08  }
0x1d5: {  	s16 =	sld [smem:$0x7F1]  }
0x1d6: {  	[sflag:s7] =	ssyncset.done $0x0  }
0x1d7: {  	[sflag:s7] =	ssyncadd.s32 $0xFFFFE4F8  }
0x1d8: {  	[hbm4b:s16+s14] =	stream.linear.scatter [tilespmem:s12], [sflag:$0x1], $0x1B08, $0x38;
	[tilespmem:$0x1A6F0] =	vst v63  }
0x1d9: {  	_ =	swait.ge [sflag:s7], $0x1B08  }
0x1da: {  	[sflag:s7] =	ssyncset.done $0x0  }
0x1db: {  	[sflag:s7] =	ssyncadd.s32 $0xFFFFE4F8  }
0x1dc: {  	[tilespmem:s12], [sflag:$0x1] =	stream.linear.gather [spmem:s30], $0x1B08, $0x38;
	[tilespmem:$0x1A6F0] =	vst v63  }
0x1dd: {  	_ =	swait.ge [sflag:s7], $0x1B08  }
0x1de: {  	[sflag:s7] =	ssyncset.done $0x0  }
0x1df: {  	s16 =	rddreg [dreg:$0x1d];
	[sflag:s7] =	ssyncadd.s32 $0xFFFFE4F8  }
0x1e0: {  	[hbm4b:s16+s14] =	stream.linear.scatter [tilespmem:s12], [sflag:$0x1], $0x1B08, $0x38;
	[tilespmem:$0x1A6F0] =	vst v63  }
0x1e1: {  	_ =	swait.ge [sflag:s7], $0x1B08  }
0x1e2: {  	[sflag:s7] =	ssyncset.done $0x0  }
0x1e3: {  	[sflag:s7] =	ssyncadd.s32 $0xFFFFE4F8  }
0x1e4: {  	[tilespmem:s12], [sflag:$0x1] =	stream.linear.gather [spmem:s31], $0x1B08, $0x38;
	[tilespmem:$0x1A6F0] =	vst v63  }
0x1e5: {  	_ =	swait.ge [sflag:s7], $0x1B08  }
0x1e6: {  	s16 =	sld [smem:$0x7F2]  }
0x1e7: {  	[sflag:s7] =	ssyncset.done $0x0  }
0x1e8: {  	[sflag:s7] =	ssyncadd.s32 $0xFFFFE4F8  }
0x1e9: {  	[hbm4b:s16+s14] =	stream.linear.scatter [tilespmem:s12], [sflag:$0x1], $0x1B08, $0x38;
	[tilespmem:$0x1A6F0] =	vst v63  }
0x1ea: {  	_ =	swait.ge [sflag:s7], $0x1B08  }
0x1eb: {  	[sflag:s7] =	ssyncset.done $0x0  }
0x1ec: {  	[sflag:s7] =	ssyncadd.s32 $0xFFFFE4F8  }
0x1ed: {  	[tilespmem:s12], [sflag:$0x1] =	stream.linear.gather [spmem:s0], $0x1B08, $0x38;
	[tilespmem:$0x1A6F0] =	vst v63  }
0x1ee: {  	_ =	swait.ge [sflag:s7], $0x1B08  }
0x1ef: {  	[sflag:s7] =	ssyncset.done $0x0  }
0x1f0: {  	s16 =	rddreg [dreg:$0x1e];
	[sflag:s7] =	ssyncadd.s32 $0xFFFFE4F8  }
0x1f1: {  	[hbm4b:s16+s14] =	stream.linear.scatter [tilespmem:s12], [sflag:$0x1], $0x1B08, $0x38;
	[tilespmem:$0x1A6F0] =	vst v63  }
0x1f2: {  	_ =	swait.ge [sflag:s7], $0x1B08  }
0x1f3: {  	[sflag:s7] =	ssyncset.done $0x0  }
0x1f4: {  	[sflag:s7] =	ssyncadd.s32 $0xFFFFE4F8  }
0x1f5: {  	[tilespmem:s12], [sflag:$0x1] =	stream.linear.gather [spmem:s1], $0x1B08, $0x38;
	[tilespmem:$0x1A6F0] =	vst v63  }
0x1f6: {  	_ =	swait.ge [sflag:s7], $0x1B08  }
0x1f7: {  	s16 =	sld [smem:$0x7F3]  }
0x1f8: {  	[sflag:s7] =	ssyncset.done $0x0  }
0x1f9: {  	[sflag:s7] =	ssyncadd.s32 $0xFFFFE4F8  }
0x1fa: {  	[hbm4b:s16+s14] =	stream.linear.scatter [tilespmem:s12], [sflag:$0x1], $0x1B08, $0x38;
	[tilespmem:$0x1A6F0] =	vst v63  }
0x1fb: {  	_ =	swait.ge [sflag:s7], $0x1B08  }
0x1fc: {  	[sflag:s7] =	ssyncset.done $0x0  }
0x1fd: {  	[sflag:s7] =	ssyncadd.s32 $0xFFFFE4F8  }
0x1fe: {  	[tilespmem:s12], [sflag:$0x1] =	stream.linear.gather [spmem:s4], $0x1B08, $0x38;
	[tilespmem:$0x1A6F0] =	vst v63  }
0x1ff: {  	_ =	swait.ge [sflag:s7], $0x1B08  }
0x200: {  	[sflag:s7] =	ssyncset.done $0x0  }
0x201: {  	s16 =	rddreg [dreg:$0x1f];
	[sflag:s7] =	ssyncadd.s32 $0xFFFFE4F8  }
0x202: {  	[hbm4b:s16+s14] =	stream.linear.scatter [tilespmem:s12], [sflag:$0x1], $0x1B08, $0x38;
	[tilespmem:$0x1A6F0] =	vst v63  }
0x203: {  	_ =	swait.ge [sflag:s7], $0x1B08  }
0x204: {  	[sflag:s7] =	ssyncset.done $0x0  }
0x205: {  	[sflag:s7] =	ssyncadd.s32 $0xFFFFE4F8  }
0x206: {  	[tilespmem:s12], [sflag:$0x1] =	stream.linear.gather [spmem:s5], $0x1B08, $0x38;
	[tilespmem:$0x1A6F0] =	vst v63  }
0x207: {  	_ =	swait.ge [sflag:s7], $0x1B08  }
0x208: {  	s16 =	sld [smem:$0x7F4]  }
0x209: {  	[sflag:s7] =	ssyncset.done $0x0  }
0x20a: {  	[sflag:s7] =	ssyncadd.s32 $0xFFFFE4F8  }
0x20b: {  	[hbm4b:s16+s14] =	stream.linear.scatter [tilespmem:s12], [sflag:$0x1], $0x1B08, $0x38;
	[tilespmem:$0x1A6F0] =	vst v63  }
0x20c: {  	_ =	swait.ge [sflag:s7], $0x1B08  }
0x20d: {  	[sflag:s7] =	ssyncset.done $0x0  }
0x20e: {  	[sflag:s7] =	ssyncadd.s32 $0xFFFFE4F8  }
0x20f: {  	[spmem:s18] =	stream.linear.scatter [tilespmem:s8], [sflag:$0x1], $0x1B08, $0x38;
	[tilespmem:$0x1A6F0] =	vst v63  }
0x210: {  	_ =	swait.ge [sflag:s7], $0x1B08  }
0x211: {  	[sflag:s7] =	ssyncset.done $0x0  }
0x212: {  	[sflag:s7] =	ssyncadd.s32 $0xFFFFE4F8  }
0x213: {  	[spmem:s22] =	stream.linear.scatter [tilespmem:s8], [sflag:$0x1], $0x1B08, $0x38;
	[tilespmem:$0x1A6F0] =	vst v63  }
0x214: {  	_ =	swait.ge [sflag:s7], $0x1B08  }
0x215: {  	[sflag:s7] =	ssyncset.done $0x0  }
0x216: {  	[sflag:s7] =	ssyncadd.s32 $0xFFFFE4F8  }
0x217: {  	[spmem:s23] =	stream.linear.scatter [tilespmem:s8], [sflag:$0x1], $0x1B08, $0x38;
	[tilespmem:$0x1A6F0] =	vst v63  }
0x218: {  	_ =	swait.ge [sflag:s7], $0x1B08  }
0x219: {  	[sflag:s7] =	ssyncset.done $0x0  }
0x21a: {  	[sflag:s7] =	ssyncadd.s32 $0xFFFFE4F8  }
0x21b: {  	[spmem:s24] =	stream.linear.scatter [tilespmem:s8], [sflag:$0x1], $0x1B08, $0x38;
	[tilespmem:$0x1A6F0] =	vst v63  }
0x21c: {  	_ =	swait.ge [sflag:s7], $0x1B08  }
0x21d: {  	[sflag:s7] =	ssyncset.done $0x0  }
0x21e: {  	[sflag:s7] =	ssyncadd.s32 $0xFFFFE4F8  }
0x21f: {  	[spmem:s25] =	stream.linear.scatter [tilespmem:s8], [sflag:$0x1], $0x1B08, $0x38;
	[tilespmem:$0x1A6F0] =	vst v63  }
0x220: {  	_ =	swait.ge [sflag:s7], $0x1B08  }
0x221: {  	[sflag:s7] =	ssyncset.done $0x0  }
0x222: {  	[sflag:s7] =	ssyncadd.s32 $0xFFFFE4F8  }
0x223: {  	[spmem:s28] =	stream.linear.scatter [tilespmem:s8], [sflag:$0x1], $0x1B08, $0x38;
	[tilespmem:$0x1A6F0] =	vst v63  }
0x224: {  	_ =	swait.ge [sflag:s7], $0x1B08  }
0x225: {  	[sflag:s7] =	ssyncset.done $0x0  }
0x226: {  	[sflag:s7] =	ssyncadd.s32 $0xFFFFE4F8  }
0x227: {  	[spmem:s29] =	stream.linear.scatter [tilespmem:s8], [sflag:$0x1], $0x1B08, $0x38;
	[tilespmem:$0x1A6F0] =	vst v63  }
0x228: {  	_ =	swait.ge [sflag:s7], $0x1B08  }
0x229: {  	[sflag:s7] =	ssyncset.done $0x0  }
0x22a: {  	[sflag:s7] =	ssyncadd.s32 $0xFFFFE4F8  }
0x22b: {  	[spmem:s30] =	stream.linear.scatter [tilespmem:s8], [sflag:$0x1], $0x1B08, $0x38;
	[tilespmem:$0x1A6F0] =	vst v63  }
0x22c: {  	_ =	swait.ge [sflag:s7], $0x1B08  }
0x22d: {  	[sflag:s7] =	ssyncset.done $0x0  }
0x22e: {  	[sflag:s7] =	ssyncadd.s32 $0xFFFFE4F8  }
0x22f: {  	[spmem:s31] =	stream.linear.scatter [tilespmem:s8], [sflag:$0x1], $0x1B08, $0x38;
	[tilespmem:$0x1A6F0] =	vst v63  }
0x230: {  	_ =	swait.ge [sflag:s7], $0x1B08  }
0x231: {  	[sflag:s7] =	ssyncset.done $0x0  }
0x232: {  	[sflag:s7] =	ssyncadd.s32 $0xFFFFE4F8  }
0x233: {  	[spmem:s0] =	stream.linear.scatter [tilespmem:s8], [sflag:$0x1], $0x1B08, $0x38;
	[tilespmem:$0x1A6F0] =	vst v63  }
0x234: {  	_ =	swait.ge [sflag:s7], $0x1B08  }
0x235: {  	[sflag:s7] =	ssyncset.done $0x0  }
0x236: {  	[sflag:s7] =	ssyncadd.s32 $0xFFFFE4F8  }
0x237: {  	[spmem:s1] =	stream.linear.scatter [tilespmem:s8], [sflag:$0x1], $0x1B08, $0x38;
	[tilespmem:$0x1A6F0] =	vst v63  }
0x238: {  	_ =	swait.ge [sflag:s7], $0x1B08  }
0x239: {  	[sflag:s7] =	ssyncset.done $0x0  }
0x23a: {  	[sflag:s7] =	ssyncadd.s32 $0xFFFFE4F8  }
0x23b: {  	[spmem:s4] =	stream.linear.scatter [tilespmem:s8], [sflag:$0x1], $0x1B08, $0x38;
	[tilespmem:$0x1A6F0] =	vst v63  }
0x23c: {  	_ =	swait.ge [sflag:s7], $0x1B08  }
0x23d: {  	[sflag:s7] =	ssyncset.done $0x0  }
0x23e: {  	[sflag:s7] =	ssyncadd.s32 $0xFFFFE4F8  }
0x23f: {  	[spmem:s5] =	stream.linear.scatter [tilespmem:s8], [sflag:$0x1], $0x1B08, $0x38;
	[tilespmem:$0x1A6F0] =	vst v63  }
0x240: {  	_ =	swait.ge [sflag:s7], $0x1B08  }
0x241: {  	[sflag:s7] =	ssyncset.done $0x0  }
0x242: {  	[sflag:s7] =	ssyncadd.s32 $0xFFFFE4F8  }
0x243: {  	[bflag:$0x0] =	sbarrier.arrive $0xFFFF  }
0x244: {  	s16 =	rddreg [dreg:$0xc]  }
0x245: {  	[tilespmem:s9], [sflag:$0x1] =	stream.linear.gather [hbm4b:s16+s14], $0x1000, $0x38;
	[tilespmem:$0x1A6F0] =	vst v63  }
0x246: {  	_ =	swait.ge [sflag:s7], $0x1000  }
0x247: {  	[sflag:s7] =	ssyncset.done $0x0  }
0x248: {  	s16 =	simm.s32 $0x15F70;
	[sflag:s7] =	ssyncadd.s32 $0xFFFFF000  }
0x249: {  	[spmem:s15] =	stream.indirect.scatter.add.f32 [tilespmem:s6], [sflag:$0x1], $0x1, s16, s11, $0xb8;
	[tilespmem:$0x1A6F0] =	vst v63  }
0x24a: {  	s14 =	simm.s32 $0x200;
	_ =	swait.ge [sflag:s7], $0x80  }
.LBB2_18:
0x24b: {  	s16 =	sshra.s32 s14, $0x2;
	[sflag:s7] =	ssyncset.done $0x0;
	p0 =	sne.s32 s14, $0x3E00  }
.Ltmp8:
0x24c: {  	s16 =	sadd.s32 $0x15F70, s16;
	[sflag:s7] =	ssyncadd.s32 $0xFFFFFF80;
	(pc) =	sbr.rel @p0 .LBB2_18-.Ltmp8, $3  }
0x24d: {  	[spmem:s15] =	stream.indirect.scatter.add.f32 [tilespmem:s6], [sflag:$0x1], $0x1, s16, s11, $0xb8;
	[tilespmem:$0x1A6F0] =	vst v63  }
0x24e: {  	s14 =	sadd.s32 $0x200, s14;
	_ =	sdelay $0x1  }
0x24f: {  	_ =	swait.ge [sflag:s7], $0x80  }
0x250: {  	[sflag:s7] =	ssyncset.done $0x0  }
0x251: {  	s14 =	simm.s32 $0x0;
	s16 =	rddreg [dreg:$0xd];
	[sflag:s7] =	ssyncadd.s32 $0xFFFFFF80  }
0x252: {  	[tilespmem:s9], [sflag:$0x1] =	stream.linear.gather [hbm4b:s16+s14], $0x1000, $0x38;
	[tilespmem:$0x1A6F0] =	vst v63  }
0x253: {  	_ =	swait.ge [sflag:s7], $0x1000  }
0x254: {  	[sflag:s7] =	ssyncset.done $0x0  }
0x255: {  	s16 =	simm.s32 $0x15F70;
	[sflag:s7] =	ssyncadd.s32 $0xFFFFF000  }
0x256: {  	[spmem:s15] =	stream.indirect.scatter.add.f32 [tilespmem:s6], [sflag:$0x1], $0x1, s16, s11, $0xb8;
	[tilespmem:$0x1A6F0] =	vst v63  }
0x257: {  	s14 =	simm.s32 $0x200;
	_ =	swait.ge [sflag:s7], $0x80  }
.LBB2_20:
0x258: {  	s16 =	sshra.s32 s14, $0x2;
	[sflag:s7] =	ssyncset.done $0x0;
	p0 =	sne.s32 s14, $0x3E00  }
.Ltmp9:
0x259: {  	s16 =	sadd.s32 $0x15F70, s16;
	[sflag:s7] =	ssyncadd.s32 $0xFFFFFF80;
	(pc) =	sbr.rel @p0 .LBB2_20-.Ltmp9, $3  }
0x25a: {  	[spmem:s15] =	stream.indirect.scatter.add.f32 [tilespmem:s6], [sflag:$0x1], $0x1, s16, s11, $0xb8;
	[tilespmem:$0x1A6F0] =	vst v63  }
0x25b: {  	s14 =	sadd.s32 $0x200, s14;
	_ =	sdelay $0x1  }
0x25c: {  	_ =	swait.ge [sflag:s7], $0x80  }
0x25d: {  	[sflag:s7] =	ssyncset.done $0x0  }
0x25e: {  	s14 =	simm.s32 $0x0;
	s16 =	rddreg [dreg:$0xe];
	[sflag:s7] =	ssyncadd.s32 $0xFFFFFF80  }
0x25f: {  	[tilespmem:s9], [sflag:$0x1] =	stream.linear.gather [hbm4b:s16+s14], $0x1000, $0x38;
	[tilespmem:$0x1A6F0] =	vst v63  }
0x260: {  	_ =	swait.ge [sflag:s7], $0x1000  }
0x261: {  	[sflag:s7] =	ssyncset.done $0x0  }
0x262: {  	s16 =	simm.s32 $0x15F70;
	[sflag:s7] =	ssyncadd.s32 $0xFFFFF000  }
0x263: {  	[spmem:s15] =	stream.indirect.scatter.add.f32 [tilespmem:s6], [sflag:$0x1], $0x1, s16, s11, $0xb8;
	[tilespmem:$0x1A6F0] =	vst v63  }
0x264: {  	s14 =	simm.s32 $0x200;
	_ =	swait.ge [sflag:s7], $0x80  }
.LBB2_22:
0x265: {  	s16 =	sshra.s32 s14, $0x2;
	[sflag:s7] =	ssyncset.done $0x0;
	p0 =	sne.s32 s14, $0x3E00  }
.Ltmp10:
0x266: {  	s16 =	sadd.s32 $0x15F70, s16;
	[sflag:s7] =	ssyncadd.s32 $0xFFFFFF80;
	(pc) =	sbr.rel @p0 .LBB2_22-.Ltmp10, $3  }
0x267: {  	[spmem:s15] =	stream.indirect.scatter.add.f32 [tilespmem:s6], [sflag:$0x1], $0x1, s16, s11, $0xb8;
	[tilespmem:$0x1A6F0] =	vst v63  }
0x268: {  	s14 =	sadd.s32 $0x200, s14;
	_ =	sdelay $0x1  }
0x269: {  	_ =	swait.ge [sflag:s7], $0x80  }
0x26a: {  	[sflag:s7] =	ssyncset.done $0x0  }
0x26b: {  	s14 =	simm.s32 $0x0;
	s16 =	rddreg [dreg:$0xf];
	[sflag:s7] =	ssyncadd.s32 $0xFFFFFF80  }
0x26c: {  	[tilespmem:s9], [sflag:$0x1] =	stream.linear.gather [hbm4b:s16+s14], $0x1000, $0x38;
	[tilespmem:$0x1A6F0] =	vst v63  }
0x26d: {  	_ =	swait.ge [sflag:s7], $0x1000  }
0x26e: {  	[sflag:s7] =	ssyncset.done $0x0  }
0x26f: {  	s16 =	simm.s32 $0x15F70;
	[sflag:s7] =	ssyncadd.s32 $0xFFFFF000  }
0x270: {  	[spmem:s15] =	stream.indirect.scatter.add.f32 [tilespmem:s6], [sflag:$0x1], $0x1, s16, s11, $0xb8;
	[tilespmem:$0x1A6F0] =	vst v63  }
0x271: {  	s14 =	simm.s32 $0x200;
	_ =	swait.ge [sflag:s7], $0x80  }
.LBB2_24:
0x272: {  	s16 =	sshra.s32 s14, $0x2;
	[sflag:s7] =	ssyncset.done $0x0;
	p0 =	sne.s32 s14, $0x3E00  }
.Ltmp11:
0x273: {  	s16 =	sadd.s32 $0x15F70, s16;
	[sflag:s7] =	ssyncadd.s32 $0xFFFFFF80;
	(pc) =	sbr.rel @p0 .LBB2_24-.Ltmp11, $3  }
0x274: {  	[spmem:s15] =	stream.indirect.scatter.add.f32 [tilespmem:s6], [sflag:$0x1], $0x1, s16, s11, $0xb8;
	[tilespmem:$0x1A6F0] =	vst v63  }
0x275: {  	s14 =	sadd.s32 $0x200, s14;
	_ =	sdelay $0x1  }
0x276: {  	_ =	swait.ge [sflag:s7], $0x80  }
0x277: {  	[sflag:s7] =	ssyncset.done $0x0  }
0x278: {  	[sflag:s7] =	ssyncadd.s32 $0xFFFFFF80  }
0x279: {  	[bflag:$0x0] =	sbarrier.arrive $0xFFFF  }
0x27a: {  	[tilespmem:s12], [sflag:$0x1] =	stream.linear.gather [spmem:s18], $0x1B08, $0x38;
	[tilespmem:$0x1A6F0] =	vst v63  }
0x27b: {  	_ =	swait.ge [sflag:s7], $0x1B08  }
0x27c: {  	[sflag:s7] =	ssyncset.done $0x0  }
0x27d: {  	s14 =	simm.s32 $0x0;
	[sflag:s7] =	ssyncadd.s32 $0xFFFFE4F8  }
0x27e: {  	[hbm4b:s3+s14] =	stream.linear.scatter [tilespmem:s12], [sflag:$0x1], $0x1B08, $0x38;
	[tilespmem:$0x1A6F0] =	vst v63  }
0x27f: {  	_ =	swait.ge [sflag:s7], $0x1B08  }
0x280: {  	[sflag:s7] =	ssyncset.done $0x0  }
0x281: {  	[sflag:s7] =	ssyncadd.s32 $0xFFFFE4F8  }
0x282: {  	[tilespmem:s12], [sflag:$0x1] =	stream.linear.gather [spmem:s22], $0x1B08, $0x38;
	[tilespmem:$0x1A6F0] =	vst v63  }
0x283: {  	_ =	swait.ge [sflag:s7], $0x1B08  }
0x284: {  	s16 =	sld [smem:$0x7DB]  }
0x285: {  	[sflag:s7] =	ssyncset.done $0x0  }
0x286: {  	[sflag:s7] =	ssyncadd.s32 $0xFFFFE4F8  }
0x287: {  	[hbm4b:s16+s14] =	stream.linear.scatter [tilespmem:s12], [sflag:$0x1], $0x1B08, $0x38;
	[tilespmem:$0x1A6F0] =	vst v63  }
0x288: {  	_ =	swait.ge [sflag:s7], $0x1B08  }
0x289: {  	[sflag:s7] =	ssyncset.done $0x0  }
0x28a: {  	[sflag:s7] =	ssyncadd.s32 $0xFFFFE4F8  }
0x28b: {  	[tilespmem:s12], [sflag:$0x1] =	stream.linear.gather [spmem:s23], $0x1B08, $0x38;
	[tilespmem:$0x1A6F0] =	vst v63  }
0x28c: {  	_ =	swait.ge [sflag:s7], $0x1B08  }
0x28d: {  	s16 =	sld [smem:$0x7F5]  }
0x28e: {  	[sflag:s7] =	ssyncset.done $0x0  }
0x28f: {  	[sflag:s7] =	ssyncadd.s32 $0xFFFFE4F8  }
0x290: {  	[hbm4b:s16+s14] =	stream.linear.scatter [tilespmem:s12], [sflag:$0x1], $0x1B08, $0x38;
	[tilespmem:$0x1A6F0] =	vst v63  }
0x291: {  	_ =	swait.ge [sflag:s7], $0x1B08  }
0x292: {  	[sflag:s7] =	ssyncset.done $0x0  }
0x293: {  	[sflag:s7] =	ssyncadd.s32 $0xFFFFE4F8  }
0x294: {  	[tilespmem:s12], [sflag:$0x1] =	stream.linear.gather [spmem:s24], $0x1B08, $0x38;
	[tilespmem:$0x1A6F0] =	vst v63  }
0x295: {  	_ =	swait.ge [sflag:s7], $0x1B08  }
0x296: {  	s16 =	sld [smem:$0x7DC]  }
0x297: {  	[sflag:s7] =	ssyncset.done $0x0  }
0x298: {  	[sflag:s7] =	ssyncadd.s32 $0xFFFFE4F8  }
0x299: {  	[hbm4b:s16+s14] =	stream.linear.scatter [tilespmem:s12], [sflag:$0x1], $0x1B08, $0x38;
	[tilespmem:$0x1A6F0] =	vst v63  }
0x29a: {  	_ =	swait.ge [sflag:s7], $0x1B08  }
0x29b: {  	[sflag:s7] =	ssyncset.done $0x0  }
0x29c: {  	[sflag:s7] =	ssyncadd.s32 $0xFFFFE4F8  }
0x29d: {  	[tilespmem:s12], [sflag:$0x1] =	stream.linear.gather [spmem:s25], $0x1B08, $0x38;
	[tilespmem:$0x1A6F0] =	vst v63  }
0x29e: {  	_ =	swait.ge [sflag:s7], $0x1B08  }
0x29f: {  	s16 =	sld [smem:$0x7F6]  }
0x2a0: {  	[sflag:s7] =	ssyncset.done $0x0  }
0x2a1: {  	[sflag:s7] =	ssyncadd.s32 $0xFFFFE4F8  }
0x2a2: {  	[hbm4b:s16+s14] =	stream.linear.scatter [tilespmem:s12], [sflag:$0x1], $0x1B08, $0x38;
	[tilespmem:$0x1A6F0] =	vst v63  }
0x2a3: {  	_ =	swait.ge [sflag:s7], $0x1B08  }
0x2a4: {  	[sflag:s7] =	ssyncset.done $0x0  }
0x2a5: {  	[sflag:s7] =	ssyncadd.s32 $0xFFFFE4F8  }
0x2a6: {  	[tilespmem:s12], [sflag:$0x1] =	stream.linear.gather [spmem:s28], $0x1B08, $0x38;
	[tilespmem:$0x1A6F0] =	vst v63  }
0x2a7: {  	_ =	swait.ge [sflag:s7], $0x1B08  }
0x2a8: {  	s16 =	sld [smem:$0x7DD]  }
0x2a9: {  	[sflag:s7] =	ssyncset.done $0x0  }
0x2aa: {  	[sflag:s7] =	ssyncadd.s32 $0xFFFFE4F8  }
0x2ab: {  	[hbm4b:s16+s14] =	stream.linear.scatter [tilespmem:s12], [sflag:$0x1], $0x1B08, $0x38;
	[tilespmem:$0x1A6F0] =	vst v63  }
0x2ac: {  	_ =	swait.ge [sflag:s7], $0x1B08  }
0x2ad: {  	[sflag:s7] =	ssyncset.done $0x0  }
0x2ae: {  	[sflag:s7] =	ssyncadd.s32 $0xFFFFE4F8  }
0x2af: {  	[tilespmem:s12], [sflag:$0x1] =	stream.linear.gather [spmem:s29], $0x1B08, $0x38;
	[tilespmem:$0x1A6F0] =	vst v63  }
0x2b0: {  	_ =	swait.ge [sflag:s7], $0x1B08  }
0x2b1: {  	s16 =	sld [smem:$0x7F7]  }
0x2b2: {  	[sflag:s7] =	ssyncset.done $0x0  }
0x2b3: {  	[sflag:s7] =	ssyncadd.s32 $0xFFFFE4F8  }
0x2b4: {  	[hbm4b:s16+s14] =	stream.linear.scatter [tilespmem:s12], [sflag:$0x1], $0x1B08, $0x38;
	[tilespmem:$0x1A6F0] =	vst v63  }
0x2b5: {  	_ =	swait.ge [sflag:s7], $0x1B08  }
0x2b6: {  	[sflag:s7] =	ssyncset.done $0x0  }
0x2b7: {  	[sflag:s7] =	ssyncadd.s32 $0xFFFFE4F8  }
0x2b8: {  	[tilespmem:s12], [sflag:$0x1] =	stream.linear.gather [spmem:s30], $0x1B08, $0x38;
	[tilespmem:$0x1A6F0] =	vst v63  }
0x2b9: {  	_ =	swait.ge [sflag:s7], $0x1B08  }
0x2ba: {  	s16 =	sld [smem:$0x7DE]  }
0x2bb: {  	[sflag:s7] =	ssyncset.done $0x0  }
0x2bc: {  	[sflag:s7] =	ssyncadd.s32 $0xFFFFE4F8  }
0x2bd: {  	[hbm4b:s16+s14] =	stream.linear.scatter [tilespmem:s12], [sflag:$0x1], $0x1B08, $0x38;
	[tilespmem:$0x1A6F0] =	vst v63  }
0x2be: {  	_ =	swait.ge [sflag:s7], $0x1B08  }
0x2bf: {  	[sflag:s7] =	ssyncset.done $0x0  }
0x2c0: {  	[sflag:s7] =	ssyncadd.s32 $0xFFFFE4F8  }
0x2c1: {  	[tilespmem:s12], [sflag:$0x1] =	stream.linear.gather [spmem:s31], $0x1B08, $0x38;
	[tilespmem:$0x1A6F0] =	vst v63  }
0x2c2: {  	_ =	swait.ge [sflag:s7], $0x1B08  }
0x2c3: {  	s16 =	sld [smem:$0x7F8]  }
0x2c4: {  	[sflag:s7] =	ssyncset.done $0x0  }
0x2c5: {  	[sflag:s7] =	ssyncadd.s32 $0xFFFFE4F8  }
0x2c6: {  	[hbm4b:s16+s14] =	stream.linear.scatter [tilespmem:s12], [sflag:$0x1], $0x1B08, $0x38;
	[tilespmem:$0x1A6F0] =	vst v63  }
0x2c7: {  	_ =	swait.ge [sflag:s7], $0x1B08  }
0x2c8: {  	[sflag:s7] =	ssyncset.done $0x0  }
0x2c9: {  	[sflag:s7] =	ssyncadd.s32 $0xFFFFE4F8  }
0x2ca: {  	[tilespmem:s12], [sflag:$0x1] =	stream.linear.gather [spmem:s0], $0x1B08, $0x38;
	[tilespmem:$0x1A6F0] =	vst v63  }
0x2cb: {  	_ =	swait.ge [sflag:s7], $0x1B08  }
0x2cc: {  	s16 =	sld [smem:$0x7DF]  }
0x2cd: {  	[sflag:s7] =	ssyncset.done $0x0  }
0x2ce: {  	[sflag:s7] =	ssyncadd.s32 $0xFFFFE4F8  }
0x2cf: {  	[hbm4b:s16+s14] =	stream.linear.scatter [tilespmem:s12], [sflag:$0x1], $0x1B08, $0x38;
	[tilespmem:$0x1A6F0] =	vst v63  }
0x2d0: {  	_ =	swait.ge [sflag:s7], $0x1B08  }
0x2d1: {  	[sflag:s7] =	ssyncset.done $0x0  }
0x2d2: {  	[sflag:s7] =	ssyncadd.s32 $0xFFFFE4F8  }
0x2d3: {  	[tilespmem:s12], [sflag:$0x1] =	stream.linear.gather [spmem:s1], $0x1B08, $0x38;
	[tilespmem:$0x1A6F0] =	vst v63  }
0x2d4: {  	_ =	swait.ge [sflag:s7], $0x1B08  }
0x2d5: {  	s16 =	sld [smem:$0x7F9]  }
0x2d6: {  	[sflag:s7] =	ssyncset.done $0x0  }
0x2d7: {  	[sflag:s7] =	ssyncadd.s32 $0xFFFFE4F8  }
0x2d8: {  	[hbm4b:s16+s14] =	stream.linear.scatter [tilespmem:s12], [sflag:$0x1], $0x1B08, $0x38;
	[tilespmem:$0x1A6F0] =	vst v63  }
0x2d9: {  	_ =	swait.ge [sflag:s7], $0x1B08  }
0x2da: {  	[sflag:s7] =	ssyncset.done $0x0  }
0x2db: {  	[sflag:s7] =	ssyncadd.s32 $0xFFFFE4F8  }
0x2dc: {  	[tilespmem:s12], [sflag:$0x1] =	stream.linear.gather [spmem:s4], $0x1B08, $0x38;
	[tilespmem:$0x1A6F0] =	vst v63  }
0x2dd: {  	_ =	swait.ge [sflag:s7], $0x1B08  }
0x2de: {  	s16 =	sld [smem:$0x7E0]  }
0x2df: {  	[sflag:s7] =	ssyncset.done $0x0  }
0x2e0: {  	[sflag:s7] =	ssyncadd.s32 $0xFFFFE4F8  }
0x2e1: {  	[hbm4b:s16+s14] =	stream.linear.scatter [tilespmem:s12], [sflag:$0x1], $0x1B08, $0x38;
	[tilespmem:$0x1A6F0] =	vst v63  }
0x2e2: {  	_ =	swait.ge [sflag:s7], $0x1B08  }
0x2e3: {  	[sflag:s7] =	ssyncset.done $0x0  }
0x2e4: {  	[sflag:s7] =	ssyncadd.s32 $0xFFFFE4F8  }
0x2e5: {  	[tilespmem:s12], [sflag:$0x1] =	stream.linear.gather [spmem:s5], $0x1B08, $0x38;
	[tilespmem:$0x1A6F0] =	vst v63  }
0x2e6: {  	_ =	swait.ge [sflag:s7], $0x1B08  }
0x2e7: {  	s16 =	sld [smem:$0x7FA]  }
0x2e8: {  	[sflag:s7] =	ssyncset.done $0x0  }
0x2e9: {  	[sflag:s7] =	ssyncadd.s32 $0xFFFFE4F8  }
0x2ea: {  	[hbm4b:s16+s14] =	stream.linear.scatter [tilespmem:s12], [sflag:$0x1], $0x1B08, $0x38;
	[tilespmem:$0x1A6F0] =	vst v63  }
0x2eb: {  	_ =	swait.ge [sflag:s7], $0x1B08  }
0x2ec: {  	[sflag:s7] =	ssyncset.done $0x0  }
0x2ed: {  	[sflag:s7] =	ssyncadd.s32 $0xFFFFE4F8  }
0x2ee: {  	[spmem:s18] =	stream.linear.scatter [tilespmem:s8], [sflag:$0x1], $0x1B08, $0x38;
	[tilespmem:$0x1A6F0] =	vst v63  }
0x2ef: {  	_ =	swait.ge [sflag:s7], $0x1B08  }
0x2f0: {  	[sflag:s7] =	ssyncset.done $0x0  }
0x2f1: {  	[sflag:s7] =	ssyncadd.s32 $0xFFFFE4F8  }
0x2f2: {  	[spmem:s22] =	stream.linear.scatter [tilespmem:s8], [sflag:$0x1], $0x1B08, $0x38;
	[tilespmem:$0x1A6F0] =	vst v63  }
0x2f3: {  	_ =	swait.ge [sflag:s7], $0x1B08  }
0x2f4: {  	[sflag:s7] =	ssyncset.done $0x0  }
0x2f5: {  	[sflag:s7] =	ssyncadd.s32 $0xFFFFE4F8  }
0x2f6: {  	[spmem:s23] =	stream.linear.scatter [tilespmem:s8], [sflag:$0x1], $0x1B08, $0x38;
	[tilespmem:$0x1A6F0] =	vst v63  }
0x2f7: {  	_ =	swait.ge [sflag:s7], $0x1B08  }
0x2f8: {  	[sflag:s7] =	ssyncset.done $0x0  }
0x2f9: {  	[sflag:s7] =	ssyncadd.s32 $0xFFFFE4F8  }
0x2fa: {  	[spmem:s24] =	stream.linear.scatter [tilespmem:s8], [sflag:$0x1], $0x1B08, $0x38;
	[tilespmem:$0x1A6F0] =	vst v63  }
0x2fb: {  	_ =	swait.ge [sflag:s7], $0x1B08  }
0x2fc: {  	[sflag:s7] =	ssyncset.done $0x0  }
0x2fd: {  	[sflag:s7] =	ssyncadd.s32 $0xFFFFE4F8  }
0x2fe: {  	[spmem:s25] =	stream.linear.scatter [tilespmem:s8], [sflag:$0x1], $0x1B08, $0x38;
	[tilespmem:$0x1A6F0] =	vst v63  }
0x2ff: {  	_ =	swait.ge [sflag:s7], $0x1B08  }
0x300: {  	[sflag:s7] =	ssyncset.done $0x0  }
0x301: {  	[sflag:s7] =	ssyncadd.s32 $0xFFFFE4F8  }
0x302: {  	[spmem:s28] =	stream.linear.scatter [tilespmem:s8], [sflag:$0x1], $0x1B08, $0x38;
	[tilespmem:$0x1A6F0] =	vst v63  }
0x303: {  	_ =	swait.ge [sflag:s7], $0x1B08  }
0x304: {  	[sflag:s7] =	ssyncset.done $0x0  }
0x305: {  	[sflag:s7] =	ssyncadd.s32 $0xFFFFE4F8  }
0x306: {  	[spmem:s29] =	stream.linear.scatter [tilespmem:s8], [sflag:$0x1], $0x1B08, $0x38;
	[tilespmem:$0x1A6F0] =	vst v63  }
0x307: {  	_ =	swait.ge [sflag:s7], $0x1B08  }
0x308: {  	[sflag:s7] =	ssyncset.done $0x0  }
0x309: {  	[sflag:s7] =	ssyncadd.s32 $0xFFFFE4F8  }
0x30a: {  	[spmem:s30] =	stream.linear.scatter [tilespmem:s8], [sflag:$0x1], $0x1B08, $0x38;
	[tilespmem:$0x1A6F0] =	vst v63  }
0x30b: {  	_ =	swait.ge [sflag:s7], $0x1B08  }
0x30c: {  	[sflag:s7] =	ssyncset.done $0x0  }
0x30d: {  	[sflag:s7] =	ssyncadd.s32 $0xFFFFE4F8  }
0x30e: {  	[spmem:s31] =	stream.linear.scatter [tilespmem:s8], [sflag:$0x1], $0x1B08, $0x38;
	[tilespmem:$0x1A6F0] =	vst v63  }
0x30f: {  	_ =	swait.ge [sflag:s7], $0x1B08  }
0x310: {  	[sflag:s7] =	ssyncset.done $0x0  }
0x311: {  	[sflag:s7] =	ssyncadd.s32 $0xFFFFE4F8  }
0x312: {  	[spmem:s0] =	stream.linear.scatter [tilespmem:s8], [sflag:$0x1], $0x1B08, $0x38;
	[tilespmem:$0x1A6F0] =	vst v63  }
0x313: {  	_ =	swait.ge [sflag:s7], $0x1B08  }
0x314: {  	[sflag:s7] =	ssyncset.done $0x0  }
0x315: {  	[sflag:s7] =	ssyncadd.s32 $0xFFFFE4F8  }
0x316: {  	[spmem:s1] =	stream.linear.scatter [tilespmem:s8], [sflag:$0x1], $0x1B08, $0x38;
	[tilespmem:$0x1A6F0] =	vst v63  }
0x317: {  	_ =	swait.ge [sflag:s7], $0x1B08  }
0x318: {  	[sflag:s7] =	ssyncset.done $0x0  }
0x319: {  	[sflag:s7] =	ssyncadd.s32 $0xFFFFE4F8  }
0x31a: {  	[spmem:s4] =	stream.linear.scatter [tilespmem:s8], [sflag:$0x1], $0x1B08, $0x38;
	[tilespmem:$0x1A6F0] =	vst v63  }
0x31b: {  	_ =	swait.ge [sflag:s7], $0x1B08  }
0x31c: {  	[sflag:s7] =	ssyncset.done $0x0  }
0x31d: {  	[sflag:s7] =	ssyncadd.s32 $0xFFFFE4F8  }
0x31e: {  	[spmem:s5] =	stream.linear.scatter [tilespmem:s8], [sflag:$0x1], $0x1B08, $0x38;
	[tilespmem:$0x1A6F0] =	vst v63  }
0x31f: {  	_ =	swait.ge [sflag:s7], $0x1B08  }
0x320: {  	[sflag:s7] =	ssyncset.done $0x0  }
0x321: {  	[sflag:s7] =	ssyncadd.s32 $0xFFFFE4F8  }
0x322: {  	[bflag:$0x0] =	sbarrier.arrive $0xFFFF  }
0x323: {  	s16 =	rddreg [dreg:$0x10]  }
0x324: {  	[tilespmem:s9], [sflag:$0x1] =	stream.linear.gather [hbm4b:s16+s14], $0x1000, $0x38;
	[tilespmem:$0x1A6F0] =	vst v63  }
0x325: {  	_ =	swait.ge [sflag:s7], $0x1000  }
0x326: {  	[sflag:s7] =	ssyncset.done $0x0  }
0x327: {  	s16 =	simm.s32 $0x15F70;
	[sflag:s7] =	ssyncadd.s32 $0xFFFFF000  }
0x328: {  	[spmem:s15] =	stream.indirect.scatter.add.f32 [tilespmem:s6], [sflag:$0x1], $0x1, s16, s11, $0xb8;
	[tilespmem:$0x1A6F0] =	vst v63  }
0x329: {  	s14 =	simm.s32 $0x200;
	_ =	swait.ge [sflag:s7], $0x80  }
.LBB2_26:
0x32a: {  	s16 =	sshra.s32 s14, $0x2;
	[sflag:s7] =	ssyncset.done $0x0;
	p0 =	sne.s32 s14, $0x3E00  }
.Ltmp12:
0x32b: {  	s16 =	sadd.s32 $0x15F70, s16;
	[sflag:s7] =	ssyncadd.s32 $0xFFFFFF80;
	(pc) =	sbr.rel @p0 .LBB2_26-.Ltmp12, $3  }
0x32c: {  	[spmem:s15] =	stream.indirect.scatter.add.f32 [tilespmem:s6], [sflag:$0x1], $0x1, s16, s11, $0xb8;
	[tilespmem:$0x1A6F0] =	vst v63  }
0x32d: {  	s14 =	sadd.s32 $0x200, s14;
	_ =	sdelay $0x1  }
0x32e: {  	_ =	swait.ge [sflag:s7], $0x80  }
0x32f: {  	[sflag:s7] =	ssyncset.done $0x0  }
0x330: {  	s14 =	simm.s32 $0x0;
	s16 =	rddreg [dreg:$0x11];
	[sflag:s7] =	ssyncadd.s32 $0xFFFFFF80  }
0x331: {  	[tilespmem:s9], [sflag:$0x1] =	stream.linear.gather [hbm4b:s16+s14], $0x1000, $0x38;
	[tilespmem:$0x1A6F0] =	vst v63  }
0x332: {  	_ =	swait.ge [sflag:s7], $0x1000  }
0x333: {  	[sflag:s7] =	ssyncset.done $0x0  }
0x334: {  	s16 =	simm.s32 $0x15F70;
	[sflag:s7] =	ssyncadd.s32 $0xFFFFF000  }
0x335: {  	[spmem:s15] =	stream.indirect.scatter.add.f32 [tilespmem:s6], [sflag:$0x1], $0x1, s16, s11, $0xb8;
	[tilespmem:$0x1A6F0] =	vst v63  }
0x336: {  	s14 =	simm.s32 $0x200;
	_ =	swait.ge [sflag:s7], $0x80  }
.LBB2_28:
0x337: {  	s16 =	sshra.s32 s14, $0x2;
	[sflag:s7] =	ssyncset.done $0x0;
	p0 =	sne.s32 s14, $0x3E00  }
.Ltmp13:
0x338: {  	s16 =	sadd.s32 $0x15F70, s16;
	[sflag:s7] =	ssyncadd.s32 $0xFFFFFF80;
	(pc) =	sbr.rel @p0 .LBB2_28-.Ltmp13, $3  }
0x339: {  	[spmem:s15] =	stream.indirect.scatter.add.f32 [tilespmem:s6], [sflag:$0x1], $0x1, s16, s11, $0xb8;
	[tilespmem:$0x1A6F0] =	vst v63  }
0x33a: {  	s14 =	sadd.s32 $0x200, s14;
	_ =	sdelay $0x1  }
0x33b: {  	_ =	swait.ge [sflag:s7], $0x80  }
0x33c: {  	[sflag:s7] =	ssyncset.done $0x0  }
0x33d: {  	s14 =	simm.s32 $0x0;
	s16 =	rddreg [dreg:$0x12];
	[sflag:s7] =	ssyncadd.s32 $0xFFFFFF80  }
0x33e: {  	[tilespmem:s9], [sflag:$0x1] =	stream.linear.gather [hbm4b:s16+s14], $0x1000, $0x38;
	[tilespmem:$0x1A6F0] =	vst v63  }
0x33f: {  	_ =	swait.ge [sflag:s7], $0x1000  }
0x340: {  	[sflag:s7] =	ssyncset.done $0x0  }
0x341: {  	s16 =	simm.s32 $0x15F70;
	[sflag:s7] =	ssyncadd.s32 $0xFFFFF000  }
0x342: {  	[spmem:s15] =	stream.indirect.scatter.add.f32 [tilespmem:s6], [sflag:$0x1], $0x1, s16, s11, $0xb8;
	[tilespmem:$0x1A6F0] =	vst v63  }
0x343: {  	s14 =	simm.s32 $0x200;
	_ =	swait.ge [sflag:s7], $0x80  }
.LBB2_30:
0x344: {  	s16 =	sshra.s32 s14, $0x2;
	[sflag:s7] =	ssyncset.done $0x0;
	p0 =	sne.s32 s14, $0x3E00  }
.Ltmp14:
0x345: {  	s16 =	sadd.s32 $0x15F70, s16;
	[sflag:s7] =	ssyncadd.s32 $0xFFFFFF80;
	(pc) =	sbr.rel @p0 .LBB2_30-.Ltmp14, $3  }
0x346: {  	[spmem:s15] =	stream.indirect.scatter.add.f32 [tilespmem:s6], [sflag:$0x1], $0x1, s16, s11, $0xb8;
	[tilespmem:$0x1A6F0] =	vst v63  }
0x347: {  	s14 =	sadd.s32 $0x200, s14;
	_ =	sdelay $0x1  }
0x348: {  	_ =	swait.ge [sflag:s7], $0x80  }
0x349: {  	[sflag:s7] =	ssyncset.done $0x0  }
0x34a: {  	s14 =	simm.s32 $0x0;
	s16 =	rddreg [dreg:$0x13];
	[sflag:s7] =	ssyncadd.s32 $0xFFFFFF80  }
0x34b: {  	[tilespmem:s9], [sflag:$0x1] =	stream.linear.gather [hbm4b:s16+s14], $0x1000, $0x38;
	[tilespmem:$0x1A6F0] =	vst v63  }
0x34c: {  	_ =	swait.ge [sflag:s7], $0x1000  }
0x34d: {  	[sflag:s7] =	ssyncset.done $0x0  }
0x34e: {  	s16 =	simm.s32 $0x15F70;
	[sflag:s7] =	ssyncadd.s32 $0xFFFFF000  }
0x34f: {  	[spmem:s15] =	stream.indirect.scatter.add.f32 [tilespmem:s6], [sflag:$0x1], $0x1, s16, s11, $0xb8;
	[tilespmem:$0x1A6F0] =	vst v63  }
0x350: {  	s14 =	simm.s32 $0x200;
	_ =	swait.ge [sflag:s7], $0x80  }
.LBB2_32:
0x351: {  	s16 =	sshra.s32 s14, $0x2;
	[sflag:s7] =	ssyncset.done $0x0;
	p0 =	sne.s32 s14, $0x3E00  }
.Ltmp15:
0x352: {  	s16 =	sadd.s32 $0x15F70, s16;
	[sflag:s7] =	ssyncadd.s32 $0xFFFFFF80;
	(pc) =	sbr.rel @p0 .LBB2_32-.Ltmp15, $3  }
0x353: {  	[spmem:s15] =	stream.indirect.scatter.add.f32 [tilespmem:s6], [sflag:$0x1], $0x1, s16, s11, $0xb8;
	[tilespmem:$0x1A6F0] =	vst v63  }
0x354: {  	s14 =	sadd.s32 $0x200, s14;
	_ =	sdelay $0x1  }
0x355: {  	_ =	swait.ge [sflag:s7], $0x80  }
0x356: {  	[sflag:s7] =	ssyncset.done $0x0  }
0x357: {  	[sflag:s7] =	ssyncadd.s32 $0xFFFFFF80  }
0x358: {  	[bflag:$0x0] =	sbarrier.arrive $0xFFFF  }
0x359: {  	[tilespmem:s12], [sflag:$0x1] =	stream.linear.gather [spmem:s18], $0x1B08, $0x38;
	[tilespmem:$0x1A6F0] =	vst v63  }
0x35a: {  	_ =	swait.ge [sflag:s7], $0x1B08  }
0x35b: {  	[sflag:s7] =	ssyncset.done $0x0  }
0x35c: {  	[sflag:s7] =	ssyncadd.s32 $0xFFFFE4F8  }
0x35d: {  	[hbm4b:s10+s2] =	stream.linear.scatter [tilespmem:s12], [sflag:$0x1], $0x1B08, $0x38;
	[tilespmem:$0x1A6F0] =	vst v63  }
0x35e: {  	_ =	swait.ge [sflag:s7], $0x1B08  }
0x35f: {  	[sflag:s7] =	ssyncset.done $0x0  }
0x360: {  	[sflag:s7] =	ssyncadd.s32 $0xFFFFE4F8  }
0x361: {  	[tilespmem:s12], [sflag:$0x1] =	stream.linear.gather [spmem:s22], $0x1B08, $0x38;
	[tilespmem:$0x1A6F0] =	vst v63  }
0x362: {  	_ =	swait.ge [sflag:s7], $0x1B08  }
0x363: {  	s14 =	sld [smem:$0x7E1]  }
0x364: {  	[sflag:s7] =	ssyncset.done $0x0  }
0x365: {  	[sflag:s7] =	ssyncadd.s32 $0xFFFFE4F8  }
0x366: {  	[hbm4b:s14+s2] =	stream.linear.scatter [tilespmem:s12], [sflag:$0x1], $0x1B08, $0x38;
	[tilespmem:$0x1A6F0] =	vst v63  }
0x367: {  	_ =	swait.ge [sflag:s7], $0x1B08  }
0x368: {  	[sflag:s7] =	ssyncset.done $0x0  }
0x369: {  	[sflag:s7] =	ssyncadd.s32 $0xFFFFE4F8  }
0x36a: {  	[tilespmem:s12], [sflag:$0x1] =	stream.linear.gather [spmem:s23], $0x1B08, $0x38;
	[tilespmem:$0x1A6F0] =	vst v63  }
0x36b: {  	_ =	swait.ge [sflag:s7], $0x1B08  }
0x36c: {  	s16 =	sld [smem:$0x7FB]  }
0x36d: {  	[sflag:s7] =	ssyncset.done $0x0  }
0x36e: {  	[sflag:s7] =	ssyncadd.s32 $0xFFFFE4F8  }
0x36f: {  	[hbm4b:s16+s2] =	stream.linear.scatter [tilespmem:s12], [sflag:$0x1], $0x1B08, $0x38;
	[tilespmem:$0x1A6F0] =	vst v63  }
0x370: {  	_ =	swait.ge [sflag:s7], $0x1B08  }
0x371: {  	[sflag:s7] =	ssyncset.done $0x0  }
0x372: {  	[sflag:s7] =	ssyncadd.s32 $0xFFFFE4F8  }
0x373: {  	[tilespmem:s12], [sflag:$0x1] =	stream.linear.gather [spmem:s24], $0x1B08, $0x38;
	[tilespmem:$0x1A6F0] =	vst v63  }
0x374: {  	_ =	swait.ge [sflag:s7], $0x1B08  }
0x375: {  	s16 =	sld [smem:$0x7E2]  }
0x376: {  	[sflag:s7] =	ssyncset.done $0x0  }
0x377: {  	[sflag:s7] =	ssyncadd.s32 $0xFFFFE4F8  }
0x378: {  	[hbm4b:s16+s2] =	stream.linear.scatter [tilespmem:s12], [sflag:$0x1], $0x1B08, $0x38;
	[tilespmem:$0x1A6F0] =	vst v63  }
0x379: {  	_ =	swait.ge [sflag:s7], $0x1B08  }
0x37a: {  	[sflag:s7] =	ssyncset.done $0x0  }
0x37b: {  	[sflag:s7] =	ssyncadd.s32 $0xFFFFE4F8  }
0x37c: {  	[tilespmem:s12], [sflag:$0x1] =	stream.linear.gather [spmem:s25], $0x1B08, $0x38;
	[tilespmem:$0x1A6F0] =	vst v63  }
0x37d: {  	_ =	swait.ge [sflag:s7], $0x1B08  }
0x37e: {  	s16 =	sld [smem:$0x7FC]  }
0x37f: {  	[sflag:s7] =	ssyncset.done $0x0  }
0x380: {  	[sflag:s7] =	ssyncadd.s32 $0xFFFFE4F8  }
0x381: {  	[hbm4b:s16+s2] =	stream.linear.scatter [tilespmem:s12], [sflag:$0x1], $0x1B08, $0x38;
	[tilespmem:$0x1A6F0] =	vst v63  }
0x382: {  	_ =	swait.ge [sflag:s7], $0x1B08  }
0x383: {  	[sflag:s7] =	ssyncset.done $0x0  }
0x384: {  	[sflag:s7] =	ssyncadd.s32 $0xFFFFE4F8  }
0x385: {  	[tilespmem:s12], [sflag:$0x1] =	stream.linear.gather [spmem:s28], $0x1B08, $0x38;
	[tilespmem:$0x1A6F0] =	vst v63  }
0x386: {  	_ =	swait.ge [sflag:s7], $0x1B08  }
0x387: {  	s16 =	sld [smem:$0x7E3]  }
0x388: {  	[sflag:s7] =	ssyncset.done $0x0  }
0x389: {  	[sflag:s7] =	ssyncadd.s32 $0xFFFFE4F8  }
0x38a: {  	[hbm4b:s16+s2] =	stream.linear.scatter [tilespmem:s12], [sflag:$0x1], $0x1B08, $0x38;
	[tilespmem:$0x1A6F0] =	vst v63  }
0x38b: {  	_ =	swait.ge [sflag:s7], $0x1B08  }
0x38c: {  	[sflag:s7] =	ssyncset.done $0x0  }
0x38d: {  	[sflag:s7] =	ssyncadd.s32 $0xFFFFE4F8  }
0x38e: {  	[tilespmem:s12], [sflag:$0x1] =	stream.linear.gather [spmem:s29], $0x1B08, $0x38;
	[tilespmem:$0x1A6F0] =	vst v63  }
0x38f: {  	_ =	swait.ge [sflag:s7], $0x1B08  }
0x390: {  	s16 =	sld [smem:$0x7FD]  }
0x391: {  	[sflag:s7] =	ssyncset.done $0x0  }
0x392: {  	[sflag:s7] =	ssyncadd.s32 $0xFFFFE4F8  }
0x393: {  	[hbm4b:s16+s2] =	stream.linear.scatter [tilespmem:s12], [sflag:$0x1], $0x1B08, $0x38;
	[tilespmem:$0x1A6F0] =	vst v63  }
0x394: {  	_ =	swait.ge [sflag:s7], $0x1B08  }
0x395: {  	[sflag:s7] =	ssyncset.done $0x0  }
0x396: {  	[sflag:s7] =	ssyncadd.s32 $0xFFFFE4F8  }
0x397: {  	[tilespmem:s12], [sflag:$0x1] =	stream.linear.gather [spmem:s30], $0x1B08, $0x38;
	[tilespmem:$0x1A6F0] =	vst v63  }
0x398: {  	_ =	swait.ge [sflag:s7], $0x1B08  }
0x399: {  	s16 =	sld [smem:$0x7E4]  }
0x39a: {  	[sflag:s7] =	ssyncset.done $0x0  }
0x39b: {  	[sflag:s7] =	ssyncadd.s32 $0xFFFFE4F8  }
0x39c: {  	[hbm4b:s16+s2] =	stream.linear.scatter [tilespmem:s12], [sflag:$0x1], $0x1B08, $0x38;
	[tilespmem:$0x1A6F0] =	vst v63  }
0x39d: {  	_ =	swait.ge [sflag:s7], $0x1B08  }
0x39e: {  	[sflag:s7] =	ssyncset.done $0x0  }
0x39f: {  	[sflag:s7] =	ssyncadd.s32 $0xFFFFE4F8  }
0x3a0: {  	[tilespmem:s12], [sflag:$0x1] =	stream.linear.gather [spmem:s31], $0x1B08, $0x38;
	[tilespmem:$0x1A6F0] =	vst v63  }
0x3a1: {  	_ =	swait.ge [sflag:s7], $0x1B08  }
0x3a2: {  	[sflag:s7] =	ssyncset.done $0x0  }
0x3a3: {  	[sflag:s7] =	ssyncadd.s32 $0xFFFFE4F8  }
0x3a4: {  	[hbm4b:s17+s2] =	stream.linear.scatter [tilespmem:s12], [sflag:$0x1], $0x1B08, $0x38;
	[tilespmem:$0x1A6F0] =	vst v63  }
0x3a5: {  	_ =	swait.ge [sflag:s7], $0x1B08  }
0x3a6: {  	[sflag:s7] =	ssyncset.done $0x0  }
0x3a7: {  	[sflag:s7] =	ssyncadd.s32 $0xFFFFE4F8  }
0x3a8: {  	[tilespmem:s12], [sflag:$0x1] =	stream.linear.gather [spmem:s0], $0x1B08, $0x38;
	[tilespmem:$0x1A6F0] =	vst v63  }
0x3a9: {  	_ =	swait.ge [sflag:s7], $0x1B08  }
0x3aa: {  	s16 =	sld [smem:$0x7E5]  }
0x3ab: {  	[sflag:s7] =	ssyncset.done $0x0  }
0x3ac: {  	[sflag:s7] =	ssyncadd.s32 $0xFFFFE4F8  }
0x3ad: {  	[hbm4b:s16+s2] =	stream.linear.scatter [tilespmem:s12], [sflag:$0x1], $0x1B08, $0x38;
	[tilespmem:$0x1A6F0] =	vst v63  }
0x3ae: {  	_ =	swait.ge [sflag:s7], $0x1B08  }
0x3af: {  	[sflag:s7] =	ssyncset.done $0x0  }
0x3b0: {  	[sflag:s7] =	ssyncadd.s32 $0xFFFFE4F8  }
0x3b1: {  	[tilespmem:s12], [sflag:$0x1] =	stream.linear.gather [spmem:s1], $0x1B08, $0x38;
	[tilespmem:$0x1A6F0] =	vst v63  }
0x3b2: {  	_ =	swait.ge [sflag:s7], $0x1B08  }
0x3b3: {  	[sflag:s7] =	ssyncset.done $0x0  }
0x3b4: {  	[sflag:s7] =	ssyncadd.s32 $0xFFFFE4F8  }
0x3b5: {  	[hbm4b:s20+s2] =	stream.linear.scatter [tilespmem:s12], [sflag:$0x1], $0x1B08, $0x38;
	[tilespmem:$0x1A6F0] =	vst v63  }
0x3b6: {  	_ =	swait.ge [sflag:s7], $0x1B08  }
0x3b7: {  	[sflag:s7] =	ssyncset.done $0x0  }
0x3b8: {  	[sflag:s7] =	ssyncadd.s32 $0xFFFFE4F8  }
0x3b9: {  	[tilespmem:s12], [sflag:$0x1] =	stream.linear.gather [spmem:s4], $0x1B08, $0x38;
	[tilespmem:$0x1A6F0] =	vst v63  }
0x3ba: {  	_ =	swait.ge [sflag:s7], $0x1B08  }
0x3bb: {  	s16 =	sld [smem:$0x7E6]  }
0x3bc: {  	[sflag:s7] =	ssyncset.done $0x0  }
0x3bd: {  	[sflag:s7] =	ssyncadd.s32 $0xFFFFE4F8  }
0x3be: {  	[hbm4b:s16+s2] =	stream.linear.scatter [tilespmem:s12], [sflag:$0x1], $0x1B08, $0x38;
	[tilespmem:$0x1A6F0] =	vst v63  }
0x3bf: {  	_ =	swait.ge [sflag:s7], $0x1B08  }
0x3c0: {  	[sflag:s7] =	ssyncset.done $0x0  }
0x3c1: {  	[sflag:s7] =	ssyncadd.s32 $0xFFFFE4F8  }
0x3c2: {  	[tilespmem:s12], [sflag:$0x1] =	stream.linear.gather [spmem:s5], $0x1B08, $0x38;
	[tilespmem:$0x1A6F0] =	vst v63  }
0x3c3: {  	_ =	swait.ge [sflag:s7], $0x1B08  }
0x3c4: {  	[sflag:s7] =	ssyncset.done $0x0  }
0x3c5: {  	[sflag:s7] =	ssyncadd.s32 $0xFFFFE4F8  }
0x3c6: {  	[hbm4b:s21+s2] =	stream.linear.scatter [tilespmem:s12], [sflag:$0x1], $0x1B08, $0x38;
	[tilespmem:$0x1A6F0] =	vst v63  }
0x3c7: {  	_ =	swait.ge [sflag:s7], $0x1B08  }
0x3c8: {  	s16 =	sld [smem:$0x7E7];
	_ =	sdelay $0x1  }
0x3c9: {  	s13 =	sadd.s32 $0x1, s13  }
0x3ca: {  	p0 =	sne.s32 s13, s16  }
.Ltmp16:
0x3cb: {  	_ = 	snop;
	(pc) =	sbr.rel @p0 .LBB2_1-.Ltmp16, $3  }
0x3cc: {  	_ =	sdelay $0x1  }
0x3cd: {  	[sflag:s7] =	ssyncset.done $0x0  }
0x3ce: {  	[sflag:s7] =	ssyncadd.s32 $0xFFFFE4F8  }
0x3cf: {  	_ =	sfence.sel $0x180000  }
0x3d0: {  	[bflag:$0x0] =	sbarrier.arrive $0xFFFF  }
0x3d1: {  	_ =	strace $0x90000047  }
0x3d2: {  	s0 =	stileid.u32;
	[bflag:$0x2] =	sbarrier.arrive $0xFFFF  }
0x3d3: {  	p0 =	sne.s32 s0, $0x0;
	s0 =	rddreg [dreg:$0x3]  }
0x3d4: {  	s0 =	sadd.s32 @!p0 $0x100000, s0  }
0x3d5: {  	[sflag:s0] =	ssyncadd.tile.s32 @!p0 $0x1;
	_ =	shalt  }
.Lfunc_end2:
_tile_overlayer_lowered:
.L_overlay_start_2:
0x3d6: {  	(tag) =	ssettag $0x2  }
0x3d7: {  	s0 =	rddreg [dreg:$0x0];
	s2 =	stileid.u32  }
0x3d8: {  	s1 =	rddreg [dreg:$0x1];
	p0 =	sne.s32 s2, $0x0  }
0x3d9: {  	s3 =	rddreg [dreg:$0x2];
	[bflag:$0x3] =	sbarrier.arrive $0xFFFF;
	s2 =	simm.s32 @!p0 $0x1C01  }
0x3da: {  	[timem:s3], [sflag:s2] =	dma.local @!p0 [hbm:s0], s1  }
0x3db: {  	s0 =	simm.s32 @!p0 $0x1  }
0x3dc: {  	_ =	swait.ge @!p0 [sflag:s0], s1  }
0x3dd: {  	s1 =	ssub.s32 @!p0 $0x0, s1;
	[sflag:s0] =	ssyncset.done @!p0 $0x0  }
0x3de: {  	[sflag:s0] =	ssyncadd.s32 @!p0 s1  }
0x3df: {  	[bflag:$0x3] =	sbarrier.arrive $0xFFFF  }
0x3e0: {  	_ =	shalt  }

</sc_bundles>
